<compile_context>
chip_gen: v7x
topology: tpu7x:2x2x1
jax: 0.10.2.dev20260603
libtpu: 0.0.44.dev20260713+nightly
codegen_flags: <defaults>
</compile_context>

<pallas_src>
import functools

import jax
import jax.numpy as jnp
import numpy as np
from jax import lax
from jax.experimental import pallas as pl
from jax.experimental.pallas import tpu as pltpu
from jax.experimental.pallas import tpu_sc as plsc

N = 10000
NPAD = 10240
D_IN = 128
H1 = 64
H2 = 32
OUT = 2

NC = 2
NS = 16
NW = NC * NS
CHUNK = 128
U_DEG = 8
ROWS_PER_SUB = NPAD // NS

_SC_PARAMS = pltpu.CompilerParams(use_tc_tiling_on_sc=False)


def _worker_id():
    return lax.axis_index("s") * NC + lax.axis_index("c")


def _deg_body(chunks_per_worker, eidx_hbm, out_hbm,
              eidx_all, ones_v, zer_v, ssem, acc_sh):
    cid = lax.axis_index("c")
    sid = lax.axis_index("s")
    wid = _worker_id()
    for i in range(CHUNK // 16):
        ones_v[pl.ds(i * 16, 16)] = jnp.ones((16,), jnp.float32)
    for i in range(ROWS_PER_SUB // 16):
        zer_v[pl.ds(i * 16, 16)] = jnp.zeros((16,), jnp.float32)
    pltpu.sync_copy(
        eidx_hbm.at[pl.ds(wid * chunks_per_worker, chunks_per_worker)],
        eidx_all)
    pltpu.sync_copy(zer_v, acc_sh.at[pl.ds(sid * ROWS_PER_SUB, ROWS_PER_SUB)])
    plsc.subcore_barrier()

    def group(g, carry):
        scats = [
            pltpu.async_copy(
                ones_v, acc_sh.at[eidx_all.at[g * U_DEG + b, 1]], ssem.at[b],
                add=True)
            for b in range(U_DEG)
        ]
        for b in range(U_DEG):
            scats[b].wait()
        return carry

    lax.fori_loop(0, chunks_per_worker // U_DEG, group, 0)
    plsc.subcore_barrier()
    sl = pl.ds(sid * ROWS_PER_SUB, ROWS_PER_SUB)
    pltpu.sync_copy(acc_sh.at[sl], out_hbm.at[cid, sl])


def _make_deg_kernel(n_chunks):
    chunks_per_worker = n_chunks // NW
    mesh = plsc.VectorSubcoreMesh(core_axis_name="c", subcore_axis_name="s")
    return pl.kernel(
        functools.partial(_deg_body, chunks_per_worker),
        out_type=jax.ShapeDtypeStruct((NC, NPAD), jnp.float32),
        mesh=mesh,
        scratch_types=[
            pltpu.VMEM((chunks_per_worker, 2, CHUNK), jnp.int32),
            pltpu.VMEM((CHUNK,), jnp.float32),
            pltpu.VMEM((ROWS_PER_SUB,), jnp.float32),
            pltpu.SemaphoreType.DMA((U_DEG,)),
            pltpu.VMEM_SHARED((NPAD,), jnp.float32),
        ],
        compiler_params=_SC_PARAMS,
    )


def _agg_body(chunks_per_worker, u, hp_hbm, eidx_hbm, out_hbm,
              eidx_all, rows_v, gsem, ssem, acc_sh):
    cid = lax.axis_index("c")
    sid = lax.axis_index("s")
    wid = _worker_id()
    sl = pl.ds(sid * ROWS_PER_SUB, ROWS_PER_SUB)
    csl = pl.ds(wid * chunks_per_worker, chunks_per_worker)
    pltpu.sync_copy(eidx_hbm.at[csl], eidx_all)

    @pl.when(cid == 0)
    def _():
        pltpu.sync_copy(hp_hbm.at[sl], acc_sh.at[sl])

    @pl.when(cid == 1)
    def _():
        h = rows_v.shape[2]

        def zrow(i, carry):
            for j in range(h // 16):
                rows_v[0, i, pl.ds(j * 16, 16)] = jnp.zeros((16,),
                                                            jnp.float32)
            return carry

        lax.fori_loop(0, CHUNK, zrow, 0)
        for r in range(ROWS_PER_SUB // CHUNK):
            pltpu.sync_copy(
                rows_v.at[0],
                acc_sh.at[pl.ds(sid * ROWS_PER_SUB + r * CHUNK, CHUNK)])

    plsc.subcore_barrier()

    def group(g, carry):
        gats = [
            pltpu.async_copy(
                hp_hbm.at[eidx_all.at[g * u + b, 0]], rows_v.at[b], gsem.at[b])
            for b in range(u)
        ]
        scats = []
        for b in range(u):
            gats[b].wait()
            scats.append(pltpu.async_copy(
                rows_v.at[b], acc_sh.at[eidx_all.at[g * u + b, 1]],
                ssem.at[b], add=True))
        for b in range(u):
            scats[b].wait()
        return carry

    lax.fori_loop(0, chunks_per_worker // u, group, 0)
    plsc.subcore_barrier()
    pltpu.sync_copy(acc_sh.at[sl], out_hbm.at[cid, sl])


def _make_agg_kernel(n_chunks, h, u):
    chunks_per_worker = n_chunks // NW
    mesh = plsc.VectorSubcoreMesh(core_axis_name="c", subcore_axis_name="s")
    return pl.kernel(
        functools.partial(_agg_body, chunks_per_worker, u),
        out_type=jax.ShapeDtypeStruct((NC, NPAD, h), jnp.float32),
        mesh=mesh,
        scratch_types=[
            pltpu.VMEM((chunks_per_worker, 2, CHUNK), jnp.int32),
            pltpu.VMEM((u, CHUNK, h), jnp.float32),
            pltpu.SemaphoreType.DMA((u,)),
            pltpu.SemaphoreType.DMA((u,)),
            pltpu.VMEM_SHARED((NPAD, h), jnp.float32),
        ],
        compiler_params=_SC_PARAMS,
    )


def _tc1_body(x_ref, w1_ref, degp_ref, hp_ref, dinv_ref):
    deg = degp_ref[:, 0:1] + degp_ref[:, 1:2] + 1.0
    rid = lax.broadcasted_iota(jnp.int32, (NPAD, 1), 0)
    dinv = jnp.where(rid < N, lax.rsqrt(deg), 0.0)
    dinv_ref[...] = dinv
    xp = jnp.concatenate(
        [x_ref[...], jnp.zeros((NPAD - N, D_IN), jnp.float32)], axis=0)
    hp_ref[...] = jnp.dot(xp, w1_ref[...],
                          preferred_element_type=jnp.float32) * dinv


def _bn_relu(t, g, b):
    m = jnp.sum(t, axis=0, keepdims=True) / N
    v = jnp.sum(t * t, axis=0, keepdims=True) / N - m * m
    return jnp.maximum((t - m) * lax.rsqrt(v + 1e-5) * g + b, 0.0)


def _tc2_body(p_ref, dinv_ref, g1_ref, be1_ref, w2_ref, hp2_ref):
    t = p_ref[0] + p_ref[1]
    agg = t * dinv_ref[...]
    a1 = _bn_relu(agg, g1_ref[...], be1_ref[...])
    hp2_ref[...] = jnp.dot(a1, w2_ref[...],
                           preferred_element_type=jnp.float32) * dinv_ref[...]


def _tc3_body(p_ref, dinv_ref, g2_ref, be2_ref, wfc_ref, bfc_ref,
              out_ref):
    t = p_ref[0] + p_ref[1]
    agg = t * dinv_ref[...]
    a2 = _bn_relu(agg, g2_ref[...], be2_ref[...])
    out_ref[...] = jnp.dot(a2, wfc_ref[...],
                           preferred_element_type=jnp.float32) + bfc_ref[...]


def kernel(x, edge_index, W1, b1, g1, be1, W2, b2, g2, be2, Wfc, bfc):
    e = edge_index.shape[1]
    egrp = NW * CHUNK * 8
    epad = ((e + egrp - 1) // egrp) * egrp
    n_chunks = epad // CHUNK
    if e % CHUNK == 0:
        eidx0 = edge_index.reshape(2, e // CHUNK, CHUNK).transpose(1, 0, 2)
        padc = n_chunks - e // CHUNK
        if padc:
            cpad = np.broadcast_to(
                (N + np.arange(padc * CHUNK) % (NPAD - N)).astype(np.int32)
                .reshape(padc, 1, CHUNK), (padc, 2, CHUNK))
            eidx = jnp.concatenate([eidx0, jnp.asarray(cpad)], axis=0)
        else:
            eidx = eidx0
    else:
        pad = epad - e
        fill = jnp.asarray(N + np.arange(pad) % (NPAD - N), dtype=jnp.int32)
        src = jnp.concatenate([edge_index[0], fill])
        dst = jnp.concatenate([edge_index[1], fill])
        eidx = jnp.stack([src.reshape(n_chunks, CHUNK),
                          dst.reshape(n_chunks, CHUNK)], axis=1)

    degp = _make_deg_kernel(n_chunks)(eidx)

    hp1, dinv = pl.pallas_call(
        _tc1_body,
        out_shape=[
            jax.ShapeDtypeStruct((NPAD, H1), jnp.float32),
            jax.ShapeDtypeStruct((NPAD, 1), jnp.float32),
        ],
    )(x, W1, degp.T)

    p1 = _make_agg_kernel(n_chunks, H1, 8)(hp1, eidx)

    hp2 = pl.pallas_call(
        _tc2_body,
        out_shape=jax.ShapeDtypeStruct((NPAD, H2), jnp.float32),
    )(p1, dinv, g1, be1, W2)

    p2 = _make_agg_kernel(n_chunks, H2, 8)(hp2, eidx)

    logits = pl.pallas_call(
        _tc3_body,
        out_shape=jax.ShapeDtypeStruct((NPAD, OUT), jnp.float32),
    )(p2, dinv, g2, be2, Wfc, bfc)

    return logits[:N]

# --- scband reference (transcript-rebuilt; emitter-appended) ---
"""Pipeline reference for scband-io-tgnn-81088982548949 (READ-ONLY COPY).

The authoritative reference and input builder live on the scoring server;
editing this copy changes nothing except your own understanding.
"""

import jax, jax.numpy as jnp
import numpy as np

N = 10000
E = 320000
D_IN = 128
H = 64
H2 = 32
OUT = 2


def setup_inputs(seed: int = 0) -> dict:
    key = jax.random.key(seed)
    ks = jax.random.split(key, 12)
    inp = {}
    inp["x"] = jax.random.normal(ks[0], (N, D_IN), dtype=jnp.float32)
    inp["edge_index"] = jax.random.randint(ks[1], (2, E), 0, N, dtype=jnp.int32)
    inp["W1"] = jax.random.normal(ks[2], (D_IN, H), dtype=jnp.float32) * (1.0 / np.sqrt(D_IN))
    inp["b1"] = jnp.zeros((H,), jnp.float32)
    inp["g1"] = jnp.ones((H,), jnp.float32)
    inp["be1"] = jnp.zeros((H,), jnp.float32)
    inp["W2"] = jax.random.normal(ks[3], (H, H2), dtype=jnp.float32) * (1.0 / np.sqrt(H))
    inp["b2"] = jnp.zeros((H2,), jnp.float32)
    inp["g2"] = jnp.ones((H2,), jnp.float32)
    inp["be2"] = jnp.zeros((H2,), jnp.float32)
    inp["Wfc"] = jax.random.normal(ks[4], (H2, OUT), dtype=jnp.float32) * (1.0 / np.sqrt(H2))
    inp["bfc"] = jnp.zeros((OUT,), jnp.float32)
    return inp


def _gcn_layer(x, edge_index, W, b):
    # PyG GCNConv: add self-loops, symmetric normalization, linear + scatter-add
    src = edge_index[0]
    dst = edge_index[1]
    loop = jnp.arange(N, dtype=edge_index.dtype)
    s = jnp.concatenate([src, loop])
    d = jnp.concatenate([dst, loop])
    h = x @ W
    deg = jnp.zeros((N,), jnp.float32).at[d].add(1.0)
    dinv = jnp.where(deg > 0, 1.0 / jnp.sqrt(deg), 0.0)
    norm = dinv[s] * dinv[d]
    msg = h[s] * norm[:, None]
    out = jnp.zeros((N, h.shape[1]), jnp.float32).at[d].add(msg)
    return out + b


def _bn(x, g, b, eps=1e-5):
    m = jnp.mean(x, axis=0)
    v = jnp.var(x, axis=0)
    return (x - m) / jnp.sqrt(v + eps) * g + b


def reference(x, edge_index, W1, b1, g1, be1, W2, b2, g2, be2, Wfc, bfc):
    h = _gcn_layer(x, edge_index, W1, b1)
    h = _bn(h, g1, be1)
    h = jax.nn.relu(h)
    # dropout is identity (deterministic / eval)
    h = _gcn_layer(h, edge_index, W2, b2)
    h = _bn(h, g2, be2)
    h = jax.nn.relu(h)
    logits = h @ Wfc + bfc
    return logits

if __name__ == "__main__":
    import jax
    _d = setup_inputs()
    print(jax.jit(kernel)(*tuple(_d.values())))

</pallas_src>

<mosaic_0001>
#map = affine_map<(d0, d1) -> (0, 0, 0)>
#map1 = affine_map<(d0, d1) -> (0, 0)>
module attributes {stable_mosaic.version = 14 : i64} {
  func.func @_deg_body(%arg0: i32, %arg1: i32, %arg2: memref<2560x2x128xi32, #tpu.memory_space<hbm>>, %arg3: memref<2x10240xf32, #tpu.memory_space<hbm>>, %arg4: memref<80x2x128xi32, #tpu.memory_space<vmem>>, %arg5: memref<128xf32, #tpu.memory_space<vmem>>, %arg6: memref<640xf32, #tpu.memory_space<vmem>>, %arg7: memref<8x!tpu.dma_semaphore, #tpu.memory_space<semaphore_mem>>, %arg8: memref<10240xf32, #tpu.memory_space<vmem_shared>>) attributes {dimension_semantics = [#tpu.dimension_semantics<core_parallel>, #tpu.dimension_semantics<subcore_parallel>], iteration_bounds = array<i64: 2, 16>, scalar_prefetch = 0 : i64, scratch_operands = 5 : i64, tpu.core_type = #tpu.core_type<sc_vector_subcore>, window_params = [{transform_indices = #map}, {transform_indices = #map1}]} {
    %mul3A = arith.constant 2 : i32
    %mul3A_0 = arith.muli %arg1, %mul3A : i32
    %add3A = arith.addi %mul3A_0, %arg0 : i32
    %broadcast_in_dim3A = arith.constant 1.000000e+00 : f32
    %broadcast_in_dim3A_1 = vector.broadcast %broadcast_in_dim3A : f32 to vector<16xf32>
    %swap3A = arith.constant 0 : index
    %swap3A_2 = tpu.vector_load %arg5[%swap3A] {strides = array<i32>} : memref<128xf32, #tpu.memory_space<vmem>>, vector<16xf32>,
    %swap3A_3 = vector.shape_cast %swap3A_2 : vector<16xf32> to vector<16xf32>
    %swap3A_4 = vector.shape_cast %broadcast_in_dim3A_1 : vector<16xf32> to vector<16xf32>
    tpu.vector_store %arg5[%swap3A], %swap3A_4 {strides = array<i32>} : memref<128xf32, #tpu.memory_space<vmem>>, vector<16xf32>,
    %broadcast_in_dim3A_5 = arith.constant 1.000000e+00 : f32
    %broadcast_in_dim3A_6 = vector.broadcast %broadcast_in_dim3A_5 : f32 to vector<16xf32>
    %swap3A_7 = arith.constant 16 : index
    %swap3A_8 = tpu.vector_load %arg5[%swap3A_7] {strides = array<i32>} : memref<128xf32, #tpu.memory_space<vmem>>, vector<16xf32>,
    %swap3A_9 = vector.shape_cast %swap3A_8 : vector<16xf32> to vector<16xf32>
    %swap3A_10 = vector.shape_cast %broadcast_in_dim3A_6 : vector<16xf32> to vector<16xf32>
    tpu.vector_store %arg5[%swap3A_7], %swap3A_10 {strides = array<i32>} : memref<128xf32, #tpu.memory_space<vmem>>, vector<16xf32>,
    %broadcast_in_dim3A_11 = arith.constant 1.000000e+00 : f32
    %broadcast_in_dim3A_12 = vector.broadcast %broadcast_in_dim3A_11 : f32 to vector<16xf32>
    %swap3A_13 = arith.constant 32 : index
    %swap3A_14 = tpu.vector_load %arg5[%swap3A_13] {strides = array<i32>} : memref<128xf32, #tpu.memory_space<vmem>>, vector<16xf32>,
    %swap3A_15 = vector.shape_cast %swap3A_14 : vector<16xf32> to vector<16xf32>
    %swap3A_16 = vector.shape_cast %broadcast_in_dim3A_12 : vector<16xf32> to vector<16xf32>
    tpu.vector_store %arg5[%swap3A_13], %swap3A_16 {strides = array<i32>} : memref<128xf32, #tpu.memory_space<vmem>>, vector<16xf32>,
    %broadcast_in_dim3A_17 = arith.constant 1.000000e+00 : f32
    %broadcast_in_dim3A_18 = vector.broadcast %broadcast_in_dim3A_17 : f32 to vector<16xf32>
    %swap3A_19 = arith.constant 48 : index
    %swap3A_20 = tpu.vector_load %arg5[%swap3A_19] {strides = array<i32>} : memref<128xf32, #tpu.memory_space<vmem>>, vector<16xf32>,
    %swap3A_21 = vector.shape_cast %swap3A_20 : vector<16xf32> to vector<16xf32>
    %swap3A_22 = vector.shape_cast %broadcast_in_dim3A_18 : vector<16xf32> to vector<16xf32>
    tpu.vector_store %arg5[%swap3A_19], %swap3A_22 {strides = array<i32>} : memref<128xf32, #tpu.memory_space<vmem>>, vector<16xf32>,
    %broadcast_in_dim3A_23 = arith.constant 1.000000e+00 : f32
    %broadcast_in_dim3A_24 = vector.broadcast %broadcast_in_dim3A_23 : f32 to vector<16xf32>
    %swap3A_25 = arith.constant 64 : index
    %swap3A_26 = tpu.vector_load %arg5[%swap3A_25] {strides = array<i32>} : memref<128xf32, #tpu.memory_space<vmem>>, vector<16xf32>,
    %swap3A_27 = vector.shape_cast %swap3A_26 : vector<16xf32> to vector<16xf32>
    %swap3A_28 = vector.shape_cast %broadcast_in_dim3A_24 : vector<16xf32> to vector<16xf32>
    tpu.vector_store %arg5[%swap3A_25], %swap3A_28 {strides = array<i32>} : memref<128xf32, #tpu.memory_space<vmem>>, vector<16xf32>,
    %broadcast_in_dim3A_29 = arith.constant 1.000000e+00 : f32
    %broadcast_in_dim3A_30 = vector.broadcast %broadcast_in_dim3A_29 : f32 to vector<16xf32>
    %swap3A_31 = arith.constant 80 : index
    %swap3A_32 = tpu.vector_load %arg5[%swap3A_31] {strides = array<i32>} : memref<128xf32, #tpu.memory_space<vmem>>, vector<16xf32>,
    %swap3A_33 = vector.shape_cast %swap3A_32 : vector<16xf32> to vector<16xf32>
    %swap3A_34 = vector.shape_cast %broadcast_in_dim3A_30 : vector<16xf32> to vector<16xf32>
    tpu.vector_store %arg5[%swap3A_31], %swap3A_34 {strides = array<i32>} : memref<128xf32, #tpu.memory_space<vmem>>, vector<16xf32>,
    %broadcast_in_dim3A_35 = arith.constant 1.000000e+00 : f32
    %broadcast_in_dim3A_36 = vector.broadcast %broadcast_in_dim3A_35 : f32 to vector<16xf32>
    %swap3A_37 = arith.constant 96 : index
    %swap3A_38 = tpu.vector_load %arg5[%swap3A_37] {strides = array<i32>} : memref<128xf32, #tpu.memory_space<vmem>>, vector<16xf32>,
    %swap3A_39 = vector.shape_cast %swap3A_38 : vector<16xf32> to vector<16xf32>
    %swap3A_40 = vector.shape_cast %broadcast_in_dim3A_36 : vector<16xf32> to vector<16xf32>
    tpu.vector_store %arg5[%swap3A_37], %swap3A_40 {strides = array<i32>} : memref<128xf32, #tpu.memory_space<vmem>>, vector<16xf32>,
    %broadcast_in_dim3A_41 = arith.constant 1.000000e+00 : f32
    %broadcast_in_dim3A_42 = vector.broadcast %broadcast_in_dim3A_41 : f32 to vector<16xf32>
    %swap3A_43 = arith.constant 112 : index
    %swap3A_44 = tpu.vector_load %arg5[%swap3A_43] {strides = array<i32>} : memref<128xf32, #tpu.memory_space<vmem>>, vector<16xf32>,
    %swap3A_45 = vector.shape_cast %swap3A_44 : vector<16xf32> to vector<16xf32>
    %swap3A_46 = vector.shape_cast %broadcast_in_dim3A_42 : vector<16xf32> to vector<16xf32>
    tpu.vector_store %arg5[%swap3A_43], %swap3A_46 {strides = array<i32>} : memref<128xf32, #tpu.memory_space<vmem>>, vector<16xf32>,
    %broadcast_in_dim3A_47 = arith.constant 0.000000e+00 : f32
    %broadcast_in_dim3A_48 = vector.broadcast %broadcast_in_dim3A_47 : f32 to vector<16xf32>
    %swap3A_49 = arith.constant 0 : index
    %swap3A_50 = tpu.vector_load %arg6[%swap3A_49] {strides = array<i32>} : memref<640xf32, #tpu.memory_space<vmem>>, vector<16xf32>,
    %swap3A_51 = vector.shape_cast %swap3A_50 : vector<16xf32> to vector<16xf32>
    %swap3A_52 = vector.shape_cast %broadcast_in_dim3A_48 : vector<16xf32> to vector<16xf32>
    tpu.vector_store %arg6[%swap3A_49], %swap3A_52 {strides = array<i32>} : memref<640xf32, #tpu.memory_space<vmem>>, vector<16xf32>,
    %broadcast_in_dim3A_53 = arith.constant 0.000000e+00 : f32
    %broadcast_in_dim3A_54 = vector.broadcast %broadcast_in_dim3A_53 : f32 to vector<16xf32>
    %swap3A_55 = arith.constant 16 : index
    %swap3A_56 = tpu.vector_load %arg6[%swap3A_55] {strides = array<i32>} : memref<640xf32, #tpu.memory_space<vmem>>, vector<16xf32>,
    %swap3A_57 = vector.shape_cast %swap3A_56 : vector<16xf32> to vector<16xf32>
    %swap3A_58 = vector.shape_cast %broadcast_in_dim3A_54 : vector<16xf32> to vector<16xf32>
    tpu.vector_store %arg6[%swap3A_55], %swap3A_58 {strides = array<i32>} : memref<640xf32, #tpu.memory_space<vmem>>, vector<16xf32>,
    %broadcast_in_dim3A_59 = arith.constant 0.000000e+00 : f32
    %broadcast_in_dim3A_60 = vector.broadcast %broadcast_in_dim3A_59 : f32 to vector<16xf32>
    %swap3A_61 = arith.constant 32 : index
    %swap3A_62 = tpu.vector_load %arg6[%swap3A_61] {strides = array<i32>} : memref<640xf32, #tpu.memory_space<vmem>>, vector<16xf32>,
    %swap3A_63 = vector.shape_cast %swap3A_62 : vector<16xf32> to vector<16xf32>
    %swap3A_64 = vector.shape_cast %broadcast_in_dim3A_60 : vector<16xf32> to vector<16xf32>
    tpu.vector_store %arg6[%swap3A_61], %swap3A_64 {strides = array<i32>} : memref<640xf32, #tpu.memory_space<vmem>>, vector<16xf32>,
    %broadcast_in_dim3A_65 = arith.constant 0.000000e+00 : f32
    %broadcast_in_dim3A_66 = vector.broadcast %broadcast_in_dim3A_65 : f32 to vector<16xf32>
    %swap3A_67 = arith.constant 48 : index
    %swap3A_68 = tpu.vector_load %arg6[%swap3A_67] {strides = array<i32>} : memref<640xf32, #tpu.memory_space<vmem>>, vector<16xf32>,
    %swap3A_69 = vector.shape_cast %swap3A_68 : vector<16xf32> to vector<16xf32>
    %swap3A_70 = vector.shape_cast %broadcast_in_dim3A_66 : vector<16xf32> to vector<16xf32>
    tpu.vector_store %arg6[%swap3A_67], %swap3A_70 {strides = array<i32>} : memref<640xf32, #tpu.memory_space<vmem>>, vector<16xf32>,
    %broadcast_in_dim3A_71 = arith.constant 0.000000e+00 : f32
    %broadcast_in_dim3A_72 = vector.broadcast %broadcast_in_dim3A_71 : f32 to vector<16xf32>
    %swap3A_73 = arith.constant 64 : index
    %swap3A_74 = tpu.vector_load %arg6[%swap3A_73] {strides = array<i32>} : memref<640xf32, #tpu.memory_space<vmem>>, vector<16xf32>,
    %swap3A_75 = vector.shape_cast %swap3A_74 : vector<16xf32> to vector<16xf32>
    %swap3A_76 = vector.shape_cast %broadcast_in_dim3A_72 : vector<16xf32> to vector<16xf32>
    tpu.vector_store %arg6[%swap3A_73], %swap3A_76 {strides = array<i32>} : memref<640xf32, #tpu.memory_space<vmem>>, vector<16xf32>,
    %broadcast_in_dim3A_77 = arith.constant 0.000000e+00 : f32
    %broadcast_in_dim3A_78 = vector.broadcast %broadcast_in_dim3A_77 : f32 to vector<16xf32>
    %swap3A_79 = arith.constant 80 : index
    %swap3A_80 = tpu.vector_load %arg6[%swap3A_79] {strides = array<i32>} : memref<640xf32, #tpu.memory_space<vmem>>, vector<16xf32>,
    %swap3A_81 = vector.shape_cast %swap3A_80 : vector<16xf32> to vector<16xf32>
    %swap3A_82 = vector.shape_cast %broadcast_in_dim3A_78 : vector<16xf32> to vector<16xf32>
    tpu.vector_store %arg6[%swap3A_79], %swap3A_82 {strides = array<i32>} : memref<640xf32, #tpu.memory_space<vmem>>, vector<16xf32>,
    %broadcast_in_dim3A_83 = arith.constant 0.000000e+00 : f32
    %broadcast_in_dim3A_84 = vector.broadcast %broadcast_in_dim3A_83 : f32 to vector<16xf32>
    %swap3A_85 = arith.constant 96 : index
    %swap3A_86 = tpu.vector_load %arg6[%swap3A_85] {strides = array<i32>} : memref<640xf32, #tpu.memory_space<vmem>>, vector<16xf32>,
    %swap3A_87 = vector.shape_cast %swap3A_86 : vector<16xf32> to vector<16xf32>
    %swap3A_88 = vector.shape_cast %broadcast_in_dim3A_84 : vector<16xf32> to vector<16xf32>
    tpu.vector_store %arg6[%swap3A_85], %swap3A_88 {strides = array<i32>} : memref<640xf32, #tpu.memory_space<vmem>>, vector<16xf32>,
    %broadcast_in_dim3A_89 = arith.constant 0.000000e+00 : f32
    %broadcast_in_dim3A_90 = vector.broadcast %broadcast_in_dim3A_89 : f32 to vector<16xf32>
    %swap3A_91 = arith.constant 112 : index
    %swap3A_92 = tpu.vector_load %arg6[%swap3A_91] {strides = array<i32>} : memref<640xf32, #tpu.memory_space<vmem>>, vector<16xf32>,
    %swap3A_93 = vector.shape_cast %swap3A_92 : vector<16xf32> to vector<16xf32>
    %swap3A_94 = vector.shape_cast %broadcast_in_dim3A_90 : vector<16xf32> to vector<16xf32>
    tpu.vector_store %arg6[%swap3A_91], %swap3A_94 {strides = array<i32>} : memref<640xf32, #tpu.memory_space<vmem>>, vector<16xf32>,
    %broadcast_in_dim3A_95 = arith.constant 0.000000e+00 : f32
    %broadcast_in_dim3A_96 = vector.broadcast %broadcast_in_dim3A_95 : f32 to vector<16xf32>
    %swap3A_97 = arith.constant 128 : index
    %swap3A_98 = tpu.vector_load %arg6[%swap3A_97] {strides = array<i32>} : memref<640xf32, #tpu.memory_space<vmem>>, vector<16xf32>,
    %swap3A_99 = vector.shape_cast %swap3A_98 : vector<16xf32> to vector<16xf32>
    %swap3A_100 = vector.shape_cast %broadcast_in_dim3A_96 : vector<16xf32> to vector<16xf32>
    tpu.vector_store %arg6[%swap3A_97], %swap3A_100 {strides = array<i32>} : memref<640xf32, #tpu.memory_space<vmem>>, vector<16xf32>,
    %broadcast_in_dim3A_101 = arith.constant 0.000000e+00 : f32
    %broadcast_in_dim3A_102 = vector.broadcast %broadcast_in_dim3A_101 : f32 to vector<16xf32>
    %swap3A_103 = arith.constant 144 : index
    %swap3A_104 = tpu.vector_load %arg6[%swap3A_103] {strides = array<i32>} : memref<640xf32, #tpu.memory_space<vmem>>, vector<16xf32>,
    %swap3A_105 = vector.shape_cast %swap3A_104 : vector<16xf32> to vector<16xf32>
    %swap3A_106 = vector.shape_cast %broadcast_in_dim3A_102 : vector<16xf32> to vector<16xf32>
    tpu.vector_store %arg6[%swap3A_103], %swap3A_106 {strides = array<i32>} : memref<640xf32, #tpu.memory_space<vmem>>, vector<16xf32>,
    %broadcast_in_dim3A_107 = arith.constant 0.000000e+00 : f32
    %broadcast_in_dim3A_108 = vector.broadcast %broadcast_in_dim3A_107 : f32 to vector<16xf32>
    %swap3A_109 = arith.constant 160 : index
    %swap3A_110 = tpu.vector_load %arg6[%swap3A_109] {strides = array<i32>} : memref<640xf32, #tpu.memory_space<vmem>>, vector<16xf32>,
    %swap3A_111 = vector.shape_cast %swap3A_110 : vector<16xf32> to vector<16xf32>
    %swap3A_112 = vector.shape_cast %broadcast_in_dim3A_108 : vector<16xf32> to vector<16xf32>
    tpu.vector_store %arg6[%swap3A_109], %swap3A_112 {strides = array<i32>} : memref<640xf32, #tpu.memory_space<vmem>>, vector<16xf32>,
    %broadcast_in_dim3A_113 = arith.constant 0.000000e+00 : f32
    %broadcast_in_dim3A_114 = vector.broadcast %broadcast_in_dim3A_113 : f32 to vector<16xf32>
    %swap3A_115 = arith.constant 176 : index
    %swap3A_116 = tpu.vector_load %arg6[%swap3A_115] {strides = array<i32>} : memref<640xf32, #tpu.memory_space<vmem>>, vector<16xf32>,
    %swap3A_117 = vector.shape_cast %swap3A_116 : vector<16xf32> to vector<16xf32>
    %swap3A_118 = vector.shape_cast %broadcast_in_dim3A_114 : vector<16xf32> to vector<16xf32>
    tpu.vector_store %arg6[%swap3A_115], %swap3A_118 {strides = array<i32>} : memref<640xf32, #tpu.memory_space<vmem>>, vector<16xf32>,
    %broadcast_in_dim3A_119 = arith.constant 0.000000e+00 : f32
    %broadcast_in_dim3A_120 = vector.broadcast %broadcast_in_dim3A_119 : f32 to vector<16xf32>
    %swap3A_121 = arith.constant 192 : index
    %swap3A_122 = tpu.vector_load %arg6[%swap3A_121] {strides = array<i32>} : memref<640xf32, #tpu.memory_space<vmem>>, vector<16xf32>,
    %swap3A_123 = vector.shape_cast %swap3A_122 : vector<16xf32> to vector<16xf32>
    %swap3A_124 = vector.shape_cast %broadcast_in_dim3A_120 : vector<16xf32> to vector<16xf32>
    tpu.vector_store %arg6[%swap3A_121], %swap3A_124 {strides = array<i32>} : memref<640xf32, #tpu.memory_space<vmem>>, vector<16xf32>,
    %broadcast_in_dim3A_125 = arith.constant 0.000000e+00 : f32
    %broadcast_in_dim3A_126 = vector.broadcast %broadcast_in_dim3A_125 : f32 to vector<16xf32>
    %swap3A_127 = arith.constant 208 : index
    %swap3A_128 = tpu.vector_load %arg6[%swap3A_127] {strides = array<i32>} : memref<640xf32, #tpu.memory_space<vmem>>, vector<16xf32>,
    %swap3A_129 = vector.shape_cast %swap3A_128 : vector<16xf32> to vector<16xf32>
    %swap3A_130 = vector.shape_cast %broadcast_in_dim3A_126 : vector<16xf32> to vector<16xf32>
    tpu.vector_store %arg6[%swap3A_127], %swap3A_130 {strides = array<i32>} : memref<640xf32, #tpu.memory_space<vmem>>, vector<16xf32>,
    %broadcast_in_dim3A_131 = arith.constant 0.000000e+00 : f32
    %broadcast_in_dim3A_132 = vector.broadcast %broadcast_in_dim3A_131 : f32 to vector<16xf32>
    %swap3A_133 = arith.constant 224 : index
    %swap3A_134 = tpu.vector_load %arg6[%swap3A_133] {strides = array<i32>} : memref<640xf32, #tpu.memory_space<vmem>>, vector<16xf32>,
    %swap3A_135 = vector.shape_cast %swap3A_134 : vector<16xf32> to vector<16xf32>
    %swap3A_136 = vector.shape_cast %broadcast_in_dim3A_132 : vector<16xf32> to vector<16xf32>
    tpu.vector_store %arg6[%swap3A_133], %swap3A_136 {strides = array<i32>} : memref<640xf32, #tpu.memory_space<vmem>>, vector<16xf32>,
    %broadcast_in_dim3A_137 = arith.constant 0.000000e+00 : f32
    %broadcast_in_dim3A_138 = vector.broadcast %broadcast_in_dim3A_137 : f32 to vector<16xf32>
    %swap3A_139 = arith.constant 240 : index
    %swap3A_140 = tpu.vector_load %arg6[%swap3A_139] {strides = array<i32>} : memref<640xf32, #tpu.memory_space<vmem>>, vector<16xf32>,
    %swap3A_141 = vector.shape_cast %swap3A_140 : vector<16xf32> to vector<16xf32>
    %swap3A_142 = vector.shape_cast %broadcast_in_dim3A_138 : vector<16xf32> to vector<16xf32>
    tpu.vector_store %arg6[%swap3A_139], %swap3A_142 {strides = array<i32>} : memref<640xf32, #tpu.memory_space<vmem>>, vector<16xf32>,
    %broadcast_in_dim3A_143 = arith.constant 0.000000e+00 : f32
    %broadcast_in_dim3A_144 = vector.broadcast %broadcast_in_dim3A_143 : f32 to vector<16xf32>
    %swap3A_145 = arith.constant 256 : index
    %swap3A_146 = tpu.vector_load %arg6[%swap3A_145] {strides = array<i32>} : memref<640xf32, #tpu.memory_space<vmem>>, vector<16xf32>,
    %swap3A_147 = vector.shape_cast %swap3A_146 : vector<16xf32> to vector<16xf32>
    %swap3A_148 = vector.shape_cast %broadcast_in_dim3A_144 : vector<16xf32> to vector<16xf32>
    tpu.vector_store %arg6[%swap3A_145], %swap3A_148 {strides = array<i32>} : memref<640xf32, #tpu.memory_space<vmem>>, vector<16xf32>,
    %broadcast_in_dim3A_149 = arith.constant 0.000000e+00 : f32
    %broadcast_in_dim3A_150 = vector.broadcast %broadcast_in_dim3A_149 : f32 to vector<16xf32>
    %swap3A_151 = arith.constant 272 : index
    %swap3A_152 = tpu.vector_load %arg6[%swap3A_151] {strides = array<i32>} : memref<640xf32, #tpu.memory_space<vmem>>, vector<16xf32>,
    %swap3A_153 = vector.shape_cast %swap3A_152 : vector<16xf32> to vector<16xf32>
    %swap3A_154 = vector.shape_cast %broadcast_in_dim3A_150 : vector<16xf32> to vector<16xf32>
    tpu.vector_store %arg6[%swap3A_151], %swap3A_154 {strides = array<i32>} : memref<640xf32, #tpu.memory_space<vmem>>, vector<16xf32>,
    %broadcast_in_dim3A_155 = arith.constant 0.000000e+00 : f32
    %broadcast_in_dim3A_156 = vector.broadcast %broadcast_in_dim3A_155 : f32 to vector<16xf32>
    %swap3A_157 = arith.constant 288 : index
    %swap3A_158 = tpu.vector_load %arg6[%swap3A_157] {strides = array<i32>} : memref<640xf32, #tpu.memory_space<vmem>>, vector<16xf32>,
    %swap3A_159 = vector.shape_cast %swap3A_158 : vector<16xf32> to vector<16xf32>
    %swap3A_160 = vector.shape_cast %broadcast_in_dim3A_156 : vector<16xf32> to vector<16xf32>
    tpu.vector_store %arg6[%swap3A_157], %swap3A_160 {strides = array<i32>} : memref<640xf32, #tpu.memory_space<vmem>>, vector<16xf32>,
    %broadcast_in_dim3A_161 = arith.constant 0.000000e+00 : f32
    %broadcast_in_dim3A_162 = vector.broadcast %broadcast_in_dim3A_161 : f32 to vector<16xf32>
    %swap3A_163 = arith.constant 304 : index
    %swap3A_164 = tpu.vector_load %arg6[%swap3A_163] {strides = array<i32>} : memref<640xf32, #tpu.memory_space<vmem>>, vector<16xf32>,
    %swap3A_165 = vector.shape_cast %swap3A_164 : vector<16xf32> to vector<16xf32>
    %swap3A_166 = vector.shape_cast %broadcast_in_dim3A_162 : vector<16xf32> to vector<16xf32>
    tpu.vector_store %arg6[%swap3A_163], %swap3A_166 {strides = array<i32>} : memref<640xf32, #tpu.memory_space<vmem>>, vector<16xf32>,
    %broadcast_in_dim3A_167 = arith.constant 0.000000e+00 : f32
    %broadcast_in_dim3A_168 = vector.broadcast %broadcast_in_dim3A_167 : f32 to vector<16xf32>
    %swap3A_169 = arith.constant 320 : index
    %swap3A_170 = tpu.vector_load %arg6[%swap3A_169] {strides = array<i32>} : memref<640xf32, #tpu.memory_space<vmem>>, vector<16xf32>,
    %swap3A_171 = vector.shape_cast %swap3A_170 : vector<16xf32> to vector<16xf32>
    %swap3A_172 = vector.shape_cast %broadcast_in_dim3A_168 : vector<16xf32> to vector<16xf32>
    tpu.vector_store %arg6[%swap3A_169], %swap3A_172 {strides = array<i32>} : memref<640xf32, #tpu.memory_space<vmem>>, vector<16xf32>,
    %broadcast_in_dim3A_173 = arith.constant 0.000000e+00 : f32
    %broadcast_in_dim3A_174 = vector.broadcast %broadcast_in_dim3A_173 : f32 to vector<16xf32>
    %swap3A_175 = arith.constant 336 : index
    %swap3A_176 = tpu.vector_load %arg6[%swap3A_175] {strides = array<i32>} : memref<640xf32, #tpu.memory_space<vmem>>, vector<16xf32>,
    %swap3A_177 = vector.shape_cast %swap3A_176 : vector<16xf32> to vector<16xf32>
    %swap3A_178 = vector.shape_cast %broadcast_in_dim3A_174 : vector<16xf32> to vector<16xf32>
    tpu.vector_store %arg6[%swap3A_175], %swap3A_178 {strides = array<i32>} : memref<640xf32, #tpu.memory_space<vmem>>, vector<16xf32>,
    %broadcast_in_dim3A_179 = arith.constant 0.000000e+00 : f32
    %broadcast_in_dim3A_180 = vector.broadcast %broadcast_in_dim3A_179 : f32 to vector<16xf32>
    %swap3A_181 = arith.constant 352 : index
    %swap3A_182 = tpu.vector_load %arg6[%swap3A_181] {strides = array<i32>} : memref<640xf32, #tpu.memory_space<vmem>>, vector<16xf32>,
    %swap3A_183 = vector.shape_cast %swap3A_182 : vector<16xf32> to vector<16xf32>
    %swap3A_184 = vector.shape_cast %broadcast_in_dim3A_180 : vector<16xf32> to vector<16xf32>
    tpu.vector_store %arg6[%swap3A_181], %swap3A_184 {strides = array<i32>} : memref<640xf32, #tpu.memory_space<vmem>>, vector<16xf32>,
    %broadcast_in_dim3A_185 = arith.constant 0.000000e+00 : f32
    %broadcast_in_dim3A_186 = vector.broadcast %broadcast_in_dim3A_185 : f32 to vector<16xf32>
    %swap3A_187 = arith.constant 368 : index
    %swap3A_188 = tpu.vector_load %arg6[%swap3A_187] {strides = array<i32>} : memref<640xf32, #tpu.memory_space<vmem>>, vector<16xf32>,
    %swap3A_189 = vector.shape_cast %swap3A_188 : vector<16xf32> to vector<16xf32>
    %swap3A_190 = vector.shape_cast %broadcast_in_dim3A_186 : vector<16xf32> to vector<16xf32>
    tpu.vector_store %arg6[%swap3A_187], %swap3A_190 {strides = array<i32>} : memref<640xf32, #tpu.memory_space<vmem>>, vector<16xf32>,
    %broadcast_in_dim3A_191 = arith.constant 0.000000e+00 : f32
    %broadcast_in_dim3A_192 = vector.broadcast %broadcast_in_dim3A_191 : f32 to vector<16xf32>
    %swap3A_193 = arith.constant 384 : index
    %swap3A_194 = tpu.vector_load %arg6[%swap3A_193] {strides = array<i32>} : memref<640xf32, #tpu.memory_space<vmem>>, vector<16xf32>,
    %swap3A_195 = vector.shape_cast %swap3A_194 : vector<16xf32> to vector<16xf32>
    %swap3A_196 = vector.shape_cast %broadcast_in_dim3A_192 : vector<16xf32> to vector<16xf32>
    tpu.vector_store %arg6[%swap3A_193], %swap3A_196 {strides = array<i32>} : memref<640xf32, #tpu.memory_space<vmem>>, vector<16xf32>,
    %broadcast_in_dim3A_197 = arith.constant 0.000000e+00 : f32
    %broadcast_in_dim3A_198 = vector.broadcast %broadcast_in_dim3A_197 : f32 to vector<16xf32>
    %swap3A_199 = arith.constant 400 : index
    %swap3A_200 = tpu.vector_load %arg6[%swap3A_199] {strides = array<i32>} : memref<640xf32, #tpu.memory_space<vmem>>, vector<16xf32>,
    %swap3A_201 = vector.shape_cast %swap3A_200 : vector<16xf32> to vector<16xf32>
    %swap3A_202 = vector.shape_cast %broadcast_in_dim3A_198 : vector<16xf32> to vector<16xf32>
    tpu.vector_store %arg6[%swap3A_199], %swap3A_202 {strides = array<i32>} : memref<640xf32, #tpu.memory_space<vmem>>, vector<16xf32>,
    %broadcast_in_dim3A_203 = arith.constant 0.000000e+00 : f32
    %broadcast_in_dim3A_204 = vector.broadcast %broadcast_in_dim3A_203 : f32 to vector<16xf32>
    %swap3A_205 = arith.constant 416 : index
    %swap3A_206 = tpu.vector_load %arg6[%swap3A_205] {strides = array<i32>} : memref<640xf32, #tpu.memory_space<vmem>>, vector<16xf32>,
    %swap3A_207 = vector.shape_cast %swap3A_206 : vector<16xf32> to vector<16xf32>
    %swap3A_208 = vector.shape_cast %broadcast_in_dim3A_204 : vector<16xf32> to vector<16xf32>
    tpu.vector_store %arg6[%swap3A_205], %swap3A_208 {strides = array<i32>} : memref<640xf32, #tpu.memory_space<vmem>>, vector<16xf32>,
    %broadcast_in_dim3A_209 = arith.constant 0.000000e+00 : f32
    %broadcast_in_dim3A_210 = vector.broadcast %broadcast_in_dim3A_209 : f32 to vector<16xf32>
    %swap3A_211 = arith.constant 432 : index
    %swap3A_212 = tpu.vector_load %arg6[%swap3A_211] {strides = array<i32>} : memref<640xf32, #tpu.memory_space<vmem>>, vector<16xf32>,
    %swap3A_213 = vector.shape_cast %swap3A_212 : vector<16xf32> to vector<16xf32>
    %swap3A_214 = vector.shape_cast %broadcast_in_dim3A_210 : vector<16xf32> to vector<16xf32>
    tpu.vector_store %arg6[%swap3A_211], %swap3A_214 {strides = array<i32>} : memref<640xf32, #tpu.memory_space<vmem>>, vector<16xf32>,
    %broadcast_in_dim3A_215 = arith.constant 0.000000e+00 : f32
    %broadcast_in_dim3A_216 = vector.broadcast %broadcast_in_dim3A_215 : f32 to vector<16xf32>
    %swap3A_217 = arith.constant 448 : index
    %swap3A_218 = tpu.vector_load %arg6[%swap3A_217] {strides = array<i32>} : memref<640xf32, #tpu.memory_space<vmem>>, vector<16xf32>,
    %swap3A_219 = vector.shape_cast %swap3A_218 : vector<16xf32> to vector<16xf32>
    %swap3A_220 = vector.shape_cast %broadcast_in_dim3A_216 : vector<16xf32> to vector<16xf32>
    tpu.vector_store %arg6[%swap3A_217], %swap3A_220 {strides = array<i32>} : memref<640xf32, #tpu.memory_space<vmem>>, vector<16xf32>,
    %broadcast_in_dim3A_221 = arith.constant 0.000000e+00 : f32
    %broadcast_in_dim3A_222 = vector.broadcast %broadcast_in_dim3A_221 : f32 to vector<16xf32>
    %swap3A_223 = arith.constant 464 : index
    %swap3A_224 = tpu.vector_load %arg6[%swap3A_223] {strides = array<i32>} : memref<640xf32, #tpu.memory_space<vmem>>, vector<16xf32>,
    %swap3A_225 = vector.shape_cast %swap3A_224 : vector<16xf32> to vector<16xf32>
    %swap3A_226 = vector.shape_cast %broadcast_in_dim3A_222 : vector<16xf32> to vector<16xf32>
    tpu.vector_store %arg6[%swap3A_223], %swap3A_226 {strides = array<i32>} : memref<640xf32, #tpu.memory_space<vmem>>, vector<16xf32>,
    %broadcast_in_dim3A_227 = arith.constant 0.000000e+00 : f32
    %broadcast_in_dim3A_228 = vector.broadcast %broadcast_in_dim3A_227 : f32 to vector<16xf32>
    %swap3A_229 = arith.constant 480 : index
    %swap3A_230 = tpu.vector_load %arg6[%swap3A_229] {strides = array<i32>} : memref<640xf32, #tpu.memory_space<vmem>>, vector<16xf32>,
    %swap3A_231 = vector.shape_cast %swap3A_230 : vector<16xf32> to vector<16xf32>
    %swap3A_232 = vector.shape_cast %broadcast_in_dim3A_228 : vector<16xf32> to vector<16xf32>
    tpu.vector_store %arg6[%swap3A_229], %swap3A_232 {strides = array<i32>} : memref<640xf32, #tpu.memory_space<vmem>>, vector<16xf32>,
    %broadcast_in_dim3A_233 = arith.constant 0.000000e+00 : f32
    %broadcast_in_dim3A_234 = vector.broadcast %broadcast_in_dim3A_233 : f32 to vector<16xf32>
    %swap3A_235 = arith.constant 496 : index
    %swap3A_236 = tpu.vector_load %arg6[%swap3A_235] {strides = array<i32>} : memref<640xf32, #tpu.memory_space<vmem>>, vector<16xf32>,
    %swap3A_237 = vector.shape_cast %swap3A_236 : vector<16xf32> to vector<16xf32>
    %swap3A_238 = vector.shape_cast %broadcast_in_dim3A_234 : vector<16xf32> to vector<16xf32>
    tpu.vector_store %arg6[%swap3A_235], %swap3A_238 {strides = array<i32>} : memref<640xf32, #tpu.memory_space<vmem>>, vector<16xf32>,
    %broadcast_in_dim3A_239 = arith.constant 0.000000e+00 : f32
    %broadcast_in_dim3A_240 = vector.broadcast %broadcast_in_dim3A_239 : f32 to vector<16xf32>
    %swap3A_241 = arith.constant 512 : index
    %swap3A_242 = tpu.vector_load %arg6[%swap3A_241] {strides = array<i32>} : memref<640xf32, #tpu.memory_space<vmem>>, vector<16xf32>,
    %swap3A_243 = vector.shape_cast %swap3A_242 : vector<16xf32> to vector<16xf32>
    %swap3A_244 = vector.shape_cast %broadcast_in_dim3A_240 : vector<16xf32> to vector<16xf32>
    tpu.vector_store %arg6[%swap3A_241], %swap3A_244 {strides = array<i32>} : memref<640xf32, #tpu.memory_space<vmem>>, vector<16xf32>,
    %broadcast_in_dim3A_245 = arith.constant 0.000000e+00 : f32
    %broadcast_in_dim3A_246 = vector.broadcast %broadcast_in_dim3A_245 : f32 to vector<16xf32>
    %swap3A_247 = arith.constant 528 : index
    %swap3A_248 = tpu.vector_load %arg6[%swap3A_247] {strides = array<i32>} : memref<640xf32, #tpu.memory_space<vmem>>, vector<16xf32>,
    %swap3A_249 = vector.shape_cast %swap3A_248 : vector<16xf32> to vector<16xf32>
    %swap3A_250 = vector.shape_cast %broadcast_in_dim3A_246 : vector<16xf32> to vector<16xf32>
    tpu.vector_store %arg6[%swap3A_247], %swap3A_250 {strides = array<i32>} : memref<640xf32, #tpu.memory_space<vmem>>, vector<16xf32>,
    %broadcast_in_dim3A_251 = arith.constant 0.000000e+00 : f32
    %broadcast_in_dim3A_252 = vector.broadcast %broadcast_in_dim3A_251 : f32 to vector<16xf32>
    %swap3A_253 = arith.constant 544 : index
    %swap3A_254 = tpu.vector_load %arg6[%swap3A_253] {strides = array<i32>} : memref<640xf32, #tpu.memory_space<vmem>>, vector<16xf32>,
    %swap3A_255 = vector.shape_cast %swap3A_254 : vector<16xf32> to vector<16xf32>
    %swap3A_256 = vector.shape_cast %broadcast_in_dim3A_252 : vector<16xf32> to vector<16xf32>
    tpu.vector_store %arg6[%swap3A_253], %swap3A_256 {strides = array<i32>} : memref<640xf32, #tpu.memory_space<vmem>>, vector<16xf32>,
    %broadcast_in_dim3A_257 = arith.constant 0.000000e+00 : f32
    %broadcast_in_dim3A_258 = vector.broadcast %broadcast_in_dim3A_257 : f32 to vector<16xf32>
    %swap3A_259 = arith.constant 560 : index
    %swap3A_260 = tpu.vector_load %arg6[%swap3A_259] {strides = array<i32>} : memref<640xf32, #tpu.memory_space<vmem>>, vector<16xf32>,
    %swap3A_261 = vector.shape_cast %swap3A_260 : vector<16xf32> to vector<16xf32>
    %swap3A_262 = vector.shape_cast %broadcast_in_dim3A_258 : vector<16xf32> to vector<16xf32>
    tpu.vector_store %arg6[%swap3A_259], %swap3A_262 {strides = array<i32>} : memref<640xf32, #tpu.memory_space<vmem>>, vector<16xf32>,
    %broadcast_in_dim3A_263 = arith.constant 0.000000e+00 : f32
    %broadcast_in_dim3A_264 = vector.broadcast %broadcast_in_dim3A_263 : f32 to vector<16xf32>
    %swap3A_265 = arith.constant 576 : index
    %swap3A_266 = tpu.vector_load %arg6[%swap3A_265] {strides = array<i32>} : memref<640xf32, #tpu.memory_space<vmem>>, vector<16xf32>,
    %swap3A_267 = vector.shape_cast %swap3A_266 : vector<16xf32> to vector<16xf32>
    %swap3A_268 = vector.shape_cast %broadcast_in_dim3A_264 : vector<16xf32> to vector<16xf32>
    tpu.vector_store %arg6[%swap3A_265], %swap3A_268 {strides = array<i32>} : memref<640xf32, #tpu.memory_space<vmem>>, vector<16xf32>,
    %broadcast_in_dim3A_269 = arith.constant 0.000000e+00 : f32
    %broadcast_in_dim3A_270 = vector.broadcast %broadcast_in_dim3A_269 : f32 to vector<16xf32>
    %swap3A_271 = arith.constant 592 : index
    %swap3A_272 = tpu.vector_load %arg6[%swap3A_271] {strides = array<i32>} : memref<640xf32, #tpu.memory_space<vmem>>, vector<16xf32>,
    %swap3A_273 = vector.shape_cast %swap3A_272 : vector<16xf32> to vector<16xf32>
    %swap3A_274 = vector.shape_cast %broadcast_in_dim3A_270 : vector<16xf32> to vector<16xf32>
    tpu.vector_store %arg6[%swap3A_271], %swap3A_274 {strides = array<i32>} : memref<640xf32, #tpu.memory_space<vmem>>, vector<16xf32>,
    %broadcast_in_dim3A_275 = arith.constant 0.000000e+00 : f32
    %broadcast_in_dim3A_276 = vector.broadcast %broadcast_in_dim3A_275 : f32 to vector<16xf32>
    %swap3A_277 = arith.constant 608 : index
    %swap3A_278 = tpu.vector_load %arg6[%swap3A_277] {strides = array<i32>} : memref<640xf32, #tpu.memory_space<vmem>>, vector<16xf32>,
    %swap3A_279 = vector.shape_cast %swap3A_278 : vector<16xf32> to vector<16xf32>
    %swap3A_280 = vector.shape_cast %broadcast_in_dim3A_276 : vector<16xf32> to vector<16xf32>
    tpu.vector_store %arg6[%swap3A_277], %swap3A_280 {strides = array<i32>} : memref<640xf32, #tpu.memory_space<vmem>>, vector<16xf32>,
    %broadcast_in_dim3A_281 = arith.constant 0.000000e+00 : f32
    %broadcast_in_dim3A_282 = vector.broadcast %broadcast_in_dim3A_281 : f32 to vector<16xf32>
    %swap3A_283 = arith.constant 624 : index
    %swap3A_284 = tpu.vector_load %arg6[%swap3A_283] {strides = array<i32>} : memref<640xf32, #tpu.memory_space<vmem>>, vector<16xf32>,
    %swap3A_285 = vector.shape_cast %swap3A_284 : vector<16xf32> to vector<16xf32>
    %swap3A_286 = vector.shape_cast %broadcast_in_dim3A_282 : vector<16xf32> to vector<16xf32>
    tpu.vector_store %arg6[%swap3A_283], %swap3A_286 {strides = array<i32>} : memref<640xf32, #tpu.memory_space<vmem>>, vector<16xf32>,
    %mul3A_287 = arith.constant 80 : i32
    %mul3A_288 = arith.muli %add3A, %mul3A_287 : i32
    "tpu.region"() ({
      %run_scoped3A = tpu.sem_alloc : memref<!tpu.dma_semaphore, #tpu.memory_space<semaphore_mem>>
      %dma_start3A = arith.constant 0 : i32
      %dma_start3A_299 = arith.constant 0 : i32
      %dma_start3A_300 = tpu.memref_slice %arg2[%mul3A_288, %dma_start3A, %dma_start3A_299] : memref<2560x2x128xi32, #tpu.memory_space<hbm>> -> memref<80x2x128xi32, #tpu.memory_space<hbm>>
      %dma_start3A_301 = arith.constant 0 : i32
      %dma_start3A_302 = arith.constant 0 : i32
      %dma_start3A_303 = tpu.memref_slice %arg2[%mul3A_288, %dma_start3A_301, %dma_start3A_302] : memref<2560x2x128xi32, #tpu.memory_space<hbm>> -> memref<80x2x128xi32, #tpu.memory_space<hbm>>
      tpu.enqueue_dma source(%dma_start3A_303 : memref<80x2x128xi32, #tpu.memory_space<hbm>>) target(%arg4 : memref<80x2x128xi32, #tpu.memory_space<vmem>>) target_semaphore(%run_scoped3A : memref<!tpu.dma_semaphore, #tpu.memory_space<semaphore_mem>>)
      %dma_wait3A = arith.constant 0 : i32
      %dma_wait3A_304 = arith.constant 0 : i32
      %dma_wait3A_305 = tpu.memref_slice %arg2[%mul3A_288, %dma_wait3A, %dma_wait3A_304] : memref<2560x2x128xi32, #tpu.memory_space<hbm>> -> memref<80x2x128xi32, #tpu.memory_space<hbm>>
      %dma_wait3A_306 = arith.constant 0 : i32
      %dma_wait3A_307 = arith.constant 0 : i32
      %dma_wait3A_308 = tpu.memref_slice %arg2[%mul3A_288, %dma_wait3A_306, %dma_wait3A_307] : memref<2560x2x128xi32, #tpu.memory_space<hbm>> -> memref<80x2x128xi32, #tpu.memory_space<hbm>>
      tpu.wait_dma2 semaphore(%run_scoped3A : memref<!tpu.dma_semaphore, #tpu.memory_space<semaphore_mem>>) src(%dma_wait3A_308 : memref<80x2x128xi32, #tpu.memory_space<hbm>>) dst(%arg4 : memref<80x2x128xi32, #tpu.memory_space<vmem>>)
      tpu.yield
    }) : () -> ()
    %mul3A_289 = arith.constant 640 : i32
    %mul3A_290 = arith.muli %arg1, %mul3A_289 : i32
    "tpu.region"() ({
      %run_scoped3A = tpu.sem_alloc : memref<!tpu.dma_semaphore, #tpu.memory_space<semaphore_mem>>
      %dma_start3A = tpu.memref_slice %arg8[%mul3A_290] : memref<10240xf32, #tpu.memory_space<vmem_shared>> -> memref<640xf32, #tpu.memory_space<vmem_shared>>
      %dma_start3A_299 = tpu.memref_slice %arg8[%mul3A_290] : memref<10240xf32, #tpu.memory_space<vmem_shared>> -> memref<640xf32, #tpu.memory_space<vmem_shared>>
      tpu.enqueue_dma source(%arg6 : memref<640xf32, #tpu.memory_space<vmem>>) target(%dma_start3A_299 : memref<640xf32, #tpu.memory_space<vmem_shared>>) target_semaphore(%run_scoped3A : memref<!tpu.dma_semaphore, #tpu.memory_space<semaphore_mem>>)
      %dma_wait3A = tpu.memref_slice %arg8[%mul3A_290] : memref<10240xf32, #tpu.memory_space<vmem_shared>> -> memref<640xf32, #tpu.memory_space<vmem_shared>>
      %dma_wait3A_300 = tpu.memref_slice %arg8[%mul3A_290] : memref<10240xf32, #tpu.memory_space<vmem_shared>> -> memref<640xf32, #tpu.memory_space<vmem_shared>>
      tpu.wait_dma2 semaphore(%run_scoped3A : memref<!tpu.dma_semaphore, #tpu.memory_space<semaphore_mem>>) src(%arg6 : memref<640xf32, #tpu.memory_space<vmem>>) dst(%dma_wait3A_300 : memref<640xf32, #tpu.memory_space<vmem_shared>>)
      tpu.yield
    }) : () -> ()
    %barrier3A = arith.constant 0 : index
    tpu.barrier barrier_id(%barrier3A)
    %scan3A = arith.constant 0 : i32
    %scan3A_291 = arith.constant 0 : i32
    %scan3A_292 = arith.constant 10 : i32
    %scan3A_293 = arith.addi %scan3A_291, %scan3A_292 : i32
    %scan3A_294 = arith.constant 1 : i32
    scf.for %scan3A_299 = %scan3A_291 to %scan3A_293 step %scan3A_294  : i32 {
      %mul3A_300 = arith.constant 8 : i32
      %mul3A_301 = arith.muli %scan3A_299, %mul3A_300 : i32
      %add3A_302 = arith.constant 0 : i32
      %add3A_303 = arith.addi %mul3A_301, %add3A_302 : i32
      %dma_start3A = arith.constant 1 : i32
      %dma_start3A_304 = arith.constant 0 : i32
      %dma_start3A_305 = arith.constant 0 : i32
      %dma_start3A_306 = tpu.memref_slice %arg4[%add3A_303, %dma_start3A, %dma_start3A_305] : memref<80x2x128xi32, #tpu.memory_space<vmem>> -> memref<1x1x128xi32, #tpu.memory_space<vmem>>
      %dma_start3A_307 = tpu.memref_squeeze %dma_start3A_306 : memref<1x1x128xi32, #tpu.memory_space<vmem>> -> memref<128xi32, #tpu.memory_space<vmem>>
      %dma_start3A_308 = arith.constant 0 : i32
      %dma_start3A_309 = tpu.memref_slice %arg8[%dma_start3A_308] : memref<10240xf32, #tpu.memory_space<vmem_shared>> -> memref<10240xf32, #tpu.memory_space<vmem_shared>>
      %dma_start3A_310 = tpu.memref_slice %arg7[%dma_start3A_304] : memref<8x!tpu.dma_semaphore, #tpu.memory_space<semaphore_mem>> -> memref<1x!tpu.dma_semaphore, #tpu.memory_space<semaphore_mem>>
      %dma_start3A_311 = tpu.memref_squeeze %dma_start3A_310 : memref<1x!tpu.dma_semaphore, #tpu.memory_space<semaphore_mem>> -> memref<!tpu.dma_semaphore, #tpu.memory_space<semaphore_mem>>
      tpu.enqueue_indirect_dma source(%arg5 : memref<128xf32, #tpu.memory_space<vmem>>) target(%dma_start3A_309 : memref<10240xf32, #tpu.memory_space<vmem_shared>>) offsets(%dma_start3A_307 : memref<128xi32, #tpu.memory_space<vmem>>) semaphore(%dma_start3A_311 : memref<!tpu.dma_semaphore, #tpu.memory_space<semaphore_mem>>) {add = true}
      %mul3A_312 = arith.constant 8 : i32
      %mul3A_313 = arith.muli %scan3A_299, %mul3A_312 : i32
      %add3A_314 = arith.constant 1 : i32
      %add3A_315 = arith.addi %mul3A_313, %add3A_314 : i32
      %dma_start3A_316 = arith.constant 1 : i32
      %dma_start3A_317 = arith.constant 1 : i32
      %dma_start3A_318 = arith.constant 0 : i32
      %dma_start3A_319 = tpu.memref_slice %arg4[%add3A_315, %dma_start3A_316, %dma_start3A_318] : memref<80x2x128xi32, #tpu.memory_space<vmem>> -> memref<1x1x128xi32, #tpu.memory_space<vmem>>
      %dma_start3A_320 = tpu.memref_squeeze %dma_start3A_319 : memref<1x1x128xi32, #tpu.memory_space<vmem>> -> memref<128xi32, #tpu.memory_space<vmem>>
      %dma_start3A_321 = arith.constant 0 : i32
      %dma_start3A_322 = tpu.memref_slice %arg8[%dma_start3A_321] : memref<10240xf32, #tpu.memory_space<vmem_shared>> -> memref<10240xf32, #tpu.memory_space<vmem_shared>>
      %dma_start3A_323 = tpu.memref_slice %arg7[%dma_start3A_317] : memref<8x!tpu.dma_semaphore, #tpu.memory_space<semaphore_mem>> -> memref<1x!tpu.dma_semaphore, #tpu.memory_space<semaphore_mem>>
      %dma_start3A_324 = tpu.memref_squeeze %dma_start3A_323 : memref<1x!tpu.dma_semaphore, #tpu.memory_space<semaphore_mem>> -> memref<!tpu.dma_semaphore, #tpu.memory_space<semaphore_mem>>
      tpu.enqueue_indirect_dma source(%arg5 : memref<128xf32, #tpu.memory_space<vmem>>) target(%dma_start3A_322 : memref<10240xf32, #tpu.memory_space<vmem_shared>>) offsets(%dma_start3A_320 : memref<128xi32, #tpu.memory_space<vmem>>) semaphore(%dma_start3A_324 : memref<!tpu.dma_semaphore, #tpu.memory_space<semaphore_mem>>) {add = true}
      %mul3A_325 = arith.constant 8 : i32
      %mul3A_326 = arith.muli %scan3A_299, %mul3A_325 : i32
      %add3A_327 = arith.constant 2 : i32
      %add3A_328 = arith.addi %mul3A_326, %add3A_327 : i32
      %dma_start3A_329 = arith.constant 1 : i32
      %dma_start3A_330 = arith.constant 2 : i32
      %dma_start3A_331 = arith.constant 0 : i32
      %dma_start3A_332 = tpu.memref_slice %arg4[%add3A_328, %dma_start3A_329, %dma_start3A_331] : memref<80x2x128xi32, #tpu.memory_space<vmem>> -> memref<1x1x128xi32, #tpu.memory_space<vmem>>
      %dma_start3A_333 = tpu.memref_squeeze %dma_start3A_332 : memref<1x1x128xi32, #tpu.memory_space<vmem>> -> memref<128xi32, #tpu.memory_space<vmem>>
      %dma_start3A_334 = arith.constant 0 : i32
      %dma_start3A_335 = tpu.memref_slice %arg8[%dma_start3A_334] : memref<10240xf32, #tpu.memory_space<vmem_shared>> -> memref<10240xf32, #tpu.memory_space<vmem_shared>>
      %dma_start3A_336 = tpu.memref_slice %arg7[%dma_start3A_330] : memref<8x!tpu.dma_semaphore, #tpu.memory_space<semaphore_mem>> -> memref<1x!tpu.dma_semaphore, #tpu.memory_space<semaphore_mem>>
      %dma_start3A_337 = tpu.memref_squeeze %dma_start3A_336 : memref<1x!tpu.dma_semaphore, #tpu.memory_space<semaphore_mem>> -> memref<!tpu.dma_semaphore, #tpu.memory_space<semaphore_mem>>
      tpu.enqueue_indirect_dma source(%arg5 : memref<128xf32, #tpu.memory_space<vmem>>) target(%dma_start3A_335 : memref<10240xf32, #tpu.memory_space<vmem_shared>>) offsets(%dma_start3A_333 : memref<128xi32, #tpu.memory_space<vmem>>) semaphore(%dma_start3A_337 : memref<!tpu.dma_semaphore, #tpu.memory_space<semaphore_mem>>) {add = true}
      %mul3A_338 = arith.constant 8 : i32
      %mul3A_339 = arith.muli %scan3A_299, %mul3A_338 : i32
      %add3A_340 = arith.constant 3 : i32
      %add3A_341 = arith.addi %mul3A_339, %add3A_340 : i32
      %dma_start3A_342 = arith.constant 1 : i32
      %dma_start3A_343 = arith.constant 3 : i32
      %dma_start3A_344 = arith.constant 0 : i32
      %dma_start3A_345 = tpu.memref_slice %arg4[%add3A_341, %dma_start3A_342, %dma_start3A_344] : memref<80x2x128xi32, #tpu.memory_space<vmem>> -> memref<1x1x128xi32, #tpu.memory_space<vmem>>
      %dma_start3A_346 = tpu.memref_squeeze %dma_start3A_345 : memref<1x1x128xi32, #tpu.memory_space<vmem>> -> memref<128xi32, #tpu.memory_space<vmem>>
      %dma_start3A_347 = arith.constant 0 : i32
      %dma_start3A_348 = tpu.memref_slice %arg8[%dma_start3A_347] : memref<10240xf32, #tpu.memory_space<vmem_shared>> -> memref<10240xf32, #tpu.memory_space<vmem_shared>>
      %dma_start3A_349 = tpu.memref_slice %arg7[%dma_start3A_343] : memref<8x!tpu.dma_semaphore, #tpu.memory_space<semaphore_mem>> -> memref<1x!tpu.dma_semaphore, #tpu.memory_space<semaphore_mem>>
      %dma_start3A_350 = tpu.memref_squeeze %dma_start3A_349 : memref<1x!tpu.dma_semaphore, #tpu.memory_space<semaphore_mem>> -> memref<!tpu.dma_semaphore, #tpu.memory_space<semaphore_mem>>
      tpu.enqueue_indirect_dma source(%arg5 : memref<128xf32, #tpu.memory_space<vmem>>) target(%dma_start3A_348 : memref<10240xf32, #tpu.memory_space<vmem_shared>>) offsets(%dma_start3A_346 : memref<128xi32, #tpu.memory_space<vmem>>) semaphore(%dma_start3A_350 : memref<!tpu.dma_semaphore, #tpu.memory_space<semaphore_mem>>) {add = true}
      %mul3A_351 = arith.constant 8 : i32
      %mul3A_352 = arith.muli %scan3A_299, %mul3A_351 : i32
      %add3A_353 = arith.constant 4 : i32
      %add3A_354 = arith.addi %mul3A_352, %add3A_353 : i32
      %dma_start3A_355 = arith.constant 1 : i32
      %dma_start3A_356 = arith.constant 4 : i32
      %dma_start3A_357 = arith.constant 0 : i32
      %dma_start3A_358 = tpu.memref_slice %arg4[%add3A_354, %dma_start3A_355, %dma_start3A_357] : memref<80x2x128xi32, #tpu.memory_space<vmem>> -> memref<1x1x128xi32, #tpu.memory_space<vmem>>
      %dma_start3A_359 = tpu.memref_squeeze %dma_start3A_358 : memref<1x1x128xi32, #tpu.memory_space<vmem>> -> memref<128xi32, #tpu.memory_space<vmem>>
      %dma_start3A_360 = arith.constant 0 : i32
      %dma_start3A_361 = tpu.memref_slice %arg8[%dma_start3A_360] : memref<10240xf32, #tpu.memory_space<vmem_shared>> -> memref<10240xf32, #tpu.memory_space<vmem_shared>>
      %dma_start3A_362 = tpu.memref_slice %arg7[%dma_start3A_356] : memref<8x!tpu.dma_semaphore, #tpu.memory_space<semaphore_mem>> -> memref<1x!tpu.dma_semaphore, #tpu.memory_space<semaphore_mem>>
      %dma_start3A_363 = tpu.memref_squeeze %dma_start3A_362 : memref<1x!tpu.dma_semaphore, #tpu.memory_space<semaphore_mem>> -> memref<!tpu.dma_semaphore, #tpu.memory_space<semaphore_mem>>
      tpu.enqueue_indirect_dma source(%arg5 : memref<128xf32, #tpu.memory_space<vmem>>) target(%dma_start3A_361 : memref<10240xf32, #tpu.memory_space<vmem_shared>>) offsets(%dma_start3A_359 : memref<128xi32, #tpu.memory_space<vmem>>) semaphore(%dma_start3A_363 : memref<!tpu.dma_semaphore, #tpu.memory_space<semaphore_mem>>) {add = true}
      %mul3A_364 = arith.constant 8 : i32
      %mul3A_365 = arith.muli %scan3A_299, %mul3A_364 : i32
      %add3A_366 = arith.constant 5 : i32
      %add3A_367 = arith.addi %mul3A_365, %add3A_366 : i32
      %dma_start3A_368 = arith.constant 1 : i32
      %dma_start3A_369 = arith.constant 5 : i32
      %dma_start3A_370 = arith.constant 0 : i32
      %dma_start3A_371 = tpu.memref_slice %arg4[%add3A_367, %dma_start3A_368, %dma_start3A_370] : memref<80x2x128xi32, #tpu.memory_space<vmem>> -> memref<1x1x128xi32, #tpu.memory_space<vmem>>
      %dma_start3A_372 = tpu.memref_squeeze %dma_start3A_371 : memref<1x1x128xi32, #tpu.memory_space<vmem>> -> memref<128xi32, #tpu.memory_space<vmem>>
      %dma_start3A_373 = arith.constant 0 : i32
      %dma_start3A_374 = tpu.memref_slice %arg8[%dma_start3A_373] : memref<10240xf32, #tpu.memory_space<vmem_shared>> -> memref<10240xf32, #tpu.memory_space<vmem_shared>>
      %dma_start3A_375 = tpu.memref_slice %arg7[%dma_start3A_369] : memref<8x!tpu.dma_semaphore, #tpu.memory_space<semaphore_mem>> -> memref<1x!tpu.dma_semaphore, #tpu.memory_space<semaphore_mem>>
      %dma_start3A_376 = tpu.memref_squeeze %dma_start3A_375 : memref<1x!tpu.dma_semaphore, #tpu.memory_space<semaphore_mem>> -> memref<!tpu.dma_semaphore, #tpu.memory_space<semaphore_mem>>
      tpu.enqueue_indirect_dma source(%arg5 : memref<128xf32, #tpu.memory_space<vmem>>) target(%dma_start3A_374 : memref<10240xf32, #tpu.memory_space<vmem_shared>>) offsets(%dma_start3A_372 : memref<128xi32, #tpu.memory_space<vmem>>) semaphore(%dma_start3A_376 : memref<!tpu.dma_semaphore, #tpu.memory_space<semaphore_mem>>) {add = true}
      %mul3A_377 = arith.constant 8 : i32
      %mul3A_378 = arith.muli %scan3A_299, %mul3A_377 : i32
      %add3A_379 = arith.constant 6 : i32
      %add3A_380 = arith.addi %mul3A_378, %add3A_379 : i32
      %dma_start3A_381 = arith.constant 1 : i32
      %dma_start3A_382 = arith.constant 6 : i32
      %dma_start3A_383 = arith.constant 0 : i32
      %dma_start3A_384 = tpu.memref_slice %arg4[%add3A_380, %dma_start3A_381, %dma_start3A_383] : memref<80x2x128xi32, #tpu.memory_space<vmem>> -> memref<1x1x128xi32, #tpu.memory_space<vmem>>
      %dma_start3A_385 = tpu.memref_squeeze %dma_start3A_384 : memref<1x1x128xi32, #tpu.memory_space<vmem>> -> memref<128xi32, #tpu.memory_space<vmem>>
      %dma_start3A_386 = arith.constant 0 : i32
      %dma_start3A_387 = tpu.memref_slice %arg8[%dma_start3A_386] : memref<10240xf32, #tpu.memory_space<vmem_shared>> -> memref<10240xf32, #tpu.memory_space<vmem_shared>>
      %dma_start3A_388 = tpu.memref_slice %arg7[%dma_start3A_382] : memref<8x!tpu.dma_semaphore, #tpu.memory_space<semaphore_mem>> -> memref<1x!tpu.dma_semaphore, #tpu.memory_space<semaphore_mem>>
      %dma_start3A_389 = tpu.memref_squeeze %dma_start3A_388 : memref<1x!tpu.dma_semaphore, #tpu.memory_space<semaphore_mem>> -> memref<!tpu.dma_semaphore, #tpu.memory_space<semaphore_mem>>
      tpu.enqueue_indirect_dma source(%arg5 : memref<128xf32, #tpu.memory_space<vmem>>) target(%dma_start3A_387 : memref<10240xf32, #tpu.memory_space<vmem_shared>>) offsets(%dma_start3A_385 : memref<128xi32, #tpu.memory_space<vmem>>) semaphore(%dma_start3A_389 : memref<!tpu.dma_semaphore, #tpu.memory_space<semaphore_mem>>) {add = true}
      %mul3A_390 = arith.constant 8 : i32
      %mul3A_391 = arith.muli %scan3A_299, %mul3A_390 : i32
      %add3A_392 = arith.constant 7 : i32
      %add3A_393 = arith.addi %mul3A_391, %add3A_392 : i32
      %dma_start3A_394 = arith.constant 1 : i32
      %dma_start3A_395 = arith.constant 7 : i32
      %dma_start3A_396 = arith.constant 0 : i32
      %dma_start3A_397 = tpu.memref_slice %arg4[%add3A_393, %dma_start3A_394, %dma_start3A_396] : memref<80x2x128xi32, #tpu.memory_space<vmem>> -> memref<1x1x128xi32, #tpu.memory_space<vmem>>
      %dma_start3A_398 = tpu.memref_squeeze %dma_start3A_397 : memref<1x1x128xi32, #tpu.memory_space<vmem>> -> memref<128xi32, #tpu.memory_space<vmem>>
      %dma_start3A_399 = arith.constant 0 : i32
      %dma_start3A_400 = tpu.memref_slice %arg8[%dma_start3A_399] : memref<10240xf32, #tpu.memory_space<vmem_shared>> -> memref<10240xf32, #tpu.memory_space<vmem_shared>>
      %dma_start3A_401 = tpu.memref_slice %arg7[%dma_start3A_395] : memref<8x!tpu.dma_semaphore, #tpu.memory_space<semaphore_mem>> -> memref<1x!tpu.dma_semaphore, #tpu.memory_space<semaphore_mem>>
      %dma_start3A_402 = tpu.memref_squeeze %dma_start3A_401 : memref<1x!tpu.dma_semaphore, #tpu.memory_space<semaphore_mem>> -> memref<!tpu.dma_semaphore, #tpu.memory_space<semaphore_mem>>
      tpu.enqueue_indirect_dma source(%arg5 : memref<128xf32, #tpu.memory_space<vmem>>) target(%dma_start3A_400 : memref<10240xf32, #tpu.memory_space<vmem_shared>>) offsets(%dma_start3A_398 : memref<128xi32, #tpu.memory_space<vmem>>) semaphore(%dma_start3A_402 : memref<!tpu.dma_semaphore, #tpu.memory_space<semaphore_mem>>) {add = true}
      %dma_wait3A = arith.constant 1 : i32
      %dma_wait3A_403 = arith.constant 0 : i32
      %dma_wait3A_404 = arith.constant 0 : i32
      %dma_wait3A_405 = tpu.memref_slice %arg4[%add3A_303, %dma_wait3A, %dma_wait3A_404] : memref<80x2x128xi32, #tpu.memory_space<vmem>> -> memref<1x1x128xi32, #tpu.memory_space<vmem>>
      %dma_wait3A_406 = tpu.memref_squeeze %dma_wait3A_405 : memref<1x1x128xi32, #tpu.memory_space<vmem>> -> memref<128xi32, #tpu.memory_space<vmem>>
      %dma_wait3A_407 = arith.constant 0 : i32
      %dma_wait3A_408 = tpu.memref_slice %arg8[%dma_wait3A_407] : memref<10240xf32, #tpu.memory_space<vmem_shared>> -> memref<10240xf32, #tpu.memory_space<vmem_shared>>
      %dma_wait3A_409 = tpu.memref_slice %arg7[%dma_wait3A_403] : memref<8x!tpu.dma_semaphore, #tpu.memory_space<semaphore_mem>> -> memref<1x!tpu.dma_semaphore, #tpu.memory_space<semaphore_mem>>
      %dma_wait3A_410 = tpu.memref_squeeze %dma_wait3A_409 : memref<1x!tpu.dma_semaphore, #tpu.memory_space<semaphore_mem>> -> memref<!tpu.dma_semaphore, #tpu.memory_space<semaphore_mem>>
      tpu.wait_indirect_dma semaphore(%dma_wait3A_410 : memref<!tpu.dma_semaphore, #tpu.memory_space<semaphore_mem>>) src(%arg5 : memref<128xf32, #tpu.memory_space<vmem>>) dst(%dma_wait3A_408 : memref<10240xf32, #tpu.memory_space<vmem_shared>>)
      %dma_wait3A_411 = arith.constant 1 : i32
      %dma_wait3A_412 = arith.constant 1 : i32
      %dma_wait3A_413 = arith.constant 0 : i32
      %dma_wait3A_414 = tpu.memref_slice %arg4[%add3A_315, %dma_wait3A_411, %dma_wait3A_413] : memref<80x2x128xi32, #tpu.memory_space<vmem>> -> memref<1x1x128xi32, #tpu.memory_space<vmem>>
      %dma_wait3A_415 = tpu.memref_squeeze %dma_wait3A_414 : memref<1x1x128xi32, #tpu.memory_space<vmem>> -> memref<128xi32, #tpu.memory_space<vmem>>
      %dma_wait3A_416 = arith.constant 0 : i32
      %dma_wait3A_417 = tpu.memref_slice %arg8[%dma_wait3A_416] : memref<10240xf32, #tpu.memory_space<vmem_shared>> -> memref<10240xf32, #tpu.memory_space<vmem_shared>>
      %dma_wait3A_418 = tpu.memref_slice %arg7[%dma_wait3A_412] : memref<8x!tpu.dma_semaphore, #tpu.memory_space<semaphore_mem>> -> memref<1x!tpu.dma_semaphore, #tpu.memory_space<semaphore_mem>>
      %dma_wait3A_419 = tpu.memref_squeeze %dma_wait3A_418 : memref<1x!tpu.dma_semaphore, #tpu.memory_space<semaphore_mem>> -> memref<!tpu.dma_semaphore, #tpu.memory_space<semaphore_mem>>
      tpu.wait_indirect_dma semaphore(%dma_wait3A_419 : memref<!tpu.dma_semaphore, #tpu.memory_space<semaphore_mem>>) src(%arg5 : memref<128xf32, #tpu.memory_space<vmem>>) dst(%dma_wait3A_417 : memref<10240xf32, #tpu.memory_space<vmem_shared>>)
      %dma_wait3A_420 = arith.constant 1 : i32
      %dma_wait3A_421 = arith.constant 2 : i32
      %dma_wait3A_422 = arith.constant 0 : i32
      %dma_wait3A_423 = tpu.memref_slice %arg4[%add3A_328, %dma_wait3A_420, %dma_wait3A_422] : memref<80x2x128xi32, #tpu.memory_space<vmem>> -> memref<1x1x128xi32, #tpu.memory_space<vmem>>
      %dma_wait3A_424 = tpu.memref_squeeze %dma_wait3A_423 : memref<1x1x128xi32, #tpu.memory_space<vmem>> -> memref<128xi32, #tpu.memory_space<vmem>>
      %dma_wait3A_425 = arith.constant 0 : i32
      %dma_wait3A_426 = tpu.memref_slice %arg8[%dma_wait3A_425] : memref<10240xf32, #tpu.memory_space<vmem_shared>> -> memref<10240xf32, #tpu.memory_space<vmem_shared>>
      %dma_wait3A_427 = tpu.memref_slice %arg7[%dma_wait3A_421] : memref<8x!tpu.dma_semaphore, #tpu.memory_space<semaphore_mem>> -> memref<1x!tpu.dma_semaphore, #tpu.memory_space<semaphore_mem>>
      %dma_wait3A_428 = tpu.memref_squeeze %dma_wait3A_427 : memref<1x!tpu.dma_semaphore, #tpu.memory_space<semaphore_mem>> -> memref<!tpu.dma_semaphore, #tpu.memory_space<semaphore_mem>>
      tpu.wait_indirect_dma semaphore(%dma_wait3A_428 : memref<!tpu.dma_semaphore, #tpu.memory_space<semaphore_mem>>) src(%arg5 : memref<128xf32, #tpu.memory_space<vmem>>) dst(%dma_wait3A_426 : memref<10240xf32, #tpu.memory_space<vmem_shared>>)
      %dma_wait3A_429 = arith.constant 1 : i32
      %dma_wait3A_430 = arith.constant 3 : i32
      %dma_wait3A_431 = arith.constant 0 : i32
      %dma_wait3A_432 = tpu.memref_slice %arg4[%add3A_341, %dma_wait3A_429, %dma_wait3A_431] : memref<80x2x128xi32, #tpu.memory_space<vmem>> -> memref<1x1x128xi32, #tpu.memory_space<vmem>>
      %dma_wait3A_433 = tpu.memref_squeeze %dma_wait3A_432 : memref<1x1x128xi32, #tpu.memory_space<vmem>> -> memref<128xi32, #tpu.memory_space<vmem>>
      %dma_wait3A_434 = arith.constant 0 : i32
      %dma_wait3A_435 = tpu.memref_slice %arg8[%dma_wait3A_434] : memref<10240xf32, #tpu.memory_space<vmem_shared>> -> memref<10240xf32, #tpu.memory_space<vmem_shared>>
      %dma_wait3A_436 = tpu.memref_slice %arg7[%dma_wait3A_430] : memref<8x!tpu.dma_semaphore, #tpu.memory_space<semaphore_mem>> -> memref<1x!tpu.dma_semaphore, #tpu.memory_space<semaphore_mem>>
      %dma_wait3A_437 = tpu.memref_squeeze %dma_wait3A_436 : memref<1x!tpu.dma_semaphore, #tpu.memory_space<semaphore_mem>> -> memref<!tpu.dma_semaphore, #tpu.memory_space<semaphore_mem>>
      tpu.wait_indirect_dma semaphore(%dma_wait3A_437 : memref<!tpu.dma_semaphore, #tpu.memory_space<semaphore_mem>>) src(%arg5 : memref<128xf32, #tpu.memory_space<vmem>>) dst(%dma_wait3A_435 : memref<10240xf32, #tpu.memory_space<vmem_shared>>)
      %dma_wait3A_438 = arith.constant 1 : i32
      %dma_wait3A_439 = arith.constant 4 : i32
      %dma_wait3A_440 = arith.constant 0 : i32
      %dma_wait3A_441 = tpu.memref_slice %arg4[%add3A_354, %dma_wait3A_438, %dma_wait3A_440] : memref<80x2x128xi32, #tpu.memory_space<vmem>> -> memref<1x1x128xi32, #tpu.memory_space<vmem>>
      %dma_wait3A_442 = tpu.memref_squeeze %dma_wait3A_441 : memref<1x1x128xi32, #tpu.memory_space<vmem>> -> memref<128xi32, #tpu.memory_space<vmem>>
      %dma_wait3A_443 = arith.constant 0 : i32
      %dma_wait3A_444 = tpu.memref_slice %arg8[%dma_wait3A_443] : memref<10240xf32, #tpu.memory_space<vmem_shared>> -> memref<10240xf32, #tpu.memory_space<vmem_shared>>
      %dma_wait3A_445 = tpu.memref_slice %arg7[%dma_wait3A_439] : memref<8x!tpu.dma_semaphore, #tpu.memory_space<semaphore_mem>> -> memref<1x!tpu.dma_semaphore, #tpu.memory_space<semaphore_mem>>
      %dma_wait3A_446 = tpu.memref_squeeze %dma_wait3A_445 : memref<1x!tpu.dma_semaphore, #tpu.memory_space<semaphore_mem>> -> memref<!tpu.dma_semaphore, #tpu.memory_space<semaphore_mem>>
      tpu.wait_indirect_dma semaphore(%dma_wait3A_446 : memref<!tpu.dma_semaphore, #tpu.memory_space<semaphore_mem>>) src(%arg5 : memref<128xf32, #tpu.memory_space<vmem>>) dst(%dma_wait3A_444 : memref<10240xf32, #tpu.memory_space<vmem_shared>>)
      %dma_wait3A_447 = arith.constant 1 : i32
      %dma_wait3A_448 = arith.constant 5 : i32
      %dma_wait3A_449 = arith.constant 0 : i32
      %dma_wait3A_450 = tpu.memref_slice %arg4[%add3A_367, %dma_wait3A_447, %dma_wait3A_449] : memref<80x2x128xi32, #tpu.memory_space<vmem>> -> memref<1x1x128xi32, #tpu.memory_space<vmem>>
      %dma_wait3A_451 = tpu.memref_squeeze %dma_wait3A_450 : memref<1x1x128xi32, #tpu.memory_space<vmem>> -> memref<128xi32, #tpu.memory_space<vmem>>
      %dma_wait3A_452 = arith.constant 0 : i32
      %dma_wait3A_453 = tpu.memref_slice %arg8[%dma_wait3A_452] : memref<10240xf32, #tpu.memory_space<vmem_shared>> -> memref<10240xf32, #tpu.memory_space<vmem_shared>>
      %dma_wait3A_454 = tpu.memref_slice %arg7[%dma_wait3A_448] : memref<8x!tpu.dma_semaphore, #tpu.memory_space<semaphore_mem>> -> memref<1x!tpu.dma_semaphore, #tpu.memory_space<semaphore_mem>>
      %dma_wait3A_455 = tpu.memref_squeeze %dma_wait3A_454 : memref<1x!tpu.dma_semaphore, #tpu.memory_space<semaphore_mem>> -> memref<!tpu.dma_semaphore, #tpu.memory_space<semaphore_mem>>
      tpu.wait_indirect_dma semaphore(%dma_wait3A_455 : memref<!tpu.dma_semaphore, #tpu.memory_space<semaphore_mem>>) src(%arg5 : memref<128xf32, #tpu.memory_space<vmem>>) dst(%dma_wait3A_453 : memref<10240xf32, #tpu.memory_space<vmem_shared>>)
      %dma_wait3A_456 = arith.constant 1 : i32
      %dma_wait3A_457 = arith.constant 6 : i32
      %dma_wait3A_458 = arith.constant 0 : i32
      %dma_wait3A_459 = tpu.memref_slice %arg4[%add3A_380, %dma_wait3A_456, %dma_wait3A_458] : memref<80x2x128xi32, #tpu.memory_space<vmem>> -> memref<1x1x128xi32, #tpu.memory_space<vmem>>
      %dma_wait3A_460 = tpu.memref_squeeze %dma_wait3A_459 : memref<1x1x128xi32, #tpu.memory_space<vmem>> -> memref<128xi32, #tpu.memory_space<vmem>>
      %dma_wait3A_461 = arith.constant 0 : i32
      %dma_wait3A_462 = tpu.memref_slice %arg8[%dma_wait3A_461] : memref<10240xf32, #tpu.memory_space<vmem_shared>> -> memref<10240xf32, #tpu.memory_space<vmem_shared>>
      %dma_wait3A_463 = tpu.memref_slice %arg7[%dma_wait3A_457] : memref<8x!tpu.dma_semaphore, #tpu.memory_space<semaphore_mem>> -> memref<1x!tpu.dma_semaphore, #tpu.memory_space<semaphore_mem>>
      %dma_wait3A_464 = tpu.memref_squeeze %dma_wait3A_463 : memref<1x!tpu.dma_semaphore, #tpu.memory_space<semaphore_mem>> -> memref<!tpu.dma_semaphore, #tpu.memory_space<semaphore_mem>>
      tpu.wait_indirect_dma semaphore(%dma_wait3A_464 : memref<!tpu.dma_semaphore, #tpu.memory_space<semaphore_mem>>) src(%arg5 : memref<128xf32, #tpu.memory_space<vmem>>) dst(%dma_wait3A_462 : memref<10240xf32, #tpu.memory_space<vmem_shared>>)
      %dma_wait3A_465 = arith.constant 1 : i32
      %dma_wait3A_466 = arith.constant 7 : i32
      %dma_wait3A_467 = arith.constant 0 : i32
      %dma_wait3A_468 = tpu.memref_slice %arg4[%add3A_393, %dma_wait3A_465, %dma_wait3A_467] : memref<80x2x128xi32, #tpu.memory_space<vmem>> -> memref<1x1x128xi32, #tpu.memory_space<vmem>>
      %dma_wait3A_469 = tpu.memref_squeeze %dma_wait3A_468 : memref<1x1x128xi32, #tpu.memory_space<vmem>> -> memref<128xi32, #tpu.memory_space<vmem>>
      %dma_wait3A_470 = arith.constant 0 : i32
      %dma_wait3A_471 = tpu.memref_slice %arg8[%dma_wait3A_470] : memref<10240xf32, #tpu.memory_space<vmem_shared>> -> memref<10240xf32, #tpu.memory_space<vmem_shared>>
      %dma_wait3A_472 = tpu.memref_slice %arg7[%dma_wait3A_466] : memref<8x!tpu.dma_semaphore, #tpu.memory_space<semaphore_mem>> -> memref<1x!tpu.dma_semaphore, #tpu.memory_space<semaphore_mem>>
      %dma_wait3A_473 = tpu.memref_squeeze %dma_wait3A_472 : memref<1x!tpu.dma_semaphore, #tpu.memory_space<semaphore_mem>> -> memref<!tpu.dma_semaphore, #tpu.memory_space<semaphore_mem>>
      tpu.wait_indirect_dma semaphore(%dma_wait3A_473 : memref<!tpu.dma_semaphore, #tpu.memory_space<semaphore_mem>>) src(%arg5 : memref<128xf32, #tpu.memory_space<vmem>>) dst(%dma_wait3A_471 : memref<10240xf32, #tpu.memory_space<vmem_shared>>)
    }
    %scan3A_295 = arith.constant 10 : i32
    %barrier3A_296 = arith.constant 0 : index
    tpu.barrier barrier_id(%barrier3A_296)
    %mul3A_297 = arith.constant 640 : i32
    %mul3A_298 = arith.muli %arg1, %mul3A_297 : i32
    "tpu.region"() ({
      %run_scoped3A = tpu.sem_alloc : memref<!tpu.dma_semaphore, #tpu.memory_space<semaphore_mem>>
      %dma_start3A = tpu.memref_slice %arg3[%arg0, %mul3A_298] : memref<2x10240xf32, #tpu.memory_space<hbm>> -> memref<1x640xf32, #tpu.memory_space<hbm>>
      %dma_start3A_299 = tpu.memref_squeeze %dma_start3A : memref<1x640xf32, #tpu.memory_space<hbm>> -> memref<640xf32, #tpu.memory_space<hbm>>
      %dma_start3A_300 = tpu.memref_slice %arg8[%mul3A_298] : memref<10240xf32, #tpu.memory_space<vmem_shared>> -> memref<640xf32, #tpu.memory_space<vmem_shared>>
      tpu.enqueue_dma source(%dma_start3A_300 : memref<640xf32, #tpu.memory_space<vmem_shared>>) target(%dma_start3A_299 : memref<640xf32, #tpu.memory_space<hbm>>) target_semaphore(%run_scoped3A : memref<!tpu.dma_semaphore, #tpu.memory_space<semaphore_mem>>)
      %dma_wait3A = tpu.memref_slice %arg3[%arg0, %mul3A_298] : memref<2x10240xf32, #tpu.memory_space<hbm>> -> memref<1x640xf32, #tpu.memory_space<hbm>>
      %dma_wait3A_301 = tpu.memref_squeeze %dma_wait3A : memref<1x640xf32, #tpu.memory_space<hbm>> -> memref<640xf32, #tpu.memory_space<hbm>>
      %dma_wait3A_302 = tpu.memref_slice %arg8[%mul3A_298] : memref<10240xf32, #tpu.memory_space<vmem_shared>> -> memref<640xf32, #tpu.memory_space<vmem_shared>>
      tpu.wait_dma2 semaphore(%run_scoped3A : memref<!tpu.dma_semaphore, #tpu.memory_space<semaphore_mem>>) src(%dma_wait3A_302 : memref<640xf32, #tpu.memory_space<vmem_shared>>) dst(%dma_wait3A_301 : memref<640xf32, #tpu.memory_space<hbm>>)
      tpu.yield
    }) : () -> ()
    return
  }
}

#map = affine_map<(d0, d1) -> (0, 0)>
#map1 = affine_map<(d0, d1) -> (0, 0, 0)>
module attributes {stable_mosaic.version = 14 : i64} {
  func.func @_agg_body(%arg0: i32, %arg1: i32, %arg2: memref<10240x32xf32, #tpu.memory_space<hbm>>, %arg3: memref<2560x2x128xi32, #tpu.memory_space<hbm>>, %arg4: memref<2x10240x32xf32, #tpu.memory_space<hbm>>, %arg5: memref<80x2x128xi32, #tpu.memory_space<vmem>>, %arg6: memref<8x128x32xf32, #tpu.memory_space<vmem>>, %arg7: memref<8x!tpu.dma_semaphore, #tpu.memory_space<semaphore_mem>>, %arg8: memref<8x!tpu.dma_semaphore, #tpu.memory_space<semaphore_mem>>, %arg9: memref<10240x32xf32, #tpu.memory_space<vmem_shared>>) attributes {dimension_semantics = [#tpu.dimension_semantics<core_parallel>, #tpu.dimension_semantics<subcore_parallel>], iteration_bounds = array<i64: 2, 16>, scalar_prefetch = 0 : i64, scratch_operands = 5 : i64, tpu.core_type = #tpu.core_type<sc_vector_subcore>, window_params = [{transform_indices = #map}, {transform_indices = #map1}, {transform_indices = #map1}]} {
    %mul3A = arith.constant 2 : i32
    %mul3A_0 = arith.muli %arg1, %mul3A : i32
    %add3A = arith.addi %mul3A_0, %arg0 : i32
    %mul3A_1 = arith.constant 640 : i32
    %mul3A_2 = arith.muli %arg1, %mul3A_1 : i32
    %mul3A_3 = arith.constant 80 : i32
    %mul3A_4 = arith.muli %add3A, %mul3A_3 : i32
    "tpu.region"() ({
      %run_scoped3A = tpu.sem_alloc : memref<!tpu.dma_semaphore, #tpu.memory_space<semaphore_mem>>
      %dma_start3A = arith.constant 0 : i32
      %dma_start3A_18 = arith.constant 0 : i32
      %dma_start3A_19 = tpu.memref_slice %arg3[%mul3A_4, %dma_start3A, %dma_start3A_18] : memref<2560x2x128xi32, #tpu.memory_space<hbm>> -> memref<80x2x128xi32, #tpu.memory_space<hbm>>
      %dma_start3A_20 = arith.constant 0 : i32
      %dma_start3A_21 = arith.constant 0 : i32
      %dma_start3A_22 = tpu.memref_slice %arg3[%mul3A_4, %dma_start3A_20, %dma_start3A_21] : memref<2560x2x128xi32, #tpu.memory_space<hbm>> -> memref<80x2x128xi32, #tpu.memory_space<hbm>>
      tpu.enqueue_dma source(%dma_start3A_22 : memref<80x2x128xi32, #tpu.memory_space<hbm>>) target(%arg5 : memref<80x2x128xi32, #tpu.memory_space<vmem>>) target_semaphore(%run_scoped3A : memref<!tpu.dma_semaphore, #tpu.memory_space<semaphore_mem>>)
      %dma_wait3A = arith.constant 0 : i32
      %dma_wait3A_23 = arith.constant 0 : i32
      %dma_wait3A_24 = tpu.memref_slice %arg3[%mul3A_4, %dma_wait3A, %dma_wait3A_23] : memref<2560x2x128xi32, #tpu.memory_space<hbm>> -> memref<80x2x128xi32, #tpu.memory_space<hbm>>
      %dma_wait3A_25 = arith.constant 0 : i32
      %dma_wait3A_26 = arith.constant 0 : i32
      %dma_wait3A_27 = tpu.memref_slice %arg3[%mul3A_4, %dma_wait3A_25, %dma_wait3A_26] : memref<2560x2x128xi32, #tpu.memory_space<hbm>> -> memref<80x2x128xi32, #tpu.memory_space<hbm>>
      tpu.wait_dma2 semaphore(%run_scoped3A : memref<!tpu.dma_semaphore, #tpu.memory_space<semaphore_mem>>) src(%dma_wait3A_27 : memref<80x2x128xi32, #tpu.memory_space<hbm>>) dst(%arg5 : memref<80x2x128xi32, #tpu.memory_space<vmem>>)
      tpu.yield
    }) : () -> ()
    %eq3A = arith.constant 0 : i32
    %eq3A_5 = arith.cmpi eq, %arg0, %eq3A : i32
    %convert_element_type3A = arith.extui %eq3A_5 : i1 to i32
    %cond3A = arith.constant 0 : i32
    %cond3A_6 = arith.cmpi ne, %convert_element_type3A, %cond3A : i32
    scf.if %cond3A_6 {
      "tpu.region"() ({
        %run_scoped3A = tpu.sem_alloc : memref<!tpu.dma_semaphore, #tpu.memory_space<semaphore_mem>>
        %dma_start3A = arith.constant 0 : i32
        %dma_start3A_18 = tpu.memref_slice %arg9[%mul3A_2, %dma_start3A] : memref<10240x32xf32, #tpu.memory_space<vmem_shared>> -> memref<640x32xf32, #tpu.memory_space<vmem_shared>>
        %dma_start3A_19 = arith.constant 0 : i32
        %dma_start3A_20 = tpu.memref_slice %arg2[%mul3A_2, %dma_start3A_19] : memref<10240x32xf32, #tpu.memory_space<hbm>> -> memref<640x32xf32, #tpu.memory_space<hbm>>
        tpu.enqueue_dma source(%dma_start3A_20 : memref<640x32xf32, #tpu.memory_space<hbm>>) target(%dma_start3A_18 : memref<640x32xf32, #tpu.memory_space<vmem_shared>>) target_semaphore(%run_scoped3A : memref<!tpu.dma_semaphore, #tpu.memory_space<semaphore_mem>>)
        %dma_wait3A = arith.constant 0 : i32
        %dma_wait3A_21 = tpu.memref_slice %arg9[%mul3A_2, %dma_wait3A] : memref<10240x32xf32, #tpu.memory_space<vmem_shared>> -> memref<640x32xf32, #tpu.memory_space<vmem_shared>>
        %dma_wait3A_22 = arith.constant 0 : i32
        %dma_wait3A_23 = tpu.memref_slice %arg2[%mul3A_2, %dma_wait3A_22] : memref<10240x32xf32, #tpu.memory_space<hbm>> -> memref<640x32xf32, #tpu.memory_space<hbm>>
        tpu.wait_dma2 semaphore(%run_scoped3A : memref<!tpu.dma_semaphore, #tpu.memory_space<semaphore_mem>>) src(%dma_wait3A_23 : memref<640x32xf32, #tpu.memory_space<hbm>>) dst(%dma_wait3A_21 : memref<640x32xf32, #tpu.memory_space<vmem_shared>>)
        tpu.yield
      }) : () -> ()
    } else {
    }
    %eq3A_7 = arith.constant 1 : i32
    %eq3A_8 = arith.cmpi eq, %arg0, %eq3A_7 : i32
    %convert_element_type3A_9 = arith.extui %eq3A_8 : i1 to i32
    %cond3A_10 = arith.constant 0 : i32
    %cond3A_11 = arith.cmpi ne, %convert_element_type3A_9, %cond3A_10 : i32
    scf.if %cond3A_11 {
      %scan3A_18 = arith.constant 0 : i32
      %scan3A_19 = arith.constant 0 : i32
      %scan3A_20 = arith.constant 128 : i32
      %scan3A_21 = arith.addi %scan3A_19, %scan3A_20 : i32
      %scan3A_22 = arith.constant 1 : i32
      scf.for %scan3A_48 = %scan3A_19 to %scan3A_21 step %scan3A_22  : i32 {
        %broadcast_in_dim3A = arith.constant 0.000000e+00 : f32
        %broadcast_in_dim3A_49 = vector.broadcast %broadcast_in_dim3A : f32 to vector<16xf32>
        %swap3A = arith.constant 0 : i32
        %swap3A_50 = arith.index_cast %swap3A : i32 to index
        %swap3A_51 = arith.index_cast %scan3A_48 : i32 to index
        %swap3A_52 = arith.constant 0 : index
        %swap3A_53 = tpu.vector_load %arg6[%swap3A_50, %swap3A_51, %swap3A_52] {strides = array<i32>} : memref<8x128x32xf32, #tpu.memory_space<vmem>>, vector<1x1x16xf32>,
        %swap3A_54 = vector.shape_cast %swap3A_53 : vector<1x1x16xf32> to vector<16xf32>
        %swap3A_55 = vector.shape_cast %broadcast_in_dim3A_49 : vector<16xf32> to vector<1x1x16xf32>
        tpu.vector_store %arg6[%swap3A_50, %swap3A_51, %swap3A_52], %swap3A_55 {strides = array<i32>} : memref<8x128x32xf32, #tpu.memory_space<vmem>>, vector<1x1x16xf32>,
        %broadcast_in_dim3A_56 = arith.constant 0.000000e+00 : f32
        %broadcast_in_dim3A_57 = vector.broadcast %broadcast_in_dim3A_56 : f32 to vector<16xf32>
        %swap3A_58 = arith.constant 0 : i32
        %swap3A_59 = arith.index_cast %swap3A_58 : i32 to index
        %swap3A_60 = arith.index_cast %scan3A_48 : i32 to index
        %swap3A_61 = arith.constant 16 : index
        %swap3A_62 = tpu.vector_load %arg6[%swap3A_59, %swap3A_60, %swap3A_61] {strides = array<i32>} : memref<8x128x32xf32, #tpu.memory_space<vmem>>, vector<1x1x16xf32>,
        %swap3A_63 = vector.shape_cast %swap3A_62 : vector<1x1x16xf32> to vector<16xf32>
        %swap3A_64 = vector.shape_cast %broadcast_in_dim3A_57 : vector<16xf32> to vector<1x1x16xf32>
        tpu.vector_store %arg6[%swap3A_59, %swap3A_60, %swap3A_61], %swap3A_64 {strides = array<i32>} : memref<8x128x32xf32, #tpu.memory_space<vmem>>, vector<1x1x16xf32>,
      }
      %scan3A_23 = arith.constant 128 : i32
      %mul3A_24 = arith.constant 640 : i32
      %mul3A_25 = arith.muli %arg1, %mul3A_24 : i32
      %add3A_26 = arith.constant 0 : i32
      %add3A_27 = arith.addi %mul3A_25, %add3A_26 : i32
      %run_scoped3A = arith.constant 0 : i32
      "tpu.region"() ({
        %run_scoped3A_48 = tpu.sem_alloc : memref<!tpu.dma_semaphore, #tpu.memory_space<semaphore_mem>>
        %dma_start3A = arith.constant 0 : i32
        %dma_start3A_49 = arith.constant 0 : i32
        %dma_start3A_50 = tpu.memref_slice %arg6[%run_scoped3A, %dma_start3A, %dma_start3A_49] : memref<8x128x32xf32, #tpu.memory_space<vmem>> -> memref<1x128x32xf32, #tpu.memory_space<vmem>>
        %dma_start3A_51 = tpu.memref_squeeze %dma_start3A_50 : memref<1x128x32xf32, #tpu.memory_space<vmem>> -> memref<128x32xf32, #tpu.memory_space<vmem>>
        %dma_start3A_52 = arith.constant 0 : i32
        %dma_start3A_53 = tpu.memref_slice %arg9[%add3A_27, %dma_start3A_52] : memref<10240x32xf32, #tpu.memory_space<vmem_shared>> -> memref<128x32xf32, #tpu.memory_space<vmem_shared>>
        %dma_start3A_54 = arith.constant 0 : i32
        %dma_start3A_55 = tpu.memref_slice %arg9[%add3A_27, %dma_start3A_54] : memref<10240x32xf32, #tpu.memory_space<vmem_shared>> -> memref<128x32xf32, #tpu.memory_space<vmem_shared>>
        %dma_start3A_56 = arith.constant 0 : i32
        %dma_start3A_57 = arith.constant 0 : i32
        %dma_start3A_58 = tpu.memref_slice %arg6[%run_scoped3A, %dma_start3A_56, %dma_start3A_57] : memref<8x128x32xf32, #tpu.memory_space<vmem>> -> memref<1x128x32xf32, #tpu.memory_space<vmem>>
        %dma_start3A_59 = tpu.memref_squeeze %dma_start3A_58 : memref<1x128x32xf32, #tpu.memory_space<vmem>> -> memref<128x32xf32, #tpu.memory_space<vmem>>
        tpu.enqueue_dma source(%dma_start3A_59 : memref<128x32xf32, #tpu.memory_space<vmem>>) target(%dma_start3A_55 : memref<128x32xf32, #tpu.memory_space<vmem_shared>>) target_semaphore(%run_scoped3A_48 : memref<!tpu.dma_semaphore, #tpu.memory_space<semaphore_mem>>)
        %dma_wait3A = arith.constant 0 : i32
        %dma_wait3A_60 = arith.constant 0 : i32
        %dma_wait3A_61 = tpu.memref_slice %arg6[%run_scoped3A, %dma_wait3A, %dma_wait3A_60] : memref<8x128x32xf32, #tpu.memory_space<vmem>> -> memref<1x128x32xf32, #tpu.memory_space<vmem>>
        %dma_wait3A_62 = tpu.memref_squeeze %dma_wait3A_61 : memref<1x128x32xf32, #tpu.memory_space<vmem>> -> memref<128x32xf32, #tpu.memory_space<vmem>>
        %dma_wait3A_63 = arith.constant 0 : i32
        %dma_wait3A_64 = tpu.memref_slice %arg9[%add3A_27, %dma_wait3A_63] : memref<10240x32xf32, #tpu.memory_space<vmem_shared>> -> memref<128x32xf32, #tpu.memory_space<vmem_shared>>
        %dma_wait3A_65 = arith.constant 0 : i32
        %dma_wait3A_66 = tpu.memref_slice %arg9[%add3A_27, %dma_wait3A_65] : memref<10240x32xf32, #tpu.memory_space<vmem_shared>> -> memref<128x32xf32, #tpu.memory_space<vmem_shared>>
        %dma_wait3A_67 = arith.constant 0 : i32
        %dma_wait3A_68 = arith.constant 0 : i32
        %dma_wait3A_69 = tpu.memref_slice %arg6[%run_scoped3A, %dma_wait3A_67, %dma_wait3A_68] : memref<8x128x32xf32, #tpu.memory_space<vmem>> -> memref<1x128x32xf32, #tpu.memory_space<vmem>>
        %dma_wait3A_70 = tpu.memref_squeeze %dma_wait3A_69 : memref<1x128x32xf32, #tpu.memory_space<vmem>> -> memref<128x32xf32, #tpu.memory_space<vmem>>
        tpu.wait_dma2 semaphore(%run_scoped3A_48 : memref<!tpu.dma_semaphore, #tpu.memory_space<semaphore_mem>>) src(%dma_wait3A_70 : memref<128x32xf32, #tpu.memory_space<vmem>>) dst(%dma_wait3A_66 : memref<128x32xf32, #tpu.memory_space<vmem_shared>>)
        tpu.yield
      }) : () -> ()
      %mul3A_28 = arith.constant 640 : i32
      %mul3A_29 = arith.muli %arg1, %mul3A_28 : i32
      %add3A_30 = arith.constant 128 : i32
      %add3A_31 = arith.addi %mul3A_29, %add3A_30 : i32
      %run_scoped3A_32 = arith.constant 0 : i32
      "tpu.region"() ({
        %run_scoped3A_48 = tpu.sem_alloc : memref<!tpu.dma_semaphore, #tpu.memory_space<semaphore_mem>>
        %dma_start3A = arith.constant 0 : i32
        %dma_start3A_49 = arith.constant 0 : i32
        %dma_start3A_50 = tpu.memref_slice %arg6[%run_scoped3A_32, %dma_start3A, %dma_start3A_49] : memref<8x128x32xf32, #tpu.memory_space<vmem>> -> memref<1x128x32xf32, #tpu.memory_space<vmem>>
        %dma_start3A_51 = tpu.memref_squeeze %dma_start3A_50 : memref<1x128x32xf32, #tpu.memory_space<vmem>> -> memref<128x32xf32, #tpu.memory_space<vmem>>
        %dma_start3A_52 = arith.constant 0 : i32
        %dma_start3A_53 = tpu.memref_slice %arg9[%add3A_31, %dma_start3A_52] : memref<10240x32xf32, #tpu.memory_space<vmem_shared>> -> memref<128x32xf32, #tpu.memory_space<vmem_shared>>
        %dma_start3A_54 = arith.constant 0 : i32
        %dma_start3A_55 = tpu.memref_slice %arg9[%add3A_31, %dma_start3A_54] : memref<10240x32xf32, #tpu.memory_space<vmem_shared>> -> memref<128x32xf32, #tpu.memory_space<vmem_shared>>
        %dma_start3A_56 = arith.constant 0 : i32
        %dma_start3A_57 = arith.constant 0 : i32
        %dma_start3A_58 = tpu.memref_slice %arg6[%run_scoped3A_32, %dma_start3A_56, %dma_start3A_57] : memref<8x128x32xf32, #tpu.memory_space<vmem>> -> memref<1x128x32xf32, #tpu.memory_space<vmem>>
        %dma_start3A_59 = tpu.memref_squeeze %dma_start3A_58 : memref<1x128x32xf32, #tpu.memory_space<vmem>> -> memref<128x32xf32, #tpu.memory_space<vmem>>
        tpu.enqueue_dma source(%dma_start3A_59 : memref<128x32xf32, #tpu.memory_space<vmem>>) target(%dma_start3A_55 : memref<128x32xf32, #tpu.memory_space<vmem_shared>>) target_semaphore(%run_scoped3A_48 : memref<!tpu.dma_semaphore, #tpu.memory_space<semaphore_mem>>)
        %dma_wait3A = arith.constant 0 : i32
        %dma_wait3A_60 = arith.constant 0 : i32
        %dma_wait3A_61 = tpu.memref_slice %arg6[%run_scoped3A_32, %dma_wait3A, %dma_wait3A_60] : memref<8x128x32xf32, #tpu.memory_space<vmem>> -> memref<1x128x32xf32, #tpu.memory_space<vmem>>
        %dma_wait3A_62 = tpu.memref_squeeze %dma_wait3A_61 : memref<1x128x32xf32, #tpu.memory_space<vmem>> -> memref<128x32xf32, #tpu.memory_space<vmem>>
        %dma_wait3A_63 = arith.constant 0 : i32
        %dma_wait3A_64 = tpu.memref_slice %arg9[%add3A_31, %dma_wait3A_63] : memref<10240x32xf32, #tpu.memory_space<vmem_shared>> -> memref<128x32xf32, #tpu.memory_space<vmem_shared>>
        %dma_wait3A_65 = arith.constant 0 : i32
        %dma_wait3A_66 = tpu.memref_slice %arg9[%add3A_31, %dma_wait3A_65] : memref<10240x32xf32, #tpu.memory_space<vmem_shared>> -> memref<128x32xf32, #tpu.memory_space<vmem_shared>>
        %dma_wait3A_67 = arith.constant 0 : i32
        %dma_wait3A_68 = arith.constant 0 : i32
        %dma_wait3A_69 = tpu.memref_slice %arg6[%run_scoped3A_32, %dma_wait3A_67, %dma_wait3A_68] : memref<8x128x32xf32, #tpu.memory_space<vmem>> -> memref<1x128x32xf32, #tpu.memory_space<vmem>>
        %dma_wait3A_70 = tpu.memref_squeeze %dma_wait3A_69 : memref<1x128x32xf32, #tpu.memory_space<vmem>> -> memref<128x32xf32, #tpu.memory_space<vmem>>
        tpu.wait_dma2 semaphore(%run_scoped3A_48 : memref<!tpu.dma_semaphore, #tpu.memory_space<semaphore_mem>>) src(%dma_wait3A_70 : memref<128x32xf32, #tpu.memory_space<vmem>>) dst(%dma_wait3A_66 : memref<128x32xf32, #tpu.memory_space<vmem_shared>>)
        tpu.yield
      }) : () -> ()
      %mul3A_33 = arith.constant 640 : i32
      %mul3A_34 = arith.muli %arg1, %mul3A_33 : i32
      %add3A_35 = arith.constant 256 : i32
      %add3A_36 = arith.addi %mul3A_34, %add3A_35 : i32
      %run_scoped3A_37 = arith.constant 0 : i32
      "tpu.region"() ({
        %run_scoped3A_48 = tpu.sem_alloc : memref<!tpu.dma_semaphore, #tpu.memory_space<semaphore_mem>>
        %dma_start3A = arith.constant 0 : i32
        %dma_start3A_49 = arith.constant 0 : i32
        %dma_start3A_50 = tpu.memref_slice %arg6[%run_scoped3A_37, %dma_start3A, %dma_start3A_49] : memref<8x128x32xf32, #tpu.memory_space<vmem>> -> memref<1x128x32xf32, #tpu.memory_space<vmem>>
        %dma_start3A_51 = tpu.memref_squeeze %dma_start3A_50 : memref<1x128x32xf32, #tpu.memory_space<vmem>> -> memref<128x32xf32, #tpu.memory_space<vmem>>
        %dma_start3A_52 = arith.constant 0 : i32
        %dma_start3A_53 = tpu.memref_slice %arg9[%add3A_36, %dma_start3A_52] : memref<10240x32xf32, #tpu.memory_space<vmem_shared>> -> memref<128x32xf32, #tpu.memory_space<vmem_shared>>
        %dma_start3A_54 = arith.constant 0 : i32
        %dma_start3A_55 = tpu.memref_slice %arg9[%add3A_36, %dma_start3A_54] : memref<10240x32xf32, #tpu.memory_space<vmem_shared>> -> memref<128x32xf32, #tpu.memory_space<vmem_shared>>
        %dma_start3A_56 = arith.constant 0 : i32
        %dma_start3A_57 = arith.constant 0 : i32
        %dma_start3A_58 = tpu.memref_slice %arg6[%run_scoped3A_37, %dma_start3A_56, %dma_start3A_57] : memref<8x128x32xf32, #tpu.memory_space<vmem>> -> memref<1x128x32xf32, #tpu.memory_space<vmem>>
        %dma_start3A_59 = tpu.memref_squeeze %dma_start3A_58 : memref<1x128x32xf32, #tpu.memory_space<vmem>> -> memref<128x32xf32, #tpu.memory_space<vmem>>
        tpu.enqueue_dma source(%dma_start3A_59 : memref<128x32xf32, #tpu.memory_space<vmem>>) target(%dma_start3A_55 : memref<128x32xf32, #tpu.memory_space<vmem_shared>>) target_semaphore(%run_scoped3A_48 : memref<!tpu.dma_semaphore, #tpu.memory_space<semaphore_mem>>)
        %dma_wait3A = arith.constant 0 : i32
        %dma_wait3A_60 = arith.constant 0 : i32
        %dma_wait3A_61 = tpu.memref_slice %arg6[%run_scoped3A_37, %dma_wait3A, %dma_wait3A_60] : memref<8x128x32xf32, #tpu.memory_space<vmem>> -> memref<1x128x32xf32, #tpu.memory_space<vmem>>
        %dma_wait3A_62 = tpu.memref_squeeze %dma_wait3A_61 : memref<1x128x32xf32, #tpu.memory_space<vmem>> -> memref<128x32xf32, #tpu.memory_space<vmem>>
        %dma_wait3A_63 = arith.constant 0 : i32
        %dma_wait3A_64 = tpu.memref_slice %arg9[%add3A_36, %dma_wait3A_63] : memref<10240x32xf32, #tpu.memory_space<vmem_shared>> -> memref<128x32xf32, #tpu.memory_space<vmem_shared>>
        %dma_wait3A_65 = arith.constant 0 : i32
        %dma_wait3A_66 = tpu.memref_slice %arg9[%add3A_36, %dma_wait3A_65] : memref<10240x32xf32, #tpu.memory_space<vmem_shared>> -> memref<128x32xf32, #tpu.memory_space<vmem_shared>>
        %dma_wait3A_67 = arith.constant 0 : i32
        %dma_wait3A_68 = arith.constant 0 : i32
        %dma_wait3A_69 = tpu.memref_slice %arg6[%run_scoped3A_37, %dma_wait3A_67, %dma_wait3A_68] : memref<8x128x32xf32, #tpu.memory_space<vmem>> -> memref<1x128x32xf32, #tpu.memory_space<vmem>>
        %dma_wait3A_70 = tpu.memref_squeeze %dma_wait3A_69 : memref<1x128x32xf32, #tpu.memory_space<vmem>> -> memref<128x32xf32, #tpu.memory_space<vmem>>
        tpu.wait_dma2 semaphore(%run_scoped3A_48 : memref<!tpu.dma_semaphore, #tpu.memory_space<semaphore_mem>>) src(%dma_wait3A_70 : memref<128x32xf32, #tpu.memory_space<vmem>>) dst(%dma_wait3A_66 : memref<128x32xf32, #tpu.memory_space<vmem_shared>>)
        tpu.yield
      }) : () -> ()
      %mul3A_38 = arith.constant 640 : i32
      %mul3A_39 = arith.muli %arg1, %mul3A_38 : i32
      %add3A_40 = arith.constant 384 : i32
      %add3A_41 = arith.addi %mul3A_39, %add3A_40 : i32
      %run_scoped3A_42 = arith.constant 0 : i32
      "tpu.region"() ({
        %run_scoped3A_48 = tpu.sem_alloc : memref<!tpu.dma_semaphore, #tpu.memory_space<semaphore_mem>>
        %dma_start3A = arith.constant 0 : i32
        %dma_start3A_49 = arith.constant 0 : i32
        %dma_start3A_50 = tpu.memref_slice %arg6[%run_scoped3A_42, %dma_start3A, %dma_start3A_49] : memref<8x128x32xf32, #tpu.memory_space<vmem>> -> memref<1x128x32xf32, #tpu.memory_space<vmem>>
        %dma_start3A_51 = tpu.memref_squeeze %dma_start3A_50 : memref<1x128x32xf32, #tpu.memory_space<vmem>> -> memref<128x32xf32, #tpu.memory_space<vmem>>
        %dma_start3A_52 = arith.constant 0 : i32
        %dma_start3A_53 = tpu.memref_slice %arg9[%add3A_41, %dma_start3A_52] : memref<10240x32xf32, #tpu.memory_space<vmem_shared>> -> memref<128x32xf32, #tpu.memory_space<vmem_shared>>
        %dma_start3A_54 = arith.constant 0 : i32
        %dma_start3A_55 = tpu.memref_slice %arg9[%add3A_41, %dma_start3A_54] : memref<10240x32xf32, #tpu.memory_space<vmem_shared>> -> memref<128x32xf32, #tpu.memory_space<vmem_shared>>
        %dma_start3A_56 = arith.constant 0 : i32
        %dma_start3A_57 = arith.constant 0 : i32
        %dma_start3A_58 = tpu.memref_slice %arg6[%run_scoped3A_42, %dma_start3A_56, %dma_start3A_57] : memref<8x128x32xf32, #tpu.memory_space<vmem>> -> memref<1x128x32xf32, #tpu.memory_space<vmem>>
        %dma_start3A_59 = tpu.memref_squeeze %dma_start3A_58 : memref<1x128x32xf32, #tpu.memory_space<vmem>> -> memref<128x32xf32, #tpu.memory_space<vmem>>
        tpu.enqueue_dma source(%dma_start3A_59 : memref<128x32xf32, #tpu.memory_space<vmem>>) target(%dma_start3A_55 : memref<128x32xf32, #tpu.memory_space<vmem_shared>>) target_semaphore(%run_scoped3A_48 : memref<!tpu.dma_semaphore, #tpu.memory_space<semaphore_mem>>)
        %dma_wait3A = arith.constant 0 : i32
        %dma_wait3A_60 = arith.constant 0 : i32
        %dma_wait3A_61 = tpu.memref_slice %arg6[%run_scoped3A_42, %dma_wait3A, %dma_wait3A_60] : memref<8x128x32xf32, #tpu.memory_space<vmem>> -> memref<1x128x32xf32, #tpu.memory_space<vmem>>
        %dma_wait3A_62 = tpu.memref_squeeze %dma_wait3A_61 : memref<1x128x32xf32, #tpu.memory_space<vmem>> -> memref<128x32xf32, #tpu.memory_space<vmem>>
        %dma_wait3A_63 = arith.constant 0 : i32
        %dma_wait3A_64 = tpu.memref_slice %arg9[%add3A_41, %dma_wait3A_63] : memref<10240x32xf32, #tpu.memory_space<vmem_shared>> -> memref<128x32xf32, #tpu.memory_space<vmem_shared>>
        %dma_wait3A_65 = arith.constant 0 : i32
        %dma_wait3A_66 = tpu.memref_slice %arg9[%add3A_41, %dma_wait3A_65] : memref<10240x32xf32, #tpu.memory_space<vmem_shared>> -> memref<128x32xf32, #tpu.memory_space<vmem_shared>>
        %dma_wait3A_67 = arith.constant 0 : i32
        %dma_wait3A_68 = arith.constant 0 : i32
        %dma_wait3A_69 = tpu.memref_slice %arg6[%run_scoped3A_42, %dma_wait3A_67, %dma_wait3A_68] : memref<8x128x32xf32, #tpu.memory_space<vmem>> -> memref<1x128x32xf32, #tpu.memory_space<vmem>>
        %dma_wait3A_70 = tpu.memref_squeeze %dma_wait3A_69 : memref<1x128x32xf32, #tpu.memory_space<vmem>> -> memref<128x32xf32, #tpu.memory_space<vmem>>
        tpu.wait_dma2 semaphore(%run_scoped3A_48 : memref<!tpu.dma_semaphore, #tpu.memory_space<semaphore_mem>>) src(%dma_wait3A_70 : memref<128x32xf32, #tpu.memory_space<vmem>>) dst(%dma_wait3A_66 : memref<128x32xf32, #tpu.memory_space<vmem_shared>>)
        tpu.yield
      }) : () -> ()
      %mul3A_43 = arith.constant 640 : i32
      %mul3A_44 = arith.muli %arg1, %mul3A_43 : i32
      %add3A_45 = arith.constant 512 : i32
      %add3A_46 = arith.addi %mul3A_44, %add3A_45 : i32
      %run_scoped3A_47 = arith.constant 0 : i32
      "tpu.region"() ({
        %run_scoped3A_48 = tpu.sem_alloc : memref<!tpu.dma_semaphore, #tpu.memory_space<semaphore_mem>>
        %dma_start3A = arith.constant 0 : i32
        %dma_start3A_49 = arith.constant 0 : i32
        %dma_start3A_50 = tpu.memref_slice %arg6[%run_scoped3A_47, %dma_start3A, %dma_start3A_49] : memref<8x128x32xf32, #tpu.memory_space<vmem>> -> memref<1x128x32xf32, #tpu.memory_space<vmem>>
        %dma_start3A_51 = tpu.memref_squeeze %dma_start3A_50 : memref<1x128x32xf32, #tpu.memory_space<vmem>> -> memref<128x32xf32, #tpu.memory_space<vmem>>
        %dma_start3A_52 = arith.constant 0 : i32
        %dma_start3A_53 = tpu.memref_slice %arg9[%add3A_46, %dma_start3A_52] : memref<10240x32xf32, #tpu.memory_space<vmem_shared>> -> memref<128x32xf32, #tpu.memory_space<vmem_shared>>
        %dma_start3A_54 = arith.constant 0 : i32
        %dma_start3A_55 = tpu.memref_slice %arg9[%add3A_46, %dma_start3A_54] : memref<10240x32xf32, #tpu.memory_space<vmem_shared>> -> memref<128x32xf32, #tpu.memory_space<vmem_shared>>
        %dma_start3A_56 = arith.constant 0 : i32
        %dma_start3A_57 = arith.constant 0 : i32
        %dma_start3A_58 = tpu.memref_slice %arg6[%run_scoped3A_47, %dma_start3A_56, %dma_start3A_57] : memref<8x128x32xf32, #tpu.memory_space<vmem>> -> memref<1x128x32xf32, #tpu.memory_space<vmem>>
        %dma_start3A_59 = tpu.memref_squeeze %dma_start3A_58 : memref<1x128x32xf32, #tpu.memory_space<vmem>> -> memref<128x32xf32, #tpu.memory_space<vmem>>
        tpu.enqueue_dma source(%dma_start3A_59 : memref<128x32xf32, #tpu.memory_space<vmem>>) target(%dma_start3A_55 : memref<128x32xf32, #tpu.memory_space<vmem_shared>>) target_semaphore(%run_scoped3A_48 : memref<!tpu.dma_semaphore, #tpu.memory_space<semaphore_mem>>)
        %dma_wait3A = arith.constant 0 : i32
        %dma_wait3A_60 = arith.constant 0 : i32
        %dma_wait3A_61 = tpu.memref_slice %arg6[%run_scoped3A_47, %dma_wait3A, %dma_wait3A_60] : memref<8x128x32xf32, #tpu.memory_space<vmem>> -> memref<1x128x32xf32, #tpu.memory_space<vmem>>
        %dma_wait3A_62 = tpu.memref_squeeze %dma_wait3A_61 : memref<1x128x32xf32, #tpu.memory_space<vmem>> -> memref<128x32xf32, #tpu.memory_space<vmem>>
        %dma_wait3A_63 = arith.constant 0 : i32
        %dma_wait3A_64 = tpu.memref_slice %arg9[%add3A_46, %dma_wait3A_63] : memref<10240x32xf32, #tpu.memory_space<vmem_shared>> -> memref<128x32xf32, #tpu.memory_space<vmem_shared>>
        %dma_wait3A_65 = arith.constant 0 : i32
        %dma_wait3A_66 = tpu.memref_slice %arg9[%add3A_46, %dma_wait3A_65] : memref<10240x32xf32, #tpu.memory_space<vmem_shared>> -> memref<128x32xf32, #tpu.memory_space<vmem_shared>>
        %dma_wait3A_67 = arith.constant 0 : i32
        %dma_wait3A_68 = arith.constant 0 : i32
        %dma_wait3A_69 = tpu.memref_slice %arg6[%run_scoped3A_47, %dma_wait3A_67, %dma_wait3A_68] : memref<8x128x32xf32, #tpu.memory_space<vmem>> -> memref<1x128x32xf32, #tpu.memory_space<vmem>>
        %dma_wait3A_70 = tpu.memref_squeeze %dma_wait3A_69 : memref<1x128x32xf32, #tpu.memory_space<vmem>> -> memref<128x32xf32, #tpu.memory_space<vmem>>
        tpu.wait_dma2 semaphore(%run_scoped3A_48 : memref<!tpu.dma_semaphore, #tpu.memory_space<semaphore_mem>>) src(%dma_wait3A_70 : memref<128x32xf32, #tpu.memory_space<vmem>>) dst(%dma_wait3A_66 : memref<128x32xf32, #tpu.memory_space<vmem_shared>>)
        tpu.yield
      }) : () -> ()
    } else {
    }
    %barrier3A = arith.constant 0 : index
    tpu.barrier barrier_id(%barrier3A)
    %scan3A = arith.constant 0 : i32
    %scan3A_12 = arith.constant 0 : i32
    %scan3A_13 = arith.constant 10 : i32
    %scan3A_14 = arith.addi %scan3A_12, %scan3A_13 : i32
    %scan3A_15 = arith.constant 1 : i32
    scf.for %scan3A_18 = %scan3A_12 to %scan3A_14 step %scan3A_15  : i32 {
      %mul3A_19 = arith.constant 8 : i32
      %mul3A_20 = arith.muli %scan3A_18, %mul3A_19 : i32
      %add3A_21 = arith.constant 0 : i32
      %add3A_22 = arith.addi %mul3A_20, %add3A_21 : i32
      %dma_start3A = arith.constant 0 : i32
      %dma_start3A_23 = arith.constant 0 : i32
      %dma_start3A_24 = arith.constant 0 : i32
      %dma_start3A_25 = arith.constant 0 : i32
      %dma_start3A_26 = arith.constant 0 : i32
      %dma_start3A_27 = tpu.memref_slice %arg6[%dma_start3A_23, %dma_start3A_25, %dma_start3A_26] : memref<8x128x32xf32, #tpu.memory_space<vmem>> -> memref<1x128x32xf32, #tpu.memory_space<vmem>>
      %dma_start3A_28 = tpu.memref_squeeze %dma_start3A_27 : memref<1x128x32xf32, #tpu.memory_space<vmem>> -> memref<128x32xf32, #tpu.memory_space<vmem>>
      %dma_start3A_29 = arith.constant 0 : i32
      %dma_start3A_30 = tpu.memref_slice %arg5[%add3A_22, %dma_start3A, %dma_start3A_29] : memref<80x2x128xi32, #tpu.memory_space<vmem>> -> memref<1x1x128xi32, #tpu.memory_space<vmem>>
      %dma_start3A_31 = tpu.memref_squeeze %dma_start3A_30 : memref<1x1x128xi32, #tpu.memory_space<vmem>> -> memref<128xi32, #tpu.memory_space<vmem>>
      %dma_start3A_32 = arith.constant 0 : i32
      %dma_start3A_33 = arith.constant 0 : i32
      %dma_start3A_34 = tpu.memref_slice %arg2[%dma_start3A_32, %dma_start3A_33] : memref<10240x32xf32, #tpu.memory_space<hbm>> -> memref<10240x32xf32, #tpu.memory_space<hbm>>
      %dma_start3A_35 = tpu.memref_slice %arg7[%dma_start3A_24] : memref<8x!tpu.dma_semaphore, #tpu.memory_space<semaphore_mem>> -> memref<1x!tpu.dma_semaphore, #tpu.memory_space<semaphore_mem>>
      %dma_start3A_36 = tpu.memref_squeeze %dma_start3A_35 : memref<1x!tpu.dma_semaphore, #tpu.memory_space<semaphore_mem>> -> memref<!tpu.dma_semaphore, #tpu.memory_space<semaphore_mem>>
      tpu.enqueue_indirect_dma source(%dma_start3A_34 : memref<10240x32xf32, #tpu.memory_space<hbm>>) target(%dma_start3A_28 : memref<128x32xf32, #tpu.memory_space<vmem>>) offsets(%dma_start3A_31 : memref<128xi32, #tpu.memory_space<vmem>>) semaphore(%dma_start3A_36 : memref<!tpu.dma_semaphore, #tpu.memory_space<semaphore_mem>>)
      %mul3A_37 = arith.constant 8 : i32
      %mul3A_38 = arith.muli %scan3A_18, %mul3A_37 : i32
      %add3A_39 = arith.constant 1 : i32
      %add3A_40 = arith.addi %mul3A_38, %add3A_39 : i32
      %dma_start3A_41 = arith.constant 0 : i32
      %dma_start3A_42 = arith.constant 1 : i32
      %dma_start3A_43 = arith.constant 1 : i32
      %dma_start3A_44 = arith.constant 0 : i32
      %dma_start3A_45 = arith.constant 0 : i32
      %dma_start3A_46 = tpu.memref_slice %arg6[%dma_start3A_42, %dma_start3A_44, %dma_start3A_45] : memref<8x128x32xf32, #tpu.memory_space<vmem>> -> memref<1x128x32xf32, #tpu.memory_space<vmem>>
      %dma_start3A_47 = tpu.memref_squeeze %dma_start3A_46 : memref<1x128x32xf32, #tpu.memory_space<vmem>> -> memref<128x32xf32, #tpu.memory_space<vmem>>
      %dma_start3A_48 = arith.constant 0 : i32
      %dma_start3A_49 = tpu.memref_slice %arg5[%add3A_40, %dma_start3A_41, %dma_start3A_48] : memref<80x2x128xi32, #tpu.memory_space<vmem>> -> memref<1x1x128xi32, #tpu.memory_space<vmem>>
      %dma_start3A_50 = tpu.memref_squeeze %dma_start3A_49 : memref<1x1x128xi32, #tpu.memory_space<vmem>> -> memref<128xi32, #tpu.memory_space<vmem>>
      %dma_start3A_51 = arith.constant 0 : i32
      %dma_start3A_52 = arith.constant 0 : i32
      %dma_start3A_53 = tpu.memref_slice %arg2[%dma_start3A_51, %dma_start3A_52] : memref<10240x32xf32, #tpu.memory_space<hbm>> -> memref<10240x32xf32, #tpu.memory_space<hbm>>
      %dma_start3A_54 = tpu.memref_slice %arg7[%dma_start3A_43] : memref<8x!tpu.dma_semaphore, #tpu.memory_space<semaphore_mem>> -> memref<1x!tpu.dma_semaphore, #tpu.memory_space<semaphore_mem>>
      %dma_start3A_55 = tpu.memref_squeeze %dma_start3A_54 : memref<1x!tpu.dma_semaphore, #tpu.memory_space<semaphore_mem>> -> memref<!tpu.dma_semaphore, #tpu.memory_space<semaphore_mem>>
      tpu.enqueue_indirect_dma source(%dma_start3A_53 : memref<10240x32xf32, #tpu.memory_space<hbm>>) target(%dma_start3A_47 : memref<128x32xf32, #tpu.memory_space<vmem>>) offsets(%dma_start3A_50 : memref<128xi32, #tpu.memory_space<vmem>>) semaphore(%dma_start3A_55 : memref<!tpu.dma_semaphore, #tpu.memory_space<semaphore_mem>>)
      %mul3A_56 = arith.constant 8 : i32
      %mul3A_57 = arith.muli %scan3A_18, %mul3A_56 : i32
      %add3A_58 = arith.constant 2 : i32
      %add3A_59 = arith.addi %mul3A_57, %add3A_58 : i32
      %dma_start3A_60 = arith.constant 0 : i32
      %dma_start3A_61 = arith.constant 2 : i32
      %dma_start3A_62 = arith.constant 2 : i32
      %dma_start3A_63 = arith.constant 0 : i32
      %dma_start3A_64 = arith.constant 0 : i32
      %dma_start3A_65 = tpu.memref_slice %arg6[%dma_start3A_61, %dma_start3A_63, %dma_start3A_64] : memref<8x128x32xf32, #tpu.memory_space<vmem>> -> memref<1x128x32xf32, #tpu.memory_space<vmem>>
      %dma_start3A_66 = tpu.memref_squeeze %dma_start3A_65 : memref<1x128x32xf32, #tpu.memory_space<vmem>> -> memref<128x32xf32, #tpu.memory_space<vmem>>
      %dma_start3A_67 = arith.constant 0 : i32
      %dma_start3A_68 = tpu.memref_slice %arg5[%add3A_59, %dma_start3A_60, %dma_start3A_67] : memref<80x2x128xi32, #tpu.memory_space<vmem>> -> memref<1x1x128xi32, #tpu.memory_space<vmem>>
      %dma_start3A_69 = tpu.memref_squeeze %dma_start3A_68 : memref<1x1x128xi32, #tpu.memory_space<vmem>> -> memref<128xi32, #tpu.memory_space<vmem>>
      %dma_start3A_70 = arith.constant 0 : i32
      %dma_start3A_71 = arith.constant 0 : i32
      %dma_start3A_72 = tpu.memref_slice %arg2[%dma_start3A_70, %dma_start3A_71] : memref<10240x32xf32, #tpu.memory_space<hbm>> -> memref<10240x32xf32, #tpu.memory_space<hbm>>
      %dma_start3A_73 = tpu.memref_slice %arg7[%dma_start3A_62] : memref<8x!tpu.dma_semaphore, #tpu.memory_space<semaphore_mem>> -> memref<1x!tpu.dma_semaphore, #tpu.memory_space<semaphore_mem>>
      %dma_start3A_74 = tpu.memref_squeeze %dma_start3A_73 : memref<1x!tpu.dma_semaphore, #tpu.memory_space<semaphore_mem>> -> memref<!tpu.dma_semaphore, #tpu.memory_space<semaphore_mem>>
      tpu.enqueue_indirect_dma source(%dma_start3A_72 : memref<10240x32xf32, #tpu.memory_space<hbm>>) target(%dma_start3A_66 : memref<128x32xf32, #tpu.memory_space<vmem>>) offsets(%dma_start3A_69 : memref<128xi32, #tpu.memory_space<vmem>>) semaphore(%dma_start3A_74 : memref<!tpu.dma_semaphore, #tpu.memory_space<semaphore_mem>>)
      %mul3A_75 = arith.constant 8 : i32
      %mul3A_76 = arith.muli %scan3A_18, %mul3A_75 : i32
      %add3A_77 = arith.constant 3 : i32
      %add3A_78 = arith.addi %mul3A_76, %add3A_77 : i32
      %dma_start3A_79 = arith.constant 0 : i32
      %dma_start3A_80 = arith.constant 3 : i32
      %dma_start3A_81 = arith.constant 3 : i32
      %dma_start3A_82 = arith.constant 0 : i32
      %dma_start3A_83 = arith.constant 0 : i32
      %dma_start3A_84 = tpu.memref_slice %arg6[%dma_start3A_80, %dma_start3A_82, %dma_start3A_83] : memref<8x128x32xf32, #tpu.memory_space<vmem>> -> memref<1x128x32xf32, #tpu.memory_space<vmem>>
      %dma_start3A_85 = tpu.memref_squeeze %dma_start3A_84 : memref<1x128x32xf32, #tpu.memory_space<vmem>> -> memref<128x32xf32, #tpu.memory_space<vmem>>
      %dma_start3A_86 = arith.constant 0 : i32
      %dma_start3A_87 = tpu.memref_slice %arg5[%add3A_78, %dma_start3A_79, %dma_start3A_86] : memref<80x2x128xi32, #tpu.memory_space<vmem>> -> memref<1x1x128xi32, #tpu.memory_space<vmem>>
      %dma_start3A_88 = tpu.memref_squeeze %dma_start3A_87 : memref<1x1x128xi32, #tpu.memory_space<vmem>> -> memref<128xi32, #tpu.memory_space<vmem>>
      %dma_start3A_89 = arith.constant 0 : i32
      %dma_start3A_90 = arith.constant 0 : i32
      %dma_start3A_91 = tpu.memref_slice %arg2[%dma_start3A_89, %dma_start3A_90] : memref<10240x32xf32, #tpu.memory_space<hbm>> -> memref<10240x32xf32, #tpu.memory_space<hbm>>
      %dma_start3A_92 = tpu.memref_slice %arg7[%dma_start3A_81] : memref<8x!tpu.dma_semaphore, #tpu.memory_space<semaphore_mem>> -> memref<1x!tpu.dma_semaphore, #tpu.memory_space<semaphore_mem>>
      %dma_start3A_93 = tpu.memref_squeeze %dma_start3A_92 : memref<1x!tpu.dma_semaphore, #tpu.memory_space<semaphore_mem>> -> memref<!tpu.dma_semaphore, #tpu.memory_space<semaphore_mem>>
      tpu.enqueue_indirect_dma source(%dma_start3A_91 : memref<10240x32xf32, #tpu.memory_space<hbm>>) target(%dma_start3A_85 : memref<128x32xf32, #tpu.memory_space<vmem>>) offsets(%dma_start3A_88 : memref<128xi32, #tpu.memory_space<vmem>>) semaphore(%dma_start3A_93 : memref<!tpu.dma_semaphore, #tpu.memory_space<semaphore_mem>>)
      %mul3A_94 = arith.constant 8 : i32
      %mul3A_95 = arith.muli %scan3A_18, %mul3A_94 : i32
      %add3A_96 = arith.constant 4 : i32
      %add3A_97 = arith.addi %mul3A_95, %add3A_96 : i32
      %dma_start3A_98 = arith.constant 0 : i32
      %dma_start3A_99 = arith.constant 4 : i32
      %dma_start3A_100 = arith.constant 4 : i32
      %dma_start3A_101 = arith.constant 0 : i32
      %dma_start3A_102 = arith.constant 0 : i32
      %dma_start3A_103 = tpu.memref_slice %arg6[%dma_start3A_99, %dma_start3A_101, %dma_start3A_102] : memref<8x128x32xf32, #tpu.memory_space<vmem>> -> memref<1x128x32xf32, #tpu.memory_space<vmem>>
      %dma_start3A_104 = tpu.memref_squeeze %dma_start3A_103 : memref<1x128x32xf32, #tpu.memory_space<vmem>> -> memref<128x32xf32, #tpu.memory_space<vmem>>
      %dma_start3A_105 = arith.constant 0 : i32
      %dma_start3A_106 = tpu.memref_slice %arg5[%add3A_97, %dma_start3A_98, %dma_start3A_105] : memref<80x2x128xi32, #tpu.memory_space<vmem>> -> memref<1x1x128xi32, #tpu.memory_space<vmem>>
      %dma_start3A_107 = tpu.memref_squeeze %dma_start3A_106 : memref<1x1x128xi32, #tpu.memory_space<vmem>> -> memref<128xi32, #tpu.memory_space<vmem>>
      %dma_start3A_108 = arith.constant 0 : i32
      %dma_start3A_109 = arith.constant 0 : i32
      %dma_start3A_110 = tpu.memref_slice %arg2[%dma_start3A_108, %dma_start3A_109] : memref<10240x32xf32, #tpu.memory_space<hbm>> -> memref<10240x32xf32, #tpu.memory_space<hbm>>
      %dma_start3A_111 = tpu.memref_slice %arg7[%dma_start3A_100] : memref<8x!tpu.dma_semaphore, #tpu.memory_space<semaphore_mem>> -> memref<1x!tpu.dma_semaphore, #tpu.memory_space<semaphore_mem>>
      %dma_start3A_112 = tpu.memref_squeeze %dma_start3A_111 : memref<1x!tpu.dma_semaphore, #tpu.memory_space<semaphore_mem>> -> memref<!tpu.dma_semaphore, #tpu.memory_space<semaphore_mem>>
      tpu.enqueue_indirect_dma source(%dma_start3A_110 : memref<10240x32xf32, #tpu.memory_space<hbm>>) target(%dma_start3A_104 : memref<128x32xf32, #tpu.memory_space<vmem>>) offsets(%dma_start3A_107 : memref<128xi32, #tpu.memory_space<vmem>>) semaphore(%dma_start3A_112 : memref<!tpu.dma_semaphore, #tpu.memory_space<semaphore_mem>>)
      %mul3A_113 = arith.constant 8 : i32
      %mul3A_114 = arith.muli %scan3A_18, %mul3A_113 : i32
      %add3A_115 = arith.constant 5 : i32
      %add3A_116 = arith.addi %mul3A_114, %add3A_115 : i32
      %dma_start3A_117 = arith.constant 0 : i32
      %dma_start3A_118 = arith.constant 5 : i32
      %dma_start3A_119 = arith.constant 5 : i32
      %dma_start3A_120 = arith.constant 0 : i32
      %dma_start3A_121 = arith.constant 0 : i32
      %dma_start3A_122 = tpu.memref_slice %arg6[%dma_start3A_118, %dma_start3A_120, %dma_start3A_121] : memref<8x128x32xf32, #tpu.memory_space<vmem>> -> memref<1x128x32xf32, #tpu.memory_space<vmem>>
      %dma_start3A_123 = tpu.memref_squeeze %dma_start3A_122 : memref<1x128x32xf32, #tpu.memory_space<vmem>> -> memref<128x32xf32, #tpu.memory_space<vmem>>
      %dma_start3A_124 = arith.constant 0 : i32
      %dma_start3A_125 = tpu.memref_slice %arg5[%add3A_116, %dma_start3A_117, %dma_start3A_124] : memref<80x2x128xi32, #tpu.memory_space<vmem>> -> memref<1x1x128xi32, #tpu.memory_space<vmem>>
      %dma_start3A_126 = tpu.memref_squeeze %dma_start3A_125 : memref<1x1x128xi32, #tpu.memory_space<vmem>> -> memref<128xi32, #tpu.memory_space<vmem>>
      %dma_start3A_127 = arith.constant 0 : i32
      %dma_start3A_128 = arith.constant 0 : i32
      %dma_start3A_129 = tpu.memref_slice %arg2[%dma_start3A_127, %dma_start3A_128] : memref<10240x32xf32, #tpu.memory_space<hbm>> -> memref<10240x32xf32, #tpu.memory_space<hbm>>
      %dma_start3A_130 = tpu.memref_slice %arg7[%dma_start3A_119] : memref<8x!tpu.dma_semaphore, #tpu.memory_space<semaphore_mem>> -> memref<1x!tpu.dma_semaphore, #tpu.memory_space<semaphore_mem>>
      %dma_start3A_131 = tpu.memref_squeeze %dma_start3A_130 : memref<1x!tpu.dma_semaphore, #tpu.memory_space<semaphore_mem>> -> memref<!tpu.dma_semaphore, #tpu.memory_space<semaphore_mem>>
      tpu.enqueue_indirect_dma source(%dma_start3A_129 : memref<10240x32xf32, #tpu.memory_space<hbm>>) target(%dma_start3A_123 : memref<128x32xf32, #tpu.memory_space<vmem>>) offsets(%dma_start3A_126 : memref<128xi32, #tpu.memory_space<vmem>>) semaphore(%dma_start3A_131 : memref<!tpu.dma_semaphore, #tpu.memory_space<semaphore_mem>>)
      %mul3A_132 = arith.constant 8 : i32
      %mul3A_133 = arith.muli %scan3A_18, %mul3A_132 : i32
      %add3A_134 = arith.constant 6 : i32
      %add3A_135 = arith.addi %mul3A_133, %add3A_134 : i32
      %dma_start3A_136 = arith.constant 0 : i32
      %dma_start3A_137 = arith.constant 6 : i32
      %dma_start3A_138 = arith.constant 6 : i32
      %dma_start3A_139 = arith.constant 0 : i32
      %dma_start3A_140 = arith.constant 0 : i32
      %dma_start3A_141 = tpu.memref_slice %arg6[%dma_start3A_137, %dma_start3A_139, %dma_start3A_140] : memref<8x128x32xf32, #tpu.memory_space<vmem>> -> memref<1x128x32xf32, #tpu.memory_space<vmem>>
      %dma_start3A_142 = tpu.memref_squeeze %dma_start3A_141 : memref<1x128x32xf32, #tpu.memory_space<vmem>> -> memref<128x32xf32, #tpu.memory_space<vmem>>
      %dma_start3A_143 = arith.constant 0 : i32
      %dma_start3A_144 = tpu.memref_slice %arg5[%add3A_135, %dma_start3A_136, %dma_start3A_143] : memref<80x2x128xi32, #tpu.memory_space<vmem>> -> memref<1x1x128xi32, #tpu.memory_space<vmem>>
      %dma_start3A_145 = tpu.memref_squeeze %dma_start3A_144 : memref<1x1x128xi32, #tpu.memory_space<vmem>> -> memref<128xi32, #tpu.memory_space<vmem>>
      %dma_start3A_146 = arith.constant 0 : i32
      %dma_start3A_147 = arith.constant 0 : i32
      %dma_start3A_148 = tpu.memref_slice %arg2[%dma_start3A_146, %dma_start3A_147] : memref<10240x32xf32, #tpu.memory_space<hbm>> -> memref<10240x32xf32, #tpu.memory_space<hbm>>
      %dma_start3A_149 = tpu.memref_slice %arg7[%dma_start3A_138] : memref<8x!tpu.dma_semaphore, #tpu.memory_space<semaphore_mem>> -> memref<1x!tpu.dma_semaphore, #tpu.memory_space<semaphore_mem>>
      %dma_start3A_150 = tpu.memref_squeeze %dma_start3A_149 : memref<1x!tpu.dma_semaphore, #tpu.memory_space<semaphore_mem>> -> memref<!tpu.dma_semaphore, #tpu.memory_space<semaphore_mem>>
      tpu.enqueue_indirect_dma source(%dma_start3A_148 : memref<10240x32xf32, #tpu.memory_space<hbm>>) target(%dma_start3A_142 : memref<128x32xf32, #tpu.memory_space<vmem>>) offsets(%dma_start3A_145 : memref<128xi32, #tpu.memory_space<vmem>>) semaphore(%dma_start3A_150 : memref<!tpu.dma_semaphore, #tpu.memory_space<semaphore_mem>>)
      %mul3A_151 = arith.constant 8 : i32
      %mul3A_152 = arith.muli %scan3A_18, %mul3A_151 : i32
      %add3A_153 = arith.constant 7 : i32
      %add3A_154 = arith.addi %mul3A_152, %add3A_153 : i32
      %dma_start3A_155 = arith.constant 0 : i32
      %dma_start3A_156 = arith.constant 7 : i32
      %dma_start3A_157 = arith.constant 7 : i32
      %dma_start3A_158 = arith.constant 0 : i32
      %dma_start3A_159 = arith.constant 0 : i32
      %dma_start3A_160 = tpu.memref_slice %arg6[%dma_start3A_156, %dma_start3A_158, %dma_start3A_159] : memref<8x128x32xf32, #tpu.memory_space<vmem>> -> memref<1x128x32xf32, #tpu.memory_space<vmem>>
      %dma_start3A_161 = tpu.memref_squeeze %dma_start3A_160 : memref<1x128x32xf32, #tpu.memory_space<vmem>> -> memref<128x32xf32, #tpu.memory_space<vmem>>
      %dma_start3A_162 = arith.constant 0 : i32
      %dma_start3A_163 = tpu.memref_slice %arg5[%add3A_154, %dma_start3A_155, %dma_start3A_162] : memref<80x2x128xi32, #tpu.memory_space<vmem>> -> memref<1x1x128xi32, #tpu.memory_space<vmem>>
      %dma_start3A_164 = tpu.memref_squeeze %dma_start3A_163 : memref<1x1x128xi32, #tpu.memory_space<vmem>> -> memref<128xi32, #tpu.memory_space<vmem>>
      %dma_start3A_165 = arith.constant 0 : i32
      %dma_start3A_166 = arith.constant 0 : i32
      %dma_start3A_167 = tpu.memref_slice %arg2[%dma_start3A_165, %dma_start3A_166] : memref<10240x32xf32, #tpu.memory_space<hbm>> -> memref<10240x32xf32, #tpu.memory_space<hbm>>
      %dma_start3A_168 = tpu.memref_slice %arg7[%dma_start3A_157] : memref<8x!tpu.dma_semaphore, #tpu.memory_space<semaphore_mem>> -> memref<1x!tpu.dma_semaphore, #tpu.memory_space<semaphore_mem>>
      %dma_start3A_169 = tpu.memref_squeeze %dma_start3A_168 : memref<1x!tpu.dma_semaphore, #tpu.memory_space<semaphore_mem>> -> memref<!tpu.dma_semaphore, #tpu.memory_space<semaphore_mem>>
      tpu.enqueue_indirect_dma source(%dma_start3A_167 : memref<10240x32xf32, #tpu.memory_space<hbm>>) target(%dma_start3A_161 : memref<128x32xf32, #tpu.memory_space<vmem>>) offsets(%dma_start3A_164 : memref<128xi32, #tpu.memory_space<vmem>>) semaphore(%dma_start3A_169 : memref<!tpu.dma_semaphore, #tpu.memory_space<semaphore_mem>>)
      %dma_wait3A = arith.constant 0 : i32
      %dma_wait3A_170 = arith.constant 0 : i32
      %dma_wait3A_171 = arith.constant 0 : i32
      %dma_wait3A_172 = arith.constant 0 : i32
      %dma_wait3A_173 = arith.constant 0 : i32
      %dma_wait3A_174 = tpu.memref_slice %arg6[%dma_wait3A_170, %dma_wait3A_172, %dma_wait3A_173] : memref<8x128x32xf32, #tpu.memory_space<vmem>> -> memref<1x128x32xf32, #tpu.memory_space<vmem>>
      %dma_wait3A_175 = tpu.memref_squeeze %dma_wait3A_174 : memref<1x128x32xf32, #tpu.memory_space<vmem>> -> memref<128x32xf32, #tpu.memory_space<vmem>>
      %dma_wait3A_176 = arith.constant 0 : i32
      %dma_wait3A_177 = tpu.memref_slice %arg5[%add3A_22, %dma_wait3A, %dma_wait3A_176] : memref<80x2x128xi32, #tpu.memory_space<vmem>> -> memref<1x1x128xi32, #tpu.memory_space<vmem>>
      %dma_wait3A_178 = tpu.memref_squeeze %dma_wait3A_177 : memref<1x1x128xi32, #tpu.memory_space<vmem>> -> memref<128xi32, #tpu.memory_space<vmem>>
      %dma_wait3A_179 = arith.constant 0 : i32
      %dma_wait3A_180 = arith.constant 0 : i32
      %dma_wait3A_181 = tpu.memref_slice %arg2[%dma_wait3A_179, %dma_wait3A_180] : memref<10240x32xf32, #tpu.memory_space<hbm>> -> memref<10240x32xf32, #tpu.memory_space<hbm>>
      %dma_wait3A_182 = tpu.memref_slice %arg7[%dma_wait3A_171] : memref<8x!tpu.dma_semaphore, #tpu.memory_space<semaphore_mem>> -> memref<1x!tpu.dma_semaphore, #tpu.memory_space<semaphore_mem>>
      %dma_wait3A_183 = tpu.memref_squeeze %dma_wait3A_182 : memref<1x!tpu.dma_semaphore, #tpu.memory_space<semaphore_mem>> -> memref<!tpu.dma_semaphore, #tpu.memory_space<semaphore_mem>>
      tpu.wait_indirect_dma semaphore(%dma_wait3A_183 : memref<!tpu.dma_semaphore, #tpu.memory_space<semaphore_mem>>) src(%dma_wait3A_181 : memref<10240x32xf32, #tpu.memory_space<hbm>>) dst(%dma_wait3A_175 : memref<128x32xf32, #tpu.memory_space<vmem>>)
      %mul3A_184 = arith.constant 8 : i32
      %mul3A_185 = arith.muli %scan3A_18, %mul3A_184 : i32
      %add3A_186 = arith.constant 0 : i32
      %add3A_187 = arith.addi %mul3A_185, %add3A_186 : i32
      %dma_start3A_188 = arith.constant 0 : i32
      %dma_start3A_189 = arith.constant 1 : i32
      %dma_start3A_190 = arith.constant 0 : i32
      %dma_start3A_191 = arith.constant 0 : i32
      %dma_start3A_192 = arith.constant 0 : i32
      %dma_start3A_193 = tpu.memref_slice %arg6[%dma_start3A_188, %dma_start3A_191, %dma_start3A_192] : memref<8x128x32xf32, #tpu.memory_space<vmem>> -> memref<1x128x32xf32, #tpu.memory_space<vmem>>
      %dma_start3A_194 = tpu.memref_squeeze %dma_start3A_193 : memref<1x128x32xf32, #tpu.memory_space<vmem>> -> memref<128x32xf32, #tpu.memory_space<vmem>>
      %dma_start3A_195 = arith.constant 0 : i32
      %dma_start3A_196 = tpu.memref_slice %arg5[%add3A_187, %dma_start3A_189, %dma_start3A_195] : memref<80x2x128xi32, #tpu.memory_space<vmem>> -> memref<1x1x128xi32, #tpu.memory_space<vmem>>
      %dma_start3A_197 = tpu.memref_squeeze %dma_start3A_196 : memref<1x1x128xi32, #tpu.memory_space<vmem>> -> memref<128xi32, #tpu.memory_space<vmem>>
      %dma_start3A_198 = arith.constant 0 : i32
      %dma_start3A_199 = arith.constant 0 : i32
      %dma_start3A_200 = tpu.memref_slice %arg9[%dma_start3A_198, %dma_start3A_199] : memref<10240x32xf32, #tpu.memory_space<vmem_shared>> -> memref<10240x32xf32, #tpu.memory_space<vmem_shared>>
      %dma_start3A_201 = tpu.memref_slice %arg8[%dma_start3A_190] : memref<8x!tpu.dma_semaphore, #tpu.memory_space<semaphore_mem>> -> memref<1x!tpu.dma_semaphore, #tpu.memory_space<semaphore_mem>>
      %dma_start3A_202 = tpu.memref_squeeze %dma_start3A_201 : memref<1x!tpu.dma_semaphore, #tpu.memory_space<semaphore_mem>> -> memref<!tpu.dma_semaphore, #tpu.memory_space<semaphore_mem>>
      tpu.enqueue_indirect_dma source(%dma_start3A_194 : memref<128x32xf32, #tpu.memory_space<vmem>>) target(%dma_start3A_200 : memref<10240x32xf32, #tpu.memory_space<vmem_shared>>) offsets(%dma_start3A_197 : memref<128xi32, #tpu.memory_space<vmem>>) semaphore(%dma_start3A_202 : memref<!tpu.dma_semaphore, #tpu.memory_space<semaphore_mem>>) {add = true}
      %dma_wait3A_203 = arith.constant 0 : i32
      %dma_wait3A_204 = arith.constant 1 : i32
      %dma_wait3A_205 = arith.constant 1 : i32
      %dma_wait3A_206 = arith.constant 0 : i32
      %dma_wait3A_207 = arith.constant 0 : i32
      %dma_wait3A_208 = tpu.memref_slice %arg6[%dma_wait3A_204, %dma_wait3A_206, %dma_wait3A_207] : memref<8x128x32xf32, #tpu.memory_space<vmem>> -> memref<1x128x32xf32, #tpu.memory_space<vmem>>
      %dma_wait3A_209 = tpu.memref_squeeze %dma_wait3A_208 : memref<1x128x32xf32, #tpu.memory_space<vmem>> -> memref<128x32xf32, #tpu.memory_space<vmem>>
      %dma_wait3A_210 = arith.constant 0 : i32
      %dma_wait3A_211 = tpu.memref_slice %arg5[%add3A_40, %dma_wait3A_203, %dma_wait3A_210] : memref<80x2x128xi32, #tpu.memory_space<vmem>> -> memref<1x1x128xi32, #tpu.memory_space<vmem>>
      %dma_wait3A_212 = tpu.memref_squeeze %dma_wait3A_211 : memref<1x1x128xi32, #tpu.memory_space<vmem>> -> memref<128xi32, #tpu.memory_space<vmem>>
      %dma_wait3A_213 = arith.constant 0 : i32
      %dma_wait3A_214 = arith.constant 0 : i32
      %dma_wait3A_215 = tpu.memref_slice %arg2[%dma_wait3A_213, %dma_wait3A_214] : memref<10240x32xf32, #tpu.memory_space<hbm>> -> memref<10240x32xf32, #tpu.memory_space<hbm>>
      %dma_wait3A_216 = tpu.memref_slice %arg7[%dma_wait3A_205] : memref<8x!tpu.dma_semaphore, #tpu.memory_space<semaphore_mem>> -> memref<1x!tpu.dma_semaphore, #tpu.memory_space<semaphore_mem>>
      %dma_wait3A_217 = tpu.memref_squeeze %dma_wait3A_216 : memref<1x!tpu.dma_semaphore, #tpu.memory_space<semaphore_mem>> -> memref<!tpu.dma_semaphore, #tpu.memory_space<semaphore_mem>>
      tpu.wait_indirect_dma semaphore(%dma_wait3A_217 : memref<!tpu.dma_semaphore, #tpu.memory_space<semaphore_mem>>) src(%dma_wait3A_215 : memref<10240x32xf32, #tpu.memory_space<hbm>>) dst(%dma_wait3A_209 : memref<128x32xf32, #tpu.memory_space<vmem>>)
      %mul3A_218 = arith.constant 8 : i32
      %mul3A_219 = arith.muli %scan3A_18, %mul3A_218 : i32
      %add3A_220 = arith.constant 1 : i32
      %add3A_221 = arith.addi %mul3A_219, %add3A_220 : i32
      %dma_start3A_222 = arith.constant 1 : i32
      %dma_start3A_223 = arith.constant 1 : i32
      %dma_start3A_224 = arith.constant 1 : i32
      %dma_start3A_225 = arith.constant 0 : i32
      %dma_start3A_226 = arith.constant 0 : i32
      %dma_start3A_227 = tpu.memref_slice %arg6[%dma_start3A_222, %dma_start3A_225, %dma_start3A_226] : memref<8x128x32xf32, #tpu.memory_space<vmem>> -> memref<1x128x32xf32, #tpu.memory_space<vmem>>
      %dma_start3A_228 = tpu.memref_squeeze %dma_start3A_227 : memref<1x128x32xf32, #tpu.memory_space<vmem>> -> memref<128x32xf32, #tpu.memory_space<vmem>>
      %dma_start3A_229 = arith.constant 0 : i32
      %dma_start3A_230 = tpu.memref_slice %arg5[%add3A_221, %dma_start3A_223, %dma_start3A_229] : memref<80x2x128xi32, #tpu.memory_space<vmem>> -> memref<1x1x128xi32, #tpu.memory_space<vmem>>
      %dma_start3A_231 = tpu.memref_squeeze %dma_start3A_230 : memref<1x1x128xi32, #tpu.memory_space<vmem>> -> memref<128xi32, #tpu.memory_space<vmem>>
      %dma_start3A_232 = arith.constant 0 : i32
      %dma_start3A_233 = arith.constant 0 : i32
      %dma_start3A_234 = tpu.memref_slice %arg9[%dma_start3A_232, %dma_start3A_233] : memref<10240x32xf32, #tpu.memory_space<vmem_shared>> -> memref<10240x32xf32, #tpu.memory_space<vmem_shared>>
      %dma_start3A_235 = tpu.memref_slice %arg8[%dma_start3A_224] : memref<8x!tpu.dma_semaphore, #tpu.memory_space<semaphore_mem>> -> memref<1x!tpu.dma_semaphore, #tpu.memory_space<semaphore_mem>>
      %dma_start3A_236 = tpu.memref_squeeze %dma_start3A_235 : memref<1x!tpu.dma_semaphore, #tpu.memory_space<semaphore_mem>> -> memref<!tpu.dma_semaphore, #tpu.memory_space<semaphore_mem>>
      tpu.enqueue_indirect_dma source(%dma_start3A_228 : memref<128x32xf32, #tpu.memory_space<vmem>>) target(%dma_start3A_234 : memref<10240x32xf32, #tpu.memory_space<vmem_shared>>) offsets(%dma_start3A_231 : memref<128xi32, #tpu.memory_space<vmem>>) semaphore(%dma_start3A_236 : memref<!tpu.dma_semaphore, #tpu.memory_space<semaphore_mem>>) {add = true}
      %dma_wait3A_237 = arith.constant 0 : i32
      %dma_wait3A_238 = arith.constant 2 : i32
      %dma_wait3A_239 = arith.constant 2 : i32
      %dma_wait3A_240 = arith.constant 0 : i32
      %dma_wait3A_241 = arith.constant 0 : i32
      %dma_wait3A_242 = tpu.memref_slice %arg6[%dma_wait3A_238, %dma_wait3A_240, %dma_wait3A_241] : memref<8x128x32xf32, #tpu.memory_space<vmem>> -> memref<1x128x32xf32, #tpu.memory_space<vmem>>
      %dma_wait3A_243 = tpu.memref_squeeze %dma_wait3A_242 : memref<1x128x32xf32, #tpu.memory_space<vmem>> -> memref<128x32xf32, #tpu.memory_space<vmem>>
      %dma_wait3A_244 = arith.constant 0 : i32
      %dma_wait3A_245 = tpu.memref_slice %arg5[%add3A_59, %dma_wait3A_237, %dma_wait3A_244] : memref<80x2x128xi32, #tpu.memory_space<vmem>> -> memref<1x1x128xi32, #tpu.memory_space<vmem>>
      %dma_wait3A_246 = tpu.memref_squeeze %dma_wait3A_245 : memref<1x1x128xi32, #tpu.memory_space<vmem>> -> memref<128xi32, #tpu.memory_space<vmem>>
      %dma_wait3A_247 = arith.constant 0 : i32
      %dma_wait3A_248 = arith.constant 0 : i32
      %dma_wait3A_249 = tpu.memref_slice %arg2[%dma_wait3A_247, %dma_wait3A_248] : memref<10240x32xf32, #tpu.memory_space<hbm>> -> memref<10240x32xf32, #tpu.memory_space<hbm>>
      %dma_wait3A_250 = tpu.memref_slice %arg7[%dma_wait3A_239] : memref<8x!tpu.dma_semaphore, #tpu.memory_space<semaphore_mem>> -> memref<1x!tpu.dma_semaphore, #tpu.memory_space<semaphore_mem>>
      %dma_wait3A_251 = tpu.memref_squeeze %dma_wait3A_250 : memref<1x!tpu.dma_semaphore, #tpu.memory_space<semaphore_mem>> -> memref<!tpu.dma_semaphore, #tpu.memory_space<semaphore_mem>>
      tpu.wait_indirect_dma semaphore(%dma_wait3A_251 : memref<!tpu.dma_semaphore, #tpu.memory_space<semaphore_mem>>) src(%dma_wait3A_249 : memref<10240x32xf32, #tpu.memory_space<hbm>>) dst(%dma_wait3A_243 : memref<128x32xf32, #tpu.memory_space<vmem>>)
      %mul3A_252 = arith.constant 8 : i32
      %mul3A_253 = arith.muli %scan3A_18, %mul3A_252 : i32
      %add3A_254 = arith.constant 2 : i32
      %add3A_255 = arith.addi %mul3A_253, %add3A_254 : i32
      %dma_start3A_256 = arith.constant 2 : i32
      %dma_start3A_257 = arith.constant 1 : i32
      %dma_start3A_258 = arith.constant 2 : i32
      %dma_start3A_259 = arith.constant 0 : i32
      %dma_start3A_260 = arith.constant 0 : i32
      %dma_start3A_261 = tpu.memref_slice %arg6[%dma_start3A_256, %dma_start3A_259, %dma_start3A_260] : memref<8x128x32xf32, #tpu.memory_space<vmem>> -> memref<1x128x32xf32, #tpu.memory_space<vmem>>
      %dma_start3A_262 = tpu.memref_squeeze %dma_start3A_261 : memref<1x128x32xf32, #tpu.memory_space<vmem>> -> memref<128x32xf32, #tpu.memory_space<vmem>>
      %dma_start3A_263 = arith.constant 0 : i32
      %dma_start3A_264 = tpu.memref_slice %arg5[%add3A_255, %dma_start3A_257, %dma_start3A_263] : memref<80x2x128xi32, #tpu.memory_space<vmem>> -> memref<1x1x128xi32, #tpu.memory_space<vmem>>
      %dma_start3A_265 = tpu.memref_squeeze %dma_start3A_264 : memref<1x1x128xi32, #tpu.memory_space<vmem>> -> memref<128xi32, #tpu.memory_space<vmem>>
      %dma_start3A_266 = arith.constant 0 : i32
      %dma_start3A_267 = arith.constant 0 : i32
      %dma_start3A_268 = tpu.memref_slice %arg9[%dma_start3A_266, %dma_start3A_267] : memref<10240x32xf32, #tpu.memory_space<vmem_shared>> -> memref<10240x32xf32, #tpu.memory_space<vmem_shared>>
      %dma_start3A_269 = tpu.memref_slice %arg8[%dma_start3A_258] : memref<8x!tpu.dma_semaphore, #tpu.memory_space<semaphore_mem>> -> memref<1x!tpu.dma_semaphore, #tpu.memory_space<semaphore_mem>>
      %dma_start3A_270 = tpu.memref_squeeze %dma_start3A_269 : memref<1x!tpu.dma_semaphore, #tpu.memory_space<semaphore_mem>> -> memref<!tpu.dma_semaphore, #tpu.memory_space<semaphore_mem>>
      tpu.enqueue_indirect_dma source(%dma_start3A_262 : memref<128x32xf32, #tpu.memory_space<vmem>>) target(%dma_start3A_268 : memref<10240x32xf32, #tpu.memory_space<vmem_shared>>) offsets(%dma_start3A_265 : memref<128xi32, #tpu.memory_space<vmem>>) semaphore(%dma_start3A_270 : memref<!tpu.dma_semaphore, #tpu.memory_space<semaphore_mem>>) {add = true}
      %dma_wait3A_271 = arith.constant 0 : i32
      %dma_wait3A_272 = arith.constant 3 : i32
      %dma_wait3A_273 = arith.constant 3 : i32
      %dma_wait3A_274 = arith.constant 0 : i32
      %dma_wait3A_275 = arith.constant 0 : i32
      %dma_wait3A_276 = tpu.memref_slice %arg6[%dma_wait3A_272, %dma_wait3A_274, %dma_wait3A_275] : memref<8x128x32xf32, #tpu.memory_space<vmem>> -> memref<1x128x32xf32, #tpu.memory_space<vmem>>
      %dma_wait3A_277 = tpu.memref_squeeze %dma_wait3A_276 : memref<1x128x32xf32, #tpu.memory_space<vmem>> -> memref<128x32xf32, #tpu.memory_space<vmem>>
      %dma_wait3A_278 = arith.constant 0 : i32
      %dma_wait3A_279 = tpu.memref_slice %arg5[%add3A_78, %dma_wait3A_271, %dma_wait3A_278] : memref<80x2x128xi32, #tpu.memory_space<vmem>> -> memref<1x1x128xi32, #tpu.memory_space<vmem>>
      %dma_wait3A_280 = tpu.memref_squeeze %dma_wait3A_279 : memref<1x1x128xi32, #tpu.memory_space<vmem>> -> memref<128xi32, #tpu.memory_space<vmem>>
      %dma_wait3A_281 = arith.constant 0 : i32
      %dma_wait3A_282 = arith.constant 0 : i32
      %dma_wait3A_283 = tpu.memref_slice %arg2[%dma_wait3A_281, %dma_wait3A_282] : memref<10240x32xf32, #tpu.memory_space<hbm>> -> memref<10240x32xf32, #tpu.memory_space<hbm>>
      %dma_wait3A_284 = tpu.memref_slice %arg7[%dma_wait3A_273] : memref<8x!tpu.dma_semaphore, #tpu.memory_space<semaphore_mem>> -> memref<1x!tpu.dma_semaphore, #tpu.memory_space<semaphore_mem>>
      %dma_wait3A_285 = tpu.memref_squeeze %dma_wait3A_284 : memref<1x!tpu.dma_semaphore, #tpu.memory_space<semaphore_mem>> -> memref<!tpu.dma_semaphore, #tpu.memory_space<semaphore_mem>>
      tpu.wait_indirect_dma semaphore(%dma_wait3A_285 : memref<!tpu.dma_semaphore, #tpu.memory_space<semaphore_mem>>) src(%dma_wait3A_283 : memref<10240x32xf32, #tpu.memory_space<hbm>>) dst(%dma_wait3A_277 : memref<128x32xf32, #tpu.memory_space<vmem>>)
      %mul3A_286 = arith.constant 8 : i32
      %mul3A_287 = arith.muli %scan3A_18, %mul3A_286 : i32
      %add3A_288 = arith.constant 3 : i32
      %add3A_289 = arith.addi %mul3A_287, %add3A_288 : i32
      %dma_start3A_290 = arith.constant 3 : i32
      %dma_start3A_291 = arith.constant 1 : i32
      %dma_start3A_292 = arith.constant 3 : i32
      %dma_start3A_293 = arith.constant 0 : i32
      %dma_start3A_294 = arith.constant 0 : i32
      %dma_start3A_295 = tpu.memref_slice %arg6[%dma_start3A_290, %dma_start3A_293, %dma_start3A_294] : memref<8x128x32xf32, #tpu.memory_space<vmem>> -> memref<1x128x32xf32, #tpu.memory_space<vmem>>
      %dma_start3A_296 = tpu.memref_squeeze %dma_start3A_295 : memref<1x128x32xf32, #tpu.memory_space<vmem>> -> memref<128x32xf32, #tpu.memory_space<vmem>>
      %dma_start3A_297 = arith.constant 0 : i32
      %dma_start3A_298 = tpu.memref_slice %arg5[%add3A_289, %dma_start3A_291, %dma_start3A_297] : memref<80x2x128xi32, #tpu.memory_space<vmem>> -> memref<1x1x128xi32, #tpu.memory_space<vmem>>
      %dma_start3A_299 = tpu.memref_squeeze %dma_start3A_298 : memref<1x1x128xi32, #tpu.memory_space<vmem>> -> memref<128xi32, #tpu.memory_space<vmem>>
      %dma_start3A_300 = arith.constant 0 : i32
      %dma_start3A_301 = arith.constant 0 : i32
      %dma_start3A_302 = tpu.memref_slice %arg9[%dma_start3A_300, %dma_start3A_301] : memref<10240x32xf32, #tpu.memory_space<vmem_shared>> -> memref<10240x32xf32, #tpu.memory_space<vmem_shared>>
      %dma_start3A_303 = tpu.memref_slice %arg8[%dma_start3A_292] : memref<8x!tpu.dma_semaphore, #tpu.memory_space<semaphore_mem>> -> memref<1x!tpu.dma_semaphore, #tpu.memory_space<semaphore_mem>>
      %dma_start3A_304 = tpu.memref_squeeze %dma_start3A_303 : memref<1x!tpu.dma_semaphore, #tpu.memory_space<semaphore_mem>> -> memref<!tpu.dma_semaphore, #tpu.memory_space<semaphore_mem>>
      tpu.enqueue_indirect_dma source(%dma_start3A_296 : memref<128x32xf32, #tpu.memory_space<vmem>>) target(%dma_start3A_302 : memref<10240x32xf32, #tpu.memory_space<vmem_shared>>) offsets(%dma_start3A_299 : memref<128xi32, #tpu.memory_space<vmem>>) semaphore(%dma_start3A_304 : memref<!tpu.dma_semaphore, #tpu.memory_space<semaphore_mem>>) {add = true}
      %dma_wait3A_305 = arith.constant 0 : i32
      %dma_wait3A_306 = arith.constant 4 : i32
      %dma_wait3A_307 = arith.constant 4 : i32
      %dma_wait3A_308 = arith.constant 0 : i32
      %dma_wait3A_309 = arith.constant 0 : i32
      %dma_wait3A_310 = tpu.memref_slice %arg6[%dma_wait3A_306, %dma_wait3A_308, %dma_wait3A_309] : memref<8x128x32xf32, #tpu.memory_space<vmem>> -> memref<1x128x32xf32, #tpu.memory_space<vmem>>
      %dma_wait3A_311 = tpu.memref_squeeze %dma_wait3A_310 : memref<1x128x32xf32, #tpu.memory_space<vmem>> -> memref<128x32xf32, #tpu.memory_space<vmem>>
      %dma_wait3A_312 = arith.constant 0 : i32
      %dma_wait3A_313 = tpu.memref_slice %arg5[%add3A_97, %dma_wait3A_305, %dma_wait3A_312] : memref<80x2x128xi32, #tpu.memory_space<vmem>> -> memref<1x1x128xi32, #tpu.memory_space<vmem>>
      %dma_wait3A_314 = tpu.memref_squeeze %dma_wait3A_313 : memref<1x1x128xi32, #tpu.memory_space<vmem>> -> memref<128xi32, #tpu.memory_space<vmem>>
      %dma_wait3A_315 = arith.constant 0 : i32
      %dma_wait3A_316 = arith.constant 0 : i32
      %dma_wait3A_317 = tpu.memref_slice %arg2[%dma_wait3A_315, %dma_wait3A_316] : memref<10240x32xf32, #tpu.memory_space<hbm>> -> memref<10240x32xf32, #tpu.memory_space<hbm>>
      %dma_wait3A_318 = tpu.memref_slice %arg7[%dma_wait3A_307] : memref<8x!tpu.dma_semaphore, #tpu.memory_space<semaphore_mem>> -> memref<1x!tpu.dma_semaphore, #tpu.memory_space<semaphore_mem>>
      %dma_wait3A_319 = tpu.memref_squeeze %dma_wait3A_318 : memref<1x!tpu.dma_semaphore, #tpu.memory_space<semaphore_mem>> -> memref<!tpu.dma_semaphore, #tpu.memory_space<semaphore_mem>>
      tpu.wait_indirect_dma semaphore(%dma_wait3A_319 : memref<!tpu.dma_semaphore, #tpu.memory_space<semaphore_mem>>) src(%dma_wait3A_317 : memref<10240x32xf32, #tpu.memory_space<hbm>>) dst(%dma_wait3A_311 : memref<128x32xf32, #tpu.memory_space<vmem>>)
      %mul3A_320 = arith.constant 8 : i32
      %mul3A_321 = arith.muli %scan3A_18, %mul3A_320 : i32
      %add3A_322 = arith.constant 4 : i32
      %add3A_323 = arith.addi %mul3A_321, %add3A_322 : i32
      %dma_start3A_324 = arith.constant 4 : i32
      %dma_start3A_325 = arith.constant 1 : i32
      %dma_start3A_326 = arith.constant 4 : i32
      %dma_start3A_327 = arith.constant 0 : i32
      %dma_start3A_328 = arith.constant 0 : i32
      %dma_start3A_329 = tpu.memref_slice %arg6[%dma_start3A_324, %dma_start3A_327, %dma_start3A_328] : memref<8x128x32xf32, #tpu.memory_space<vmem>> -> memref<1x128x32xf32, #tpu.memory_space<vmem>>
      %dma_start3A_330 = tpu.memref_squeeze %dma_start3A_329 : memref<1x128x32xf32, #tpu.memory_space<vmem>> -> memref<128x32xf32, #tpu.memory_space<vmem>>
      %dma_start3A_331 = arith.constant 0 : i32
      %dma_start3A_332 = tpu.memref_slice %arg5[%add3A_323, %dma_start3A_325, %dma_start3A_331] : memref<80x2x128xi32, #tpu.memory_space<vmem>> -> memref<1x1x128xi32, #tpu.memory_space<vmem>>
      %dma_start3A_333 = tpu.memref_squeeze %dma_start3A_332 : memref<1x1x128xi32, #tpu.memory_space<vmem>> -> memref<128xi32, #tpu.memory_space<vmem>>
      %dma_start3A_334 = arith.constant 0 : i32
      %dma_start3A_335 = arith.constant 0 : i32
      %dma_start3A_336 = tpu.memref_slice %arg9[%dma_start3A_334, %dma_start3A_335] : memref<10240x32xf32, #tpu.memory_space<vmem_shared>> -> memref<10240x32xf32, #tpu.memory_space<vmem_shared>>
      %dma_start3A_337 = tpu.memref_slice %arg8[%dma_start3A_326] : memref<8x!tpu.dma_semaphore, #tpu.memory_space<semaphore_mem>> -> memref<1x!tpu.dma_semaphore, #tpu.memory_space<semaphore_mem>>
      %dma_start3A_338 = tpu.memref_squeeze %dma_start3A_337 : memref<1x!tpu.dma_semaphore, #tpu.memory_space<semaphore_mem>> -> memref<!tpu.dma_semaphore, #tpu.memory_space<semaphore_mem>>
      tpu.enqueue_indirect_dma source(%dma_start3A_330 : memref<128x32xf32, #tpu.memory_space<vmem>>) target(%dma_start3A_336 : memref<10240x32xf32, #tpu.memory_space<vmem_shared>>) offsets(%dma_start3A_333 : memref<128xi32, #tpu.memory_space<vmem>>) semaphore(%dma_start3A_338 : memref<!tpu.dma_semaphore, #tpu.memory_space<semaphore_mem>>) {add = true}
      %dma_wait3A_339 = arith.constant 0 : i32
      %dma_wait3A_340 = arith.constant 5 : i32
      %dma_wait3A_341 = arith.constant 5 : i32
      %dma_wait3A_342 = arith.constant 0 : i32
      %dma_wait3A_343 = arith.constant 0 : i32
      %dma_wait3A_344 = tpu.memref_slice %arg6[%dma_wait3A_340, %dma_wait3A_342, %dma_wait3A_343] : memref<8x128x32xf32, #tpu.memory_space<vmem>> -> memref<1x128x32xf32, #tpu.memory_space<vmem>>
      %dma_wait3A_345 = tpu.memref_squeeze %dma_wait3A_344 : memref<1x128x32xf32, #tpu.memory_space<vmem>> -> memref<128x32xf32, #tpu.memory_space<vmem>>
      %dma_wait3A_346 = arith.constant 0 : i32
      %dma_wait3A_347 = tpu.memref_slice %arg5[%add3A_116, %dma_wait3A_339, %dma_wait3A_346] : memref<80x2x128xi32, #tpu.memory_space<vmem>> -> memref<1x1x128xi32, #tpu.memory_space<vmem>>
      %dma_wait3A_348 = tpu.memref_squeeze %dma_wait3A_347 : memref<1x1x128xi32, #tpu.memory_space<vmem>> -> memref<128xi32, #tpu.memory_space<vmem>>
      %dma_wait3A_349 = arith.constant 0 : i32
      %dma_wait3A_350 = arith.constant 0 : i32
      %dma_wait3A_351 = tpu.memref_slice %arg2[%dma_wait3A_349, %dma_wait3A_350] : memref<10240x32xf32, #tpu.memory_space<hbm>> -> memref<10240x32xf32, #tpu.memory_space<hbm>>
      %dma_wait3A_352 = tpu.memref_slice %arg7[%dma_wait3A_341] : memref<8x!tpu.dma_semaphore, #tpu.memory_space<semaphore_mem>> -> memref<1x!tpu.dma_semaphore, #tpu.memory_space<semaphore_mem>>
      %dma_wait3A_353 = tpu.memref_squeeze %dma_wait3A_352 : memref<1x!tpu.dma_semaphore, #tpu.memory_space<semaphore_mem>> -> memref<!tpu.dma_semaphore, #tpu.memory_space<semaphore_mem>>
      tpu.wait_indirect_dma semaphore(%dma_wait3A_353 : memref<!tpu.dma_semaphore, #tpu.memory_space<semaphore_mem>>) src(%dma_wait3A_351 : memref<10240x32xf32, #tpu.memory_space<hbm>>) dst(%dma_wait3A_345 : memref<128x32xf32, #tpu.memory_space<vmem>>)
      %mul3A_354 = arith.constant 8 : i32
      %mul3A_355 = arith.muli %scan3A_18, %mul3A_354 : i32
      %add3A_356 = arith.constant 5 : i32
      %add3A_357 = arith.addi %mul3A_355, %add3A_356 : i32
      %dma_start3A_358 = arith.constant 5 : i32
      %dma_start3A_359 = arith.constant 1 : i32
      %dma_start3A_360 = arith.constant 5 : i32
      %dma_start3A_361 = arith.constant 0 : i32
      %dma_start3A_362 = arith.constant 0 : i32
      %dma_start3A_363 = tpu.memref_slice %arg6[%dma_start3A_358, %dma_start3A_361, %dma_start3A_362] : memref<8x128x32xf32, #tpu.memory_space<vmem>> -> memref<1x128x32xf32, #tpu.memory_space<vmem>>
      %dma_start3A_364 = tpu.memref_squeeze %dma_start3A_363 : memref<1x128x32xf32, #tpu.memory_space<vmem>> -> memref<128x32xf32, #tpu.memory_space<vmem>>
      %dma_start3A_365 = arith.constant 0 : i32
      %dma_start3A_366 = tpu.memref_slice %arg5[%add3A_357, %dma_start3A_359, %dma_start3A_365] : memref<80x2x128xi32, #tpu.memory_space<vmem>> -> memref<1x1x128xi32, #tpu.memory_space<vmem>>
      %dma_start3A_367 = tpu.memref_squeeze %dma_start3A_366 : memref<1x1x128xi32, #tpu.memory_space<vmem>> -> memref<128xi32, #tpu.memory_space<vmem>>
      %dma_start3A_368 = arith.constant 0 : i32
      %dma_start3A_369 = arith.constant 0 : i32
      %dma_start3A_370 = tpu.memref_slice %arg9[%dma_start3A_368, %dma_start3A_369] : memref<10240x32xf32, #tpu.memory_space<vmem_shared>> -> memref<10240x32xf32, #tpu.memory_space<vmem_shared>>
      %dma_start3A_371 = tpu.memref_slice %arg8[%dma_start3A_360] : memref<8x!tpu.dma_semaphore, #tpu.memory_space<semaphore_mem>> -> memref<1x!tpu.dma_semaphore, #tpu.memory_space<semaphore_mem>>
      %dma_start3A_372 = tpu.memref_squeeze %dma_start3A_371 : memref<1x!tpu.dma_semaphore, #tpu.memory_space<semaphore_mem>> -> memref<!tpu.dma_semaphore, #tpu.memory_space<semaphore_mem>>
      tpu.enqueue_indirect_dma source(%dma_start3A_364 : memref<128x32xf32, #tpu.memory_space<vmem>>) target(%dma_start3A_370 : memref<10240x32xf32, #tpu.memory_space<vmem_shared>>) offsets(%dma_start3A_367 : memref<128xi32, #tpu.memory_space<vmem>>) semaphore(%dma_start3A_372 : memref<!tpu.dma_semaphore, #tpu.memory_space<semaphore_mem>>) {add = true}
      %dma_wait3A_373 = arith.constant 0 : i32
      %dma_wait3A_374 = arith.constant 6 : i32
      %dma_wait3A_375 = arith.constant 6 : i32
      %dma_wait3A_376 = arith.constant 0 : i32
      %dma_wait3A_377 = arith.constant 0 : i32
      %dma_wait3A_378 = tpu.memref_slice %arg6[%dma_wait3A_374, %dma_wait3A_376, %dma_wait3A_377] : memref<8x128x32xf32, #tpu.memory_space<vmem>> -> memref<1x128x32xf32, #tpu.memory_space<vmem>>
      %dma_wait3A_379 = tpu.memref_squeeze %dma_wait3A_378 : memref<1x128x32xf32, #tpu.memory_space<vmem>> -> memref<128x32xf32, #tpu.memory_space<vmem>>
      %dma_wait3A_380 = arith.constant 0 : i32
      %dma_wait3A_381 = tpu.memref_slice %arg5[%add3A_135, %dma_wait3A_373, %dma_wait3A_380] : memref<80x2x128xi32, #tpu.memory_space<vmem>> -> memref<1x1x128xi32, #tpu.memory_space<vmem>>
      %dma_wait3A_382 = tpu.memref_squeeze %dma_wait3A_381 : memref<1x1x128xi32, #tpu.memory_space<vmem>> -> memref<128xi32, #tpu.memory_space<vmem>>
      %dma_wait3A_383 = arith.constant 0 : i32
      %dma_wait3A_384 = arith.constant 0 : i32
      %dma_wait3A_385 = tpu.memref_slice %arg2[%dma_wait3A_383, %dma_wait3A_384] : memref<10240x32xf32, #tpu.memory_space<hbm>> -> memref<10240x32xf32, #tpu.memory_space<hbm>>
      %dma_wait3A_386 = tpu.memref_slice %arg7[%dma_wait3A_375] : memref<8x!tpu.dma_semaphore, #tpu.memory_space<semaphore_mem>> -> memref<1x!tpu.dma_semaphore, #tpu.memory_space<semaphore_mem>>
      %dma_wait3A_387 = tpu.memref_squeeze %dma_wait3A_386 : memref<1x!tpu.dma_semaphore, #tpu.memory_space<semaphore_mem>> -> memref<!tpu.dma_semaphore, #tpu.memory_space<semaphore_mem>>
      tpu.wait_indirect_dma semaphore(%dma_wait3A_387 : memref<!tpu.dma_semaphore, #tpu.memory_space<semaphore_mem>>) src(%dma_wait3A_385 : memref<10240x32xf32, #tpu.memory_space<hbm>>) dst(%dma_wait3A_379 : memref<128x32xf32, #tpu.memory_space<vmem>>)
      %mul3A_388 = arith.constant 8 : i32
      %mul3A_389 = arith.muli %scan3A_18, %mul3A_388 : i32
      %add3A_390 = arith.constant 6 : i32
      %add3A_391 = arith.addi %mul3A_389, %add3A_390 : i32
      %dma_start3A_392 = arith.constant 6 : i32
      %dma_start3A_393 = arith.constant 1 : i32
      %dma_start3A_394 = arith.constant 6 : i32
      %dma_start3A_395 = arith.constant 0 : i32
      %dma_start3A_396 = arith.constant 0 : i32
      %dma_start3A_397 = tpu.memref_slice %arg6[%dma_start3A_392, %dma_start3A_395, %dma_start3A_396] : memref<8x128x32xf32, #tpu.memory_space<vmem>> -> memref<1x128x32xf32, #tpu.memory_space<vmem>>
      %dma_start3A_398 = tpu.memref_squeeze %dma_start3A_397 : memref<1x128x32xf32, #tpu.memory_space<vmem>> -> memref<128x32xf32, #tpu.memory_space<vmem>>
      %dma_start3A_399 = arith.constant 0 : i32
      %dma_start3A_400 = tpu.memref_slice %arg5[%add3A_391, %dma_start3A_393, %dma_start3A_399] : memref<80x2x128xi32, #tpu.memory_space<vmem>> -> memref<1x1x128xi32, #tpu.memory_space<vmem>>
      %dma_start3A_401 = tpu.memref_squeeze %dma_start3A_400 : memref<1x1x128xi32, #tpu.memory_space<vmem>> -> memref<128xi32, #tpu.memory_space<vmem>>
      %dma_start3A_402 = arith.constant 0 : i32
      %dma_start3A_403 = arith.constant 0 : i32
      %dma_start3A_404 = tpu.memref_slice %arg9[%dma_start3A_402, %dma_start3A_403] : memref<10240x32xf32, #tpu.memory_space<vmem_shared>> -> memref<10240x32xf32, #tpu.memory_space<vmem_shared>>
      %dma_start3A_405 = tpu.memref_slice %arg8[%dma_start3A_394] : memref<8x!tpu.dma_semaphore, #tpu.memory_space<semaphore_mem>> -> memref<1x!tpu.dma_semaphore, #tpu.memory_space<semaphore_mem>>
      %dma_start3A_406 = tpu.memref_squeeze %dma_start3A_405 : memref<1x!tpu.dma_semaphore, #tpu.memory_space<semaphore_mem>> -> memref<!tpu.dma_semaphore, #tpu.memory_space<semaphore_mem>>
      tpu.enqueue_indirect_dma source(%dma_start3A_398 : memref<128x32xf32, #tpu.memory_space<vmem>>) target(%dma_start3A_404 : memref<10240x32xf32, #tpu.memory_space<vmem_shared>>) offsets(%dma_start3A_401 : memref<128xi32, #tpu.memory_space<vmem>>) semaphore(%dma_start3A_406 : memref<!tpu.dma_semaphore, #tpu.memory_space<semaphore_mem>>) {add = true}
      %dma_wait3A_407 = arith.constant 0 : i32
      %dma_wait3A_408 = arith.constant 7 : i32
      %dma_wait3A_409 = arith.constant 7 : i32
      %dma_wait3A_410 = arith.constant 0 : i32
      %dma_wait3A_411 = arith.constant 0 : i32
      %dma_wait3A_412 = tpu.memref_slice %arg6[%dma_wait3A_408, %dma_wait3A_410, %dma_wait3A_411] : memref<8x128x32xf32, #tpu.memory_space<vmem>> -> memref<1x128x32xf32, #tpu.memory_space<vmem>>
      %dma_wait3A_413 = tpu.memref_squeeze %dma_wait3A_412 : memref<1x128x32xf32, #tpu.memory_space<vmem>> -> memref<128x32xf32, #tpu.memory_space<vmem>>
      %dma_wait3A_414 = arith.constant 0 : i32
      %dma_wait3A_415 = tpu.memref_slice %arg5[%add3A_154, %dma_wait3A_407, %dma_wait3A_414] : memref<80x2x128xi32, #tpu.memory_space<vmem>> -> memref<1x1x128xi32, #tpu.memory_space<vmem>>
      %dma_wait3A_416 = tpu.memref_squeeze %dma_wait3A_415 : memref<1x1x128xi32, #tpu.memory_space<vmem>> -> memref<128xi32, #tpu.memory_space<vmem>>
      %dma_wait3A_417 = arith.constant 0 : i32
      %dma_wait3A_418 = arith.constant 0 : i32
      %dma_wait3A_419 = tpu.memref_slice %arg2[%dma_wait3A_417, %dma_wait3A_418] : memref<10240x32xf32, #tpu.memory_space<hbm>> -> memref<10240x32xf32, #tpu.memory_space<hbm>>
      %dma_wait3A_420 = tpu.memref_slice %arg7[%dma_wait3A_409] : memref<8x!tpu.dma_semaphore, #tpu.memory_space<semaphore_mem>> -> memref<1x!tpu.dma_semaphore, #tpu.memory_space<semaphore_mem>>
      %dma_wait3A_421 = tpu.memref_squeeze %dma_wait3A_420 : memref<1x!tpu.dma_semaphore, #tpu.memory_space<semaphore_mem>> -> memref<!tpu.dma_semaphore, #tpu.memory_space<semaphore_mem>>
      tpu.wait_indirect_dma semaphore(%dma_wait3A_421 : memref<!tpu.dma_semaphore, #tpu.memory_space<semaphore_mem>>) src(%dma_wait3A_419 : memref<10240x32xf32, #tpu.memory_space<hbm>>) dst(%dma_wait3A_413 : memref<128x32xf32, #tpu.memory_space<vmem>>)
      %mul3A_422 = arith.constant 8 : i32
      %mul3A_423 = arith.muli %scan3A_18, %mul3A_422 : i32
      %add3A_424 = arith.constant 7 : i32
      %add3A_425 = arith.addi %mul3A_423, %add3A_424 : i32
      %dma_start3A_426 = arith.constant 7 : i32
      %dma_start3A_427 = arith.constant 1 : i32
      %dma_start3A_428 = arith.constant 7 : i32
      %dma_start3A_429 = arith.constant 0 : i32
      %dma_start3A_430 = arith.constant 0 : i32
      %dma_start3A_431 = tpu.memref_slice %arg6[%dma_start3A_426, %dma_start3A_429, %dma_start3A_430] : memref<8x128x32xf32, #tpu.memory_space<vmem>> -> memref<1x128x32xf32, #tpu.memory_space<vmem>>
      %dma_start3A_432 = tpu.memref_squeeze %dma_start3A_431 : memref<1x128x32xf32, #tpu.memory_space<vmem>> -> memref<128x32xf32, #tpu.memory_space<vmem>>
      %dma_start3A_433 = arith.constant 0 : i32
      %dma_start3A_434 = tpu.memref_slice %arg5[%add3A_425, %dma_start3A_427, %dma_start3A_433] : memref<80x2x128xi32, #tpu.memory_space<vmem>> -> memref<1x1x128xi32, #tpu.memory_space<vmem>>
      %dma_start3A_435 = tpu.memref_squeeze %dma_start3A_434 : memref<1x1x128xi32, #tpu.memory_space<vmem>> -> memref<128xi32, #tpu.memory_space<vmem>>
      %dma_start3A_436 = arith.constant 0 : i32
      %dma_start3A_437 = arith.constant 0 : i32
      %dma_start3A_438 = tpu.memref_slice %arg9[%dma_start3A_436, %dma_start3A_437] : memref<10240x32xf32, #tpu.memory_space<vmem_shared>> -> memref<10240x32xf32, #tpu.memory_space<vmem_shared>>
      %dma_start3A_439 = tpu.memref_slice %arg8[%dma_start3A_428] : memref<8x!tpu.dma_semaphore, #tpu.memory_space<semaphore_mem>> -> memref<1x!tpu.dma_semaphore, #tpu.memory_space<semaphore_mem>>
      %dma_start3A_440 = tpu.memref_squeeze %dma_start3A_439 : memref<1x!tpu.dma_semaphore, #tpu.memory_space<semaphore_mem>> -> memref<!tpu.dma_semaphore, #tpu.memory_space<semaphore_mem>>
      tpu.enqueue_indirect_dma source(%dma_start3A_432 : memref<128x32xf32, #tpu.memory_space<vmem>>) target(%dma_start3A_438 : memref<10240x32xf32, #tpu.memory_space<vmem_shared>>) offsets(%dma_start3A_435 : memref<128xi32, #tpu.memory_space<vmem>>) semaphore(%dma_start3A_440 : memref<!tpu.dma_semaphore, #tpu.memory_space<semaphore_mem>>) {add = true}
      %dma_wait3A_441 = arith.constant 0 : i32
      %dma_wait3A_442 = arith.constant 1 : i32
      %dma_wait3A_443 = arith.constant 0 : i32
      %dma_wait3A_444 = arith.constant 0 : i32
      %dma_wait3A_445 = arith.constant 0 : i32
      %dma_wait3A_446 = tpu.memref_slice %arg6[%dma_wait3A_441, %dma_wait3A_444, %dma_wait3A_445] : memref<8x128x32xf32, #tpu.memory_space<vmem>> -> memref<1x128x32xf32, #tpu.memory_space<vmem>>
      %dma_wait3A_447 = tpu.memref_squeeze %dma_wait3A_446 : memref<1x128x32xf32, #tpu.memory_space<vmem>> -> memref<128x32xf32, #tpu.memory_space<vmem>>
      %dma_wait3A_448 = arith.constant 0 : i32
      %dma_wait3A_449 = tpu.memref_slice %arg5[%add3A_187, %dma_wait3A_442, %dma_wait3A_448] : memref<80x2x128xi32, #tpu.memory_space<vmem>> -> memref<1x1x128xi32, #tpu.memory_space<vmem>>
      %dma_wait3A_450 = tpu.memref_squeeze %dma_wait3A_449 : memref<1x1x128xi32, #tpu.memory_space<vmem>> -> memref<128xi32, #tpu.memory_space<vmem>>
      %dma_wait3A_451 = arith.constant 0 : i32
      %dma_wait3A_452 = arith.constant 0 : i32
      %dma_wait3A_453 = tpu.memref_slice %arg9[%dma_wait3A_451, %dma_wait3A_452] : memref<10240x32xf32, #tpu.memory_space<vmem_shared>> -> memref<10240x32xf32, #tpu.memory_space<vmem_shared>>
      %dma_wait3A_454 = tpu.memref_slice %arg8[%dma_wait3A_443] : memref<8x!tpu.dma_semaphore, #tpu.memory_space<semaphore_mem>> -> memref<1x!tpu.dma_semaphore, #tpu.memory_space<semaphore_mem>>
      %dma_wait3A_455 = tpu.memref_squeeze %dma_wait3A_454 : memref<1x!tpu.dma_semaphore, #tpu.memory_space<semaphore_mem>> -> memref<!tpu.dma_semaphore, #tpu.memory_space<semaphore_mem>>
      tpu.wait_indirect_dma semaphore(%dma_wait3A_455 : memref<!tpu.dma_semaphore, #tpu.memory_space<semaphore_mem>>) src(%dma_wait3A_447 : memref<128x32xf32, #tpu.memory_space<vmem>>) dst(%dma_wait3A_453 : memref<10240x32xf32, #tpu.memory_space<vmem_shared>>)
      %dma_wait3A_456 = arith.constant 1 : i32
      %dma_wait3A_457 = arith.constant 1 : i32
      %dma_wait3A_458 = arith.constant 1 : i32
      %dma_wait3A_459 = arith.constant 0 : i32
      %dma_wait3A_460 = arith.constant 0 : i32
      %dma_wait3A_461 = tpu.memref_slice %arg6[%dma_wait3A_456, %dma_wait3A_459, %dma_wait3A_460] : memref<8x128x32xf32, #tpu.memory_space<vmem>> -> memref<1x128x32xf32, #tpu.memory_space<vmem>>
      %dma_wait3A_462 = tpu.memref_squeeze %dma_wait3A_461 : memref<1x128x32xf32, #tpu.memory_space<vmem>> -> memref<128x32xf32, #tpu.memory_space<vmem>>
      %dma_wait3A_463 = arith.constant 0 : i32
      %dma_wait3A_464 = tpu.memref_slice %arg5[%add3A_221, %dma_wait3A_457, %dma_wait3A_463] : memref<80x2x128xi32, #tpu.memory_space<vmem>> -> memref<1x1x128xi32, #tpu.memory_space<vmem>>
      %dma_wait3A_465 = tpu.memref_squeeze %dma_wait3A_464 : memref<1x1x128xi32, #tpu.memory_space<vmem>> -> memref<128xi32, #tpu.memory_space<vmem>>
      %dma_wait3A_466 = arith.constant 0 : i32
      %dma_wait3A_467 = arith.constant 0 : i32
      %dma_wait3A_468 = tpu.memref_slice %arg9[%dma_wait3A_466, %dma_wait3A_467] : memref<10240x32xf32, #tpu.memory_space<vmem_shared>> -> memref<10240x32xf32, #tpu.memory_space<vmem_shared>>
      %dma_wait3A_469 = tpu.memref_slice %arg8[%dma_wait3A_458] : memref<8x!tpu.dma_semaphore, #tpu.memory_space<semaphore_mem>> -> memref<1x!tpu.dma_semaphore, #tpu.memory_space<semaphore_mem>>
      %dma_wait3A_470 = tpu.memref_squeeze %dma_wait3A_469 : memref<1x!tpu.dma_semaphore, #tpu.memory_space<semaphore_mem>> -> memref<!tpu.dma_semaphore, #tpu.memory_space<semaphore_mem>>
      tpu.wait_indirect_dma semaphore(%dma_wait3A_470 : memref<!tpu.dma_semaphore, #tpu.memory_space<semaphore_mem>>) src(%dma_wait3A_462 : memref<128x32xf32, #tpu.memory_space<vmem>>) dst(%dma_wait3A_468 : memref<10240x32xf32, #tpu.memory_space<vmem_shared>>)
      %dma_wait3A_471 = arith.constant 2 : i32
      %dma_wait3A_472 = arith.constant 1 : i32
      %dma_wait3A_473 = arith.constant 2 : i32
      %dma_wait3A_474 = arith.constant 0 : i32
      %dma_wait3A_475 = arith.constant 0 : i32
      %dma_wait3A_476 = tpu.memref_slice %arg6[%dma_wait3A_471, %dma_wait3A_474, %dma_wait3A_475] : memref<8x128x32xf32, #tpu.memory_space<vmem>> -> memref<1x128x32xf32, #tpu.memory_space<vmem>>
      %dma_wait3A_477 = tpu.memref_squeeze %dma_wait3A_476 : memref<1x128x32xf32, #tpu.memory_space<vmem>> -> memref<128x32xf32, #tpu.memory_space<vmem>>
      %dma_wait3A_478 = arith.constant 0 : i32
      %dma_wait3A_479 = tpu.memref_slice %arg5[%add3A_255, %dma_wait3A_472, %dma_wait3A_478] : memref<80x2x128xi32, #tpu.memory_space<vmem>> -> memref<1x1x128xi32, #tpu.memory_space<vmem>>
      %dma_wait3A_480 = tpu.memref_squeeze %dma_wait3A_479 : memref<1x1x128xi32, #tpu.memory_space<vmem>> -> memref<128xi32, #tpu.memory_space<vmem>>
      %dma_wait3A_481 = arith.constant 0 : i32
      %dma_wait3A_482 = arith.constant 0 : i32
      %dma_wait3A_483 = tpu.memref_slice %arg9[%dma_wait3A_481, %dma_wait3A_482] : memref<10240x32xf32, #tpu.memory_space<vmem_shared>> -> memref<10240x32xf32, #tpu.memory_space<vmem_shared>>
      %dma_wait3A_484 = tpu.memref_slice %arg8[%dma_wait3A_473] : memref<8x!tpu.dma_semaphore, #tpu.memory_space<semaphore_mem>> -> memref<1x!tpu.dma_semaphore, #tpu.memory_space<semaphore_mem>>
      %dma_wait3A_485 = tpu.memref_squeeze %dma_wait3A_484 : memref<1x!tpu.dma_semaphore, #tpu.memory_space<semaphore_mem>> -> memref<!tpu.dma_semaphore, #tpu.memory_space<semaphore_mem>>
      tpu.wait_indirect_dma semaphore(%dma_wait3A_485 : memref<!tpu.dma_semaphore, #tpu.memory_space<semaphore_mem>>) src(%dma_wait3A_477 : memref<128x32xf32, #tpu.memory_space<vmem>>) dst(%dma_wait3A_483 : memref<10240x32xf32, #tpu.memory_space<vmem_shared>>)
      %dma_wait3A_486 = arith.constant 3 : i32
      %dma_wait3A_487 = arith.constant 1 : i32
      %dma_wait3A_488 = arith.constant 3 : i32
      %dma_wait3A_489 = arith.constant 0 : i32
      %dma_wait3A_490 = arith.constant 0 : i32
      %dma_wait3A_491 = tpu.memref_slice %arg6[%dma_wait3A_486, %dma_wait3A_489, %dma_wait3A_490] : memref<8x128x32xf32, #tpu.memory_space<vmem>> -> memref<1x128x32xf32, #tpu.memory_space<vmem>>
      %dma_wait3A_492 = tpu.memref_squeeze %dma_wait3A_491 : memref<1x128x32xf32, #tpu.memory_space<vmem>> -> memref<128x32xf32, #tpu.memory_space<vmem>>
      %dma_wait3A_493 = arith.constant 0 : i32
      %dma_wait3A_494 = tpu.memref_slice %arg5[%add3A_289, %dma_wait3A_487, %dma_wait3A_493] : memref<80x2x128xi32, #tpu.memory_space<vmem>> -> memref<1x1x128xi32, #tpu.memory_space<vmem>>
      %dma_wait3A_495 = tpu.memref_squeeze %dma_wait3A_494 : memref<1x1x128xi32, #tpu.memory_space<vmem>> -> memref<128xi32, #tpu.memory_space<vmem>>
      %dma_wait3A_496 = arith.constant 0 : i32
      %dma_wait3A_497 = arith.constant 0 : i32
      %dma_wait3A_498 = tpu.memref_slice %arg9[%dma_wait3A_496, %dma_wait3A_497] : memref<10240x32xf32, #tpu.memory_space<vmem_shared>> -> memref<10240x32xf32, #tpu.memory_space<vmem_shared>>
      %dma_wait3A_499 = tpu.memref_slice %arg8[%dma_wait3A_488] : memref<8x!tpu.dma_semaphore, #tpu.memory_space<semaphore_mem>> -> memref<1x!tpu.dma_semaphore, #tpu.memory_space<semaphore_mem>>
      %dma_wait3A_500 = tpu.memref_squeeze %dma_wait3A_499 : memref<1x!tpu.dma_semaphore, #tpu.memory_space<semaphore_mem>> -> memref<!tpu.dma_semaphore, #tpu.memory_space<semaphore_mem>>
      tpu.wait_indirect_dma semaphore(%dma_wait3A_500 : memref<!tpu.dma_semaphore, #tpu.memory_space<semaphore_mem>>) src(%dma_wait3A_492 : memref<128x32xf32, #tpu.memory_space<vmem>>) dst(%dma_wait3A_498 : memref<10240x32xf32, #tpu.memory_space<vmem_shared>>)
      %dma_wait3A_501 = arith.constant 4 : i32
      %dma_wait3A_502 = arith.constant 1 : i32
      %dma_wait3A_503 = arith.constant 4 : i32
      %dma_wait3A_504 = arith.constant 0 : i32
      %dma_wait3A_505 = arith.constant 0 : i32
      %dma_wait3A_506 = tpu.memref_slice %arg6[%dma_wait3A_501, %dma_wait3A_504, %dma_wait3A_505] : memref<8x128x32xf32, #tpu.memory_space<vmem>> -> memref<1x128x32xf32, #tpu.memory_space<vmem>>
      %dma_wait3A_507 = tpu.memref_squeeze %dma_wait3A_506 : memref<1x128x32xf32, #tpu.memory_space<vmem>> -> memref<128x32xf32, #tpu.memory_space<vmem>>
      %dma_wait3A_508 = arith.constant 0 : i32
      %dma_wait3A_509 = tpu.memref_slice %arg5[%add3A_323, %dma_wait3A_502, %dma_wait3A_508] : memref<80x2x128xi32, #tpu.memory_space<vmem>> -> memref<1x1x128xi32, #tpu.memory_space<vmem>>
      %dma_wait3A_510 = tpu.memref_squeeze %dma_wait3A_509 : memref<1x1x128xi32, #tpu.memory_space<vmem>> -> memref<128xi32, #tpu.memory_space<vmem>>
      %dma_wait3A_511 = arith.constant 0 : i32
      %dma_wait3A_512 = arith.constant 0 : i32
      %dma_wait3A_513 = tpu.memref_slice %arg9[%dma_wait3A_511, %dma_wait3A_512] : memref<10240x32xf32, #tpu.memory_space<vmem_shared>> -> memref<10240x32xf32, #tpu.memory_space<vmem_shared>>
      %dma_wait3A_514 = tpu.memref_slice %arg8[%dma_wait3A_503] : memref<8x!tpu.dma_semaphore, #tpu.memory_space<semaphore_mem>> -> memref<1x!tpu.dma_semaphore, #tpu.memory_space<semaphore_mem>>
      %dma_wait3A_515 = tpu.memref_squeeze %dma_wait3A_514 : memref<1x!tpu.dma_semaphore, #tpu.memory_space<semaphore_mem>> -> memref<!tpu.dma_semaphore, #tpu.memory_space<semaphore_mem>>
      tpu.wait_indirect_dma semaphore(%dma_wait3A_515 : memref<!tpu.dma_semaphore, #tpu.memory_space<semaphore_mem>>) src(%dma_wait3A_507 : memref<128x32xf32, #tpu.memory_space<vmem>>) dst(%dma_wait3A_513 : memref<10240x32xf32, #tpu.memory_space<vmem_shared>>)
      %dma_wait3A_516 = arith.constant 5 : i32
      %dma_wait3A_517 = arith.constant 1 : i32
      %dma_wait3A_518 = arith.constant 5 : i32
      %dma_wait3A_519 = arith.constant 0 : i32
      %dma_wait3A_520 = arith.constant 0 : i32
      %dma_wait3A_521 = tpu.memref_slice %arg6[%dma_wait3A_516, %dma_wait3A_519, %dma_wait3A_520] : memref<8x128x32xf32, #tpu.memory_space<vmem>> -> memref<1x128x32xf32, #tpu.memory_space<vmem>>
      %dma_wait3A_522 = tpu.memref_squeeze %dma_wait3A_521 : memref<1x128x32xf32, #tpu.memory_space<vmem>> -> memref<128x32xf32, #tpu.memory_space<vmem>>
      %dma_wait3A_523 = arith.constant 0 : i32
      %dma_wait3A_524 = tpu.memref_slice %arg5[%add3A_357, %dma_wait3A_517, %dma_wait3A_523] : memref<80x2x128xi32, #tpu.memory_space<vmem>> -> memref<1x1x128xi32, #tpu.memory_space<vmem>>
      %dma_wait3A_525 = tpu.memref_squeeze %dma_wait3A_524 : memref<1x1x128xi32, #tpu.memory_space<vmem>> -> memref<128xi32, #tpu.memory_space<vmem>>
      %dma_wait3A_526 = arith.constant 0 : i32
      %dma_wait3A_527 = arith.constant 0 : i32
      %dma_wait3A_528 = tpu.memref_slice %arg9[%dma_wait3A_526, %dma_wait3A_527] : memref<10240x32xf32, #tpu.memory_space<vmem_shared>> -> memref<10240x32xf32, #tpu.memory_space<vmem_shared>>
      %dma_wait3A_529 = tpu.memref_slice %arg8[%dma_wait3A_518] : memref<8x!tpu.dma_semaphore, #tpu.memory_space<semaphore_mem>> -> memref<1x!tpu.dma_semaphore, #tpu.memory_space<semaphore_mem>>
      %dma_wait3A_530 = tpu.memref_squeeze %dma_wait3A_529 : memref<1x!tpu.dma_semaphore, #tpu.memory_space<semaphore_mem>> -> memref<!tpu.dma_semaphore, #tpu.memory_space<semaphore_mem>>
      tpu.wait_indirect_dma semaphore(%dma_wait3A_530 : memref<!tpu.dma_semaphore, #tpu.memory_space<semaphore_mem>>) src(%dma_wait3A_522 : memref<128x32xf32, #tpu.memory_space<vmem>>) dst(%dma_wait3A_528 : memref<10240x32xf32, #tpu.memory_space<vmem_shared>>)
      %dma_wait3A_531 = arith.constant 6 : i32
      %dma_wait3A_532 = arith.constant 1 : i32
      %dma_wait3A_533 = arith.constant 6 : i32
      %dma_wait3A_534 = arith.constant 0 : i32
      %dma_wait3A_535 = arith.constant 0 : i32
      %dma_wait3A_536 = tpu.memref_slice %arg6[%dma_wait3A_531, %dma_wait3A_534, %dma_wait3A_535] : memref<8x128x32xf32, #tpu.memory_space<vmem>> -> memref<1x128x32xf32, #tpu.memory_space<vmem>>
      %dma_wait3A_537 = tpu.memref_squeeze %dma_wait3A_536 : memref<1x128x32xf32, #tpu.memory_space<vmem>> -> memref<128x32xf32, #tpu.memory_space<vmem>>
      %dma_wait3A_538 = arith.constant 0 : i32
      %dma_wait3A_539 = tpu.memref_slice %arg5[%add3A_391, %dma_wait3A_532, %dma_wait3A_538] : memref<80x2x128xi32, #tpu.memory_space<vmem>> -> memref<1x1x128xi32, #tpu.memory_space<vmem>>
      %dma_wait3A_540 = tpu.memref_squeeze %dma_wait3A_539 : memref<1x1x128xi32, #tpu.memory_space<vmem>> -> memref<128xi32, #tpu.memory_space<vmem>>
      %dma_wait3A_541 = arith.constant 0 : i32
      %dma_wait3A_542 = arith.constant 0 : i32
      %dma_wait3A_543 = tpu.memref_slice %arg9[%dma_wait3A_541, %dma_wait3A_542] : memref<10240x32xf32, #tpu.memory_space<vmem_shared>> -> memref<10240x32xf32, #tpu.memory_space<vmem_shared>>
      %dma_wait3A_544 = tpu.memref_slice %arg8[%dma_wait3A_533] : memref<8x!tpu.dma_semaphore, #tpu.memory_space<semaphore_mem>> -> memref<1x!tpu.dma_semaphore, #tpu.memory_space<semaphore_mem>>
      %dma_wait3A_545 = tpu.memref_squeeze %dma_wait3A_544 : memref<1x!tpu.dma_semaphore, #tpu.memory_space<semaphore_mem>> -> memref<!tpu.dma_semaphore, #tpu.memory_space<semaphore_mem>>
      tpu.wait_indirect_dma semaphore(%dma_wait3A_545 : memref<!tpu.dma_semaphore, #tpu.memory_space<semaphore_mem>>) src(%dma_wait3A_537 : memref<128x32xf32, #tpu.memory_space<vmem>>) dst(%dma_wait3A_543 : memref<10240x32xf32, #tpu.memory_space<vmem_shared>>)
      %dma_wait3A_546 = arith.constant 7 : i32
      %dma_wait3A_547 = arith.constant 1 : i32
      %dma_wait3A_548 = arith.constant 7 : i32
      %dma_wait3A_549 = arith.constant 0 : i32
      %dma_wait3A_550 = arith.constant 0 : i32
      %dma_wait3A_551 = tpu.memref_slice %arg6[%dma_wait3A_546, %dma_wait3A_549, %dma_wait3A_550] : memref<8x128x32xf32, #tpu.memory_space<vmem>> -> memref<1x128x32xf32, #tpu.memory_space<vmem>>
      %dma_wait3A_552 = tpu.memref_squeeze %dma_wait3A_551 : memref<1x128x32xf32, #tpu.memory_space<vmem>> -> memref<128x32xf32, #tpu.memory_space<vmem>>
      %dma_wait3A_553 = arith.constant 0 : i32
      %dma_wait3A_554 = tpu.memref_slice %arg5[%add3A_425, %dma_wait3A_547, %dma_wait3A_553] : memref<80x2x128xi32, #tpu.memory_space<vmem>> -> memref<1x1x128xi32, #tpu.memory_space<vmem>>
      %dma_wait3A_555 = tpu.memref_squeeze %dma_wait3A_554 : memref<1x1x128xi32, #tpu.memory_space<vmem>> -> memref<128xi32, #tpu.memory_space<vmem>>
      %dma_wait3A_556 = arith.constant 0 : i32
      %dma_wait3A_557 = arith.constant 0 : i32
      %dma_wait3A_558 = tpu.memref_slice %arg9[%dma_wait3A_556, %dma_wait3A_557] : memref<10240x32xf32, #tpu.memory_space<vmem_shared>> -> memref<10240x32xf32, #tpu.memory_space<vmem_shared>>
      %dma_wait3A_559 = tpu.memref_slice %arg8[%dma_wait3A_548] : memref<8x!tpu.dma_semaphore, #tpu.memory_space<semaphore_mem>> -> memref<1x!tpu.dma_semaphore, #tpu.memory_space<semaphore_mem>>
      %dma_wait3A_560 = tpu.memref_squeeze %dma_wait3A_559 : memref<1x!tpu.dma_semaphore, #tpu.memory_space<semaphore_mem>> -> memref<!tpu.dma_semaphore, #tpu.memory_space<semaphore_mem>>
      tpu.wait_indirect_dma semaphore(%dma_wait3A_560 : memref<!tpu.dma_semaphore, #tpu.memory_space<semaphore_mem>>) src(%dma_wait3A_552 : memref<128x32xf32, #tpu.memory_space<vmem>>) dst(%dma_wait3A_558 : memref<10240x32xf32, #tpu.memory_space<vmem_shared>>)
    }
    %scan3A_16 = arith.constant 10 : i32
    %barrier3A_17 = arith.constant 0 : index
    tpu.barrier barrier_id(%barrier3A_17)
    "tpu.region"() ({
      %run_scoped3A = tpu.sem_alloc : memref<!tpu.dma_semaphore, #tpu.memory_space<semaphore_mem>>
      %dma_start3A = arith.constant 0 : i32
      %dma_start3A_18 = tpu.memref_slice %arg4[%arg0, %mul3A_2, %dma_start3A] : memref<2x10240x32xf32, #tpu.memory_space<hbm>> -> memref<1x640x32xf32, #tpu.memory_space<hbm>>
      %dma_start3A_19 = tpu.memref_squeeze %dma_start3A_18 : memref<1x640x32xf32, #tpu.memory_space<hbm>> -> memref<640x32xf32, #tpu.memory_space<hbm>>
      %dma_start3A_20 = arith.constant 0 : i32
      %dma_start3A_21 = tpu.memref_slice %arg9[%mul3A_2, %dma_start3A_20] : memref<10240x32xf32, #tpu.memory_space<vmem_shared>> -> memref<640x32xf32, #tpu.memory_space<vmem_shared>>
      tpu.enqueue_dma source(%dma_start3A_21 : memref<640x32xf32, #tpu.memory_space<vmem_shared>>) target(%dma_start3A_19 : memref<640x32xf32, #tpu.memory_space<hbm>>) target_semaphore(%run_scoped3A : memref<!tpu.dma_semaphore, #tpu.memory_space<semaphore_mem>>)
      %dma_wait3A = arith.constant 0 : i32
      %dma_wait3A_22 = tpu.memref_slice %arg4[%arg0, %mul3A_2, %dma_wait3A] : memref<2x10240x32xf32, #tpu.memory_space<hbm>> -> memref<1x640x32xf32, #tpu.memory_space<hbm>>
      %dma_wait3A_23 = tpu.memref_squeeze %dma_wait3A_22 : memref<1x640x32xf32, #tpu.memory_space<hbm>> -> memref<640x32xf32, #tpu.memory_space<hbm>>
      %dma_wait3A_24 = arith.constant 0 : i32
      %dma_wait3A_25 = tpu.memref_slice %arg9[%mul3A_2, %dma_wait3A_24] : memref<10240x32xf32, #tpu.memory_space<vmem_shared>> -> memref<640x32xf32, #tpu.memory_space<vmem_shared>>
      tpu.wait_dma2 semaphore(%run_scoped3A : memref<!tpu.dma_semaphore, #tpu.memory_space<semaphore_mem>>) src(%dma_wait3A_25 : memref<640x32xf32, #tpu.memory_space<vmem_shared>>) dst(%dma_wait3A_23 : memref<640x32xf32, #tpu.memory_space<hbm>>)
      tpu.yield
    }) : () -> ()
    return
  }
}

#map = affine_map<(d0, d1) -> (0, 0)>
#map1 = affine_map<(d0, d1) -> (0, 0, 0)>
module attributes {stable_mosaic.version = 14 : i64} {
  func.func @_agg_body(%arg0: i32, %arg1: i32, %arg2: memref<10240x64xf32, #tpu.memory_space<hbm>>, %arg3: memref<2560x2x128xi32, #tpu.memory_space<hbm>>, %arg4: memref<2x10240x64xf32, #tpu.memory_space<hbm>>, %arg5: memref<80x2x128xi32, #tpu.memory_space<vmem>>, %arg6: memref<8x128x64xf32, #tpu.memory_space<vmem>>, %arg7: memref<8x!tpu.dma_semaphore, #tpu.memory_space<semaphore_mem>>, %arg8: memref<8x!tpu.dma_semaphore, #tpu.memory_space<semaphore_mem>>, %arg9: memref<10240x64xf32, #tpu.memory_space<vmem_shared>>) attributes {dimension_semantics = [#tpu.dimension_semantics<core_parallel>, #tpu.dimension_semantics<subcore_parallel>], iteration_bounds = array<i64: 2, 16>, scalar_prefetch = 0 : i64, scratch_operands = 5 : i64, tpu.core_type = #tpu.core_type<sc_vector_subcore>, window_params = [{transform_indices = #map}, {transform_indices = #map1}, {transform_indices = #map1}]} {
    %mul3A = arith.constant 2 : i32
    %mul3A_0 = arith.muli %arg1, %mul3A : i32
    %add3A = arith.addi %mul3A_0, %arg0 : i32
    %mul3A_1 = arith.constant 640 : i32
    %mul3A_2 = arith.muli %arg1, %mul3A_1 : i32
    %mul3A_3 = arith.constant 80 : i32
    %mul3A_4 = arith.muli %add3A, %mul3A_3 : i32
    "tpu.region"() ({
      %run_scoped3A = tpu.sem_alloc : memref<!tpu.dma_semaphore, #tpu.memory_space<semaphore_mem>>
      %dma_start3A = arith.constant 0 : i32
      %dma_start3A_18 = arith.constant 0 : i32
      %dma_start3A_19 = tpu.memref_slice %arg3[%mul3A_4, %dma_start3A, %dma_start3A_18] : memref<2560x2x128xi32, #tpu.memory_space<hbm>> -> memref<80x2x128xi32, #tpu.memory_space<hbm>>
      %dma_start3A_20 = arith.constant 0 : i32
      %dma_start3A_21 = arith.constant 0 : i32
      %dma_start3A_22 = tpu.memref_slice %arg3[%mul3A_4, %dma_start3A_20, %dma_start3A_21] : memref<2560x2x128xi32, #tpu.memory_space<hbm>> -> memref<80x2x128xi32, #tpu.memory_space<hbm>>
      tpu.enqueue_dma source(%dma_start3A_22 : memref<80x2x128xi32, #tpu.memory_space<hbm>>) target(%arg5 : memref<80x2x128xi32, #tpu.memory_space<vmem>>) target_semaphore(%run_scoped3A : memref<!tpu.dma_semaphore, #tpu.memory_space<semaphore_mem>>)
      %dma_wait3A = arith.constant 0 : i32
      %dma_wait3A_23 = arith.constant 0 : i32
      %dma_wait3A_24 = tpu.memref_slice %arg3[%mul3A_4, %dma_wait3A, %dma_wait3A_23] : memref<2560x2x128xi32, #tpu.memory_space<hbm>> -> memref<80x2x128xi32, #tpu.memory_space<hbm>>
      %dma_wait3A_25 = arith.constant 0 : i32
      %dma_wait3A_26 = arith.constant 0 : i32
      %dma_wait3A_27 = tpu.memref_slice %arg3[%mul3A_4, %dma_wait3A_25, %dma_wait3A_26] : memref<2560x2x128xi32, #tpu.memory_space<hbm>> -> memref<80x2x128xi32, #tpu.memory_space<hbm>>
      tpu.wait_dma2 semaphore(%run_scoped3A : memref<!tpu.dma_semaphore, #tpu.memory_space<semaphore_mem>>) src(%dma_wait3A_27 : memref<80x2x128xi32, #tpu.memory_space<hbm>>) dst(%arg5 : memref<80x2x128xi32, #tpu.memory_space<vmem>>)
      tpu.yield
    }) : () -> ()
    %eq3A = arith.constant 0 : i32
    %eq3A_5 = arith.cmpi eq, %arg0, %eq3A : i32
    %convert_element_type3A = arith.extui %eq3A_5 : i1 to i32
    %cond3A = arith.constant 0 : i32
    %cond3A_6 = arith.cmpi ne, %convert_element_type3A, %cond3A : i32
    scf.if %cond3A_6 {
      "tpu.region"() ({
        %run_scoped3A = tpu.sem_alloc : memref<!tpu.dma_semaphore, #tpu.memory_space<semaphore_mem>>
        %dma_start3A = arith.constant 0 : i32
        %dma_start3A_18 = tpu.memref_slice %arg9[%mul3A_2, %dma_start3A] : memref<10240x64xf32, #tpu.memory_space<vmem_shared>> -> memref<640x64xf32, #tpu.memory_space<vmem_shared>>
        %dma_start3A_19 = arith.constant 0 : i32
        %dma_start3A_20 = tpu.memref_slice %arg2[%mul3A_2, %dma_start3A_19] : memref<10240x64xf32, #tpu.memory_space<hbm>> -> memref<640x64xf32, #tpu.memory_space<hbm>>
        tpu.enqueue_dma source(%dma_start3A_20 : memref<640x64xf32, #tpu.memory_space<hbm>>) target(%dma_start3A_18 : memref<640x64xf32, #tpu.memory_space<vmem_shared>>) target_semaphore(%run_scoped3A : memref<!tpu.dma_semaphore, #tpu.memory_space<semaphore_mem>>)
        %dma_wait3A = arith.constant 0 : i32
        %dma_wait3A_21 = tpu.memref_slice %arg9[%mul3A_2, %dma_wait3A] : memref<10240x64xf32, #tpu.memory_space<vmem_shared>> -> memref<640x64xf32, #tpu.memory_space<vmem_shared>>
        %dma_wait3A_22 = arith.constant 0 : i32
        %dma_wait3A_23 = tpu.memref_slice %arg2[%mul3A_2, %dma_wait3A_22] : memref<10240x64xf32, #tpu.memory_space<hbm>> -> memref<640x64xf32, #tpu.memory_space<hbm>>
        tpu.wait_dma2 semaphore(%run_scoped3A : memref<!tpu.dma_semaphore, #tpu.memory_space<semaphore_mem>>) src(%dma_wait3A_23 : memref<640x64xf32, #tpu.memory_space<hbm>>) dst(%dma_wait3A_21 : memref<640x64xf32, #tpu.memory_space<vmem_shared>>)
        tpu.yield
      }) : () -> ()
    } else {
    }
    %eq3A_7 = arith.constant 1 : i32
    %eq3A_8 = arith.cmpi eq, %arg0, %eq3A_7 : i32
    %convert_element_type3A_9 = arith.extui %eq3A_8 : i1 to i32
    %cond3A_10 = arith.constant 0 : i32
    %cond3A_11 = arith.cmpi ne, %convert_element_type3A_9, %cond3A_10 : i32
    scf.if %cond3A_11 {
      %scan3A_18 = arith.constant 0 : i32
      %scan3A_19 = arith.constant 0 : i32
      %scan3A_20 = arith.constant 128 : i32
      %scan3A_21 = arith.addi %scan3A_19, %scan3A_20 : i32
      %scan3A_22 = arith.constant 1 : i32
      scf.for %scan3A_48 = %scan3A_19 to %scan3A_21 step %scan3A_22  : i32 {
        %broadcast_in_dim3A = arith.constant 0.000000e+00 : f32
        %broadcast_in_dim3A_49 = vector.broadcast %broadcast_in_dim3A : f32 to vector<16xf32>
        %swap3A = arith.constant 0 : i32
        %swap3A_50 = arith.index_cast %swap3A : i32 to index
        %swap3A_51 = arith.index_cast %scan3A_48 : i32 to index
        %swap3A_52 = arith.constant 0 : index
        %swap3A_53 = tpu.vector_load %arg6[%swap3A_50, %swap3A_51, %swap3A_52] {strides = array<i32>} : memref<8x128x64xf32, #tpu.memory_space<vmem>>, vector<1x1x16xf32>,
        %swap3A_54 = vector.shape_cast %swap3A_53 : vector<1x1x16xf32> to vector<16xf32>
        %swap3A_55 = vector.shape_cast %broadcast_in_dim3A_49 : vector<16xf32> to vector<1x1x16xf32>
        tpu.vector_store %arg6[%swap3A_50, %swap3A_51, %swap3A_52], %swap3A_55 {strides = array<i32>} : memref<8x128x64xf32, #tpu.memory_space<vmem>>, vector<1x1x16xf32>,
        %broadcast_in_dim3A_56 = arith.constant 0.000000e+00 : f32
        %broadcast_in_dim3A_57 = vector.broadcast %broadcast_in_dim3A_56 : f32 to vector<16xf32>
        %swap3A_58 = arith.constant 0 : i32
        %swap3A_59 = arith.index_cast %swap3A_58 : i32 to index
        %swap3A_60 = arith.index_cast %scan3A_48 : i32 to index
        %swap3A_61 = arith.constant 16 : index
        %swap3A_62 = tpu.vector_load %arg6[%swap3A_59, %swap3A_60, %swap3A_61] {strides = array<i32>} : memref<8x128x64xf32, #tpu.memory_space<vmem>>, vector<1x1x16xf32>,
        %swap3A_63 = vector.shape_cast %swap3A_62 : vector<1x1x16xf32> to vector<16xf32>
        %swap3A_64 = vector.shape_cast %broadcast_in_dim3A_57 : vector<16xf32> to vector<1x1x16xf32>
        tpu.vector_store %arg6[%swap3A_59, %swap3A_60, %swap3A_61], %swap3A_64 {strides = array<i32>} : memref<8x128x64xf32, #tpu.memory_space<vmem>>, vector<1x1x16xf32>,
        %broadcast_in_dim3A_65 = arith.constant 0.000000e+00 : f32
        %broadcast_in_dim3A_66 = vector.broadcast %broadcast_in_dim3A_65 : f32 to vector<16xf32>
        %swap3A_67 = arith.constant 0 : i32
        %swap3A_68 = arith.index_cast %swap3A_67 : i32 to index
        %swap3A_69 = arith.index_cast %scan3A_48 : i32 to index
        %swap3A_70 = arith.constant 32 : index
        %swap3A_71 = tpu.vector_load %arg6[%swap3A_68, %swap3A_69, %swap3A_70] {strides = array<i32>} : memref<8x128x64xf32, #tpu.memory_space<vmem>>, vector<1x1x16xf32>,
        %swap3A_72 = vector.shape_cast %swap3A_71 : vector<1x1x16xf32> to vector<16xf32>
        %swap3A_73 = vector.shape_cast %broadcast_in_dim3A_66 : vector<16xf32> to vector<1x1x16xf32>
        tpu.vector_store %arg6[%swap3A_68, %swap3A_69, %swap3A_70], %swap3A_73 {strides = array<i32>} : memref<8x128x64xf32, #tpu.memory_space<vmem>>, vector<1x1x16xf32>,
        %broadcast_in_dim3A_74 = arith.constant 0.000000e+00 : f32
        %broadcast_in_dim3A_75 = vector.broadcast %broadcast_in_dim3A_74 : f32 to vector<16xf32>
        %swap3A_76 = arith.constant 0 : i32
        %swap3A_77 = arith.index_cast %swap3A_76 : i32 to index
        %swap3A_78 = arith.index_cast %scan3A_48 : i32 to index
        %swap3A_79 = arith.constant 48 : index
        %swap3A_80 = tpu.vector_load %arg6[%swap3A_77, %swap3A_78, %swap3A_79] {strides = array<i32>} : memref<8x128x64xf32, #tpu.memory_space<vmem>>, vector<1x1x16xf32>,
        %swap3A_81 = vector.shape_cast %swap3A_80 : vector<1x1x16xf32> to vector<16xf32>
        %swap3A_82 = vector.shape_cast %broadcast_in_dim3A_75 : vector<16xf32> to vector<1x1x16xf32>
        tpu.vector_store %arg6[%swap3A_77, %swap3A_78, %swap3A_79], %swap3A_82 {strides = array<i32>} : memref<8x128x64xf32, #tpu.memory_space<vmem>>, vector<1x1x16xf32>,
      }
      %scan3A_23 = arith.constant 128 : i32
      %mul3A_24 = arith.constant 640 : i32
      %mul3A_25 = arith.muli %arg1, %mul3A_24 : i32
      %add3A_26 = arith.constant 0 : i32
      %add3A_27 = arith.addi %mul3A_25, %add3A_26 : i32
      %run_scoped3A = arith.constant 0 : i32
      "tpu.region"() ({
        %run_scoped3A_48 = tpu.sem_alloc : memref<!tpu.dma_semaphore, #tpu.memory_space<semaphore_mem>>
        %dma_start3A = arith.constant 0 : i32
        %dma_start3A_49 = arith.constant 0 : i32
        %dma_start3A_50 = tpu.memref_slice %arg6[%run_scoped3A, %dma_start3A, %dma_start3A_49] : memref<8x128x64xf32, #tpu.memory_space<vmem>> -> memref<1x128x64xf32, #tpu.memory_space<vmem>>
        %dma_start3A_51 = tpu.memref_squeeze %dma_start3A_50 : memref<1x128x64xf32, #tpu.memory_space<vmem>> -> memref<128x64xf32, #tpu.memory_space<vmem>>
        %dma_start3A_52 = arith.constant 0 : i32
        %dma_start3A_53 = tpu.memref_slice %arg9[%add3A_27, %dma_start3A_52] : memref<10240x64xf32, #tpu.memory_space<vmem_shared>> -> memref<128x64xf32, #tpu.memory_space<vmem_shared>>
        %dma_start3A_54 = arith.constant 0 : i32
        %dma_start3A_55 = tpu.memref_slice %arg9[%add3A_27, %dma_start3A_54] : memref<10240x64xf32, #tpu.memory_space<vmem_shared>> -> memref<128x64xf32, #tpu.memory_space<vmem_shared>>
        %dma_start3A_56 = arith.constant 0 : i32
        %dma_start3A_57 = arith.constant 0 : i32
        %dma_start3A_58 = tpu.memref_slice %arg6[%run_scoped3A, %dma_start3A_56, %dma_start3A_57] : memref<8x128x64xf32, #tpu.memory_space<vmem>> -> memref<1x128x64xf32, #tpu.memory_space<vmem>>
        %dma_start3A_59 = tpu.memref_squeeze %dma_start3A_58 : memref<1x128x64xf32, #tpu.memory_space<vmem>> -> memref<128x64xf32, #tpu.memory_space<vmem>>
        tpu.enqueue_dma source(%dma_start3A_59 : memref<128x64xf32, #tpu.memory_space<vmem>>) target(%dma_start3A_55 : memref<128x64xf32, #tpu.memory_space<vmem_shared>>) target_semaphore(%run_scoped3A_48 : memref<!tpu.dma_semaphore, #tpu.memory_space<semaphore_mem>>)
        %dma_wait3A = arith.constant 0 : i32
        %dma_wait3A_60 = arith.constant 0 : i32
        %dma_wait3A_61 = tpu.memref_slice %arg6[%run_scoped3A, %dma_wait3A, %dma_wait3A_60] : memref<8x128x64xf32, #tpu.memory_space<vmem>> -> memref<1x128x64xf32, #tpu.memory_space<vmem>>
        %dma_wait3A_62 = tpu.memref_squeeze %dma_wait3A_61 : memref<1x128x64xf32, #tpu.memory_space<vmem>> -> memref<128x64xf32, #tpu.memory_space<vmem>>
        %dma_wait3A_63 = arith.constant 0 : i32
        %dma_wait3A_64 = tpu.memref_slice %arg9[%add3A_27, %dma_wait3A_63] : memref<10240x64xf32, #tpu.memory_space<vmem_shared>> -> memref<128x64xf32, #tpu.memory_space<vmem_shared>>
        %dma_wait3A_65 = arith.constant 0 : i32
        %dma_wait3A_66 = tpu.memref_slice %arg9[%add3A_27, %dma_wait3A_65] : memref<10240x64xf32, #tpu.memory_space<vmem_shared>> -> memref<128x64xf32, #tpu.memory_space<vmem_shared>>
        %dma_wait3A_67 = arith.constant 0 : i32
        %dma_wait3A_68 = arith.constant 0 : i32
        %dma_wait3A_69 = tpu.memref_slice %arg6[%run_scoped3A, %dma_wait3A_67, %dma_wait3A_68] : memref<8x128x64xf32, #tpu.memory_space<vmem>> -> memref<1x128x64xf32, #tpu.memory_space<vmem>>
        %dma_wait3A_70 = tpu.memref_squeeze %dma_wait3A_69 : memref<1x128x64xf32, #tpu.memory_space<vmem>> -> memref<128x64xf32, #tpu.memory_space<vmem>>
        tpu.wait_dma2 semaphore(%run_scoped3A_48 : memref<!tpu.dma_semaphore, #tpu.memory_space<semaphore_mem>>) src(%dma_wait3A_70 : memref<128x64xf32, #tpu.memory_space<vmem>>) dst(%dma_wait3A_66 : memref<128x64xf32, #tpu.memory_space<vmem_shared>>)
        tpu.yield
      }) : () -> ()
      %mul3A_28 = arith.constant 640 : i32
      %mul3A_29 = arith.muli %arg1, %mul3A_28 : i32
      %add3A_30 = arith.constant 128 : i32
      %add3A_31 = arith.addi %mul3A_29, %add3A_30 : i32
      %run_scoped3A_32 = arith.constant 0 : i32
      "tpu.region"() ({
        %run_scoped3A_48 = tpu.sem_alloc : memref<!tpu.dma_semaphore, #tpu.memory_space<semaphore_mem>>
        %dma_start3A = arith.constant 0 : i32
        %dma_start3A_49 = arith.constant 0 : i32
        %dma_start3A_50 = tpu.memref_slice %arg6[%run_scoped3A_32, %dma_start3A, %dma_start3A_49] : memref<8x128x64xf32, #tpu.memory_space<vmem>> -> memref<1x128x64xf32, #tpu.memory_space<vmem>>
        %dma_start3A_51 = tpu.memref_squeeze %dma_start3A_50 : memref<1x128x64xf32, #tpu.memory_space<vmem>> -> memref<128x64xf32, #tpu.memory_space<vmem>>
        %dma_start3A_52 = arith.constant 0 : i32
        %dma_start3A_53 = tpu.memref_slice %arg9[%add3A_31, %dma_start3A_52] : memref<10240x64xf32, #tpu.memory_space<vmem_shared>> -> memref<128x64xf32, #tpu.memory_space<vmem_shared>>
        %dma_start3A_54 = arith.constant 0 : i32
        %dma_start3A_55 = tpu.memref_slice %arg9[%add3A_31, %dma_start3A_54] : memref<10240x64xf32, #tpu.memory_space<vmem_shared>> -> memref<128x64xf32, #tpu.memory_space<vmem_shared>>
        %dma_start3A_56 = arith.constant 0 : i32
        %dma_start3A_57 = arith.constant 0 : i32
        %dma_start3A_58 = tpu.memref_slice %arg6[%run_scoped3A_32, %dma_start3A_56, %dma_start3A_57] : memref<8x128x64xf32, #tpu.memory_space<vmem>> -> memref<1x128x64xf32, #tpu.memory_space<vmem>>
        %dma_start3A_59 = tpu.memref_squeeze %dma_start3A_58 : memref<1x128x64xf32, #tpu.memory_space<vmem>> -> memref<128x64xf32, #tpu.memory_space<vmem>>
        tpu.enqueue_dma source(%dma_start3A_59 : memref<128x64xf32, #tpu.memory_space<vmem>>) target(%dma_start3A_55 : memref<128x64xf32, #tpu.memory_space<vmem_shared>>) target_semaphore(%run_scoped3A_48 : memref<!tpu.dma_semaphore, #tpu.memory_space<semaphore_mem>>)
        %dma_wait3A = arith.constant 0 : i32
        %dma_wait3A_60 = arith.constant 0 : i32
        %dma_wait3A_61 = tpu.memref_slice %arg6[%run_scoped3A_32, %dma_wait3A, %dma_wait3A_60] : memref<8x128x64xf32, #tpu.memory_space<vmem>> -> memref<1x128x64xf32, #tpu.memory_space<vmem>>
        %dma_wait3A_62 = tpu.memref_squeeze %dma_wait3A_61 : memref<1x128x64xf32, #tpu.memory_space<vmem>> -> memref<128x64xf32, #tpu.memory_space<vmem>>
        %dma_wait3A_63 = arith.constant 0 : i32
        %dma_wait3A_64 = tpu.memref_slice %arg9[%add3A_31, %dma_wait3A_63] : memref<10240x64xf32, #tpu.memory_space<vmem_shared>> -> memref<128x64xf32, #tpu.memory_space<vmem_shared>>
        %dma_wait3A_65 = arith.constant 0 : i32
        %dma_wait3A_66 = tpu.memref_slice %arg9[%add3A_31, %dma_wait3A_65] : memref<10240x64xf32, #tpu.memory_space<vmem_shared>> -> memref<128x64xf32, #tpu.memory_space<vmem_shared>>
        %dma_wait3A_67 = arith.constant 0 : i32
        %dma_wait3A_68 = arith.constant 0 : i32
        %dma_wait3A_69 = tpu.memref_slice %arg6[%run_scoped3A_32, %dma_wait3A_67, %dma_wait3A_68] : memref<8x128x64xf32, #tpu.memory_space<vmem>> -> memref<1x128x64xf32, #tpu.memory_space<vmem>>
        %dma_wait3A_70 = tpu.memref_squeeze %dma_wait3A_69 : memref<1x128x64xf32, #tpu.memory_space<vmem>> -> memref<128x64xf32, #tpu.memory_space<vmem>>
        tpu.wait_dma2 semaphore(%run_scoped3A_48 : memref<!tpu.dma_semaphore, #tpu.memory_space<semaphore_mem>>) src(%dma_wait3A_70 : memref<128x64xf32, #tpu.memory_space<vmem>>) dst(%dma_wait3A_66 : memref<128x64xf32, #tpu.memory_space<vmem_shared>>)
        tpu.yield
      }) : () -> ()
      %mul3A_33 = arith.constant 640 : i32
      %mul3A_34 = arith.muli %arg1, %mul3A_33 : i32
      %add3A_35 = arith.constant 256 : i32
      %add3A_36 = arith.addi %mul3A_34, %add3A_35 : i32
      %run_scoped3A_37 = arith.constant 0 : i32
      "tpu.region"() ({
        %run_scoped3A_48 = tpu.sem_alloc : memref<!tpu.dma_semaphore, #tpu.memory_space<semaphore_mem>>
        %dma_start3A = arith.constant 0 : i32
        %dma_start3A_49 = arith.constant 0 : i32
        %dma_start3A_50 = tpu.memref_slice %arg6[%run_scoped3A_37, %dma_start3A, %dma_start3A_49] : memref<8x128x64xf32, #tpu.memory_space<vmem>> -> memref<1x128x64xf32, #tpu.memory_space<vmem>>
        %dma_start3A_51 = tpu.memref_squeeze %dma_start3A_50 : memref<1x128x64xf32, #tpu.memory_space<vmem>> -> memref<128x64xf32, #tpu.memory_space<vmem>>
        %dma_start3A_52 = arith.constant 0 : i32
        %dma_start3A_53 = tpu.memref_slice %arg9[%add3A_36, %dma_start3A_52] : memref<10240x64xf32, #tpu.memory_space<vmem_shared>> -> memref<128x64xf32, #tpu.memory_space<vmem_shared>>
        %dma_start3A_54 = arith.constant 0 : i32
        %dma_start3A_55 = tpu.memref_slice %arg9[%add3A_36, %dma_start3A_54] : memref<10240x64xf32, #tpu.memory_space<vmem_shared>> -> memref<128x64xf32, #tpu.memory_space<vmem_shared>>
        %dma_start3A_56 = arith.constant 0 : i32
        %dma_start3A_57 = arith.constant 0 : i32
        %dma_start3A_58 = tpu.memref_slice %arg6[%run_scoped3A_37, %dma_start3A_56, %dma_start3A_57] : memref<8x128x64xf32, #tpu.memory_space<vmem>> -> memref<1x128x64xf32, #tpu.memory_space<vmem>>
        %dma_start3A_59 = tpu.memref_squeeze %dma_start3A_58 : memref<1x128x64xf32, #tpu.memory_space<vmem>> -> memref<128x64xf32, #tpu.memory_space<vmem>>
        tpu.enqueue_dma source(%dma_start3A_59 : memref<128x64xf32, #tpu.memory_space<vmem>>) target(%dma_start3A_55 : memref<128x64xf32, #tpu.memory_space<vmem_shared>>) target_semaphore(%run_scoped3A_48 : memref<!tpu.dma_semaphore, #tpu.memory_space<semaphore_mem>>)
        %dma_wait3A = arith.constant 0 : i32
        %dma_wait3A_60 = arith.constant 0 : i32
        %dma_wait3A_61 = tpu.memref_slice %arg6[%run_scoped3A_37, %dma_wait3A, %dma_wait3A_60] : memref<8x128x64xf32, #tpu.memory_space<vmem>> -> memref<1x128x64xf32, #tpu.memory_space<vmem>>
        %dma_wait3A_62 = tpu.memref_squeeze %dma_wait3A_61 : memref<1x128x64xf32, #tpu.memory_space<vmem>> -> memref<128x64xf32, #tpu.memory_space<vmem>>
        %dma_wait3A_63 = arith.constant 0 : i32
        %dma_wait3A_64 = tpu.memref_slice %arg9[%add3A_36, %dma_wait3A_63] : memref<10240x64xf32, #tpu.memory_space<vmem_shared>> -> memref<128x64xf32, #tpu.memory_space<vmem_shared>>
        %dma_wait3A_65 = arith.constant 0 : i32
        %dma_wait3A_66 = tpu.memref_slice %arg9[%add3A_36, %dma_wait3A_65] : memref<10240x64xf32, #tpu.memory_space<vmem_shared>> -> memref<128x64xf32, #tpu.memory_space<vmem_shared>>
        %dma_wait3A_67 = arith.constant 0 : i32
        %dma_wait3A_68 = arith.constant 0 : i32
        %dma_wait3A_69 = tpu.memref_slice %arg6[%run_scoped3A_37, %dma_wait3A_67, %dma_wait3A_68] : memref<8x128x64xf32, #tpu.memory_space<vmem>> -> memref<1x128x64xf32, #tpu.memory_space<vmem>>
        %dma_wait3A_70 = tpu.memref_squeeze %dma_wait3A_69 : memref<1x128x64xf32, #tpu.memory_space<vmem>> -> memref<128x64xf32, #tpu.memory_space<vmem>>
        tpu.wait_dma2 semaphore(%run_scoped3A_48 : memref<!tpu.dma_semaphore, #tpu.memory_space<semaphore_mem>>) src(%dma_wait3A_70 : memref<128x64xf32, #tpu.memory_space<vmem>>) dst(%dma_wait3A_66 : memref<128x64xf32, #tpu.memory_space<vmem_shared>>)
        tpu.yield
      }) : () -> ()
      %mul3A_38 = arith.constant 640 : i32
      %mul3A_39 = arith.muli %arg1, %mul3A_38 : i32
      %add3A_40 = arith.constant 384 : i32
      %add3A_41 = arith.addi %mul3A_39, %add3A_40 : i32
      %run_scoped3A_42 = arith.constant 0 : i32
      "tpu.region"() ({
        %run_scoped3A_48 = tpu.sem_alloc : memref<!tpu.dma_semaphore, #tpu.memory_space<semaphore_mem>>
        %dma_start3A = arith.constant 0 : i32
        %dma_start3A_49 = arith.constant 0 : i32
        %dma_start3A_50 = tpu.memref_slice %arg6[%run_scoped3A_42, %dma_start3A, %dma_start3A_49] : memref<8x128x64xf32, #tpu.memory_space<vmem>> -> memref<1x128x64xf32, #tpu.memory_space<vmem>>
        %dma_start3A_51 = tpu.memref_squeeze %dma_start3A_50 : memref<1x128x64xf32, #tpu.memory_space<vmem>> -> memref<128x64xf32, #tpu.memory_space<vmem>>
        %dma_start3A_52 = arith.constant 0 : i32
        %dma_start3A_53 = tpu.memref_slice %arg9[%add3A_41, %dma_start3A_52] : memref<10240x64xf32, #tpu.memory_space<vmem_shared>> -> memref<128x64xf32, #tpu.memory_space<vmem_shared>>
        %dma_start3A_54 = arith.constant 0 : i32
        %dma_start3A_55 = tpu.memref_slice %arg9[%add3A_41, %dma_start3A_54] : memref<10240x64xf32, #tpu.memory_space<vmem_shared>> -> memref<128x64xf32, #tpu.memory_space<vmem_shared>>
        %dma_start3A_56 = arith.constant 0 : i32
        %dma_start3A_57 = arith.constant 0 : i32
        %dma_start3A_58 = tpu.memref_slice %arg6[%run_scoped3A_42, %dma_start3A_56, %dma_start3A_57] : memref<8x128x64xf32, #tpu.memory_space<vmem>> -> memref<1x128x64xf32, #tpu.memory_space<vmem>>
        %dma_start3A_59 = tpu.memref_squeeze %dma_start3A_58 : memref<1x128x64xf32, #tpu.memory_space<vmem>> -> memref<128x64xf32, #tpu.memory_space<vmem>>
        tpu.enqueue_dma source(%dma_start3A_59 : memref<128x64xf32, #tpu.memory_space<vmem>>) target(%dma_start3A_55 : memref<128x64xf32, #tpu.memory_space<vmem_shared>>) target_semaphore(%run_scoped3A_48 : memref<!tpu.dma_semaphore, #tpu.memory_space<semaphore_mem>>)
        %dma_wait3A = arith.constant 0 : i32
        %dma_wait3A_60 = arith.constant 0 : i32
        %dma_wait3A_61 = tpu.memref_slice %arg6[%run_scoped3A_42, %dma_wait3A, %dma_wait3A_60] : memref<8x128x64xf32, #tpu.memory_space<vmem>> -> memref<1x128x64xf32, #tpu.memory_space<vmem>>
        %dma_wait3A_62 = tpu.memref_squeeze %dma_wait3A_61 : memref<1x128x64xf32, #tpu.memory_space<vmem>> -> memref<128x64xf32, #tpu.memory_space<vmem>>
        %dma_wait3A_63 = arith.constant 0 : i32
        %dma_wait3A_64 = tpu.memref_slice %arg9[%add3A_41, %dma_wait3A_63] : memref<10240x64xf32, #tpu.memory_space<vmem_shared>> -> memref<128x64xf32, #tpu.memory_space<vmem_shared>>
        %dma_wait3A_65 = arith.constant 0 : i32
        %dma_wait3A_66 = tpu.memref_slice %arg9[%add3A_41, %dma_wait3A_65] : memref<10240x64xf32, #tpu.memory_space<vmem_shared>> -> memref<128x64xf32, #tpu.memory_space<vmem_shared>>
        %dma_wait3A_67 = arith.constant 0 : i32
        %dma_wait3A_68 = arith.constant 0 : i32
        %dma_wait3A_69 = tpu.memref_slice %arg6[%run_scoped3A_42, %dma_wait3A_67, %dma_wait3A_68] : memref<8x128x64xf32, #tpu.memory_space<vmem>> -> memref<1x128x64xf32, #tpu.memory_space<vmem>>
        %dma_wait3A_70 = tpu.memref_squeeze %dma_wait3A_69 : memref<1x128x64xf32, #tpu.memory_space<vmem>> -> memref<128x64xf32, #tpu.memory_space<vmem>>
        tpu.wait_dma2 semaphore(%run_scoped3A_48 : memref<!tpu.dma_semaphore, #tpu.memory_space<semaphore_mem>>) src(%dma_wait3A_70 : memref<128x64xf32, #tpu.memory_space<vmem>>) dst(%dma_wait3A_66 : memref<128x64xf32, #tpu.memory_space<vmem_shared>>)
        tpu.yield
      }) : () -> ()
      %mul3A_43 = arith.constant 640 : i32
      %mul3A_44 = arith.muli %arg1, %mul3A_43 : i32
      %add3A_45 = arith.constant 512 : i32
      %add3A_46 = arith.addi %mul3A_44, %add3A_45 : i32
      %run_scoped3A_47 = arith.constant 0 : i32
      "tpu.region"() ({
        %run_scoped3A_48 = tpu.sem_alloc : memref<!tpu.dma_semaphore, #tpu.memory_space<semaphore_mem>>
        %dma_start3A = arith.constant 0 : i32
        %dma_start3A_49 = arith.constant 0 : i32
        %dma_start3A_50 = tpu.memref_slice %arg6[%run_scoped3A_47, %dma_start3A, %dma_start3A_49] : memref<8x128x64xf32, #tpu.memory_space<vmem>> -> memref<1x128x64xf32, #tpu.memory_space<vmem>>
        %dma_start3A_51 = tpu.memref_squeeze %dma_start3A_50 : memref<1x128x64xf32, #tpu.memory_space<vmem>> -> memref<128x64xf32, #tpu.memory_space<vmem>>
        %dma_start3A_52 = arith.constant 0 : i32
        %dma_start3A_53 = tpu.memref_slice %arg9[%add3A_46, %dma_start3A_52] : memref<10240x64xf32, #tpu.memory_space<vmem_shared>> -> memref<128x64xf32, #tpu.memory_space<vmem_shared>>
        %dma_start3A_54 = arith.constant 0 : i32
        %dma_start3A_55 = tpu.memref_slice %arg9[%add3A_46, %dma_start3A_54] : memref<10240x64xf32, #tpu.memory_space<vmem_shared>> -> memref<128x64xf32, #tpu.memory_space<vmem_shared>>
        %dma_start3A_56 = arith.constant 0 : i32
        %dma_start3A_57 = arith.constant 0 : i32
        %dma_start3A_58 = tpu.memref_slice %arg6[%run_scoped3A_47, %dma_start3A_56, %dma_start3A_57] : memref<8x128x64xf32, #tpu.memory_space<vmem>> -> memref<1x128x64xf32, #tpu.memory_space<vmem>>
        %dma_start3A_59 = tpu.memref_squeeze %dma_start3A_58 : memref<1x128x64xf32, #tpu.memory_space<vmem>> -> memref<128x64xf32, #tpu.memory_space<vmem>>
        tpu.enqueue_dma source(%dma_start3A_59 : memref<128x64xf32, #tpu.memory_space<vmem>>) target(%dma_start3A_55 : memref<128x64xf32, #tpu.memory_space<vmem_shared>>) target_semaphore(%run_scoped3A_48 : memref<!tpu.dma_semaphore, #tpu.memory_space<semaphore_mem>>)
        %dma_wait3A = arith.constant 0 : i32
        %dma_wait3A_60 = arith.constant 0 : i32
        %dma_wait3A_61 = tpu.memref_slice %arg6[%run_scoped3A_47, %dma_wait3A, %dma_wait3A_60] : memref<8x128x64xf32, #tpu.memory_space<vmem>> -> memref<1x128x64xf32, #tpu.memory_space<vmem>>
        %dma_wait3A_62 = tpu.memref_squeeze %dma_wait3A_61 : memref<1x128x64xf32, #tpu.memory_space<vmem>> -> memref<128x64xf32, #tpu.memory_space<vmem>>
        %dma_wait3A_63 = arith.constant 0 : i32
        %dma_wait3A_64 = tpu.memref_slice %arg9[%add3A_46, %dma_wait3A_63] : memref<10240x64xf32, #tpu.memory_space<vmem_shared>> -> memref<128x64xf32, #tpu.memory_space<vmem_shared>>
        %dma_wait3A_65 = arith.constant 0 : i32
        %dma_wait3A_66 = tpu.memref_slice %arg9[%add3A_46, %dma_wait3A_65] : memref<10240x64xf32, #tpu.memory_space<vmem_shared>> -> memref<128x64xf32, #tpu.memory_space<vmem_shared>>
        %dma_wait3A_67 = arith.constant 0 : i32
        %dma_wait3A_68 = arith.constant 0 : i32
        %dma_wait3A_69 = tpu.memref_slice %arg6[%run_scoped3A_47, %dma_wait3A_67, %dma_wait3A_68] : memref<8x128x64xf32, #tpu.memory_space<vmem>> -> memref<1x128x64xf32, #tpu.memory_space<vmem>>
        %dma_wait3A_70 = tpu.memref_squeeze %dma_wait3A_69 : memref<1x128x64xf32, #tpu.memory_space<vmem>> -> memref<128x64xf32, #tpu.memory_space<vmem>>
        tpu.wait_dma2 semaphore(%run_scoped3A_48 : memref<!tpu.dma_semaphore, #tpu.memory_space<semaphore_mem>>) src(%dma_wait3A_70 : memref<128x64xf32, #tpu.memory_space<vmem>>) dst(%dma_wait3A_66 : memref<128x64xf32, #tpu.memory_space<vmem_shared>>)
        tpu.yield
      }) : () -> ()
    } else {
    }
    %barrier3A = arith.constant 0 : index
    tpu.barrier barrier_id(%barrier3A)
    %scan3A = arith.constant 0 : i32
    %scan3A_12 = arith.constant 0 : i32
    %scan3A_13 = arith.constant 10 : i32
    %scan3A_14 = arith.addi %scan3A_12, %scan3A_13 : i32
    %scan3A_15 = arith.constant 1 : i32
    scf.for %scan3A_18 = %scan3A_12 to %scan3A_14 step %scan3A_15  : i32 {
      %mul3A_19 = arith.constant 8 : i32
      %mul3A_20 = arith.muli %scan3A_18, %mul3A_19 : i32
      %add3A_21 = arith.constant 0 : i32
      %add3A_22 = arith.addi %mul3A_20, %add3A_21 : i32
      %dma_start3A = arith.constant 0 : i32
      %dma_start3A_23 = arith.constant 0 : i32
      %dma_start3A_24 = arith.constant 0 : i32
      %dma_start3A_25 = arith.constant 0 : i32
      %dma_start3A_26 = arith.constant 0 : i32
      %dma_start3A_27 = tpu.memref_slice %arg6[%dma_start3A_23, %dma_start3A_25, %dma_start3A_26] : memref<8x128x64xf32, #tpu.memory_space<vmem>> -> memref<1x128x64xf32, #tpu.memory_space<vmem>>
      %dma_start3A_28 = tpu.memref_squeeze %dma_start3A_27 : memref<1x128x64xf32, #tpu.memory_space<vmem>> -> memref<128x64xf32, #tpu.memory_space<vmem>>
      %dma_start3A_29 = arith.constant 0 : i32
      %dma_start3A_30 = tpu.memref_slice %arg5[%add3A_22, %dma_start3A, %dma_start3A_29] : memref<80x2x128xi32, #tpu.memory_space<vmem>> -> memref<1x1x128xi32, #tpu.memory_space<vmem>>
      %dma_start3A_31 = tpu.memref_squeeze %dma_start3A_30 : memref<1x1x128xi32, #tpu.memory_space<vmem>> -> memref<128xi32, #tpu.memory_space<vmem>>
      %dma_start3A_32 = arith.constant 0 : i32
      %dma_start3A_33 = arith.constant 0 : i32
      %dma_start3A_34 = tpu.memref_slice %arg2[%dma_start3A_32, %dma_start3A_33] : memref<10240x64xf32, #tpu.memory_space<hbm>> -> memref<10240x64xf32, #tpu.memory_space<hbm>>
      %dma_start3A_35 = tpu.memref_slice %arg7[%dma_start3A_24] : memref<8x!tpu.dma_semaphore, #tpu.memory_space<semaphore_mem>> -> memref<1x!tpu.dma_semaphore, #tpu.memory_space<semaphore_mem>>
      %dma_start3A_36 = tpu.memref_squeeze %dma_start3A_35 : memref<1x!tpu.dma_semaphore, #tpu.memory_space<semaphore_mem>> -> memref<!tpu.dma_semaphore, #tpu.memory_space<semaphore_mem>>
      tpu.enqueue_indirect_dma source(%dma_start3A_34 : memref<10240x64xf32, #tpu.memory_space<hbm>>) target(%dma_start3A_28 : memref<128x64xf32, #tpu.memory_space<vmem>>) offsets(%dma_start3A_31 : memref<128xi32, #tpu.memory_space<vmem>>) semaphore(%dma_start3A_36 : memref<!tpu.dma_semaphore, #tpu.memory_space<semaphore_mem>>)
      %mul3A_37 = arith.constant 8 : i32
      %mul3A_38 = arith.muli %scan3A_18, %mul3A_37 : i32
      %add3A_39 = arith.constant 1 : i32
      %add3A_40 = arith.addi %mul3A_38, %add3A_39 : i32
      %dma_start3A_41 = arith.constant 0 : i32
      %dma_start3A_42 = arith.constant 1 : i32
      %dma_start3A_43 = arith.constant 1 : i32
      %dma_start3A_44 = arith.constant 0 : i32
      %dma_start3A_45 = arith.constant 0 : i32
      %dma_start3A_46 = tpu.memref_slice %arg6[%dma_start3A_42, %dma_start3A_44, %dma_start3A_45] : memref<8x128x64xf32, #tpu.memory_space<vmem>> -> memref<1x128x64xf32, #tpu.memory_space<vmem>>
      %dma_start3A_47 = tpu.memref_squeeze %dma_start3A_46 : memref<1x128x64xf32, #tpu.memory_space<vmem>> -> memref<128x64xf32, #tpu.memory_space<vmem>>
      %dma_start3A_48 = arith.constant 0 : i32
      %dma_start3A_49 = tpu.memref_slice %arg5[%add3A_40, %dma_start3A_41, %dma_start3A_48] : memref<80x2x128xi32, #tpu.memory_space<vmem>> -> memref<1x1x128xi32, #tpu.memory_space<vmem>>
      %dma_start3A_50 = tpu.memref_squeeze %dma_start3A_49 : memref<1x1x128xi32, #tpu.memory_space<vmem>> -> memref<128xi32, #tpu.memory_space<vmem>>
      %dma_start3A_51 = arith.constant 0 : i32
      %dma_start3A_52 = arith.constant 0 : i32
      %dma_start3A_53 = tpu.memref_slice %arg2[%dma_start3A_51, %dma_start3A_52] : memref<10240x64xf32, #tpu.memory_space<hbm>> -> memref<10240x64xf32, #tpu.memory_space<hbm>>
      %dma_start3A_54 = tpu.memref_slice %arg7[%dma_start3A_43] : memref<8x!tpu.dma_semaphore, #tpu.memory_space<semaphore_mem>> -> memref<1x!tpu.dma_semaphore, #tpu.memory_space<semaphore_mem>>
      %dma_start3A_55 = tpu.memref_squeeze %dma_start3A_54 : memref<1x!tpu.dma_semaphore, #tpu.memory_space<semaphore_mem>> -> memref<!tpu.dma_semaphore, #tpu.memory_space<semaphore_mem>>
      tpu.enqueue_indirect_dma source(%dma_start3A_53 : memref<10240x64xf32, #tpu.memory_space<hbm>>) target(%dma_start3A_47 : memref<128x64xf32, #tpu.memory_space<vmem>>) offsets(%dma_start3A_50 : memref<128xi32, #tpu.memory_space<vmem>>) semaphore(%dma_start3A_55 : memref<!tpu.dma_semaphore, #tpu.memory_space<semaphore_mem>>)
      %mul3A_56 = arith.constant 8 : i32
      %mul3A_57 = arith.muli %scan3A_18, %mul3A_56 : i32
      %add3A_58 = arith.constant 2 : i32
      %add3A_59 = arith.addi %mul3A_57, %add3A_58 : i32
      %dma_start3A_60 = arith.constant 0 : i32
      %dma_start3A_61 = arith.constant 2 : i32
      %dma_start3A_62 = arith.constant 2 : i32
      %dma_start3A_63 = arith.constant 0 : i32
      %dma_start3A_64 = arith.constant 0 : i32
      %dma_start3A_65 = tpu.memref_slice %arg6[%dma_start3A_61, %dma_start3A_63, %dma_start3A_64] : memref<8x128x64xf32, #tpu.memory_space<vmem>> -> memref<1x128x64xf32, #tpu.memory_space<vmem>>
      %dma_start3A_66 = tpu.memref_squeeze %dma_start3A_65 : memref<1x128x64xf32, #tpu.memory_space<vmem>> -> memref<128x64xf32, #tpu.memory_space<vmem>>
      %dma_start3A_67 = arith.constant 0 : i32
      %dma_start3A_68 = tpu.memref_slice %arg5[%add3A_59, %dma_start3A_60, %dma_start3A_67] : memref<80x2x128xi32, #tpu.memory_space<vmem>> -> memref<1x1x128xi32, #tpu.memory_space<vmem>>
      %dma_start3A_69 = tpu.memref_squeeze %dma_start3A_68 : memref<1x1x128xi32, #tpu.memory_space<vmem>> -> memref<128xi32, #tpu.memory_space<vmem>>
      %dma_start3A_70 = arith.constant 0 : i32
      %dma_start3A_71 = arith.constant 0 : i32
      %dma_start3A_72 = tpu.memref_slice %arg2[%dma_start3A_70, %dma_start3A_71] : memref<10240x64xf32, #tpu.memory_space<hbm>> -> memref<10240x64xf32, #tpu.memory_space<hbm>>
      %dma_start3A_73 = tpu.memref_slice %arg7[%dma_start3A_62] : memref<8x!tpu.dma_semaphore, #tpu.memory_space<semaphore_mem>> -> memref<1x!tpu.dma_semaphore, #tpu.memory_space<semaphore_mem>>
      %dma_start3A_74 = tpu.memref_squeeze %dma_start3A_73 : memref<1x!tpu.dma_semaphore, #tpu.memory_space<semaphore_mem>> -> memref<!tpu.dma_semaphore, #tpu.memory_space<semaphore_mem>>
      tpu.enqueue_indirect_dma source(%dma_start3A_72 : memref<10240x64xf32, #tpu.memory_space<hbm>>) target(%dma_start3A_66 : memref<128x64xf32, #tpu.memory_space<vmem>>) offsets(%dma_start3A_69 : memref<128xi32, #tpu.memory_space<vmem>>) semaphore(%dma_start3A_74 : memref<!tpu.dma_semaphore, #tpu.memory_space<semaphore_mem>>)
      %mul3A_75 = arith.constant 8 : i32
      %mul3A_76 = arith.muli %scan3A_18, %mul3A_75 : i32
      %add3A_77 = arith.constant 3 : i32
      %add3A_78 = arith.addi %mul3A_76, %add3A_77 : i32
      %dma_start3A_79 = arith.constant 0 : i32
      %dma_start3A_80 = arith.constant 3 : i32
      %dma_start3A_81 = arith.constant 3 : i32
      %dma_start3A_82 = arith.constant 0 : i32
      %dma_start3A_83 = arith.constant 0 : i32
      %dma_start3A_84 = tpu.memref_slice %arg6[%dma_start3A_80, %dma_start3A_82, %dma_start3A_83] : memref<8x128x64xf32, #tpu.memory_space<vmem>> -> memref<1x128x64xf32, #tpu.memory_space<vmem>>
      %dma_start3A_85 = tpu.memref_squeeze %dma_start3A_84 : memref<1x128x64xf32, #tpu.memory_space<vmem>> -> memref<128x64xf32, #tpu.memory_space<vmem>>
      %dma_start3A_86 = arith.constant 0 : i32
      %dma_start3A_87 = tpu.memref_slice %arg5[%add3A_78, %dma_start3A_79, %dma_start3A_86] : memref<80x2x128xi32, #tpu.memory_space<vmem>> -> memref<1x1x128xi32, #tpu.memory_space<vmem>>
      %dma_start3A_88 = tpu.memref_squeeze %dma_start3A_87 : memref<1x1x128xi32, #tpu.memory_space<vmem>> -> memref<128xi32, #tpu.memory_space<vmem>>
      %dma_start3A_89 = arith.constant 0 : i32
      %dma_start3A_90 = arith.constant 0 : i32
      %dma_start3A_91 = tpu.memref_slice %arg2[%dma_start3A_89, %dma_start3A_90] : memref<10240x64xf32, #tpu.memory_space<hbm>> -> memref<10240x64xf32, #tpu.memory_space<hbm>>
      %dma_start3A_92 = tpu.memref_slice %arg7[%dma_start3A_81] : memref<8x!tpu.dma_semaphore, #tpu.memory_space<semaphore_mem>> -> memref<1x!tpu.dma_semaphore, #tpu.memory_space<semaphore_mem>>
      %dma_start3A_93 = tpu.memref_squeeze %dma_start3A_92 : memref<1x!tpu.dma_semaphore, #tpu.memory_space<semaphore_mem>> -> memref<!tpu.dma_semaphore, #tpu.memory_space<semaphore_mem>>
      tpu.enqueue_indirect_dma source(%dma_start3A_91 : memref<10240x64xf32, #tpu.memory_space<hbm>>) target(%dma_start3A_85 : memref<128x64xf32, #tpu.memory_space<vmem>>) offsets(%dma_start3A_88 : memref<128xi32, #tpu.memory_space<vmem>>) semaphore(%dma_start3A_93 : memref<!tpu.dma_semaphore, #tpu.memory_space<semaphore_mem>>)
      %mul3A_94 = arith.constant 8 : i32
      %mul3A_95 = arith.muli %scan3A_18, %mul3A_94 : i32
      %add3A_96 = arith.constant 4 : i32
      %add3A_97 = arith.addi %mul3A_95, %add3A_96 : i32
      %dma_start3A_98 = arith.constant 0 : i32
      %dma_start3A_99 = arith.constant 4 : i32
      %dma_start3A_100 = arith.constant 4 : i32
      %dma_start3A_101 = arith.constant 0 : i32
      %dma_start3A_102 = arith.constant 0 : i32
      %dma_start3A_103 = tpu.memref_slice %arg6[%dma_start3A_99, %dma_start3A_101, %dma_start3A_102] : memref<8x128x64xf32, #tpu.memory_space<vmem>> -> memref<1x128x64xf32, #tpu.memory_space<vmem>>
      %dma_start3A_104 = tpu.memref_squeeze %dma_start3A_103 : memref<1x128x64xf32, #tpu.memory_space<vmem>> -> memref<128x64xf32, #tpu.memory_space<vmem>>
      %dma_start3A_105 = arith.constant 0 : i32
      %dma_start3A_106 = tpu.memref_slice %arg5[%add3A_97, %dma_start3A_98, %dma_start3A_105] : memref<80x2x128xi32, #tpu.memory_space<vmem>> -> memref<1x1x128xi32, #tpu.memory_space<vmem>>
      %dma_start3A_107 = tpu.memref_squeeze %dma_start3A_106 : memref<1x1x128xi32, #tpu.memory_space<vmem>> -> memref<128xi32, #tpu.memory_space<vmem>>
      %dma_start3A_108 = arith.constant 0 : i32
      %dma_start3A_109 = arith.constant 0 : i32
      %dma_start3A_110 = tpu.memref_slice %arg2[%dma_start3A_108, %dma_start3A_109] : memref<10240x64xf32, #tpu.memory_space<hbm>> -> memref<10240x64xf32, #tpu.memory_space<hbm>>
      %dma_start3A_111 = tpu.memref_slice %arg7[%dma_start3A_100] : memref<8x!tpu.dma_semaphore, #tpu.memory_space<semaphore_mem>> -> memref<1x!tpu.dma_semaphore, #tpu.memory_space<semaphore_mem>>
      %dma_start3A_112 = tpu.memref_squeeze %dma_start3A_111 : memref<1x!tpu.dma_semaphore, #tpu.memory_space<semaphore_mem>> -> memref<!tpu.dma_semaphore, #tpu.memory_space<semaphore_mem>>
      tpu.enqueue_indirect_dma source(%dma_start3A_110 : memref<10240x64xf32, #tpu.memory_space<hbm>>) target(%dma_start3A_104 : memref<128x64xf32, #tpu.memory_space<vmem>>) offsets(%dma_start3A_107 : memref<128xi32, #tpu.memory_space<vmem>>) semaphore(%dma_start3A_112 : memref<!tpu.dma_semaphore, #tpu.memory_space<semaphore_mem>>)
      %mul3A_113 = arith.constant 8 : i32
      %mul3A_114 = arith.muli %scan3A_18, %mul3A_113 : i32
      %add3A_115 = arith.constant 5 : i32
      %add3A_116 = arith.addi %mul3A_114, %add3A_115 : i32
      %dma_start3A_117 = arith.constant 0 : i32
      %dma_start3A_118 = arith.constant 5 : i32
      %dma_start3A_119 = arith.constant 5 : i32
      %dma_start3A_120 = arith.constant 0 : i32
      %dma_start3A_121 = arith.constant 0 : i32
      %dma_start3A_122 = tpu.memref_slice %arg6[%dma_start3A_118, %dma_start3A_120, %dma_start3A_121] : memref<8x128x64xf32, #tpu.memory_space<vmem>> -> memref<1x128x64xf32, #tpu.memory_space<vmem>>
      %dma_start3A_123 = tpu.memref_squeeze %dma_start3A_122 : memref<1x128x64xf32, #tpu.memory_space<vmem>> -> memref<128x64xf32, #tpu.memory_space<vmem>>
      %dma_start3A_124 = arith.constant 0 : i32
      %dma_start3A_125 = tpu.memref_slice %arg5[%add3A_116, %dma_start3A_117, %dma_start3A_124] : memref<80x2x128xi32, #tpu.memory_space<vmem>> -> memref<1x1x128xi32, #tpu.memory_space<vmem>>
      %dma_start3A_126 = tpu.memref_squeeze %dma_start3A_125 : memref<1x1x128xi32, #tpu.memory_space<vmem>> -> memref<128xi32, #tpu.memory_space<vmem>>
      %dma_start3A_127 = arith.constant 0 : i32
      %dma_start3A_128 = arith.constant 0 : i32
      %dma_start3A_129 = tpu.memref_slice %arg2[%dma_start3A_127, %dma_start3A_128] : memref<10240x64xf32, #tpu.memory_space<hbm>> -> memref<10240x64xf32, #tpu.memory_space<hbm>>
      %dma_start3A_130 = tpu.memref_slice %arg7[%dma_start3A_119] : memref<8x!tpu.dma_semaphore, #tpu.memory_space<semaphore_mem>> -> memref<1x!tpu.dma_semaphore, #tpu.memory_space<semaphore_mem>>
      %dma_start3A_131 = tpu.memref_squeeze %dma_start3A_130 : memref<1x!tpu.dma_semaphore, #tpu.memory_space<semaphore_mem>> -> memref<!tpu.dma_semaphore, #tpu.memory_space<semaphore_mem>>
      tpu.enqueue_indirect_dma source(%dma_start3A_129 : memref<10240x64xf32, #tpu.memory_space<hbm>>) target(%dma_start3A_123 : memref<128x64xf32, #tpu.memory_space<vmem>>) offsets(%dma_start3A_126 : memref<128xi32, #tpu.memory_space<vmem>>) semaphore(%dma_start3A_131 : memref<!tpu.dma_semaphore, #tpu.memory_space<semaphore_mem>>)
      %mul3A_132 = arith.constant 8 : i32
      %mul3A_133 = arith.muli %scan3A_18, %mul3A_132 : i32
      %add3A_134 = arith.constant 6 : i32
      %add3A_135 = arith.addi %mul3A_133, %add3A_134 : i32
      %dma_start3A_136 = arith.constant 0 : i32
      %dma_start3A_137 = arith.constant 6 : i32
      %dma_start3A_138 = arith.constant 6 : i32
      %dma_start3A_139 = arith.constant 0 : i32
      %dma_start3A_140 = arith.constant 0 : i32
      %dma_start3A_141 = tpu.memref_slice %arg6[%dma_start3A_137, %dma_start3A_139, %dma_start3A_140] : memref<8x128x64xf32, #tpu.memory_space<vmem>> -> memref<1x128x64xf32, #tpu.memory_space<vmem>>
      %dma_start3A_142 = tpu.memref_squeeze %dma_start3A_141 : memref<1x128x64xf32, #tpu.memory_space<vmem>> -> memref<128x64xf32, #tpu.memory_space<vmem>>
      %dma_start3A_143 = arith.constant 0 : i32
      %dma_start3A_144 = tpu.memref_slice %arg5[%add3A_135, %dma_start3A_136, %dma_start3A_143] : memref<80x2x128xi32, #tpu.memory_space<vmem>> -> memref<1x1x128xi32, #tpu.memory_space<vmem>>
      %dma_start3A_145 = tpu.memref_squeeze %dma_start3A_144 : memref<1x1x128xi32, #tpu.memory_space<vmem>> -> memref<128xi32, #tpu.memory_space<vmem>>
      %dma_start3A_146 = arith.constant 0 : i32
      %dma_start3A_147 = arith.constant 0 : i32
      %dma_start3A_148 = tpu.memref_slice %arg2[%dma_start3A_146, %dma_start3A_147] : memref<10240x64xf32, #tpu.memory_space<hbm>> -> memref<10240x64xf32, #tpu.memory_space<hbm>>
      %dma_start3A_149 = tpu.memref_slice %arg7[%dma_start3A_138] : memref<8x!tpu.dma_semaphore, #tpu.memory_space<semaphore_mem>> -> memref<1x!tpu.dma_semaphore, #tpu.memory_space<semaphore_mem>>
      %dma_start3A_150 = tpu.memref_squeeze %dma_start3A_149 : memref<1x!tpu.dma_semaphore, #tpu.memory_space<semaphore_mem>> -> memref<!tpu.dma_semaphore, #tpu.memory_space<semaphore_mem>>
      tpu.enqueue_indirect_dma source(%dma_start3A_148 : memref<10240x64xf32, #tpu.memory_space<hbm>>) target(%dma_start3A_142 : memref<128x64xf32, #tpu.memory_space<vmem>>) offsets(%dma_start3A_145 : memref<128xi32, #tpu.memory_space<vmem>>) semaphore(%dma_start3A_150 : memref<!tpu.dma_semaphore, #tpu.memory_space<semaphore_mem>>)
      %mul3A_151 = arith.constant 8 : i32
      %mul3A_152 = arith.muli %scan3A_18, %mul3A_151 : i32
      %add3A_153 = arith.constant 7 : i32
      %add3A_154 = arith.addi %mul3A_152, %add3A_153 : i32
      %dma_start3A_155 = arith.constant 0 : i32
      %dma_start3A_156 = arith.constant 7 : i32
      %dma_start3A_157 = arith.constant 7 : i32
      %dma_start3A_158 = arith.constant 0 : i32
      %dma_start3A_159 = arith.constant 0 : i32
      %dma_start3A_160 = tpu.memref_slice %arg6[%dma_start3A_156, %dma_start3A_158, %dma_start3A_159] : memref<8x128x64xf32, #tpu.memory_space<vmem>> -> memref<1x128x64xf32, #tpu.memory_space<vmem>>
      %dma_start3A_161 = tpu.memref_squeeze %dma_start3A_160 : memref<1x128x64xf32, #tpu.memory_space<vmem>> -> memref<128x64xf32, #tpu.memory_space<vmem>>
      %dma_start3A_162 = arith.constant 0 : i32
      %dma_start3A_163 = tpu.memref_slice %arg5[%add3A_154, %dma_start3A_155, %dma_start3A_162] : memref<80x2x128xi32, #tpu.memory_space<vmem>> -> memref<1x1x128xi32, #tpu.memory_space<vmem>>
      %dma_start3A_164 = tpu.memref_squeeze %dma_start3A_163 : memref<1x1x128xi32, #tpu.memory_space<vmem>> -> memref<128xi32, #tpu.memory_space<vmem>>
      %dma_start3A_165 = arith.constant 0 : i32
      %dma_start3A_166 = arith.constant 0 : i32
      %dma_start3A_167 = tpu.memref_slice %arg2[%dma_start3A_165, %dma_start3A_166] : memref<10240x64xf32, #tpu.memory_space<hbm>> -> memref<10240x64xf32, #tpu.memory_space<hbm>>
      %dma_start3A_168 = tpu.memref_slice %arg7[%dma_start3A_157] : memref<8x!tpu.dma_semaphore, #tpu.memory_space<semaphore_mem>> -> memref<1x!tpu.dma_semaphore, #tpu.memory_space<semaphore_mem>>
      %dma_start3A_169 = tpu.memref_squeeze %dma_start3A_168 : memref<1x!tpu.dma_semaphore, #tpu.memory_space<semaphore_mem>> -> memref<!tpu.dma_semaphore, #tpu.memory_space<semaphore_mem>>
      tpu.enqueue_indirect_dma source(%dma_start3A_167 : memref<10240x64xf32, #tpu.memory_space<hbm>>) target(%dma_start3A_161 : memref<128x64xf32, #tpu.memory_space<vmem>>) offsets(%dma_start3A_164 : memref<128xi32, #tpu.memory_space<vmem>>) semaphore(%dma_start3A_169 : memref<!tpu.dma_semaphore, #tpu.memory_space<semaphore_mem>>)
      %dma_wait3A = arith.constant 0 : i32
      %dma_wait3A_170 = arith.constant 0 : i32
      %dma_wait3A_171 = arith.constant 0 : i32
      %dma_wait3A_172 = arith.constant 0 : i32
      %dma_wait3A_173 = arith.constant 0 : i32
      %dma_wait3A_174 = tpu.memref_slice %arg6[%dma_wait3A_170, %dma_wait3A_172, %dma_wait3A_173] : memref<8x128x64xf32, #tpu.memory_space<vmem>> -> memref<1x128x64xf32, #tpu.memory_space<vmem>>
      %dma_wait3A_175 = tpu.memref_squeeze %dma_wait3A_174 : memref<1x128x64xf32, #tpu.memory_space<vmem>> -> memref<128x64xf32, #tpu.memory_space<vmem>>
      %dma_wait3A_176 = arith.constant 0 : i32
      %dma_wait3A_177 = tpu.memref_slice %arg5[%add3A_22, %dma_wait3A, %dma_wait3A_176] : memref<80x2x128xi32, #tpu.memory_space<vmem>> -> memref<1x1x128xi32, #tpu.memory_space<vmem>>
      %dma_wait3A_178 = tpu.memref_squeeze %dma_wait3A_177 : memref<1x1x128xi32, #tpu.memory_space<vmem>> -> memref<128xi32, #tpu.memory_space<vmem>>
      %dma_wait3A_179 = arith.constant 0 : i32
      %dma_wait3A_180 = arith.constant 0 : i32
      %dma_wait3A_181 = tpu.memref_slice %arg2[%dma_wait3A_179, %dma_wait3A_180] : memref<10240x64xf32, #tpu.memory_space<hbm>> -> memref<10240x64xf32, #tpu.memory_space<hbm>>
      %dma_wait3A_182 = tpu.memref_slice %arg7[%dma_wait3A_171] : memref<8x!tpu.dma_semaphore, #tpu.memory_space<semaphore_mem>> -> memref<1x!tpu.dma_semaphore, #tpu.memory_space<semaphore_mem>>
      %dma_wait3A_183 = tpu.memref_squeeze %dma_wait3A_182 : memref<1x!tpu.dma_semaphore, #tpu.memory_space<semaphore_mem>> -> memref<!tpu.dma_semaphore, #tpu.memory_space<semaphore_mem>>
      tpu.wait_indirect_dma semaphore(%dma_wait3A_183 : memref<!tpu.dma_semaphore, #tpu.memory_space<semaphore_mem>>) src(%dma_wait3A_181 : memref<10240x64xf32, #tpu.memory_space<hbm>>) dst(%dma_wait3A_175 : memref<128x64xf32, #tpu.memory_space<vmem>>)
      %mul3A_184 = arith.constant 8 : i32
      %mul3A_185 = arith.muli %scan3A_18, %mul3A_184 : i32
      %add3A_186 = arith.constant 0 : i32
      %add3A_187 = arith.addi %mul3A_185, %add3A_186 : i32
      %dma_start3A_188 = arith.constant 0 : i32
      %dma_start3A_189 = arith.constant 1 : i32
      %dma_start3A_190 = arith.constant 0 : i32
      %dma_start3A_191 = arith.constant 0 : i32
      %dma_start3A_192 = arith.constant 0 : i32
      %dma_start3A_193 = tpu.memref_slice %arg6[%dma_start3A_188, %dma_start3A_191, %dma_start3A_192] : memref<8x128x64xf32, #tpu.memory_space<vmem>> -> memref<1x128x64xf32, #tpu.memory_space<vmem>>
      %dma_start3A_194 = tpu.memref_squeeze %dma_start3A_193 : memref<1x128x64xf32, #tpu.memory_space<vmem>> -> memref<128x64xf32, #tpu.memory_space<vmem>>
      %dma_start3A_195 = arith.constant 0 : i32
      %dma_start3A_196 = tpu.memref_slice %arg5[%add3A_187, %dma_start3A_189, %dma_start3A_195] : memref<80x2x128xi32, #tpu.memory_space<vmem>> -> memref<1x1x128xi32, #tpu.memory_space<vmem>>
      %dma_start3A_197 = tpu.memref_squeeze %dma_start3A_196 : memref<1x1x128xi32, #tpu.memory_space<vmem>> -> memref<128xi32, #tpu.memory_space<vmem>>
      %dma_start3A_198 = arith.constant 0 : i32
      %dma_start3A_199 = arith.constant 0 : i32
      %dma_start3A_200 = tpu.memref_slice %arg9[%dma_start3A_198, %dma_start3A_199] : memref<10240x64xf32, #tpu.memory_space<vmem_shared>> -> memref<10240x64xf32, #tpu.memory_space<vmem_shared>>
      %dma_start3A_201 = tpu.memref_slice %arg8[%dma_start3A_190] : memref<8x!tpu.dma_semaphore, #tpu.memory_space<semaphore_mem>> -> memref<1x!tpu.dma_semaphore, #tpu.memory_space<semaphore_mem>>
      %dma_start3A_202 = tpu.memref_squeeze %dma_start3A_201 : memref<1x!tpu.dma_semaphore, #tpu.memory_space<semaphore_mem>> -> memref<!tpu.dma_semaphore, #tpu.memory_space<semaphore_mem>>
      tpu.enqueue_indirect_dma source(%dma_start3A_194 : memref<128x64xf32, #tpu.memory_space<vmem>>) target(%dma_start3A_200 : memref<10240x64xf32, #tpu.memory_space<vmem_shared>>) offsets(%dma_start3A_197 : memref<128xi32, #tpu.memory_space<vmem>>) semaphore(%dma_start3A_202 : memref<!tpu.dma_semaphore, #tpu.memory_space<semaphore_mem>>) {add = true}
      %dma_wait3A_203 = arith.constant 0 : i32
      %dma_wait3A_204 = arith.constant 1 : i32
      %dma_wait3A_205 = arith.constant 1 : i32
      %dma_wait3A_206 = arith.constant 0 : i32
      %dma_wait3A_207 = arith.constant 0 : i32
      %dma_wait3A_208 = tpu.memref_slice %arg6[%dma_wait3A_204, %dma_wait3A_206, %dma_wait3A_207] : memref<8x128x64xf32, #tpu.memory_space<vmem>> -> memref<1x128x64xf32, #tpu.memory_space<vmem>>
      %dma_wait3A_209 = tpu.memref_squeeze %dma_wait3A_208 : memref<1x128x64xf32, #tpu.memory_space<vmem>> -> memref<128x64xf32, #tpu.memory_space<vmem>>
      %dma_wait3A_210 = arith.constant 0 : i32
      %dma_wait3A_211 = tpu.memref_slice %arg5[%add3A_40, %dma_wait3A_203, %dma_wait3A_210] : memref<80x2x128xi32, #tpu.memory_space<vmem>> -> memref<1x1x128xi32, #tpu.memory_space<vmem>>
      %dma_wait3A_212 = tpu.memref_squeeze %dma_wait3A_211 : memref<1x1x128xi32, #tpu.memory_space<vmem>> -> memref<128xi32, #tpu.memory_space<vmem>>
      %dma_wait3A_213 = arith.constant 0 : i32
      %dma_wait3A_214 = arith.constant 0 : i32
      %dma_wait3A_215 = tpu.memref_slice %arg2[%dma_wait3A_213, %dma_wait3A_214] : memref<10240x64xf32, #tpu.memory_space<hbm>> -> memref<10240x64xf32, #tpu.memory_space<hbm>>
      %dma_wait3A_216 = tpu.memref_slice %arg7[%dma_wait3A_205] : memref<8x!tpu.dma_semaphore, #tpu.memory_space<semaphore_mem>> -> memref<1x!tpu.dma_semaphore, #tpu.memory_space<semaphore_mem>>
      %dma_wait3A_217 = tpu.memref_squeeze %dma_wait3A_216 : memref<1x!tpu.dma_semaphore, #tpu.memory_space<semaphore_mem>> -> memref<!tpu.dma_semaphore, #tpu.memory_space<semaphore_mem>>
      tpu.wait_indirect_dma semaphore(%dma_wait3A_217 : memref<!tpu.dma_semaphore, #tpu.memory_space<semaphore_mem>>) src(%dma_wait3A_215 : memref<10240x64xf32, #tpu.memory_space<hbm>>) dst(%dma_wait3A_209 : memref<128x64xf32, #tpu.memory_space<vmem>>)
      %mul3A_218 = arith.constant 8 : i32
      %mul3A_219 = arith.muli %scan3A_18, %mul3A_218 : i32
      %add3A_220 = arith.constant 1 : i32
      %add3A_221 = arith.addi %mul3A_219, %add3A_220 : i32
      %dma_start3A_222 = arith.constant 1 : i32
      %dma_start3A_223 = arith.constant 1 : i32
      %dma_start3A_224 = arith.constant 1 : i32
      %dma_start3A_225 = arith.constant 0 : i32
      %dma_start3A_226 = arith.constant 0 : i32
      %dma_start3A_227 = tpu.memref_slice %arg6[%dma_start3A_222, %dma_start3A_225, %dma_start3A_226] : memref<8x128x64xf32, #tpu.memory_space<vmem>> -> memref<1x128x64xf32, #tpu.memory_space<vmem>>
      %dma_start3A_228 = tpu.memref_squeeze %dma_start3A_227 : memref<1x128x64xf32, #tpu.memory_space<vmem>> -> memref<128x64xf32, #tpu.memory_space<vmem>>
      %dma_start3A_229 = arith.constant 0 : i32
      %dma_start3A_230 = tpu.memref_slice %arg5[%add3A_221, %dma_start3A_223, %dma_start3A_229] : memref<80x2x128xi32, #tpu.memory_space<vmem>> -> memref<1x1x128xi32, #tpu.memory_space<vmem>>
      %dma_start3A_231 = tpu.memref_squeeze %dma_start3A_230 : memref<1x1x128xi32, #tpu.memory_space<vmem>> -> memref<128xi32, #tpu.memory_space<vmem>>
      %dma_start3A_232 = arith.constant 0 : i32
      %dma_start3A_233 = arith.constant 0 : i32
      %dma_start3A_234 = tpu.memref_slice %arg9[%dma_start3A_232, %dma_start3A_233] : memref<10240x64xf32, #tpu.memory_space<vmem_shared>> -> memref<10240x64xf32, #tpu.memory_space<vmem_shared>>
      %dma_start3A_235 = tpu.memref_slice %arg8[%dma_start3A_224] : memref<8x!tpu.dma_semaphore, #tpu.memory_space<semaphore_mem>> -> memref<1x!tpu.dma_semaphore, #tpu.memory_space<semaphore_mem>>
      %dma_start3A_236 = tpu.memref_squeeze %dma_start3A_235 : memref<1x!tpu.dma_semaphore, #tpu.memory_space<semaphore_mem>> -> memref<!tpu.dma_semaphore, #tpu.memory_space<semaphore_mem>>
      tpu.enqueue_indirect_dma source(%dma_start3A_228 : memref<128x64xf32, #tpu.memory_space<vmem>>) target(%dma_start3A_234 : memref<10240x64xf32, #tpu.memory_space<vmem_shared>>) offsets(%dma_start3A_231 : memref<128xi32, #tpu.memory_space<vmem>>) semaphore(%dma_start3A_236 : memref<!tpu.dma_semaphore, #tpu.memory_space<semaphore_mem>>) {add = true}
      %dma_wait3A_237 = arith.constant 0 : i32
      %dma_wait3A_238 = arith.constant 2 : i32
      %dma_wait3A_239 = arith.constant 2 : i32
      %dma_wait3A_240 = arith.constant 0 : i32
      %dma_wait3A_241 = arith.constant 0 : i32
      %dma_wait3A_242 = tpu.memref_slice %arg6[%dma_wait3A_238, %dma_wait3A_240, %dma_wait3A_241] : memref<8x128x64xf32, #tpu.memory_space<vmem>> -> memref<1x128x64xf32, #tpu.memory_space<vmem>>
      %dma_wait3A_243 = tpu.memref_squeeze %dma_wait3A_242 : memref<1x128x64xf32, #tpu.memory_space<vmem>> -> memref<128x64xf32, #tpu.memory_space<vmem>>
      %dma_wait3A_244 = arith.constant 0 : i32
      %dma_wait3A_245 = tpu.memref_slice %arg5[%add3A_59, %dma_wait3A_237, %dma_wait3A_244] : memref<80x2x128xi32, #tpu.memory_space<vmem>> -> memref<1x1x128xi32, #tpu.memory_space<vmem>>
      %dma_wait3A_246 = tpu.memref_squeeze %dma_wait3A_245 : memref<1x1x128xi32, #tpu.memory_space<vmem>> -> memref<128xi32, #tpu.memory_space<vmem>>
      %dma_wait3A_247 = arith.constant 0 : i32
      %dma_wait3A_248 = arith.constant 0 : i32
      %dma_wait3A_249 = tpu.memref_slice %arg2[%dma_wait3A_247, %dma_wait3A_248] : memref<10240x64xf32, #tpu.memory_space<hbm>> -> memref<10240x64xf32, #tpu.memory_space<hbm>>
      %dma_wait3A_250 = tpu.memref_slice %arg7[%dma_wait3A_239] : memref<8x!tpu.dma_semaphore, #tpu.memory_space<semaphore_mem>> -> memref<1x!tpu.dma_semaphore, #tpu.memory_space<semaphore_mem>>
      %dma_wait3A_251 = tpu.memref_squeeze %dma_wait3A_250 : memref<1x!tpu.dma_semaphore, #tpu.memory_space<semaphore_mem>> -> memref<!tpu.dma_semaphore, #tpu.memory_space<semaphore_mem>>
      tpu.wait_indirect_dma semaphore(%dma_wait3A_251 : memref<!tpu.dma_semaphore, #tpu.memory_space<semaphore_mem>>) src(%dma_wait3A_249 : memref<10240x64xf32, #tpu.memory_space<hbm>>) dst(%dma_wait3A_243 : memref<128x64xf32, #tpu.memory_space<vmem>>)
      %mul3A_252 = arith.constant 8 : i32
      %mul3A_253 = arith.muli %scan3A_18, %mul3A_252 : i32
      %add3A_254 = arith.constant 2 : i32
      %add3A_255 = arith.addi %mul3A_253, %add3A_254 : i32
      %dma_start3A_256 = arith.constant 2 : i32
      %dma_start3A_257 = arith.constant 1 : i32
      %dma_start3A_258 = arith.constant 2 : i32
      %dma_start3A_259 = arith.constant 0 : i32
      %dma_start3A_260 = arith.constant 0 : i32
      %dma_start3A_261 = tpu.memref_slice %arg6[%dma_start3A_256, %dma_start3A_259, %dma_start3A_260] : memref<8x128x64xf32, #tpu.memory_space<vmem>> -> memref<1x128x64xf32, #tpu.memory_space<vmem>>
      %dma_start3A_262 = tpu.memref_squeeze %dma_start3A_261 : memref<1x128x64xf32, #tpu.memory_space<vmem>> -> memref<128x64xf32, #tpu.memory_space<vmem>>
      %dma_start3A_263 = arith.constant 0 : i32
      %dma_start3A_264 = tpu.memref_slice %arg5[%add3A_255, %dma_start3A_257, %dma_start3A_263] : memref<80x2x128xi32, #tpu.memory_space<vmem>> -> memref<1x1x128xi32, #tpu.memory_space<vmem>>
      %dma_start3A_265 = tpu.memref_squeeze %dma_start3A_264 : memref<1x1x128xi32, #tpu.memory_space<vmem>> -> memref<128xi32, #tpu.memory_space<vmem>>
      %dma_start3A_266 = arith.constant 0 : i32
      %dma_start3A_267 = arith.constant 0 : i32
      %dma_start3A_268 = tpu.memref_slice %arg9[%dma_start3A_266, %dma_start3A_267] : memref<10240x64xf32, #tpu.memory_space<vmem_shared>> -> memref<10240x64xf32, #tpu.memory_space<vmem_shared>>
      %dma_start3A_269 = tpu.memref_slice %arg8[%dma_start3A_258] : memref<8x!tpu.dma_semaphore, #tpu.memory_space<semaphore_mem>> -> memref<1x!tpu.dma_semaphore, #tpu.memory_space<semaphore_mem>>
      %dma_start3A_270 = tpu.memref_squeeze %dma_start3A_269 : memref<1x!tpu.dma_semaphore, #tpu.memory_space<semaphore_mem>> -> memref<!tpu.dma_semaphore, #tpu.memory_space<semaphore_mem>>
      tpu.enqueue_indirect_dma source(%dma_start3A_262 : memref<128x64xf32, #tpu.memory_space<vmem>>) target(%dma_start3A_268 : memref<10240x64xf32, #tpu.memory_space<vmem_shared>>) offsets(%dma_start3A_265 : memref<128xi32, #tpu.memory_space<vmem>>) semaphore(%dma_start3A_270 : memref<!tpu.dma_semaphore, #tpu.memory_space<semaphore_mem>>) {add = true}
      %dma_wait3A_271 = arith.constant 0 : i32
      %dma_wait3A_272 = arith.constant 3 : i32
      %dma_wait3A_273 = arith.constant 3 : i32
      %dma_wait3A_274 = arith.constant 0 : i32
      %dma_wait3A_275 = arith.constant 0 : i32
      %dma_wait3A_276 = tpu.memref_slice %arg6[%dma_wait3A_272, %dma_wait3A_274, %dma_wait3A_275] : memref<8x128x64xf32, #tpu.memory_space<vmem>> -> memref<1x128x64xf32, #tpu.memory_space<vmem>>
      %dma_wait3A_277 = tpu.memref_squeeze %dma_wait3A_276 : memref<1x128x64xf32, #tpu.memory_space<vmem>> -> memref<128x64xf32, #tpu.memory_space<vmem>>
      %dma_wait3A_278 = arith.constant 0 : i32
      %dma_wait3A_279 = tpu.memref_slice %arg5[%add3A_78, %dma_wait3A_271, %dma_wait3A_278] : memref<80x2x128xi32, #tpu.memory_space<vmem>> -> memref<1x1x128xi32, #tpu.memory_space<vmem>>
      %dma_wait3A_280 = tpu.memref_squeeze %dma_wait3A_279 : memref<1x1x128xi32, #tpu.memory_space<vmem>> -> memref<128xi32, #tpu.memory_space<vmem>>
      %dma_wait3A_281 = arith.constant 0 : i32
      %dma_wait3A_282 = arith.constant 0 : i32
      %dma_wait3A_283 = tpu.memref_slice %arg2[%dma_wait3A_281, %dma_wait3A_282] : memref<10240x64xf32, #tpu.memory_space<hbm>> -> memref<10240x64xf32, #tpu.memory_space<hbm>>
      %dma_wait3A_284 = tpu.memref_slice %arg7[%dma_wait3A_273] : memref<8x!tpu.dma_semaphore, #tpu.memory_space<semaphore_mem>> -> memref<1x!tpu.dma_semaphore, #tpu.memory_space<semaphore_mem>>
      %dma_wait3A_285 = tpu.memref_squeeze %dma_wait3A_284 : memref<1x!tpu.dma_semaphore, #tpu.memory_space<semaphore_mem>> -> memref<!tpu.dma_semaphore, #tpu.memory_space<semaphore_mem>>
      tpu.wait_indirect_dma semaphore(%dma_wait3A_285 : memref<!tpu.dma_semaphore, #tpu.memory_space<semaphore_mem>>) src(%dma_wait3A_283 : memref<10240x64xf32, #tpu.memory_space<hbm>>) dst(%dma_wait3A_277 : memref<128x64xf32, #tpu.memory_space<vmem>>)
      %mul3A_286 = arith.constant 8 : i32
      %mul3A_287 = arith.muli %scan3A_18, %mul3A_286 : i32
      %add3A_288 = arith.constant 3 : i32
      %add3A_289 = arith.addi %mul3A_287, %add3A_288 : i32
      %dma_start3A_290 = arith.constant 3 : i32
      %dma_start3A_291 = arith.constant 1 : i32
      %dma_start3A_292 = arith.constant 3 : i32
      %dma_start3A_293 = arith.constant 0 : i32
      %dma_start3A_294 = arith.constant 0 : i32
      %dma_start3A_295 = tpu.memref_slice %arg6[%dma_start3A_290, %dma_start3A_293, %dma_start3A_294] : memref<8x128x64xf32, #tpu.memory_space<vmem>> -> memref<1x128x64xf32, #tpu.memory_space<vmem>>
      %dma_start3A_296 = tpu.memref_squeeze %dma_start3A_295 : memref<1x128x64xf32, #tpu.memory_space<vmem>> -> memref<128x64xf32, #tpu.memory_space<vmem>>
      %dma_start3A_297 = arith.constant 0 : i32
      %dma_start3A_298 = tpu.memref_slice %arg5[%add3A_289, %dma_start3A_291, %dma_start3A_297] : memref<80x2x128xi32, #tpu.memory_space<vmem>> -> memref<1x1x128xi32, #tpu.memory_space<vmem>>
      %dma_start3A_299 = tpu.memref_squeeze %dma_start3A_298 : memref<1x1x128xi32, #tpu.memory_space<vmem>> -> memref<128xi32, #tpu.memory_space<vmem>>
      %dma_start3A_300 = arith.constant 0 : i32
      %dma_start3A_301 = arith.constant 0 : i32
      %dma_start3A_302 = tpu.memref_slice %arg9[%dma_start3A_300, %dma_start3A_301] : memref<10240x64xf32, #tpu.memory_space<vmem_shared>> -> memref<10240x64xf32, #tpu.memory_space<vmem_shared>>
      %dma_start3A_303 = tpu.memref_slice %arg8[%dma_start3A_292] : memref<8x!tpu.dma_semaphore, #tpu.memory_space<semaphore_mem>> -> memref<1x!tpu.dma_semaphore, #tpu.memory_space<semaphore_mem>>
      %dma_start3A_304 = tpu.memref_squeeze %dma_start3A_303 : memref<1x!tpu.dma_semaphore, #tpu.memory_space<semaphore_mem>> -> memref<!tpu.dma_semaphore, #tpu.memory_space<semaphore_mem>>
      tpu.enqueue_indirect_dma source(%dma_start3A_296 : memref<128x64xf32, #tpu.memory_space<vmem>>) target(%dma_start3A_302 : memref<10240x64xf32, #tpu.memory_space<vmem_shared>>) offsets(%dma_start3A_299 : memref<128xi32, #tpu.memory_space<vmem>>) semaphore(%dma_start3A_304 : memref<!tpu.dma_semaphore, #tpu.memory_space<semaphore_mem>>) {add = true}
      %dma_wait3A_305 = arith.constant 0 : i32
      %dma_wait3A_306 = arith.constant 4 : i32
      %dma_wait3A_307 = arith.constant 4 : i32
      %dma_wait3A_308 = arith.constant 0 : i32
      %dma_wait3A_309 = arith.constant 0 : i32
      %dma_wait3A_310 = tpu.memref_slice %arg6[%dma_wait3A_306, %dma_wait3A_308, %dma_wait3A_309] : memref<8x128x64xf32, #tpu.memory_space<vmem>> -> memref<1x128x64xf32, #tpu.memory_space<vmem>>
      %dma_wait3A_311 = tpu.memref_squeeze %dma_wait3A_310 : memref<1x128x64xf32, #tpu.memory_space<vmem>> -> memref<128x64xf32, #tpu.memory_space<vmem>>
      %dma_wait3A_312 = arith.constant 0 : i32
      %dma_wait3A_313 = tpu.memref_slice %arg5[%add3A_97, %dma_wait3A_305, %dma_wait3A_312] : memref<80x2x128xi32, #tpu.memory_space<vmem>> -> memref<1x1x128xi32, #tpu.memory_space<vmem>>
      %dma_wait3A_314 = tpu.memref_squeeze %dma_wait3A_313 : memref<1x1x128xi32, #tpu.memory_space<vmem>> -> memref<128xi32, #tpu.memory_space<vmem>>
      %dma_wait3A_315 = arith.constant 0 : i32
      %dma_wait3A_316 = arith.constant 0 : i32
      %dma_wait3A_317 = tpu.memref_slice %arg2[%dma_wait3A_315, %dma_wait3A_316] : memref<10240x64xf32, #tpu.memory_space<hbm>> -> memref<10240x64xf32, #tpu.memory_space<hbm>>
      %dma_wait3A_318 = tpu.memref_slice %arg7[%dma_wait3A_307] : memref<8x!tpu.dma_semaphore, #tpu.memory_space<semaphore_mem>> -> memref<1x!tpu.dma_semaphore, #tpu.memory_space<semaphore_mem>>
      %dma_wait3A_319 = tpu.memref_squeeze %dma_wait3A_318 : memref<1x!tpu.dma_semaphore, #tpu.memory_space<semaphore_mem>> -> memref<!tpu.dma_semaphore, #tpu.memory_space<semaphore_mem>>
      tpu.wait_indirect_dma semaphore(%dma_wait3A_319 : memref<!tpu.dma_semaphore, #tpu.memory_space<semaphore_mem>>) src(%dma_wait3A_317 : memref<10240x64xf32, #tpu.memory_space<hbm>>) dst(%dma_wait3A_311 : memref<128x64xf32, #tpu.memory_space<vmem>>)
      %mul3A_320 = arith.constant 8 : i32
      %mul3A_321 = arith.muli %scan3A_18, %mul3A_320 : i32
      %add3A_322 = arith.constant 4 : i32
      %add3A_323 = arith.addi %mul3A_321, %add3A_322 : i32
      %dma_start3A_324 = arith.constant 4 : i32
      %dma_start3A_325 = arith.constant 1 : i32
      %dma_start3A_326 = arith.constant 4 : i32
      %dma_start3A_327 = arith.constant 0 : i32
      %dma_start3A_328 = arith.constant 0 : i32
      %dma_start3A_329 = tpu.memref_slice %arg6[%dma_start3A_324, %dma_start3A_327, %dma_start3A_328] : memref<8x128x64xf32, #tpu.memory_space<vmem>> -> memref<1x128x64xf32, #tpu.memory_space<vmem>>
      %dma_start3A_330 = tpu.memref_squeeze %dma_start3A_329 : memref<1x128x64xf32, #tpu.memory_space<vmem>> -> memref<128x64xf32, #tpu.memory_space<vmem>>
      %dma_start3A_331 = arith.constant 0 : i32
      %dma_start3A_332 = tpu.memref_slice %arg5[%add3A_323, %dma_start3A_325, %dma_start3A_331] : memref<80x2x128xi32, #tpu.memory_space<vmem>> -> memref<1x1x128xi32, #tpu.memory_space<vmem>>
      %dma_start3A_333 = tpu.memref_squeeze %dma_start3A_332 : memref<1x1x128xi32, #tpu.memory_space<vmem>> -> memref<128xi32, #tpu.memory_space<vmem>>
      %dma_start3A_334 = arith.constant 0 : i32
      %dma_start3A_335 = arith.constant 0 : i32
      %dma_start3A_336 = tpu.memref_slice %arg9[%dma_start3A_334, %dma_start3A_335] : memref<10240x64xf32, #tpu.memory_space<vmem_shared>> -> memref<10240x64xf32, #tpu.memory_space<vmem_shared>>
      %dma_start3A_337 = tpu.memref_slice %arg8[%dma_start3A_326] : memref<8x!tpu.dma_semaphore, #tpu.memory_space<semaphore_mem>> -> memref<1x!tpu.dma_semaphore, #tpu.memory_space<semaphore_mem>>
      %dma_start3A_338 = tpu.memref_squeeze %dma_start3A_337 : memref<1x!tpu.dma_semaphore, #tpu.memory_space<semaphore_mem>> -> memref<!tpu.dma_semaphore, #tpu.memory_space<semaphore_mem>>
      tpu.enqueue_indirect_dma source(%dma_start3A_330 : memref<128x64xf32, #tpu.memory_space<vmem>>) target(%dma_start3A_336 : memref<10240x64xf32, #tpu.memory_space<vmem_shared>>) offsets(%dma_start3A_333 : memref<128xi32, #tpu.memory_space<vmem>>) semaphore(%dma_start3A_338 : memref<!tpu.dma_semaphore, #tpu.memory_space<semaphore_mem>>) {add = true}
      %dma_wait3A_339 = arith.constant 0 : i32
      %dma_wait3A_340 = arith.constant 5 : i32
      %dma_wait3A_341 = arith.constant 5 : i32
      %dma_wait3A_342 = arith.constant 0 : i32
      %dma_wait3A_343 = arith.constant 0 : i32
      %dma_wait3A_344 = tpu.memref_slice %arg6[%dma_wait3A_340, %dma_wait3A_342, %dma_wait3A_343] : memref<8x128x64xf32, #tpu.memory_space<vmem>> -> memref<1x128x64xf32, #tpu.memory_space<vmem>>
      %dma_wait3A_345 = tpu.memref_squeeze %dma_wait3A_344 : memref<1x128x64xf32, #tpu.memory_space<vmem>> -> memref<128x64xf32, #tpu.memory_space<vmem>>
      %dma_wait3A_346 = arith.constant 0 : i32
      %dma_wait3A_347 = tpu.memref_slice %arg5[%add3A_116, %dma_wait3A_339, %dma_wait3A_346] : memref<80x2x128xi32, #tpu.memory_space<vmem>> -> memref<1x1x128xi32, #tpu.memory_space<vmem>>
      %dma_wait3A_348 = tpu.memref_squeeze %dma_wait3A_347 : memref<1x1x128xi32, #tpu.memory_space<vmem>> -> memref<128xi32, #tpu.memory_space<vmem>>
      %dma_wait3A_349 = arith.constant 0 : i32
      %dma_wait3A_350 = arith.constant 0 : i32
      %dma_wait3A_351 = tpu.memref_slice %arg2[%dma_wait3A_349, %dma_wait3A_350] : memref<10240x64xf32, #tpu.memory_space<hbm>> -> memref<10240x64xf32, #tpu.memory_space<hbm>>
      %dma_wait3A_352 = tpu.memref_slice %arg7[%dma_wait3A_341] : memref<8x!tpu.dma_semaphore, #tpu.memory_space<semaphore_mem>> -> memref<1x!tpu.dma_semaphore, #tpu.memory_space<semaphore_mem>>
      %dma_wait3A_353 = tpu.memref_squeeze %dma_wait3A_352 : memref<1x!tpu.dma_semaphore, #tpu.memory_space<semaphore_mem>> -> memref<!tpu.dma_semaphore, #tpu.memory_space<semaphore_mem>>
      tpu.wait_indirect_dma semaphore(%dma_wait3A_353 : memref<!tpu.dma_semaphore, #tpu.memory_space<semaphore_mem>>) src(%dma_wait3A_351 : memref<10240x64xf32, #tpu.memory_space<hbm>>) dst(%dma_wait3A_345 : memref<128x64xf32, #tpu.memory_space<vmem>>)
      %mul3A_354 = arith.constant 8 : i32
      %mul3A_355 = arith.muli %scan3A_18, %mul3A_354 : i32
      %add3A_356 = arith.constant 5 : i32
      %add3A_357 = arith.addi %mul3A_355, %add3A_356 : i32
      %dma_start3A_358 = arith.constant 5 : i32
      %dma_start3A_359 = arith.constant 1 : i32
      %dma_start3A_360 = arith.constant 5 : i32
      %dma_start3A_361 = arith.constant 0 : i32
      %dma_start3A_362 = arith.constant 0 : i32
      %dma_start3A_363 = tpu.memref_slice %arg6[%dma_start3A_358, %dma_start3A_361, %dma_start3A_362] : memref<8x128x64xf32, #tpu.memory_space<vmem>> -> memref<1x128x64xf32, #tpu.memory_space<vmem>>
      %dma_start3A_364 = tpu.memref_squeeze %dma_start3A_363 : memref<1x128x64xf32, #tpu.memory_space<vmem>> -> memref<128x64xf32, #tpu.memory_space<vmem>>
      %dma_start3A_365 = arith.constant 0 : i32
      %dma_start3A_366 = tpu.memref_slice %arg5[%add3A_357, %dma_start3A_359, %dma_start3A_365] : memref<80x2x128xi32, #tpu.memory_space<vmem>> -> memref<1x1x128xi32, #tpu.memory_space<vmem>>
      %dma_start3A_367 = tpu.memref_squeeze %dma_start3A_366 : memref<1x1x128xi32, #tpu.memory_space<vmem>> -> memref<128xi32, #tpu.memory_space<vmem>>
      %dma_start3A_368 = arith.constant 0 : i32
      %dma_start3A_369 = arith.constant 0 : i32
      %dma_start3A_370 = tpu.memref_slice %arg9[%dma_start3A_368, %dma_start3A_369] : memref<10240x64xf32, #tpu.memory_space<vmem_shared>> -> memref<10240x64xf32, #tpu.memory_space<vmem_shared>>
      %dma_start3A_371 = tpu.memref_slice %arg8[%dma_start3A_360] : memref<8x!tpu.dma_semaphore, #tpu.memory_space<semaphore_mem>> -> memref<1x!tpu.dma_semaphore, #tpu.memory_space<semaphore_mem>>
      %dma_start3A_372 = tpu.memref_squeeze %dma_start3A_371 : memref<1x!tpu.dma_semaphore, #tpu.memory_space<semaphore_mem>> -> memref<!tpu.dma_semaphore, #tpu.memory_space<semaphore_mem>>
      tpu.enqueue_indirect_dma source(%dma_start3A_364 : memref<128x64xf32, #tpu.memory_space<vmem>>) target(%dma_start3A_370 : memref<10240x64xf32, #tpu.memory_space<vmem_shared>>) offsets(%dma_start3A_367 : memref<128xi32, #tpu.memory_space<vmem>>) semaphore(%dma_start3A_372 : memref<!tpu.dma_semaphore, #tpu.memory_space<semaphore_mem>>) {add = true}
      %dma_wait3A_373 = arith.constant 0 : i32
      %dma_wait3A_374 = arith.constant 6 : i32
      %dma_wait3A_375 = arith.constant 6 : i32
      %dma_wait3A_376 = arith.constant 0 : i32
      %dma_wait3A_377 = arith.constant 0 : i32
      %dma_wait3A_378 = tpu.memref_slice %arg6[%dma_wait3A_374, %dma_wait3A_376, %dma_wait3A_377] : memref<8x128x64xf32, #tpu.memory_space<vmem>> -> memref<1x128x64xf32, #tpu.memory_space<vmem>>
      %dma_wait3A_379 = tpu.memref_squeeze %dma_wait3A_378 : memref<1x128x64xf32, #tpu.memory_space<vmem>> -> memref<128x64xf32, #tpu.memory_space<vmem>>
      %dma_wait3A_380 = arith.constant 0 : i32
      %dma_wait3A_381 = tpu.memref_slice %arg5[%add3A_135, %dma_wait3A_373, %dma_wait3A_380] : memref<80x2x128xi32, #tpu.memory_space<vmem>> -> memref<1x1x128xi32, #tpu.memory_space<vmem>>
      %dma_wait3A_382 = tpu.memref_squeeze %dma_wait3A_381 : memref<1x1x128xi32, #tpu.memory_space<vmem>> -> memref<128xi32, #tpu.memory_space<vmem>>
      %dma_wait3A_383 = arith.constant 0 : i32
      %dma_wait3A_384 = arith.constant 0 : i32
      %dma_wait3A_385 = tpu.memref_slice %arg2[%dma_wait3A_383, %dma_wait3A_384] : memref<10240x64xf32, #tpu.memory_space<hbm>> -> memref<10240x64xf32, #tpu.memory_space<hbm>>
      %dma_wait3A_386 = tpu.memref_slice %arg7[%dma_wait3A_375] : memref<8x!tpu.dma_semaphore, #tpu.memory_space<semaphore_mem>> -> memref<1x!tpu.dma_semaphore, #tpu.memory_space<semaphore_mem>>
      %dma_wait3A_387 = tpu.memref_squeeze %dma_wait3A_386 : memref<1x!tpu.dma_semaphore, #tpu.memory_space<semaphore_mem>> -> memref<!tpu.dma_semaphore, #tpu.memory_space<semaphore_mem>>
      tpu.wait_indirect_dma semaphore(%dma_wait3A_387 : memref<!tpu.dma_semaphore, #tpu.memory_space<semaphore_mem>>) src(%dma_wait3A_385 : memref<10240x64xf32, #tpu.memory_space<hbm>>) dst(%dma_wait3A_379 : memref<128x64xf32, #tpu.memory_space<vmem>>)
      %mul3A_388 = arith.constant 8 : i32
      %mul3A_389 = arith.muli %scan3A_18, %mul3A_388 : i32
      %add3A_390 = arith.constant 6 : i32
      %add3A_391 = arith.addi %mul3A_389, %add3A_390 : i32
      %dma_start3A_392 = arith.constant 6 : i32
      %dma_start3A_393 = arith.constant 1 : i32
      %dma_start3A_394 = arith.constant 6 : i32
      %dma_start3A_395 = arith.constant 0 : i32
      %dma_start3A_396 = arith.constant 0 : i32
      %dma_start3A_397 = tpu.memref_slice %arg6[%dma_start3A_392, %dma_start3A_395, %dma_start3A_396] : memref<8x128x64xf32, #tpu.memory_space<vmem>> -> memref<1x128x64xf32, #tpu.memory_space<vmem>>
      %dma_start3A_398 = tpu.memref_squeeze %dma_start3A_397 : memref<1x128x64xf32, #tpu.memory_space<vmem>> -> memref<128x64xf32, #tpu.memory_space<vmem>>
      %dma_start3A_399 = arith.constant 0 : i32
      %dma_start3A_400 = tpu.memref_slice %arg5[%add3A_391, %dma_start3A_393, %dma_start3A_399] : memref<80x2x128xi32, #tpu.memory_space<vmem>> -> memref<1x1x128xi32, #tpu.memory_space<vmem>>
      %dma_start3A_401 = tpu.memref_squeeze %dma_start3A_400 : memref<1x1x128xi32, #tpu.memory_space<vmem>> -> memref<128xi32, #tpu.memory_space<vmem>>
      %dma_start3A_402 = arith.constant 0 : i32
      %dma_start3A_403 = arith.constant 0 : i32
      %dma_start3A_404 = tpu.memref_slice %arg9[%dma_start3A_402, %dma_start3A_403] : memref<10240x64xf32, #tpu.memory_space<vmem_shared>> -> memref<10240x64xf32, #tpu.memory_space<vmem_shared>>
      %dma_start3A_405 = tpu.memref_slice %arg8[%dma_start3A_394] : memref<8x!tpu.dma_semaphore, #tpu.memory_space<semaphore_mem>> -> memref<1x!tpu.dma_semaphore, #tpu.memory_space<semaphore_mem>>
      %dma_start3A_406 = tpu.memref_squeeze %dma_start3A_405 : memref<1x!tpu.dma_semaphore, #tpu.memory_space<semaphore_mem>> -> memref<!tpu.dma_semaphore, #tpu.memory_space<semaphore_mem>>
      tpu.enqueue_indirect_dma source(%dma_start3A_398 : memref<128x64xf32, #tpu.memory_space<vmem>>) target(%dma_start3A_404 : memref<10240x64xf32, #tpu.memory_space<vmem_shared>>) offsets(%dma_start3A_401 : memref<128xi32, #tpu.memory_space<vmem>>) semaphore(%dma_start3A_406 : memref<!tpu.dma_semaphore, #tpu.memory_space<semaphore_mem>>) {add = true}
      %dma_wait3A_407 = arith.constant 0 : i32
      %dma_wait3A_408 = arith.constant 7 : i32
      %dma_wait3A_409 = arith.constant 7 : i32
      %dma_wait3A_410 = arith.constant 0 : i32
      %dma_wait3A_411 = arith.constant 0 : i32
      %dma_wait3A_412 = tpu.memref_slice %arg6[%dma_wait3A_408, %dma_wait3A_410, %dma_wait3A_411] : memref<8x128x64xf32, #tpu.memory_space<vmem>> -> memref<1x128x64xf32, #tpu.memory_space<vmem>>
      %dma_wait3A_413 = tpu.memref_squeeze %dma_wait3A_412 : memref<1x128x64xf32, #tpu.memory_space<vmem>> -> memref<128x64xf32, #tpu.memory_space<vmem>>
      %dma_wait3A_414 = arith.constant 0 : i32
      %dma_wait3A_415 = tpu.memref_slice %arg5[%add3A_154, %dma_wait3A_407, %dma_wait3A_414] : memref<80x2x128xi32, #tpu.memory_space<vmem>> -> memref<1x1x128xi32, #tpu.memory_space<vmem>>
      %dma_wait3A_416 = tpu.memref_squeeze %dma_wait3A_415 : memref<1x1x128xi32, #tpu.memory_space<vmem>> -> memref<128xi32, #tpu.memory_space<vmem>>
      %dma_wait3A_417 = arith.constant 0 : i32
      %dma_wait3A_418 = arith.constant 0 : i32
      %dma_wait3A_419 = tpu.memref_slice %arg2[%dma_wait3A_417, %dma_wait3A_418] : memref<10240x64xf32, #tpu.memory_space<hbm>> -> memref<10240x64xf32, #tpu.memory_space<hbm>>
      %dma_wait3A_420 = tpu.memref_slice %arg7[%dma_wait3A_409] : memref<8x!tpu.dma_semaphore, #tpu.memory_space<semaphore_mem>> -> memref<1x!tpu.dma_semaphore, #tpu.memory_space<semaphore_mem>>
      %dma_wait3A_421 = tpu.memref_squeeze %dma_wait3A_420 : memref<1x!tpu.dma_semaphore, #tpu.memory_space<semaphore_mem>> -> memref<!tpu.dma_semaphore, #tpu.memory_space<semaphore_mem>>
      tpu.wait_indirect_dma semaphore(%dma_wait3A_421 : memref<!tpu.dma_semaphore, #tpu.memory_space<semaphore_mem>>) src(%dma_wait3A_419 : memref<10240x64xf32, #tpu.memory_space<hbm>>) dst(%dma_wait3A_413 : memref<128x64xf32, #tpu.memory_space<vmem>>)
      %mul3A_422 = arith.constant 8 : i32
      %mul3A_423 = arith.muli %scan3A_18, %mul3A_422 : i32
      %add3A_424 = arith.constant 7 : i32
      %add3A_425 = arith.addi %mul3A_423, %add3A_424 : i32
      %dma_start3A_426 = arith.constant 7 : i32
      %dma_start3A_427 = arith.constant 1 : i32
      %dma_start3A_428 = arith.constant 7 : i32
      %dma_start3A_429 = arith.constant 0 : i32
      %dma_start3A_430 = arith.constant 0 : i32
      %dma_start3A_431 = tpu.memref_slice %arg6[%dma_start3A_426, %dma_start3A_429, %dma_start3A_430] : memref<8x128x64xf32, #tpu.memory_space<vmem>> -> memref<1x128x64xf32, #tpu.memory_space<vmem>>
      %dma_start3A_432 = tpu.memref_squeeze %dma_start3A_431 : memref<1x128x64xf32, #tpu.memory_space<vmem>> -> memref<128x64xf32, #tpu.memory_space<vmem>>
      %dma_start3A_433 = arith.constant 0 : i32
      %dma_start3A_434 = tpu.memref_slice %arg5[%add3A_425, %dma_start3A_427, %dma_start3A_433] : memref<80x2x128xi32, #tpu.memory_space<vmem>> -> memref<1x1x128xi32, #tpu.memory_space<vmem>>
      %dma_start3A_435 = tpu.memref_squeeze %dma_start3A_434 : memref<1x1x128xi32, #tpu.memory_space<vmem>> -> memref<128xi32, #tpu.memory_space<vmem>>
      %dma_start3A_436 = arith.constant 0 : i32
      %dma_start3A_437 = arith.constant 0 : i32
      %dma_start3A_438 = tpu.memref_slice %arg9[%dma_start3A_436, %dma_start3A_437] : memref<10240x64xf32, #tpu.memory_space<vmem_shared>> -> memref<10240x64xf32, #tpu.memory_space<vmem_shared>>
      %dma_start3A_439 = tpu.memref_slice %arg8[%dma_start3A_428] : memref<8x!tpu.dma_semaphore, #tpu.memory_space<semaphore_mem>> -> memref<1x!tpu.dma_semaphore, #tpu.memory_space<semaphore_mem>>
      %dma_start3A_440 = tpu.memref_squeeze %dma_start3A_439 : memref<1x!tpu.dma_semaphore, #tpu.memory_space<semaphore_mem>> -> memref<!tpu.dma_semaphore, #tpu.memory_space<semaphore_mem>>
      tpu.enqueue_indirect_dma source(%dma_start3A_432 : memref<128x64xf32, #tpu.memory_space<vmem>>) target(%dma_start3A_438 : memref<10240x64xf32, #tpu.memory_space<vmem_shared>>) offsets(%dma_start3A_435 : memref<128xi32, #tpu.memory_space<vmem>>) semaphore(%dma_start3A_440 : memref<!tpu.dma_semaphore, #tpu.memory_space<semaphore_mem>>) {add = true}
      %dma_wait3A_441 = arith.constant 0 : i32
      %dma_wait3A_442 = arith.constant 1 : i32
      %dma_wait3A_443 = arith.constant 0 : i32
      %dma_wait3A_444 = arith.constant 0 : i32
      %dma_wait3A_445 = arith.constant 0 : i32
      %dma_wait3A_446 = tpu.memref_slice %arg6[%dma_wait3A_441, %dma_wait3A_444, %dma_wait3A_445] : memref<8x128x64xf32, #tpu.memory_space<vmem>> -> memref<1x128x64xf32, #tpu.memory_space<vmem>>
      %dma_wait3A_447 = tpu.memref_squeeze %dma_wait3A_446 : memref<1x128x64xf32, #tpu.memory_space<vmem>> -> memref<128x64xf32, #tpu.memory_space<vmem>>
      %dma_wait3A_448 = arith.constant 0 : i32
      %dma_wait3A_449 = tpu.memref_slice %arg5[%add3A_187, %dma_wait3A_442, %dma_wait3A_448] : memref<80x2x128xi32, #tpu.memory_space<vmem>> -> memref<1x1x128xi32, #tpu.memory_space<vmem>>
      %dma_wait3A_450 = tpu.memref_squeeze %dma_wait3A_449 : memref<1x1x128xi32, #tpu.memory_space<vmem>> -> memref<128xi32, #tpu.memory_space<vmem>>
      %dma_wait3A_451 = arith.constant 0 : i32
      %dma_wait3A_452 = arith.constant 0 : i32
      %dma_wait3A_453 = tpu.memref_slice %arg9[%dma_wait3A_451, %dma_wait3A_452] : memref<10240x64xf32, #tpu.memory_space<vmem_shared>> -> memref<10240x64xf32, #tpu.memory_space<vmem_shared>>
      %dma_wait3A_454 = tpu.memref_slice %arg8[%dma_wait3A_443] : memref<8x!tpu.dma_semaphore, #tpu.memory_space<semaphore_mem>> -> memref<1x!tpu.dma_semaphore, #tpu.memory_space<semaphore_mem>>
      %dma_wait3A_455 = tpu.memref_squeeze %dma_wait3A_454 : memref<1x!tpu.dma_semaphore, #tpu.memory_space<semaphore_mem>> -> memref<!tpu.dma_semaphore, #tpu.memory_space<semaphore_mem>>
      tpu.wait_indirect_dma semaphore(%dma_wait3A_455 : memref<!tpu.dma_semaphore, #tpu.memory_space<semaphore_mem>>) src(%dma_wait3A_447 : memref<128x64xf32, #tpu.memory_space<vmem>>) dst(%dma_wait3A_453 : memref<10240x64xf32, #tpu.memory_space<vmem_shared>>)
      %dma_wait3A_456 = arith.constant 1 : i32
      %dma_wait3A_457 = arith.constant 1 : i32
      %dma_wait3A_458 = arith.constant 1 : i32
      %dma_wait3A_459 = arith.constant 0 : i32
      %dma_wait3A_460 = arith.constant 0 : i32
      %dma_wait3A_461 = tpu.memref_slice %arg6[%dma_wait3A_456, %dma_wait3A_459, %dma_wait3A_460] : memref<8x128x64xf32, #tpu.memory_space<vmem>> -> memref<1x128x64xf32, #tpu.memory_space<vmem>>
      %dma_wait3A_462 = tpu.memref_squeeze %dma_wait3A_461 : memref<1x128x64xf32, #tpu.memory_space<vmem>> -> memref<128x64xf32, #tpu.memory_space<vmem>>
      %dma_wait3A_463 = arith.constant 0 : i32
      %dma_wait3A_464 = tpu.memref_slice %arg5[%add3A_221, %dma_wait3A_457, %dma_wait3A_463] : memref<80x2x128xi32, #tpu.memory_space<vmem>> -> memref<1x1x128xi32, #tpu.memory_space<vmem>>
      %dma_wait3A_465 = tpu.memref_squeeze %dma_wait3A_464 : memref<1x1x128xi32, #tpu.memory_space<vmem>> -> memref<128xi32, #tpu.memory_space<vmem>>
      %dma_wait3A_466 = arith.constant 0 : i32
      %dma_wait3A_467 = arith.constant 0 : i32
      %dma_wait3A_468 = tpu.memref_slice %arg9[%dma_wait3A_466, %dma_wait3A_467] : memref<10240x64xf32, #tpu.memory_space<vmem_shared>> -> memref<10240x64xf32, #tpu.memory_space<vmem_shared>>
      %dma_wait3A_469 = tpu.memref_slice %arg8[%dma_wait3A_458] : memref<8x!tpu.dma_semaphore, #tpu.memory_space<semaphore_mem>> -> memref<1x!tpu.dma_semaphore, #tpu.memory_space<semaphore_mem>>
      %dma_wait3A_470 = tpu.memref_squeeze %dma_wait3A_469 : memref<1x!tpu.dma_semaphore, #tpu.memory_space<semaphore_mem>> -> memref<!tpu.dma_semaphore, #tpu.memory_space<semaphore_mem>>
      tpu.wait_indirect_dma semaphore(%dma_wait3A_470 : memref<!tpu.dma_semaphore, #tpu.memory_space<semaphore_mem>>) src(%dma_wait3A_462 : memref<128x64xf32, #tpu.memory_space<vmem>>) dst(%dma_wait3A_468 : memref<10240x64xf32, #tpu.memory_space<vmem_shared>>)
      %dma_wait3A_471 = arith.constant 2 : i32
      %dma_wait3A_472 = arith.constant 1 : i32
      %dma_wait3A_473 = arith.constant 2 : i32
      %dma_wait3A_474 = arith.constant 0 : i32
      %dma_wait3A_475 = arith.constant 0 : i32
      %dma_wait3A_476 = tpu.memref_slice %arg6[%dma_wait3A_471, %dma_wait3A_474, %dma_wait3A_475] : memref<8x128x64xf32, #tpu.memory_space<vmem>> -> memref<1x128x64xf32, #tpu.memory_space<vmem>>
      %dma_wait3A_477 = tpu.memref_squeeze %dma_wait3A_476 : memref<1x128x64xf32, #tpu.memory_space<vmem>> -> memref<128x64xf32, #tpu.memory_space<vmem>>
      %dma_wait3A_478 = arith.constant 0 : i32
      %dma_wait3A_479 = tpu.memref_slice %arg5[%add3A_255, %dma_wait3A_472, %dma_wait3A_478] : memref<80x2x128xi32, #tpu.memory_space<vmem>> -> memref<1x1x128xi32, #tpu.memory_space<vmem>>
      %dma_wait3A_480 = tpu.memref_squeeze %dma_wait3A_479 : memref<1x1x128xi32, #tpu.memory_space<vmem>> -> memref<128xi32, #tpu.memory_space<vmem>>
      %dma_wait3A_481 = arith.constant 0 : i32
      %dma_wait3A_482 = arith.constant 0 : i32
      %dma_wait3A_483 = tpu.memref_slice %arg9[%dma_wait3A_481, %dma_wait3A_482] : memref<10240x64xf32, #tpu.memory_space<vmem_shared>> -> memref<10240x64xf32, #tpu.memory_space<vmem_shared>>
      %dma_wait3A_484 = tpu.memref_slice %arg8[%dma_wait3A_473] : memref<8x!tpu.dma_semaphore, #tpu.memory_space<semaphore_mem>> -> memref<1x!tpu.dma_semaphore, #tpu.memory_space<semaphore_mem>>
      %dma_wait3A_485 = tpu.memref_squeeze %dma_wait3A_484 : memref<1x!tpu.dma_semaphore, #tpu.memory_space<semaphore_mem>> -> memref<!tpu.dma_semaphore, #tpu.memory_space<semaphore_mem>>
      tpu.wait_indirect_dma semaphore(%dma_wait3A_485 : memref<!tpu.dma_semaphore, #tpu.memory_space<semaphore_mem>>) src(%dma_wait3A_477 : memref<128x64xf32, #tpu.memory_space<vmem>>) dst(%dma_wait3A_483 : memref<10240x64xf32, #tpu.memory_space<vmem_shared>>)
      %dma_wait3A_486 = arith.constant 3 : i32
      %dma_wait3A_487 = arith.constant 1 : i32
      %dma_wait3A_488 = arith.constant 3 : i32
      %dma_wait3A_489 = arith.constant 0 : i32
      %dma_wait3A_490 = arith.constant 0 : i32
      %dma_wait3A_491 = tpu.memref_slice %arg6[%dma_wait3A_486, %dma_wait3A_489, %dma_wait3A_490] : memref<8x128x64xf32, #tpu.memory_space<vmem>> -> memref<1x128x64xf32, #tpu.memory_space<vmem>>
      %dma_wait3A_492 = tpu.memref_squeeze %dma_wait3A_491 : memref<1x128x64xf32, #tpu.memory_space<vmem>> -> memref<128x64xf32, #tpu.memory_space<vmem>>
      %dma_wait3A_493 = arith.constant 0 : i32
      %dma_wait3A_494 = tpu.memref_slice %arg5[%add3A_289, %dma_wait3A_487, %dma_wait3A_493] : memref<80x2x128xi32, #tpu.memory_space<vmem>> -> memref<1x1x128xi32, #tpu.memory_space<vmem>>
      %dma_wait3A_495 = tpu.memref_squeeze %dma_wait3A_494 : memref<1x1x128xi32, #tpu.memory_space<vmem>> -> memref<128xi32, #tpu.memory_space<vmem>>
      %dma_wait3A_496 = arith.constant 0 : i32
      %dma_wait3A_497 = arith.constant 0 : i32
      %dma_wait3A_498 = tpu.memref_slice %arg9[%dma_wait3A_496, %dma_wait3A_497] : memref<10240x64xf32, #tpu.memory_space<vmem_shared>> -> memref<10240x64xf32, #tpu.memory_space<vmem_shared>>
      %dma_wait3A_499 = tpu.memref_slice %arg8[%dma_wait3A_488] : memref<8x!tpu.dma_semaphore, #tpu.memory_space<semaphore_mem>> -> memref<1x!tpu.dma_semaphore, #tpu.memory_space<semaphore_mem>>
      %dma_wait3A_500 = tpu.memref_squeeze %dma_wait3A_499 : memref<1x!tpu.dma_semaphore, #tpu.memory_space<semaphore_mem>> -> memref<!tpu.dma_semaphore, #tpu.memory_space<semaphore_mem>>
      tpu.wait_indirect_dma semaphore(%dma_wait3A_500 : memref<!tpu.dma_semaphore, #tpu.memory_space<semaphore_mem>>) src(%dma_wait3A_492 : memref<128x64xf32, #tpu.memory_space<vmem>>) dst(%dma_wait3A_498 : memref<10240x64xf32, #tpu.memory_space<vmem_shared>>)
      %dma_wait3A_501 = arith.constant 4 : i32
      %dma_wait3A_502 = arith.constant 1 : i32
      %dma_wait3A_503 = arith.constant 4 : i32
      %dma_wait3A_504 = arith.constant 0 : i32
      %dma_wait3A_505 = arith.constant 0 : i32
      %dma_wait3A_506 = tpu.memref_slice %arg6[%dma_wait3A_501, %dma_wait3A_504, %dma_wait3A_505] : memref<8x128x64xf32, #tpu.memory_space<vmem>> -> memref<1x128x64xf32, #tpu.memory_space<vmem>>
      %dma_wait3A_507 = tpu.memref_squeeze %dma_wait3A_506 : memref<1x128x64xf32, #tpu.memory_space<vmem>> -> memref<128x64xf32, #tpu.memory_space<vmem>>
      %dma_wait3A_508 = arith.constant 0 : i32
      %dma_wait3A_509 = tpu.memref_slice %arg5[%add3A_323, %dma_wait3A_502, %dma_wait3A_508] : memref<80x2x128xi32, #tpu.memory_space<vmem>> -> memref<1x1x128xi32, #tpu.memory_space<vmem>>
      %dma_wait3A_510 = tpu.memref_squeeze %dma_wait3A_509 : memref<1x1x128xi32, #tpu.memory_space<vmem>> -> memref<128xi32, #tpu.memory_space<vmem>>
      %dma_wait3A_511 = arith.constant 0 : i32
      %dma_wait3A_512 = arith.constant 0 : i32
      %dma_wait3A_513 = tpu.memref_slice %arg9[%dma_wait3A_511, %dma_wait3A_512] : memref<10240x64xf32, #tpu.memory_space<vmem_shared>> -> memref<10240x64xf32, #tpu.memory_space<vmem_shared>>
      %dma_wait3A_514 = tpu.memref_slice %arg8[%dma_wait3A_503] : memref<8x!tpu.dma_semaphore, #tpu.memory_space<semaphore_mem>> -> memref<1x!tpu.dma_semaphore, #tpu.memory_space<semaphore_mem>>
      %dma_wait3A_515 = tpu.memref_squeeze %dma_wait3A_514 : memref<1x!tpu.dma_semaphore, #tpu.memory_space<semaphore_mem>> -> memref<!tpu.dma_semaphore, #tpu.memory_space<semaphore_mem>>
      tpu.wait_indirect_dma semaphore(%dma_wait3A_515 : memref<!tpu.dma_semaphore, #tpu.memory_space<semaphore_mem>>) src(%dma_wait3A_507 : memref<128x64xf32, #tpu.memory_space<vmem>>) dst(%dma_wait3A_513 : memref<10240x64xf32, #tpu.memory_space<vmem_shared>>)
      %dma_wait3A_516 = arith.constant 5 : i32
      %dma_wait3A_517 = arith.constant 1 : i32
      %dma_wait3A_518 = arith.constant 5 : i32
      %dma_wait3A_519 = arith.constant 0 : i32
      %dma_wait3A_520 = arith.constant 0 : i32
      %dma_wait3A_521 = tpu.memref_slice %arg6[%dma_wait3A_516, %dma_wait3A_519, %dma_wait3A_520] : memref<8x128x64xf32, #tpu.memory_space<vmem>> -> memref<1x128x64xf32, #tpu.memory_space<vmem>>
      %dma_wait3A_522 = tpu.memref_squeeze %dma_wait3A_521 : memref<1x128x64xf32, #tpu.memory_space<vmem>> -> memref<128x64xf32, #tpu.memory_space<vmem>>
      %dma_wait3A_523 = arith.constant 0 : i32
      %dma_wait3A_524 = tpu.memref_slice %arg5[%add3A_357, %dma_wait3A_517, %dma_wait3A_523] : memref<80x2x128xi32, #tpu.memory_space<vmem>> -> memref<1x1x128xi32, #tpu.memory_space<vmem>>
      %dma_wait3A_525 = tpu.memref_squeeze %dma_wait3A_524 : memref<1x1x128xi32, #tpu.memory_space<vmem>> -> memref<128xi32, #tpu.memory_space<vmem>>
      %dma_wait3A_526 = arith.constant 0 : i32
      %dma_wait3A_527 = arith.constant 0 : i32
      %dma_wait3A_528 = tpu.memref_slice %arg9[%dma_wait3A_526, %dma_wait3A_527] : memref<10240x64xf32, #tpu.memory_space<vmem_shared>> -> memref<10240x64xf32, #tpu.memory_space<vmem_shared>>
      %dma_wait3A_529 = tpu.memref_slice %arg8[%dma_wait3A_518] : memref<8x!tpu.dma_semaphore, #tpu.memory_space<semaphore_mem>> -> memref<1x!tpu.dma_semaphore, #tpu.memory_space<semaphore_mem>>
      %dma_wait3A_530 = tpu.memref_squeeze %dma_wait3A_529 : memref<1x!tpu.dma_semaphore, #tpu.memory_space<semaphore_mem>> -> memref<!tpu.dma_semaphore, #tpu.memory_space<semaphore_mem>>
      tpu.wait_indirect_dma semaphore(%dma_wait3A_530 : memref<!tpu.dma_semaphore, #tpu.memory_space<semaphore_mem>>) src(%dma_wait3A_522 : memref<128x64xf32, #tpu.memory_space<vmem>>) dst(%dma_wait3A_528 : memref<10240x64xf32, #tpu.memory_space<vmem_shared>>)
      %dma_wait3A_531 = arith.constant 6 : i32
      %dma_wait3A_532 = arith.constant 1 : i32
      %dma_wait3A_533 = arith.constant 6 : i32
      %dma_wait3A_534 = arith.constant 0 : i32
      %dma_wait3A_535 = arith.constant 0 : i32
      %dma_wait3A_536 = tpu.memref_slice %arg6[%dma_wait3A_531, %dma_wait3A_534, %dma_wait3A_535] : memref<8x128x64xf32, #tpu.memory_space<vmem>> -> memref<1x128x64xf32, #tpu.memory_space<vmem>>
      %dma_wait3A_537 = tpu.memref_squeeze %dma_wait3A_536 : memref<1x128x64xf32, #tpu.memory_space<vmem>> -> memref<128x64xf32, #tpu.memory_space<vmem>>
      %dma_wait3A_538 = arith.constant 0 : i32
      %dma_wait3A_539 = tpu.memref_slice %arg5[%add3A_391, %dma_wait3A_532, %dma_wait3A_538] : memref<80x2x128xi32, #tpu.memory_space<vmem>> -> memref<1x1x128xi32, #tpu.memory_space<vmem>>
      %dma_wait3A_540 = tpu.memref_squeeze %dma_wait3A_539 : memref<1x1x128xi32, #tpu.memory_space<vmem>> -> memref<128xi32, #tpu.memory_space<vmem>>
      %dma_wait3A_541 = arith.constant 0 : i32
      %dma_wait3A_542 = arith.constant 0 : i32
      %dma_wait3A_543 = tpu.memref_slice %arg9[%dma_wait3A_541, %dma_wait3A_542] : memref<10240x64xf32, #tpu.memory_space<vmem_shared>> -> memref<10240x64xf32, #tpu.memory_space<vmem_shared>>
      %dma_wait3A_544 = tpu.memref_slice %arg8[%dma_wait3A_533] : memref<8x!tpu.dma_semaphore, #tpu.memory_space<semaphore_mem>> -> memref<1x!tpu.dma_semaphore, #tpu.memory_space<semaphore_mem>>
      %dma_wait3A_545 = tpu.memref_squeeze %dma_wait3A_544 : memref<1x!tpu.dma_semaphore, #tpu.memory_space<semaphore_mem>> -> memref<!tpu.dma_semaphore, #tpu.memory_space<semaphore_mem>>
      tpu.wait_indirect_dma semaphore(%dma_wait3A_545 : memref<!tpu.dma_semaphore, #tpu.memory_space<semaphore_mem>>) src(%dma_wait3A_537 : memref<128x64xf32, #tpu.memory_space<vmem>>) dst(%dma_wait3A_543 : memref<10240x64xf32, #tpu.memory_space<vmem_shared>>)
      %dma_wait3A_546 = arith.constant 7 : i32
      %dma_wait3A_547 = arith.constant 1 : i32
      %dma_wait3A_548 = arith.constant 7 : i32
      %dma_wait3A_549 = arith.constant 0 : i32
      %dma_wait3A_550 = arith.constant 0 : i32
      %dma_wait3A_551 = tpu.memref_slice %arg6[%dma_wait3A_546, %dma_wait3A_549, %dma_wait3A_550] : memref<8x128x64xf32, #tpu.memory_space<vmem>> -> memref<1x128x64xf32, #tpu.memory_space<vmem>>
      %dma_wait3A_552 = tpu.memref_squeeze %dma_wait3A_551 : memref<1x128x64xf32, #tpu.memory_space<vmem>> -> memref<128x64xf32, #tpu.memory_space<vmem>>
      %dma_wait3A_553 = arith.constant 0 : i32
      %dma_wait3A_554 = tpu.memref_slice %arg5[%add3A_425, %dma_wait3A_547, %dma_wait3A_553] : memref<80x2x128xi32, #tpu.memory_space<vmem>> -> memref<1x1x128xi32, #tpu.memory_space<vmem>>
      %dma_wait3A_555 = tpu.memref_squeeze %dma_wait3A_554 : memref<1x1x128xi32, #tpu.memory_space<vmem>> -> memref<128xi32, #tpu.memory_space<vmem>>
      %dma_wait3A_556 = arith.constant 0 : i32
      %dma_wait3A_557 = arith.constant 0 : i32
      %dma_wait3A_558 = tpu.memref_slice %arg9[%dma_wait3A_556, %dma_wait3A_557] : memref<10240x64xf32, #tpu.memory_space<vmem_shared>> -> memref<10240x64xf32, #tpu.memory_space<vmem_shared>>
      %dma_wait3A_559 = tpu.memref_slice %arg8[%dma_wait3A_548] : memref<8x!tpu.dma_semaphore, #tpu.memory_space<semaphore_mem>> -> memref<1x!tpu.dma_semaphore, #tpu.memory_space<semaphore_mem>>
      %dma_wait3A_560 = tpu.memref_squeeze %dma_wait3A_559 : memref<1x!tpu.dma_semaphore, #tpu.memory_space<semaphore_mem>> -> memref<!tpu.dma_semaphore, #tpu.memory_space<semaphore_mem>>
      tpu.wait_indirect_dma semaphore(%dma_wait3A_560 : memref<!tpu.dma_semaphore, #tpu.memory_space<semaphore_mem>>) src(%dma_wait3A_552 : memref<128x64xf32, #tpu.memory_space<vmem>>) dst(%dma_wait3A_558 : memref<10240x64xf32, #tpu.memory_space<vmem_shared>>)
    }
    %scan3A_16 = arith.constant 10 : i32
    %barrier3A_17 = arith.constant 0 : index
    tpu.barrier barrier_id(%barrier3A_17)
    "tpu.region"() ({
      %run_scoped3A = tpu.sem_alloc : memref<!tpu.dma_semaphore, #tpu.memory_space<semaphore_mem>>
      %dma_start3A = arith.constant 0 : i32
      %dma_start3A_18 = tpu.memref_slice %arg4[%arg0, %mul3A_2, %dma_start3A] : memref<2x10240x64xf32, #tpu.memory_space<hbm>> -> memref<1x640x64xf32, #tpu.memory_space<hbm>>
      %dma_start3A_19 = tpu.memref_squeeze %dma_start3A_18 : memref<1x640x64xf32, #tpu.memory_space<hbm>> -> memref<640x64xf32, #tpu.memory_space<hbm>>
      %dma_start3A_20 = arith.constant 0 : i32
      %dma_start3A_21 = tpu.memref_slice %arg9[%mul3A_2, %dma_start3A_20] : memref<10240x64xf32, #tpu.memory_space<vmem_shared>> -> memref<640x64xf32, #tpu.memory_space<vmem_shared>>
      tpu.enqueue_dma source(%dma_start3A_21 : memref<640x64xf32, #tpu.memory_space<vmem_shared>>) target(%dma_start3A_19 : memref<640x64xf32, #tpu.memory_space<hbm>>) target_semaphore(%run_scoped3A : memref<!tpu.dma_semaphore, #tpu.memory_space<semaphore_mem>>)
      %dma_wait3A = arith.constant 0 : i32
      %dma_wait3A_22 = tpu.memref_slice %arg4[%arg0, %mul3A_2, %dma_wait3A] : memref<2x10240x64xf32, #tpu.memory_space<hbm>> -> memref<1x640x64xf32, #tpu.memory_space<hbm>>
      %dma_wait3A_23 = tpu.memref_squeeze %dma_wait3A_22 : memref<1x640x64xf32, #tpu.memory_space<hbm>> -> memref<640x64xf32, #tpu.memory_space<hbm>>
      %dma_wait3A_24 = arith.constant 0 : i32
      %dma_wait3A_25 = tpu.memref_slice %arg9[%mul3A_2, %dma_wait3A_24] : memref<10240x64xf32, #tpu.memory_space<vmem_shared>> -> memref<640x64xf32, #tpu.memory_space<vmem_shared>>
      tpu.wait_dma2 semaphore(%run_scoped3A : memref<!tpu.dma_semaphore, #tpu.memory_space<semaphore_mem>>) src(%dma_wait3A_25 : memref<640x64xf32, #tpu.memory_space<vmem_shared>>) dst(%dma_wait3A_23 : memref<640x64xf32, #tpu.memory_space<hbm>>)
      tpu.yield
    }) : () -> ()
    return
  }
}

module attributes {stable_mosaic.version = 14 : i64} {
  func.func @_tc1_body(%arg0: memref<10000x128xf32, #tpu.memory_space<vmem>>, %arg1: memref<128x64xf32, #tpu.memory_space<vmem>>, %arg2: memref<10240x2xf32, #tpu.memory_space<vmem>>, %arg3: memref<10240x64xf32, #tpu.memory_space<vmem>>, %arg4: memref<10240x1xf32, #tpu.memory_space<vmem>>) attributes {dimension_semantics = [], scalar_prefetch = 0 : i64, scratch_operands = 0 : i64, tpu.core_type = #tpu.core_type<tc>} {
    %get3A = arith.constant 0 : index
    %get3A_0 = arith.constant 0 : index
    %get3A_1 = vector.load %arg2[%get3A, %get3A_0] : memref<10240x2xf32, #tpu.memory_space<vmem>>, vector<10240x1xf32>
    %get3A_2 = arith.constant 0 : index
    %get3A_3 = arith.constant 1 : index
    %get3A_4 = vector.load %arg2[%get3A_2, %get3A_3] : memref<10240x2xf32, #tpu.memory_space<vmem>>, vector<10240x1xf32>
    %add3A = arith.addf %get3A_1, %get3A_4 : vector<10240x1xf32>
    %add3A_5 = arith.constant 1.000000e+00 : f32
    %add3A_6 = vector.broadcast %add3A_5 : f32 to vector<10240x1xf32>
    %add3A_7 = arith.addf %add3A, %add3A_6 : vector<10240x1xf32>
    %iota3A = tpu.iota {dimensions = array<i32: 0>} : vector<10240x1xi32>
    %lt3A = arith.constant 10000 : i32
    %lt3A_8 = vector.broadcast %lt3A : i32 to vector<10240x1xi32>
    %lt3A_9 = arith.cmpi slt, %iota3A, %lt3A_8 : vector<10240x1xi32>
    %rsqrt3A = math.rsqrt %add3A_7 : vector<10240x1xf32>
    %jit3A = arith.constant 0.000000e+00 : f32
    %broadcast_in_dim3A = vector.broadcast %jit3A : f32 to vector<10240x1xf32>
    %select_n3A = arith.select %lt3A_9, %rsqrt3A, %broadcast_in_dim3A : vector<10240x1xi1>, vector<10240x1xf32>
    %swap3A = arith.constant 0 : index
    %swap3A_10 = arith.constant 0 : index
    %swap3A_11 = vector.load %arg4[%swap3A, %swap3A_10] : memref<10240x1xf32, #tpu.memory_space<vmem>>, vector<10240x1xf32>
    tpu.vector_store %arg4[%swap3A, %swap3A_10], %select_n3A {strides = array<i32>} : memref<10240x1xf32, #tpu.memory_space<vmem>>, vector<10240x1xf32>,
    %get3A_12 = arith.constant 0 : index
    %get3A_13 = arith.constant 0 : index
    %get3A_14 = vector.load %arg0[%get3A_12, %get3A_13] : memref<10000x128xf32, #tpu.memory_space<vmem>>, vector<10000x128xf32>
    %broadcast_in_dim3A_15 = arith.constant 0.000000e+00 : f32
    %broadcast_in_dim3A_16 = vector.broadcast %broadcast_in_dim3A_15 : f32 to vector<240x128xf32>
    %concatenate3A = tpu.concatenate %get3A_14, %broadcast_in_dim3A_16 in 0 : vector<10000x128xf32>, vector<240x128xf32> -> vector<10240x128xf32>
    %get3A_17 = arith.constant 0 : index
    %get3A_18 = arith.constant 0 : index
    %get3A_19 = vector.load %arg1[%get3A_17, %get3A_18] : memref<128x64xf32, #tpu.memory_space<vmem>>, vector<128x64xf32>
    %dot_general3A = arith.constant dense<0.000000e+00> : vector<10240x64xf32>
    %dot_general3A_20 = tpu.matmul %concatenate3A, %get3A_19, %dot_general3A {dimension_numbers = #tpu.dot_dimension_numbers<[1], [0], [0], [1], [0, 0, 1, 1], [], []>, transpose_lhs_hint = false} : vector<10240x128xf32>, vector<128x64xf32>, vector<10240x64xf32> -> vector<10240x64xf32>
    %mul3A = vector.broadcast %select_n3A : vector<10240x1xf32> to vector<10240x64xf32>
    %mul3A_21 = arith.mulf %dot_general3A_20, %mul3A : vector<10240x64xf32>
    %swap3A_22 = arith.constant 0 : index
    %swap3A_23 = arith.constant 0 : index
    %swap3A_24 = vector.load %arg3[%swap3A_22, %swap3A_23] : memref<10240x64xf32, #tpu.memory_space<vmem>>, vector<10240x64xf32>
    tpu.vector_store %arg3[%swap3A_22, %swap3A_23], %mul3A_21 {strides = array<i32>} : memref<10240x64xf32, #tpu.memory_space<vmem>>, vector<10240x64xf32>,
    return
  }
}

module attributes {stable_mosaic.version = 14 : i64} {
  func.func @_tc2_body(%arg0: memref<2x10240x64xf32, #tpu.memory_space<vmem>>, %arg1: memref<10240x1xf32, #tpu.memory_space<vmem>>, %arg2: memref<64xf32, #tpu.memory_space<vmem>>, %arg3: memref<64xf32, #tpu.memory_space<vmem>>, %arg4: memref<64x32xf32, #tpu.memory_space<vmem>>, %arg5: memref<10240x32xf32, #tpu.memory_space<vmem>>) attributes {dimension_semantics = [], scalar_prefetch = 0 : i64, scratch_operands = 0 : i64, tpu.core_type = #tpu.core_type<tc>} {
    %get3A = arith.constant 0 : index
    %get3A_0 = arith.constant 0 : index
    %get3A_1 = arith.constant 0 : index
    %get3A_2 = vector.load %arg0[%get3A, %get3A_0, %get3A_1] : memref<2x10240x64xf32, #tpu.memory_space<vmem>>, vector<1x10240x64xf32>
    %get3A_3 = vector.shape_cast %get3A_2 : vector<1x10240x64xf32> to vector<10240x64xf32>
    %get3A_4 = arith.constant 1 : index
    %get3A_5 = arith.constant 0 : index
    %get3A_6 = arith.constant 0 : index
    %get3A_7 = vector.load %arg0[%get3A_4, %get3A_5, %get3A_6] : memref<2x10240x64xf32, #tpu.memory_space<vmem>>, vector<1x10240x64xf32>
    %get3A_8 = vector.shape_cast %get3A_7 : vector<1x10240x64xf32> to vector<10240x64xf32>
    %add3A = arith.addf %get3A_3, %get3A_8 : vector<10240x64xf32>
    %get3A_9 = arith.constant 0 : index
    %get3A_10 = arith.constant 0 : index
    %get3A_11 = vector.load %arg1[%get3A_9, %get3A_10] : memref<10240x1xf32, #tpu.memory_space<vmem>>, vector<10240x1xf32>
    %mul3A = vector.broadcast %get3A_11 : vector<10240x1xf32> to vector<10240x64xf32>
    %mul3A_12 = arith.mulf %add3A, %mul3A : vector<10240x64xf32>
    %get3A_13 = arith.constant 0 : index
    %get3A_14 = vector.load %arg2[%get3A_13] : memref<64xf32, #tpu.memory_space<vmem>>, vector<64xf32>
    %get3A_15 = arith.constant 0 : index
    %get3A_16 = vector.load %arg3[%get3A_15] : memref<64xf32, #tpu.memory_space<vmem>>, vector<64xf32>
    %reduce_sum3A = arith.constant dense<0.000000e+00> : vector<64xf32>
    %reduce_sum3A_17 = vector.multi_reduction <add>, %mul3A_12, %reduce_sum3A [0] : vector<10240x64xf32> to vector<64xf32>
    %broadcast_in_dim3A = vector.shape_cast %reduce_sum3A_17 : vector<64xf32> to vector<1x64xf32>
    %div3A = arith.constant 1.000000e+04 : f32
    %div3A_18 = vector.broadcast %div3A : f32 to vector<1x64xf32>
    %div3A_19 = arith.divf %broadcast_in_dim3A, %div3A_18 : vector<1x64xf32>
    %mul3A_20 = arith.mulf %mul3A_12, %mul3A_12 : vector<10240x64xf32>
    %reduce_sum3A_21 = arith.constant dense<0.000000e+00> : vector<64xf32>
    %reduce_sum3A_22 = vector.multi_reduction <add>, %mul3A_20, %reduce_sum3A_21 [0] : vector<10240x64xf32> to vector<64xf32>
    %broadcast_in_dim3A_23 = vector.shape_cast %reduce_sum3A_22 : vector<64xf32> to vector<1x64xf32>
    %div3A_24 = arith.constant 1.000000e+04 : f32
    %div3A_25 = vector.broadcast %div3A_24 : f32 to vector<1x64xf32>
    %div3A_26 = arith.divf %broadcast_in_dim3A_23, %div3A_25 : vector<1x64xf32>
    %mul3A_27 = arith.mulf %div3A_19, %div3A_19 : vector<1x64xf32>
    %sub3A = arith.subf %div3A_26, %mul3A_27 : vector<1x64xf32>
    %sub3A_28 = vector.broadcast %div3A_19 : vector<1x64xf32> to vector<10240x64xf32>
    %sub3A_29 = arith.subf %mul3A_12, %sub3A_28 : vector<10240x64xf32>
    %add3A_30 = arith.constant 9.99999974E-6 : f32
    %add3A_31 = vector.broadcast %add3A_30 : f32 to vector<1x64xf32>
    %add3A_32 = arith.addf %sub3A, %add3A_31 : vector<1x64xf32>
    %rsqrt3A = math.rsqrt %add3A_32 : vector<1x64xf32>
    %mul3A_33 = vector.broadcast %rsqrt3A : vector<1x64xf32> to vector<10240x64xf32>
    %mul3A_34 = arith.mulf %sub3A_29, %mul3A_33 : vector<10240x64xf32>
    %broadcast_in_dim3A_35 = vector.shape_cast %get3A_14 : vector<64xf32> to vector<1x64xf32>
    %mul3A_36 = vector.broadcast %broadcast_in_dim3A_35 : vector<1x64xf32> to vector<10240x64xf32>
    %mul3A_37 = arith.mulf %mul3A_34, %mul3A_36 : vector<10240x64xf32>
    %broadcast_in_dim3A_38 = vector.shape_cast %get3A_16 : vector<64xf32> to vector<1x64xf32>
    %add3A_39 = vector.broadcast %broadcast_in_dim3A_38 : vector<1x64xf32> to vector<10240x64xf32>
    %add3A_40 = arith.addf %mul3A_37, %add3A_39 : vector<10240x64xf32>
    %max3A = arith.constant 0.000000e+00 : f32
    %max3A_41 = vector.broadcast %max3A : f32 to vector<10240x64xf32>
    %max3A_42 = arith.maximumf %add3A_40, %max3A_41 : vector<10240x64xf32>
    %get3A_43 = arith.constant 0 : index
    %get3A_44 = arith.constant 0 : index
    %get3A_45 = vector.load %arg4[%get3A_43, %get3A_44] : memref<64x32xf32, #tpu.memory_space<vmem>>, vector<64x32xf32>
    %dot_general3A = arith.constant dense<0.000000e+00> : vector<10240x32xf32>
    %dot_general3A_46 = tpu.matmul %max3A_42, %get3A_45, %dot_general3A {dimension_numbers = #tpu.dot_dimension_numbers<[1], [0], [0], [1], [0, 0, 1, 1], [], []>, transpose_lhs_hint = false} : vector<10240x64xf32>, vector<64x32xf32>, vector<10240x32xf32> -> vector<10240x32xf32>
    %get3A_47 = arith.constant 0 : index
    %get3A_48 = arith.constant 0 : index
    %get3A_49 = vector.load %arg1[%get3A_47, %get3A_48] : memref<10240x1xf32, #tpu.memory_space<vmem>>, vector<10240x1xf32>
    %mul3A_50 = vector.broadcast %get3A_49 : vector<10240x1xf32> to vector<10240x32xf32>
    %mul3A_51 = arith.mulf %dot_general3A_46, %mul3A_50 : vector<10240x32xf32>
    %swap3A = arith.constant 0 : index
    %swap3A_52 = arith.constant 0 : index
    %swap3A_53 = vector.load %arg5[%swap3A, %swap3A_52] : memref<10240x32xf32, #tpu.memory_space<vmem>>, vector<10240x32xf32>
    tpu.vector_store %arg5[%swap3A, %swap3A_52], %mul3A_51 {strides = array<i32>} : memref<10240x32xf32, #tpu.memory_space<vmem>>, vector<10240x32xf32>,
    return
  }
}

module attributes {stable_mosaic.version = 14 : i64} {
  func.func @_tc3_body(%arg0: memref<2x10240x32xf32, #tpu.memory_space<vmem>>, %arg1: memref<10240x1xf32, #tpu.memory_space<vmem>>, %arg2: memref<32xf32, #tpu.memory_space<vmem>>, %arg3: memref<32xf32, #tpu.memory_space<vmem>>, %arg4: memref<32x2xf32, #tpu.memory_space<vmem>>, %arg5: memref<2xf32, #tpu.memory_space<vmem>>, %arg6: memref<10240x2xf32, #tpu.memory_space<vmem>>) attributes {dimension_semantics = [], scalar_prefetch = 0 : i64, scratch_operands = 0 : i64, tpu.core_type = #tpu.core_type<tc>} {
    %get3A = arith.constant 0 : index
    %get3A_0 = arith.constant 0 : index
    %get3A_1 = arith.constant 0 : index
    %get3A_2 = vector.load %arg0[%get3A, %get3A_0, %get3A_1] : memref<2x10240x32xf32, #tpu.memory_space<vmem>>, vector<1x10240x32xf32>
    %get3A_3 = vector.shape_cast %get3A_2 : vector<1x10240x32xf32> to vector<10240x32xf32>
    %get3A_4 = arith.constant 1 : index
    %get3A_5 = arith.constant 0 : index
    %get3A_6 = arith.constant 0 : index
    %get3A_7 = vector.load %arg0[%get3A_4, %get3A_5, %get3A_6] : memref<2x10240x32xf32, #tpu.memory_space<vmem>>, vector<1x10240x32xf32>
    %get3A_8 = vector.shape_cast %get3A_7 : vector<1x10240x32xf32> to vector<10240x32xf32>
    %add3A = arith.addf %get3A_3, %get3A_8 : vector<10240x32xf32>
    %get3A_9 = arith.constant 0 : index
    %get3A_10 = arith.constant 0 : index
    %get3A_11 = vector.load %arg1[%get3A_9, %get3A_10] : memref<10240x1xf32, #tpu.memory_space<vmem>>, vector<10240x1xf32>
    %mul3A = vector.broadcast %get3A_11 : vector<10240x1xf32> to vector<10240x32xf32>
    %mul3A_12 = arith.mulf %add3A, %mul3A : vector<10240x32xf32>
    %get3A_13 = arith.constant 0 : index
    %get3A_14 = vector.load %arg2[%get3A_13] : memref<32xf32, #tpu.memory_space<vmem>>, vector<32xf32>
    %get3A_15 = arith.constant 0 : index
    %get3A_16 = vector.load %arg3[%get3A_15] : memref<32xf32, #tpu.memory_space<vmem>>, vector<32xf32>
    %reduce_sum3A = arith.constant dense<0.000000e+00> : vector<32xf32>
    %reduce_sum3A_17 = vector.multi_reduction <add>, %mul3A_12, %reduce_sum3A [0] : vector<10240x32xf32> to vector<32xf32>
    %broadcast_in_dim3A = vector.shape_cast %reduce_sum3A_17 : vector<32xf32> to vector<1x32xf32>
    %div3A = arith.constant 1.000000e+04 : f32
    %div3A_18 = vector.broadcast %div3A : f32 to vector<1x32xf32>
    %div3A_19 = arith.divf %broadcast_in_dim3A, %div3A_18 : vector<1x32xf32>
    %mul3A_20 = arith.mulf %mul3A_12, %mul3A_12 : vector<10240x32xf32>
    %reduce_sum3A_21 = arith.constant dense<0.000000e+00> : vector<32xf32>
    %reduce_sum3A_22 = vector.multi_reduction <add>, %mul3A_20, %reduce_sum3A_21 [0] : vector<10240x32xf32> to vector<32xf32>
    %broadcast_in_dim3A_23 = vector.shape_cast %reduce_sum3A_22 : vector<32xf32> to vector<1x32xf32>
    %div3A_24 = arith.constant 1.000000e+04 : f32
    %div3A_25 = vector.broadcast %div3A_24 : f32 to vector<1x32xf32>
    %div3A_26 = arith.divf %broadcast_in_dim3A_23, %div3A_25 : vector<1x32xf32>
    %mul3A_27 = arith.mulf %div3A_19, %div3A_19 : vector<1x32xf32>
    %sub3A = arith.subf %div3A_26, %mul3A_27 : vector<1x32xf32>
    %sub3A_28 = vector.broadcast %div3A_19 : vector<1x32xf32> to vector<10240x32xf32>
    %sub3A_29 = arith.subf %mul3A_12, %sub3A_28 : vector<10240x32xf32>
    %add3A_30 = arith.constant 9.99999974E-6 : f32
    %add3A_31 = vector.broadcast %add3A_30 : f32 to vector<1x32xf32>
    %add3A_32 = arith.addf %sub3A, %add3A_31 : vector<1x32xf32>
    %rsqrt3A = math.rsqrt %add3A_32 : vector<1x32xf32>
    %mul3A_33 = vector.broadcast %rsqrt3A : vector<1x32xf32> to vector<10240x32xf32>
    %mul3A_34 = arith.mulf %sub3A_29, %mul3A_33 : vector<10240x32xf32>
    %broadcast_in_dim3A_35 = vector.shape_cast %get3A_14 : vector<32xf32> to vector<1x32xf32>
    %mul3A_36 = vector.broadcast %broadcast_in_dim3A_35 : vector<1x32xf32> to vector<10240x32xf32>
    %mul3A_37 = arith.mulf %mul3A_34, %mul3A_36 : vector<10240x32xf32>
    %broadcast_in_dim3A_38 = vector.shape_cast %get3A_16 : vector<32xf32> to vector<1x32xf32>
    %add3A_39 = vector.broadcast %broadcast_in_dim3A_38 : vector<1x32xf32> to vector<10240x32xf32>
    %add3A_40 = arith.addf %mul3A_37, %add3A_39 : vector<10240x32xf32>
    %max3A = arith.constant 0.000000e+00 : f32
    %max3A_41 = vector.broadcast %max3A : f32 to vector<10240x32xf32>
    %max3A_42 = arith.maximumf %add3A_40, %max3A_41 : vector<10240x32xf32>
    %get3A_43 = arith.constant 0 : index
    %get3A_44 = arith.constant 0 : index
    %get3A_45 = vector.load %arg4[%get3A_43, %get3A_44] : memref<32x2xf32, #tpu.memory_space<vmem>>, vector<32x2xf32>
    %dot_general3A = arith.constant dense<0.000000e+00> : vector<10240x2xf32>
    %dot_general3A_46 = tpu.matmul %max3A_42, %get3A_45, %dot_general3A {dimension_numbers = #tpu.dot_dimension_numbers<[1], [0], [0], [1], [0, 0, 1, 1], [], []>, transpose_lhs_hint = false} : vector<10240x32xf32>, vector<32x2xf32>, vector<10240x2xf32> -> vector<10240x2xf32>
    %get3A_47 = arith.constant 0 : index
    %get3A_48 = vector.load %arg5[%get3A_47] : memref<2xf32, #tpu.memory_space<vmem>>, vector<2xf32>
    %broadcast_in_dim3A_49 = vector.shape_cast %get3A_48 : vector<2xf32> to vector<1x2xf32>
    %add3A_50 = vector.broadcast %broadcast_in_dim3A_49 : vector<1x2xf32> to vector<10240x2xf32>
    %add3A_51 = arith.addf %dot_general3A_46, %add3A_50 : vector<10240x2xf32>
    %swap3A = arith.constant 0 : index
    %swap3A_52 = arith.constant 0 : index
    %swap3A_53 = vector.load %arg6[%swap3A, %swap3A_52] : memref<10240x2xf32, #tpu.memory_space<vmem>>, vector<10240x2xf32>
    tpu.vector_store %arg6[%swap3A, %swap3A_52], %add3A_51 {strides = array<i32>} : memref<10240x2xf32, #tpu.memory_space<vmem>>, vector<10240x2xf32>,
    return
  }
}

</mosaic_0001>

<sc_bundles>
// kernel: kernel.11.cloned.1.call-start
scs
__scs_entry_jumppad:
0x0: {  	(pc) =	sbr.rel $0x88, $3  }
0x1: {  	(tag) =	ssettag $0x0;
	lr =	simm.s32 $0x1  }
0x2: {  	[smem:$0x3F97] =	sst lr;
	_ =	strace $0xD0000000  }
0x3: {  	_ = 	snop  }
0x4: {  	_ = 	snop  }
0x5: {  	_ = 	snop  }
0x6: {  	_ = 	snop  }
0x7: {  	_ = 	snop  }
__scs_overlays_trampoline_lowered:
0x8: {  	[smem:$0x3FA6] =	sst s0  }
0x9: {  	[smem:$0x3FA7] =	sst s1  }
0xa: {  	[smem:$0x3FA8] =	sst s2  }
0xb: {  	[smem:$0x3FA9] =	sst s3  }
0xc: {  	[smem:$0x3FAA] =	sst s4  }
0xd: {  	[smem:$0x3FAB] =	sst s5  }
0xe: {  	[smem:$0x3FAC] =	sst s6  }
0xf: {  	[smem:$0x3FAD] =	sst s7  }
0x10: {  	[smem:$0x3FAE] =	sst s8  }
0x11: {  	[smem:$0x3FAF] =	sst s9;
	s0 =	simm.s32 @!p0 $0x0  }
0x12: {  	s1 =	sld [smem:$0x3F95];
	s0 =	simm.s32 @p0 $0x1  }
0x13: {  	[smem:$0x3FB0] =	sst s0;
	s0 =	simm.s32 @!p1 $0x0  }
0x14: {  	s2 =	sld [smem:$0x3F94];
	s0 =	simm.s32 @p1 $0x1  }
0x15: {  	[smem:$0x3FB1] =	sst s0;
	s0 =	simm.s32 @!p2 $0x0  }
0x16: {  	s3 =	sld [smem:$0x3FDB];
	s0 =	simm.s32 @p2 $0x1  }
0x17: {  	s4 =	simm.s32 $0x1BF5;
	[smem:$0x3FB3] =	sst s0  }
0x18: {  	s0 =	sld [smem:$0x3F96];
	_ =	swait.ge [sflag:s4], $0x0  }
0x19: {  	s7 =	sld [smem:$0x3F97]  }
0x1a: {  	s8 =	sadd.s32 $0xFFFFE003, lr  }
0x1b: {  	s9 =	sadd.s32 $0xFFFFFEF7, lr;
	s5 =	simm.s32 $0xFFFFFFFF;
	p2 =	slt.u32 s8, $0xFFFFF086  }
0x1c: {  	p1 =	slt.u32 s9, $0xF7A;
	s5 =	simm.s32 @!p2 $0x0  }
0x1d: {  	s5 =	simm.s32 @p1 $0x1;
	p0 =	seq.s32 s7, s2  }
0x1e: {  	s7 =	smul.u32 @!p0 $0xF7A, s2;
	p2 =	seq.s32 @!p0 s5, $0x0  }
0x1f: {  	s9 =	smul.u32 $0xF7A, s1;
	s8 =	simm.s32 @!p0 $0x1BF5;
	p2 =	por !p2, p0  }
0x20: {  	[sflag:s8] =	ssyncset.s32 @!p0 $0xFFFFF086;
	s6 =	sadd.s32 @!p0 s3, s7;
	s7 =	simm.s32 @!p0 $0x108  }
0x21: {  	s3 =	sadd.s32 s3, s9;
	s6 =	sadd.s32 @!p0 $0x88, s6;
	s7 =	simm.s32 @p2 $0x1082  }
0x22: {  	[simem:s7], [sflag:s8] =	dma.local @!p0 [hbm:s6], $0xF7A  }
0x23: {  	s9 =	sor.u32 $0xD0000000, s2;
	s6 =	simm.s32 $0x108;
	_ =	swait.ge @!p0 [sflag:s8], $0x0  }
0x24: {  	s3 =	sadd.s32 $0x88, s3;
	s6 =	simm.s32 @!p1 $0x1082;
	[sflag:s4] =	ssyncset.s32 $0xFFFFF086  }
0x25: {  	[simem:s6], [sflag:s4] =	dma.local [hbm:s3], $0xF7A  }
0x26: {  	[smem:$0x3F97] =	sst s1;
	(tag) =	ssettag s2;
	_ =	strace s9  }
0x27: {  	s1 =	sld [smem:$0x3FA7]  }
0x28: {  	s2 =	sld [smem:$0x3FA8]  }
0x29: {  	s4 =	sld [smem:$0x3FAA]  }
0x2a: {  	p0 =	seq.s32 s5, $0x0;
	s5 =	sld [smem:$0x3FAB]  }
0x2b: {  	s6 =	sld [smem:$0x3FAC]  }
0x2c: {  	s7 =	sld [smem:$0x3FAD]  }
0x2d: {  	s3 =	simm.s32 $0x108;
	s8 =	sld [smem:$0x3FAE]  }
0x2e: {  	s3 =	simm.s32 @!p0 $0x1082;
	s9 =	sld [smem:$0x3FAF]  }
0x2f: {  	lr =	sadd.s32 s0, s3;
	s0 =	sld [smem:$0x3FA6]  }
0x30: {  	s3 =	sld [smem:$0x3FA9]  }
0x31: {  	[smem:$0x3FB2] =	sst s10  }
0x32: {  	s10 =	sld [smem:$0x3FB0];
	_ =	sdelay $0x3  }
0x33: {  	p0 =	seq.s32 s10, $0x1;
	s10 =	sld [smem:$0x3FB2];
	_ =	sdelay $0x3  }
0x34: {  	[smem:$0x3FB2] =	sst s10  }
0x35: {  	s10 =	sld [smem:$0x3FB1];
	_ =	sdelay $0x3  }
0x36: {  	p1 =	seq.s32 s10, $0x1;
	s10 =	sld [smem:$0x3FB2];
	_ =	sdelay $0x3  }
0x37: {  	[smem:$0x3FB2] =	sst s10  }
0x38: {  	s10 =	sld [smem:$0x3FB3]  }
0x39: {  	_ = 	snop;
	(pc) =	sbr.ind lr, $3  }
0x3a: {  	_ = 	snop  }
0x3b: {  	_ = 	snop  }
0x3c: {  	p2 =	seq.s32 s10, $0x1;
	s10 =	sld [smem:$0x3FB2]  }
0x3d: {  	_ =	shalt  }
0x3e: {  	_ =	shalt  }
0x3f: {  	_ =	shalt  }
0x40: {  	_ =	shalt  }
0x41: {  	_ =	shalt  }
0x42: {  	_ =	shalt  }
0x43: {  	_ =	shalt  }
0x44: {  	_ =	shalt  }
0x45: {  	_ =	shalt  }
0x46: {  	_ =	shalt  }
0x47: {  	_ =	shalt  }
0x48: {  	_ =	shalt  }
0x49: {  	_ =	shalt  }
0x4a: {  	_ =	shalt  }
0x4b: {  	_ =	shalt  }
0x4c: {  	_ =	shalt  }
0x4d: {  	_ =	shalt  }
0x4e: {  	_ =	shalt  }
0x4f: {  	_ =	shalt  }
0x50: {  	_ =	shalt  }
0x51: {  	_ =	shalt  }
0x52: {  	_ =	shalt  }
0x53: {  	_ =	shalt  }
0x54: {  	_ =	shalt  }
0x55: {  	_ =	shalt  }
0x56: {  	_ =	shalt  }
0x57: {  	_ =	shalt  }
0x58: {  	_ =	shalt  }
0x59: {  	_ =	shalt  }
0x5a: {  	_ =	shalt  }
0x5b: {  	_ =	shalt  }
0x5c: {  	_ =	shalt  }
0x5d: {  	_ =	shalt  }
0x5e: {  	_ =	shalt  }
0x5f: {  	_ =	shalt  }
0x60: {  	_ =	shalt  }
0x61: {  	_ =	shalt  }
0x62: {  	_ =	shalt  }
0x63: {  	_ =	shalt  }
0x64: {  	_ =	shalt  }
0x65: {  	_ =	shalt  }
0x66: {  	_ =	shalt  }
0x67: {  	_ =	shalt  }
0x68: {  	_ =	shalt  }
0x69: {  	_ =	shalt  }
0x6a: {  	_ =	shalt  }
0x6b: {  	_ =	shalt  }
0x6c: {  	_ =	shalt  }
0x6d: {  	_ =	shalt  }
0x6e: {  	_ =	shalt  }
0x6f: {  	_ =	shalt  }
0x70: {  	_ =	shalt  }
0x71: {  	_ =	shalt  }
0x72: {  	_ =	shalt  }
0x73: {  	_ =	shalt  }
0x74: {  	_ =	shalt  }
0x75: {  	_ =	shalt  }
0x76: {  	_ =	shalt  }
0x77: {  	_ =	shalt  }
0x78: {  	_ =	shalt  }
0x79: {  	_ =	shalt  }
0x7a: {  	_ =	shalt  }
0x7b: {  	_ =	shalt  }
0x7c: {  	_ =	shalt  }
0x7d: {  	_ =	shalt  }
0x7e: {  	_ =	shalt  }
0x7f: {  	_ =	shalt  }
0x80: {  	_ =	shalt  }
0x81: {  	_ =	shalt  }
0x82: {  	_ =	shalt  }
0x83: {  	_ =	shalt  }
0x84: {  	_ =	shalt  }
0x85: {  	_ =	shalt  }
0x86: {  	_ =	shalt  }
0x87: {  	_ =	shalt  }
.Lfunc_end0:
.L_simem_size_0:
called_computation.1_lowered:
.L_overlay_start_0:
0x88: {  	s2 =	sld [smem:$0x3FD9]  }
0x89: {  	s3 =	sld [smem:$0x3FFE];
	_ =	sdelay $0x1  }
0x8a: {  	s1 =	srdreg.scid  }
0x8b: {  	s0 =	sand.u32 $0x1, s1  }
0x8c: {  	s16 =	sshll.u32 s0, $0xA;
	s2 =	sadd.s32 s3, s2  }
0x8d: {  	s2 =	sadd.s32 s2, s16  }
0x8e: {  	[smem:$0x3FBE] =	sst s2  }
0x8f: {  	_ = 	snop  }
0x90: {  	(tm) =	ssettm $0x1  }
0x91: {  	s17 =	sld [smem:$0x3FFB];
	_ =	sdelay $0x3  }
0x92: {  	_ =	strace s17  }
0x93: {  	s2 =	sld [smem:$0x3FFC];
	_ =	sdelay $0x3  }
0x94: {  	_ =	strace s2  }
0x95: {  	s2 =	sld [smem:$0x3FFD];
	_ =	sdelay $0x3  }
0x96: {  	_ =	strace s2  }
0x97: {  	_ =	strace $0x8FFFFFFF  }
0x98: {  	s18 =	sld [smem:$0x3FDB];
	_ =	sdelay $0x1  }
0x99: {  	s19 =	simm.s32 $_scs_section_size  }
0x9a: {  	s4 =	simm.s32 $_size__tile_overlayer_lowered;
	s5 =	simm.s32 $_tile_overlayer_lowered  }
0x9b: {  	s22 =	simm.s32 $0x1BFF;
	s21 =	sshll.u32 s5, $0x1;
	s2 =	sadd.s32 s19, s18  }
0x9c: {  	s6 =	simm.s32 $0x0;
	s20 =	sshll.u32 s4, $0x1;
	s4 =	sadd.s32 s21, s2  }
0x9d: {  	[timem:s6], [sflag:s22] =	dma.local [hbm:s4], s20  }
0x9e: {  	_ =	swait.ge [sflag:s22], s20  }
0x9f: {  	s3 =	ssub.s32 $0x0, s20;
	[sflag:s22] =	ssyncset.done $0x0  }
0xa0: {  	[sflag:s22] =	ssyncadd.s32 s3;
	_ =	sdelay $0x1  }
0xa1: {  	s23 =	simm.s32 $0x1B8B  }
0xa2: {  	_ =	swait.ge [sflag:s23], $0x1  }
0xa3: {  	[sflag:s23] =	ssyncset.done $0x0  }
0xa4: {  	s25 =	simm.s32 $0x1B8E;
	s24 =	sld [smem:$0x3FFE];
	[sflag:s23] =	ssyncadd.s32 $0xFFFFFFFF  }
0xa5: {  	s26 =	simm.s32 $execute0_lowered;
	[smem:$0x3FD2] =	sst s25  }
0xa6: {  	s4 =	sshll.u32 s26, $0x1;
	_ =	strace $0x80000049;
	[dreg:$0x1] =	wrdreg $0xFFFFFFFF  }
0xa7: {  	s28 =	simm.s32 $_size_execute0_lowered;
	s2 =	sadd.s32 s2, s4;
	[dreg:$0x0] =	wrdreg $0x0  }
0xa8: {  	s4 =	sshll.u32 s28, $0x1;
	[dreg:$0x2] =	wrdreg s2  }
0xa9: {  	[dreg:$0x3] =	wrdreg s4  }
0xaa: {  	[dreg:$0x4] =	wrdreg $0xC0  }
0xab: {  	_ =	task [dreg:s6], $0x5FFFF  }
0xac: {  	[dreg:$0x1] =	wrdreg $0xFFFFFFFF  }
0xad: {  	[dreg:$0x0] =	wrdreg $0x60  }
0xae: {  	[dreg:$0x2] =	wrdreg s24  }
0xaf: {  	[dreg:$0x3] =	wrdreg $0x150000  }
0xb0: {  	[dreg:$0x4] =	wrdreg $0x9  }
0xb1: {  	_ =	task.clear_ibuf [dreg:s6], $0x5FFFF;
	_ =	strace $0x90000049  }
0xb2: {  	s29 =	simm.s32 $0x9;
	_ =	strace $0x8000004B  }
0xb3: {  	_ =	swait.ge [sflag:s29], $0x1  }
0xb4: {  	[sflag:s29] =	ssyncadd.s32 $0xFFFFFFFF  }
0xb5: {  	_ =	strace $0x9000004B  }
0xb6: {  	_ =	sfence  }
0xb7: {  	s30 =	sld [smem:$0x0];
	_ =	sdelay $0x2  }
0xb8: {  	s31 =	sshll.u32 s1, $0xD;
	s1 =	sshrl.u32 s1, $0x2  }
0xb9: {  	s3 =	sand.u32 $0x4000, s31;
	s1 =	sadd.s32 s1, s30  }
0xba: {  	s0 =	sor.u32 s3, s0;
	s1 =	sshll.u32 s1, $0x11  }
0xbb: {  	s0 =	sor.u32 s1, s0  }
0xbc: {  	s0 =	sadd.s32 $0x8F2B, s0  }
0xbd: {  	[sflag:s0] =	ssyncadd.remote.s32 $0x1  }
0xbe: {  	_ =	sfence.sel $0xFFFF  }
0xbf: {  	[dreg:$0x0] =	wrdreg $0xFFFFFFFF;
	(pc) =	sbr.abs _section_cstart, $3  }
0xc0: {  	[dreg:$0x1] =	wrdreg $0xFFFFFFFF  }
0xc1: {  	_ =	task.clear_ibuf [dreg:s6], $0x2FFFF;
	_ =	strace $0x9FFFFFFF  }
0xc2: {  	(tm) =	ssettm $0x7FFFFFFF  }
0xc3: {  	_ =	shalt  }
tec
execute0_lowered:
.L_overlay_start_1:
0x0: {  	(tag) =	ssettag $0x1  }
0x1: {  	s0 =	srdreg.scid  }
0x2: {  	s9 =	stileid.u32;
	s3 =	rddreg [dreg:$0x0]  }
0x3: {  	s2 =	rddreg [dreg:$0x1];
	s4 =	simm.s32 $0x0;
	s15 =	simm.s32 $0x11  }
0x4: {  	s16 =	simm.s32 $0x5000;
	s17 =	simm.s32 $0x80;
	s18 =	simm.s32 $0x7000  }
0x5: {  	s28 =	simm.s32 $0x3;
	s29 =	simm.s32 $0x4;
	s30 =	simm.s32 $0x5  }
0x6: {  	s31 =	simm.s32 $0x6;
	s10 =	simm.s32 $0xB;
	s11 =	simm.s32 $0xC  }
0x7: {  	s12 =	simm.s32 $0xD;
	s13 =	simm.s32 $0x0;
	s0 =	sand.u32 $0x1, s0  }
0x8: {  	s1 =	sshll.u32 s9, $0x1;
	s5 =	smul.u32 $0xA000, s9;
	[smem:$0x7FF] =	sst s4  }
0x9: {  	s4 =	sadd.s32 $0x16600, s3;
	s9 =	smul.u32 $0x28000, s9;
	s1 =	sor.u32 s0, s1  }
0xa: {  	s6 =	smul.u32 $0xA0000, s0;
	_ =	strace $0x8000004A;
	s7 =	ssub.s32 $0x2, s0  }
0xb: {  	p0 =	seq.s32 s0, $0x1;
	s1 =	smul.u32 $0xA00, s1;
	s8 =	sshrl.u32 s7, $0x1  }
0xc: {  	s20 =	sshrl.u32 s5, $0x3;
	s21 =	sshrl.u32 s9, $0x2;
	s9 =	simm.s32 $0xA  }
0xd: {  	s6 =	sadd.s32 s5, s6;
	s19 =	ssub.s32 s7, s8;
	s5 =	sadd.s32 s5, s2  }
0xe: {  	s0 =	sadd.s32 s4, s20;
	s22 =	sadd.s32 s21, s2;
	s20 =	simm.s32 $0xB000  }
0xf: {  	s21 =	simm.s32 $0xD000;
	s7 =	simm.s32 $0x9;
	[dreg:$0x4] =	wrdreg s5  }
0x10: {  	s8 =	simm.s32 $0xE;
	s1 =	sadd.s32 s1, s3;
	[dreg:$0x5] =	wrdreg s0  }
0x11: {  	s6 =	sshrl.u32 s6, $0x3;
	s23 =	sadd.s32 $0x4000, s22;
	[dreg:$0x6] =	wrdreg s22  }
0x12: {  	s24 =	sadd.s32 $0x6000, s22;
	s0 =	sadd.s32 $0x8000, s22;
	[dreg:$0x8] =	wrdreg s23  }
0x13: {  	s26 =	smax.u32 s19, $0x1;
	s19 =	simm.s32 $0x9000;
	[dreg:$0x9] =	wrdreg s24  }
0x14: {  	s5 =	simm.s32 $0x10;
	s3 =	sadd.s32 s6, s3;
	[dreg:$0xa] =	wrdreg s0  }
0x15: {  	s1 =	sadd.s32 $0x2600, s1;
	[dreg:$0xc] =	wrdreg s26;
	s23 =	simm.s32 $0x11000  }
0x16: {  	s24 =	simm.s32 $0x13000;
	s26 =	simm.s32 $0x2;
	s0 =	simm.s32 $0xF  }
0x17: {  	[dreg:$0x3] =	wrdreg s1;
	s1 =	sadd.s32 $0x2000, s22;
	s25 =	sadd.s32 $0x2A600, s3  }
0x18: {  	s22 =	simm.s32 $0xF000;
	s3 =	simm.s32 $0x8;
	[dreg:$0x7] =	wrdreg s1  }
0x19: {  	v0 =	vimm.f32 $0.0e+00;
	[dreg:$0xb] =	wrdreg s25;
	s25 =	simm.s32 $0x1;
	s1 =	simm.s32 $0x7  }
.LBB2_1:
0x1a: {  	[dreg:$0xd] =	wrdreg s13  }
.Ltmp0:
0x1b: {  	s6 =	simm.s32 $0x0;
	s14 =	rddreg [dreg:$0x3];
	(pc) =	sbr.rel @!p0 .LBB2_2-.Ltmp0, $4  }
0x1c: {  	[tilespmem:s6], [sflag:$0x11] =	stream.linear.gather [hbm4b:s14+s6], $0x5000, $0x38;
	[tilespmem:$0x1F000] =	vst v63  }
0x1d: {  	_ =	swait.ge [sflag:s15], $0x5000  }
0x1e: {  	[sflag:s15] =	ssyncset.done $0x0  }
0x1f: {  	[sflag:s15] =	ssyncadd.s32 $0xFFFFB000  }
0x20: {  	s13 =	simm.s32 $0x100;
	s6 =	simm.s32 $0x0  }
.LBB2_4:
0x21: {  	p1 =	sne.s32 s13, $0x7F00;
	[tilespmem:s6+$0x5030] =	vst v0;
	s14 =	smov.u32 s13;
	s13 =	sadd.s32 $0x100, s13  }
.Ltmp1:
0x22: {  	[tilespmem:s6+$0x5020] =	vst v0;
	(pc) =	sbr.rel @p1 .LBB2_4-.Ltmp1, $3  }
0x23: {  	[tilespmem:s6+$0x5000] =	vst v0  }
0x24: {  	[tilespmem:s6+$0x5010] =	vst v0;
	_ =	sdelay $0x1  }
0x25: {  	s6 =	sshra.s32 s14, $0x2  }
0x26: {  	[tilespmem:s6+$0x5030] =	vst v0  }
0x27: {  	[tilespmem:s6+$0x5020] =	vst v0  }
0x28: {  	[tilespmem:s6+$0x5000] =	vst v0  }
0x29: {  	[tilespmem:s6+$0x5010] =	vst v0;
	s14 =	rddreg [dreg:$0x6]  }
0x2a: {  	[spmem:s14] =	stream.linear.scatter [tilespmem:s16], [sflag:$0x11], $0x2000, $0x38;
	[tilespmem:$0x1F000] =	vst v63  }
0x2b: {  	_ =	swait.ge [sflag:s15], $0x2000  }
0x2c: {  	[sflag:s15] =	ssyncset.done $0x0  }
0x2d: {  	s13 =	rddreg [dreg:$0x7];
	[sflag:s15] =	ssyncadd.s32 $0xFFFFE000  }
0x2e: {  	[spmem:s13] =	stream.linear.scatter [tilespmem:s16], [sflag:$0x11], $0x2000, $0x38;
	[tilespmem:$0x1F000] =	vst v63  }
0x2f: {  	_ =	swait.ge [sflag:s15], $0x2000  }
0x30: {  	[sflag:s15] =	ssyncset.done $0x0  }
0x31: {  	s14 =	rddreg [dreg:$0x8];
	[sflag:s15] =	ssyncadd.s32 $0xFFFFE000  }
0x32: {  	[spmem:s14] =	stream.linear.scatter [tilespmem:s16], [sflag:$0x11], $0x2000, $0x38;
	[tilespmem:$0x1F000] =	vst v63  }
0x33: {  	_ =	swait.ge [sflag:s15], $0x2000  }
0x34: {  	[sflag:s15] =	ssyncset.done $0x0  }
0x35: {  	s13 =	rddreg [dreg:$0x9];
	[sflag:s15] =	ssyncadd.s32 $0xFFFFE000  }
0x36: {  	[spmem:s13] =	stream.linear.scatter [tilespmem:s16], [sflag:$0x11], $0x2000, $0x38;
	[tilespmem:$0x1F000] =	vst v63  }
0x37: {  	_ =	swait.ge [sflag:s15], $0x2000  }
0x38: {  	[sflag:s15] =	ssyncset.done $0x0  }
.Ltmp2:
0x39: {  	s14 =	rddreg [dreg:$0xa];
	[sflag:s15] =	ssyncadd.s32 $0xFFFFE000;
	(pc) =	sbr.rel .LBB2_6-.Ltmp2, $4  }
0x3a: {  	[spmem:s14] =	stream.linear.scatter [tilespmem:s16], [sflag:$0x11], $0x2000, $0x38;
	[tilespmem:$0x1F000] =	vst v63  }
0x3b: {  	_ =	swait.ge [sflag:s15], $0x2000  }
0x3c: {  	[sflag:s15] =	ssyncset.done $0x0  }
0x3d: {  	[sflag:s15] =	ssyncadd.s32 $0xFFFFE000  }
.LBB2_2:
0x3e: {  	s6 =	stileid.u32  }
0x3f: {  	s13 =	rddreg [dreg:$0x4];
	s6 =	sshll.u32 s6, $0x6  }
0x40: {  	s14 =	rddreg [dreg:$0x5];
	s13 =	sshrl.u32 s13, $0x3;
	s6 =	sor.u32 $0x1C11, s6  }
0x41: {  	[spmem:s13], [sflag:s6] =	dma.local [hbm:s14], $0x1400  }
0x42: {  	_ =	swait.ge [sflag:s15], $0x1400  }
0x43: {  	[sflag:s15] =	ssyncset.done $0x0  }
0x44: {  	[sflag:s15] =	ssyncadd.s32 $0xFFFFEC00  }
.LBB2_6:
0x45: {  	[bflag:$0x0] =	sbarrier.arrive $0xFFFF;
	s6 =	simm.s32 $0x0  }
0x46: {  	[tilespmem:s16], [sflag:$0x1] =	stream.indirect.gather [hbm4b:s4+s17], $0x40, s6, s17, $0xb8;
	[tilespmem:$0x1F000] =	vst v63  }
0x47: {  	s13 =	simm.s32 $0x100  }
0x48: {  	[tilespmem:s18], [sflag:$0x2] =	stream.indirect.gather [hbm4b:s4+s17], $0x40, s13, s17, $0xb8;
	[tilespmem:$0x1F000] =	vst v63  }
0x49: {  	s14 =	simm.s32 $0x200  }
0x4a: {  	[tilespmem:s19], [sflag:$0x3] =	stream.indirect.gather [hbm4b:s4+s17], $0x40, s14, s17, $0xb8;
	[tilespmem:$0x1F000] =	vst v63  }
0x4b: {  	s15 =	simm.s32 $0x300  }
0x4c: {  	[tilespmem:s20], [sflag:$0x4] =	stream.indirect.gather [hbm4b:s4+s17], $0x40, s15, s17, $0xb8;
	[tilespmem:$0x1F000] =	vst v63  }
0x4d: {  	s13 =	simm.s32 $0x400  }
0x4e: {  	[tilespmem:s21], [sflag:$0x5] =	stream.indirect.gather [hbm4b:s4+s17], $0x40, s13, s17, $0xb8;
	[tilespmem:$0x1F000] =	vst v63  }
0x4f: {  	s14 =	simm.s32 $0x500  }
0x50: {  	[tilespmem:s22], [sflag:$0x6] =	stream.indirect.gather [hbm4b:s4+s17], $0x40, s14, s17, $0xb8;
	[tilespmem:$0x1F000] =	vst v63  }
0x51: {  	s15 =	simm.s32 $0x600  }
0x52: {  	[tilespmem:s23], [sflag:$0x7] =	stream.indirect.gather [hbm4b:s4+s17], $0x40, s15, s17, $0xb8;
	[tilespmem:$0x1F000] =	vst v63  }
0x53: {  	s13 =	simm.s32 $0x700  }
0x54: {  	[tilespmem:s24], [sflag:$0x8] =	stream.indirect.gather [hbm4b:s4+s17], $0x40, s13, s17, $0xb8;
	[tilespmem:$0x1F000] =	vst v63  }
0x55: {  	_ =	swait.ge [sflag:s25], $0x2000  }
0x56: {  	[sflag:s25] =	ssyncset.done $0x0  }
0x57: {  	s14 =	simm.s32 $0x80;
	[sflag:s25] =	ssyncadd.s32 $0xFFFFE000  }
0x58: {  	[spmem:s2] =	stream.indirect.scatter.add.f32 [tilespmem:s16], [sflag:$0x9], $0x40, s14, s17, $0xb8;
	[tilespmem:$0x1F000] =	vst v63  }
0x59: {  	_ =	swait.ge [sflag:s26], $0x2000  }
0x5a: {  	[sflag:s26] =	ssyncset.done $0x0  }
0x5b: {  	s15 =	simm.s32 $0x180;
	[sflag:s26] =	ssyncadd.s32 $0xFFFFE000  }
0x5c: {  	[spmem:s2] =	stream.indirect.scatter.add.f32 [tilespmem:s18], [sflag:$0xA], $0x40, s15, s17, $0xb8;
	[tilespmem:$0x1F000] =	vst v63  }
0x5d: {  	_ =	swait.ge [sflag:s28], $0x2000  }
0x5e: {  	[sflag:s28] =	ssyncset.done $0x0  }
0x5f: {  	s13 =	simm.s32 $0x280;
	[sflag:s28] =	ssyncadd.s32 $0xFFFFE000  }
0x60: {  	[spmem:s2] =	stream.indirect.scatter.add.f32 [tilespmem:s19], [sflag:$0xB], $0x40, s13, s17, $0xb8;
	[tilespmem:$0x1F000] =	vst v63  }
0x61: {  	_ =	swait.ge [sflag:s29], $0x2000  }
0x62: {  	[sflag:s29] =	ssyncset.done $0x0  }
0x63: {  	s14 =	simm.s32 $0x380;
	[sflag:s29] =	ssyncadd.s32 $0xFFFFE000  }
0x64: {  	[spmem:s2] =	stream.indirect.scatter.add.f32 [tilespmem:s20], [sflag:$0xC], $0x40, s14, s17, $0xb8;
	[tilespmem:$0x1F000] =	vst v63  }
0x65: {  	_ =	swait.ge [sflag:s30], $0x2000  }
0x66: {  	[sflag:s30] =	ssyncset.done $0x0  }
0x67: {  	s15 =	simm.s32 $0x480;
	[sflag:s30] =	ssyncadd.s32 $0xFFFFE000  }
0x68: {  	[spmem:s2] =	stream.indirect.scatter.add.f32 [tilespmem:s21], [sflag:$0xD], $0x40, s15, s17, $0xb8;
	[tilespmem:$0x1F000] =	vst v63  }
0x69: {  	_ =	swait.ge [sflag:s31], $0x2000  }
0x6a: {  	[sflag:s31] =	ssyncset.done $0x0  }
0x6b: {  	s13 =	simm.s32 $0x580;
	[sflag:s31] =	ssyncadd.s32 $0xFFFFE000  }
0x6c: {  	[spmem:s2] =	stream.indirect.scatter.add.f32 [tilespmem:s22], [sflag:$0xE], $0x40, s13, s17, $0xb8;
	[tilespmem:$0x1F000] =	vst v63  }
0x6d: {  	_ =	swait.ge [sflag:s1], $0x2000  }
0x6e: {  	[sflag:s1] =	ssyncset.done $0x0  }
0x6f: {  	s14 =	simm.s32 $0x680;
	[sflag:s1] =	ssyncadd.s32 $0xFFFFE000  }
0x70: {  	[spmem:s2] =	stream.indirect.scatter.add.f32 [tilespmem:s23], [sflag:$0xF], $0x40, s14, s17, $0xb8;
	[tilespmem:$0x1F000] =	vst v63  }
0x71: {  	_ =	swait.ge [sflag:s3], $0x2000  }
0x72: {  	[sflag:s3] =	ssyncset.done $0x0  }
0x73: {  	s15 =	simm.s32 $0x780;
	[sflag:s3] =	ssyncadd.s32 $0xFFFFE000  }
0x74: {  	[spmem:s2] =	stream.indirect.scatter.add.f32 [tilespmem:s24], [sflag:$0x10], $0x40, s15, s17, $0xb8;
	[tilespmem:$0x1F000] =	vst v63  }
0x75: {  	_ =	swait.ge [sflag:s7], $0x2000  }
0x76: {  	[sflag:s7] =	ssyncset.done $0x0  }
0x77: {  	[sflag:s7] =	ssyncadd.s32 $0xFFFFE000  }
0x78: {  	_ =	swait.ge [sflag:s9], $0x2000  }
0x79: {  	[sflag:s9] =	ssyncset.done $0x0  }
0x7a: {  	[sflag:s9] =	ssyncadd.s32 $0xFFFFE000  }
0x7b: {  	_ =	swait.ge [sflag:s10], $0x2000  }
0x7c: {  	[sflag:s10] =	ssyncset.done $0x0  }
0x7d: {  	[sflag:s10] =	ssyncadd.s32 $0xFFFFE000  }
0x7e: {  	_ =	swait.ge [sflag:s11], $0x2000  }
0x7f: {  	[sflag:s11] =	ssyncset.done $0x0  }
0x80: {  	[sflag:s11] =	ssyncadd.s32 $0xFFFFE000  }
0x81: {  	_ =	swait.ge [sflag:s12], $0x2000  }
0x82: {  	[sflag:s12] =	ssyncset.done $0x0  }
0x83: {  	[sflag:s12] =	ssyncadd.s32 $0xFFFFE000  }
0x84: {  	_ =	swait.ge [sflag:s8], $0x2000  }
0x85: {  	[sflag:s8] =	ssyncset.done $0x0  }
0x86: {  	[sflag:s8] =	ssyncadd.s32 $0xFFFFE000  }
0x87: {  	_ =	swait.ge [sflag:s0], $0x2000  }
0x88: {  	[sflag:s0] =	ssyncset.done $0x0  }
0x89: {  	[sflag:s0] =	ssyncadd.s32 $0xFFFFE000  }
0x8a: {  	_ =	swait.ge [sflag:s5], $0x2000  }
0x8b: {  	s6 =	simm.s32 $0x4000;
	s14 =	simm.s32 $0x2000;
	[sflag:s5] =	ssyncset.done $0x0  }
.LBB2_7:
0x8c: {  	s13 =	sshra.s32 s14, $0x2  }
0x8d: {  	[sflag:s5] =	ssyncadd.s32 $0xFFFFE000;
	s14 =	smov.u32 s6;
	s15 =	sadd.s32 $0x2000, s6  }
0x8e: {  	[tilespmem:s16], [sflag:$0x1] =	stream.indirect.gather [hbm4b:s4+s17], $0x40, s13, s17, $0xb8;
	[tilespmem:$0x1F000] =	vst v63  }
0x8f: {  	p1 =	sne.s32 s6, $0x12000;
	s6 =	sadd.s32 $0x100, s13  }
0x90: {  	[tilespmem:s18], [sflag:$0x2] =	stream.indirect.gather [hbm4b:s4+s17], $0x40, s6, s17, $0xb8;
	[tilespmem:$0x1F000] =	vst v63  }
0x91: {  	s6 =	sadd.s32 $0x200, s13  }
0x92: {  	[tilespmem:s19], [sflag:$0x3] =	stream.indirect.gather [hbm4b:s4+s17], $0x40, s6, s17, $0xb8;
	[tilespmem:$0x1F000] =	vst v63  }
0x93: {  	s6 =	sadd.s32 $0x300, s13  }
0x94: {  	[tilespmem:s20], [sflag:$0x4] =	stream.indirect.gather [hbm4b:s4+s17], $0x40, s6, s17, $0xb8;
	[tilespmem:$0x1F000] =	vst v63  }
0x95: {  	s6 =	sadd.s32 $0x400, s13  }
0x96: {  	[tilespmem:s21], [sflag:$0x5] =	stream.indirect.gather [hbm4b:s4+s17], $0x40, s6, s17, $0xb8;
	[tilespmem:$0x1F000] =	vst v63  }
0x97: {  	s6 =	sadd.s32 $0x500, s13  }
0x98: {  	[tilespmem:s22], [sflag:$0x6] =	stream.indirect.gather [hbm4b:s4+s17], $0x40, s6, s17, $0xb8;
	[tilespmem:$0x1F000] =	vst v63  }
0x99: {  	s6 =	sadd.s32 $0x600, s13  }
0x9a: {  	[tilespmem:s23], [sflag:$0x7] =	stream.indirect.gather [hbm4b:s4+s17], $0x40, s6, s17, $0xb8;
	[tilespmem:$0x1F000] =	vst v63  }
0x9b: {  	s6 =	sadd.s32 $0x700, s13  }
0x9c: {  	[tilespmem:s24], [sflag:$0x8] =	stream.indirect.gather [hbm4b:s4+s17], $0x40, s6, s17, $0xb8;
	[tilespmem:$0x1F000] =	vst v63  }
0x9d: {  	_ =	swait.ge [sflag:s25], $0x2000  }
0x9e: {  	[sflag:s25] =	ssyncset.done $0x0  }
0x9f: {  	s6 =	sadd.s32 $0x80, s13;
	[sflag:s25] =	ssyncadd.s32 $0xFFFFE000  }
0xa0: {  	[spmem:s2] =	stream.indirect.scatter.add.f32 [tilespmem:s16], [sflag:$0x9], $0x40, s6, s17, $0xb8;
	[tilespmem:$0x1F000] =	vst v63  }
0xa1: {  	_ =	swait.ge [sflag:s26], $0x2000  }
0xa2: {  	[sflag:s26] =	ssyncset.done $0x0  }
0xa3: {  	s6 =	sadd.s32 $0x180, s13;
	[sflag:s26] =	ssyncadd.s32 $0xFFFFE000  }
0xa4: {  	[spmem:s2] =	stream.indirect.scatter.add.f32 [tilespmem:s18], [sflag:$0xA], $0x40, s6, s17, $0xb8;
	[tilespmem:$0x1F000] =	vst v63  }
0xa5: {  	_ =	swait.ge [sflag:s28], $0x2000  }
0xa6: {  	[sflag:s28] =	ssyncset.done $0x0  }
0xa7: {  	s6 =	sadd.s32 $0x280, s13;
	[sflag:s28] =	ssyncadd.s32 $0xFFFFE000  }
0xa8: {  	[spmem:s2] =	stream.indirect.scatter.add.f32 [tilespmem:s19], [sflag:$0xB], $0x40, s6, s17, $0xb8;
	[tilespmem:$0x1F000] =	vst v63  }
0xa9: {  	_ =	swait.ge [sflag:s29], $0x2000  }
0xaa: {  	[sflag:s29] =	ssyncset.done $0x0  }
0xab: {  	s6 =	sadd.s32 $0x380, s13;
	[sflag:s29] =	ssyncadd.s32 $0xFFFFE000  }
0xac: {  	[spmem:s2] =	stream.indirect.scatter.add.f32 [tilespmem:s20], [sflag:$0xC], $0x40, s6, s17, $0xb8;
	[tilespmem:$0x1F000] =	vst v63  }
0xad: {  	_ =	swait.ge [sflag:s30], $0x2000  }
0xae: {  	[sflag:s30] =	ssyncset.done $0x0  }
0xaf: {  	s6 =	sadd.s32 $0x480, s13;
	[sflag:s30] =	ssyncadd.s32 $0xFFFFE000  }
0xb0: {  	[spmem:s2] =	stream.indirect.scatter.add.f32 [tilespmem:s21], [sflag:$0xD], $0x40, s6, s17, $0xb8;
	[tilespmem:$0x1F000] =	vst v63  }
0xb1: {  	_ =	swait.ge [sflag:s31], $0x2000  }
0xb2: {  	[sflag:s31] =	ssyncset.done $0x0  }
0xb3: {  	s6 =	sadd.s32 $0x580, s13;
	[sflag:s31] =	ssyncadd.s32 $0xFFFFE000  }
0xb4: {  	[spmem:s2] =	stream.indirect.scatter.add.f32 [tilespmem:s22], [sflag:$0xE], $0x40, s6, s17, $0xb8;
	[tilespmem:$0x1F000] =	vst v63  }
0xb5: {  	_ =	swait.ge [sflag:s1], $0x2000  }
0xb6: {  	[sflag:s1] =	ssyncset.done $0x0  }
0xb7: {  	s6 =	sadd.s32 $0x680, s13;
	[sflag:s1] =	ssyncadd.s32 $0xFFFFE000  }
0xb8: {  	[spmem:s2] =	stream.indirect.scatter.add.f32 [tilespmem:s23], [sflag:$0xF], $0x40, s6, s17, $0xb8;
	[tilespmem:$0x1F000] =	vst v63  }
0xb9: {  	_ =	swait.ge [sflag:s3], $0x2000  }
0xba: {  	[sflag:s3] =	ssyncset.done $0x0  }
0xbb: {  	s6 =	sadd.s32 $0x780, s13;
	[sflag:s3] =	ssyncadd.s32 $0xFFFFE000  }
0xbc: {  	[spmem:s2] =	stream.indirect.scatter.add.f32 [tilespmem:s24], [sflag:$0x10], $0x40, s6, s17, $0xb8;
	[tilespmem:$0x1F000] =	vst v63  }
0xbd: {  	_ =	swait.ge [sflag:s7], $0x2000  }
0xbe: {  	[sflag:s7] =	ssyncset.done $0x0  }
0xbf: {  	[sflag:s7] =	ssyncadd.s32 $0xFFFFE000  }
0xc0: {  	_ =	swait.ge [sflag:s9], $0x2000  }
0xc1: {  	[sflag:s9] =	ssyncset.done $0x0  }
0xc2: {  	[sflag:s9] =	ssyncadd.s32 $0xFFFFE000  }
0xc3: {  	_ =	swait.ge [sflag:s10], $0x2000  }
0xc4: {  	[sflag:s10] =	ssyncset.done $0x0  }
0xc5: {  	[sflag:s10] =	ssyncadd.s32 $0xFFFFE000  }
0xc6: {  	_ =	swait.ge [sflag:s11], $0x2000  }
0xc7: {  	[sflag:s11] =	ssyncset.done $0x0  }
0xc8: {  	[sflag:s11] =	ssyncadd.s32 $0xFFFFE000  }
0xc9: {  	_ =	swait.ge [sflag:s12], $0x2000  }
0xca: {  	[sflag:s12] =	ssyncset.done $0x0  }
0xcb: {  	[sflag:s12] =	ssyncadd.s32 $0xFFFFE000  }
0xcc: {  	_ =	swait.ge [sflag:s8], $0x2000  }
0xcd: {  	[sflag:s8] =	ssyncset.done $0x0  }
0xce: {  	[sflag:s8] =	ssyncadd.s32 $0xFFFFE000  }
.Ltmp3:
0xcf: {  	_ =	swait.ge [sflag:s0], $0x2000;
	(pc) =	sbr.rel @p1 .LBB2_7-.Ltmp3, $4  }
0xd0: {  	[sflag:s0] =	ssyncset.done $0x0  }
0xd1: {  	[sflag:s0] =	ssyncadd.s32 $0xFFFFE000  }
0xd2: {  	_ =	swait.ge [sflag:s5], $0x2000  }
0xd3: {  	s6 =	smov.u32 s15;
	[sflag:s5] =	ssyncset.done $0x0  }
0xd4: {  	s6 =	sshra.s32 s14, $0x2;
	[sflag:s5] =	ssyncadd.s32 $0xFFFFE000  }
0xd5: {  	[tilespmem:s16], [sflag:$0x1] =	stream.indirect.gather [hbm4b:s4+s17], $0x40, s6, s17, $0xb8;
	[tilespmem:$0x1F000] =	vst v63  }
0xd6: {  	s13 =	sadd.s32 $0x100, s6  }
0xd7: {  	[tilespmem:s18], [sflag:$0x2] =	stream.indirect.gather [hbm4b:s4+s17], $0x40, s13, s17, $0xb8;
	[tilespmem:$0x1F000] =	vst v63  }
0xd8: {  	s15 =	sadd.s32 $0x200, s6  }
0xd9: {  	[tilespmem:s19], [sflag:$0x3] =	stream.indirect.gather [hbm4b:s4+s17], $0x40, s15, s17, $0xb8;
	[tilespmem:$0x1F000] =	vst v63  }
0xda: {  	s14 =	sadd.s32 $0x300, s6  }
0xdb: {  	[tilespmem:s20], [sflag:$0x4] =	stream.indirect.gather [hbm4b:s4+s17], $0x40, s14, s17, $0xb8;
	[tilespmem:$0x1F000] =	vst v63  }
0xdc: {  	s15 =	sadd.s32 $0x400, s6  }
0xdd: {  	[tilespmem:s21], [sflag:$0x5] =	stream.indirect.gather [hbm4b:s4+s17], $0x40, s15, s17, $0xb8;
	[tilespmem:$0x1F000] =	vst v63  }
0xde: {  	s14 =	sadd.s32 $0x500, s6  }
0xdf: {  	[tilespmem:s22], [sflag:$0x6] =	stream.indirect.gather [hbm4b:s4+s17], $0x40, s14, s17, $0xb8;
	[tilespmem:$0x1F000] =	vst v63  }
0xe0: {  	s15 =	sadd.s32 $0x600, s6  }
0xe1: {  	[tilespmem:s23], [sflag:$0x7] =	stream.indirect.gather [hbm4b:s4+s17], $0x40, s15, s17, $0xb8;
	[tilespmem:$0x1F000] =	vst v63  }
0xe2: {  	s14 =	sadd.s32 $0x700, s6  }
0xe3: {  	[tilespmem:s24], [sflag:$0x8] =	stream.indirect.gather [hbm4b:s4+s17], $0x40, s14, s17, $0xb8;
	[tilespmem:$0x1F000] =	vst v63  }
0xe4: {  	_ =	swait.ge [sflag:s25], $0x2000  }
0xe5: {  	[sflag:s25] =	ssyncset.done $0x0  }
0xe6: {  	s15 =	sadd.s32 $0x80, s6;
	[sflag:s25] =	ssyncadd.s32 $0xFFFFE000  }
0xe7: {  	[spmem:s2] =	stream.indirect.scatter.add.f32 [tilespmem:s16], [sflag:$0x9], $0x40, s15, s17, $0xb8;
	[tilespmem:$0x1F000] =	vst v63  }
0xe8: {  	_ =	swait.ge [sflag:s26], $0x2000  }
0xe9: {  	[sflag:s26] =	ssyncset.done $0x0  }
0xea: {  	s14 =	sadd.s32 $0x180, s6;
	[sflag:s26] =	ssyncadd.s32 $0xFFFFE000  }
0xeb: {  	[spmem:s2] =	stream.indirect.scatter.add.f32 [tilespmem:s18], [sflag:$0xA], $0x40, s14, s17, $0xb8;
	[tilespmem:$0x1F000] =	vst v63  }
0xec: {  	_ =	swait.ge [sflag:s28], $0x2000  }
0xed: {  	[sflag:s28] =	ssyncset.done $0x0  }
0xee: {  	s15 =	sadd.s32 $0x280, s6;
	[sflag:s28] =	ssyncadd.s32 $0xFFFFE000  }
0xef: {  	[spmem:s2] =	stream.indirect.scatter.add.f32 [tilespmem:s19], [sflag:$0xB], $0x40, s15, s17, $0xb8;
	[tilespmem:$0x1F000] =	vst v63  }
0xf0: {  	_ =	swait.ge [sflag:s29], $0x2000  }
0xf1: {  	[sflag:s29] =	ssyncset.done $0x0  }
0xf2: {  	s14 =	sadd.s32 $0x380, s6;
	[sflag:s29] =	ssyncadd.s32 $0xFFFFE000  }
0xf3: {  	[spmem:s2] =	stream.indirect.scatter.add.f32 [tilespmem:s20], [sflag:$0xC], $0x40, s14, s17, $0xb8;
	[tilespmem:$0x1F000] =	vst v63  }
0xf4: {  	_ =	swait.ge [sflag:s30], $0x2000  }
0xf5: {  	[sflag:s30] =	ssyncset.done $0x0  }
0xf6: {  	s15 =	sadd.s32 $0x480, s6;
	[sflag:s30] =	ssyncadd.s32 $0xFFFFE000  }
0xf7: {  	[spmem:s2] =	stream.indirect.scatter.add.f32 [tilespmem:s21], [sflag:$0xD], $0x40, s15, s17, $0xb8;
	[tilespmem:$0x1F000] =	vst v63  }
0xf8: {  	_ =	swait.ge [sflag:s31], $0x2000  }
0xf9: {  	[sflag:s31] =	ssyncset.done $0x0  }
0xfa: {  	s14 =	sadd.s32 $0x580, s6;
	[sflag:s31] =	ssyncadd.s32 $0xFFFFE000  }
0xfb: {  	[spmem:s2] =	stream.indirect.scatter.add.f32 [tilespmem:s22], [sflag:$0xE], $0x40, s14, s17, $0xb8;
	[tilespmem:$0x1F000] =	vst v63  }
0xfc: {  	_ =	swait.ge [sflag:s1], $0x2000  }
0xfd: {  	[sflag:s1] =	ssyncset.done $0x0  }
0xfe: {  	s15 =	sadd.s32 $0x680, s6;
	[sflag:s1] =	ssyncadd.s32 $0xFFFFE000  }
0xff: {  	[spmem:s2] =	stream.indirect.scatter.add.f32 [tilespmem:s23], [sflag:$0xF], $0x40, s15, s17, $0xb8;
	[tilespmem:$0x1F000] =	vst v63  }
0x100: {  	_ =	swait.ge [sflag:s3], $0x2000  }
0x101: {  	[sflag:s3] =	ssyncset.done $0x0  }
0x102: {  	s6 =	sadd.s32 $0x780, s6;
	[sflag:s3] =	ssyncadd.s32 $0xFFFFE000  }
0x103: {  	[spmem:s2] =	stream.indirect.scatter.add.f32 [tilespmem:s24], [sflag:$0x10], $0x40, s6, s17, $0xb8;
	[tilespmem:$0x1F000] =	vst v63  }
0x104: {  	_ =	swait.ge [sflag:s7], $0x2000  }
0x105: {  	[sflag:s7] =	ssyncset.done $0x0  }
0x106: {  	[sflag:s7] =	ssyncadd.s32 $0xFFFFE000  }
0x107: {  	_ =	swait.ge [sflag:s9], $0x2000  }
0x108: {  	[sflag:s9] =	ssyncset.done $0x0  }
0x109: {  	[sflag:s9] =	ssyncadd.s32 $0xFFFFE000  }
0x10a: {  	_ =	swait.ge [sflag:s10], $0x2000  }
0x10b: {  	[sflag:s10] =	ssyncset.done $0x0  }
0x10c: {  	[sflag:s10] =	ssyncadd.s32 $0xFFFFE000  }
0x10d: {  	_ =	swait.ge [sflag:s11], $0x2000  }
0x10e: {  	[sflag:s11] =	ssyncset.done $0x0  }
0x10f: {  	[sflag:s11] =	ssyncadd.s32 $0xFFFFE000  }
0x110: {  	_ =	swait.ge [sflag:s12], $0x2000  }
0x111: {  	[sflag:s12] =	ssyncset.done $0x0  }
0x112: {  	[sflag:s12] =	ssyncadd.s32 $0xFFFFE000  }
0x113: {  	_ =	swait.ge [sflag:s8], $0x2000  }
0x114: {  	[sflag:s8] =	ssyncset.done $0x0  }
0x115: {  	[sflag:s8] =	ssyncadd.s32 $0xFFFFE000  }
0x116: {  	_ =	swait.ge [sflag:s0], $0x2000  }
0x117: {  	[sflag:s0] =	ssyncset.done $0x0  }
0x118: {  	[sflag:s0] =	ssyncadd.s32 $0xFFFFE000  }
0x119: {  	_ =	swait.ge [sflag:s5], $0x2000  }
0x11a: {  	[sflag:s5] =	ssyncset.done $0x0  }
0x11b: {  	[sflag:s5] =	ssyncadd.s32 $0xFFFFE000  }
0x11c: {  	s13 =	stileid.u32;
	[bflag:$0x0] =	sbarrier.arrive $0xFFFF  }
0x11d: {  	s6 =	sshll.u32 s13, $0x6;
	s14 =	rddreg [dreg:$0x4]  }
0x11e: {  	s6 =	sor.u32 $0x1C11, s6;
	s15 =	rddreg [dreg:$0xb];
	s13 =	sshrl.u32 s14, $0x3  }
0x11f: {  	[hbm:s15], [sflag:s6] =	dma.local [spmem:s13], $0x1400  }
0x120: {  	s15 =	simm.s32 $0x11  }
0x121: {  	_ =	swait.ge [sflag:s15], $0x1400  }
0x122: {  	s6 =	rddreg [dreg:$0xd]  }
0x123: {  	s14 =	rddreg [dreg:$0xc];
	s13 =	sadd.s32 $0x1, s6  }
0x124: {  	p1 =	sne.s32 s13, s14  }
.Ltmp4:
0x125: {  	_ = 	snop;
	(pc) =	sbr.rel @p1 .LBB2_1-.Ltmp4, $3  }
0x126: {  	_ =	sdelay $0x1  }
0x127: {  	[sflag:s15] =	ssyncset.done $0x0  }
0x128: {  	[sflag:s15] =	ssyncadd.s32 $0xFFFFEC00  }
0x129: {  	_ =	sfence.sel $0x180000  }
0x12a: {  	[bflag:$0x0] =	sbarrier.arrive $0xFFFF  }
0x12b: {  	_ =	strace $0x9000004A  }
0x12c: {  	s0 =	stileid.u32;
	[bflag:$0x2] =	sbarrier.arrive $0xFFFF  }
0x12d: {  	p0 =	sne.s32 s0, $0x0;
	s0 =	rddreg [dreg:$0x2]  }
0x12e: {  	s0 =	sadd.s32 @!p0 $0x100000, s0  }
0x12f: {  	[sflag:s0] =	ssyncadd.tile.s32 @!p0 $0x1;
	_ =	shalt  }
.Lfunc_end2:
_tile_overlayer_lowered:
.L_overlay_start_2:
0x130: {  	(tag) =	ssettag $0x2  }
0x131: {  	s0 =	rddreg [dreg:$0x0];
	s2 =	stileid.u32  }
0x132: {  	s1 =	rddreg [dreg:$0x1];
	p0 =	sne.s32 s2, $0x0  }
0x133: {  	s3 =	rddreg [dreg:$0x2];
	[bflag:$0x3] =	sbarrier.arrive $0xFFFF;
	s2 =	simm.s32 @!p0 $0x1C11  }
0x134: {  	[timem:s3], [sflag:s2] =	dma.local @!p0 [hbm:s0], s1  }
0x135: {  	s0 =	simm.s32 @!p0 $0x11  }
0x136: {  	_ =	swait.ge @!p0 [sflag:s0], s1  }
0x137: {  	s1 =	ssub.s32 @!p0 $0x0, s1;
	[sflag:s0] =	ssyncset.done @!p0 $0x0  }
0x138: {  	[sflag:s0] =	ssyncadd.s32 @!p0 s1  }
0x139: {  	[bflag:$0x3] =	sbarrier.arrive $0xFFFF  }
0x13a: {  	_ =	shalt  }

// kernel: kernel.14.cloned.1.call-start
scs
__scs_entry_jumppad:
0x0: {  	(pc) =	sbr.rel $0x88, $3  }
0x1: {  	(tag) =	ssettag $0x0;
	lr =	simm.s32 $0x1  }
0x2: {  	[smem:$0x3F97] =	sst lr;
	_ =	strace $0xD0000000  }
0x3: {  	_ = 	snop  }
0x4: {  	_ = 	snop  }
0x5: {  	_ = 	snop  }
0x6: {  	_ = 	snop  }
0x7: {  	_ = 	snop  }
__scs_overlays_trampoline_lowered:
0x8: {  	[smem:$0x3FA6] =	sst s0  }
0x9: {  	[smem:$0x3FA7] =	sst s1  }
0xa: {  	[smem:$0x3FA8] =	sst s2  }
0xb: {  	[smem:$0x3FA9] =	sst s3  }
0xc: {  	[smem:$0x3FAA] =	sst s4  }
0xd: {  	[smem:$0x3FAB] =	sst s5  }
0xe: {  	[smem:$0x3FAC] =	sst s6  }
0xf: {  	[smem:$0x3FAD] =	sst s7  }
0x10: {  	[smem:$0x3FAE] =	sst s8  }
0x11: {  	[smem:$0x3FAF] =	sst s9;
	s0 =	simm.s32 @!p0 $0x0  }
0x12: {  	s1 =	sld [smem:$0x3F95];
	s0 =	simm.s32 @p0 $0x1  }
0x13: {  	[smem:$0x3FB0] =	sst s0;
	s0 =	simm.s32 @!p1 $0x0  }
0x14: {  	s2 =	sld [smem:$0x3F94];
	s0 =	simm.s32 @p1 $0x1  }
0x15: {  	[smem:$0x3FB1] =	sst s0;
	s0 =	simm.s32 @!p2 $0x0  }
0x16: {  	s3 =	sld [smem:$0x3FDB];
	s0 =	simm.s32 @p2 $0x1  }
0x17: {  	s4 =	simm.s32 $0x1BF5;
	[smem:$0x3FB3] =	sst s0  }
0x18: {  	s0 =	sld [smem:$0x3F96];
	_ =	swait.ge [sflag:s4], $0x0  }
0x19: {  	s7 =	sld [smem:$0x3F97]  }
0x1a: {  	s8 =	sadd.s32 $0xFFFFE003, lr  }
0x1b: {  	s9 =	sadd.s32 $0xFFFFFEF7, lr;
	s5 =	simm.s32 $0xFFFFFFFF;
	p2 =	slt.u32 s8, $0xFFFFF086  }
0x1c: {  	p1 =	slt.u32 s9, $0xF7A;
	s5 =	simm.s32 @!p2 $0x0  }
0x1d: {  	s5 =	simm.s32 @p1 $0x1;
	p0 =	seq.s32 s7, s2  }
0x1e: {  	s7 =	smul.u32 @!p0 $0xF7A, s2;
	p2 =	seq.s32 @!p0 s5, $0x0  }
0x1f: {  	s9 =	smul.u32 $0xF7A, s1;
	s8 =	simm.s32 @!p0 $0x1BF5;
	p2 =	por !p2, p0  }
0x20: {  	[sflag:s8] =	ssyncset.s32 @!p0 $0xFFFFF086;
	s6 =	sadd.s32 @!p0 s3, s7;
	s7 =	simm.s32 @!p0 $0x108  }
0x21: {  	s3 =	sadd.s32 s3, s9;
	s6 =	sadd.s32 @!p0 $0x88, s6;
	s7 =	simm.s32 @p2 $0x1082  }
0x22: {  	[simem:s7], [sflag:s8] =	dma.local @!p0 [hbm:s6], $0xF7A  }
0x23: {  	s9 =	sor.u32 $0xD0000000, s2;
	s6 =	simm.s32 $0x108;
	_ =	swait.ge @!p0 [sflag:s8], $0x0  }
0x24: {  	s3 =	sadd.s32 $0x88, s3;
	s6 =	simm.s32 @!p1 $0x1082;
	[sflag:s4] =	ssyncset.s32 $0xFFFFF086  }
0x25: {  	[simem:s6], [sflag:s4] =	dma.local [hbm:s3], $0xF7A  }
0x26: {  	[smem:$0x3F97] =	sst s1;
	(tag) =	ssettag s2;
	_ =	strace s9  }
0x27: {  	s1 =	sld [smem:$0x3FA7]  }
0x28: {  	s2 =	sld [smem:$0x3FA8]  }
0x29: {  	s4 =	sld [smem:$0x3FAA]  }
0x2a: {  	p0 =	seq.s32 s5, $0x0;
	s5 =	sld [smem:$0x3FAB]  }
0x2b: {  	s6 =	sld [smem:$0x3FAC]  }
0x2c: {  	s7 =	sld [smem:$0x3FAD]  }
0x2d: {  	s3 =	simm.s32 $0x108;
	s8 =	sld [smem:$0x3FAE]  }
0x2e: {  	s3 =	simm.s32 @!p0 $0x1082;
	s9 =	sld [smem:$0x3FAF]  }
0x2f: {  	lr =	sadd.s32 s0, s3;
	s0 =	sld [smem:$0x3FA6]  }
0x30: {  	s3 =	sld [smem:$0x3FA9]  }
0x31: {  	[smem:$0x3FB2] =	sst s10  }
0x32: {  	s10 =	sld [smem:$0x3FB0];
	_ =	sdelay $0x3  }
0x33: {  	p0 =	seq.s32 s10, $0x1;
	s10 =	sld [smem:$0x3FB2];
	_ =	sdelay $0x3  }
0x34: {  	[smem:$0x3FB2] =	sst s10  }
0x35: {  	s10 =	sld [smem:$0x3FB1];
	_ =	sdelay $0x3  }
0x36: {  	p1 =	seq.s32 s10, $0x1;
	s10 =	sld [smem:$0x3FB2];
	_ =	sdelay $0x3  }
0x37: {  	[smem:$0x3FB2] =	sst s10  }
0x38: {  	s10 =	sld [smem:$0x3FB3]  }
0x39: {  	_ = 	snop;
	(pc) =	sbr.ind lr, $3  }
0x3a: {  	_ = 	snop  }
0x3b: {  	_ = 	snop  }
0x3c: {  	p2 =	seq.s32 s10, $0x1;
	s10 =	sld [smem:$0x3FB2]  }
0x3d: {  	_ =	shalt  }
0x3e: {  	_ =	shalt  }
0x3f: {  	_ =	shalt  }
0x40: {  	_ =	shalt  }
0x41: {  	_ =	shalt  }
0x42: {  	_ =	shalt  }
0x43: {  	_ =	shalt  }
0x44: {  	_ =	shalt  }
0x45: {  	_ =	shalt  }
0x46: {  	_ =	shalt  }
0x47: {  	_ =	shalt  }
0x48: {  	_ =	shalt  }
0x49: {  	_ =	shalt  }
0x4a: {  	_ =	shalt  }
0x4b: {  	_ =	shalt  }
0x4c: {  	_ =	shalt  }
0x4d: {  	_ =	shalt  }
0x4e: {  	_ =	shalt  }
0x4f: {  	_ =	shalt  }
0x50: {  	_ =	shalt  }
0x51: {  	_ =	shalt  }
0x52: {  	_ =	shalt  }
0x53: {  	_ =	shalt  }
0x54: {  	_ =	shalt  }
0x55: {  	_ =	shalt  }
0x56: {  	_ =	shalt  }
0x57: {  	_ =	shalt  }
0x58: {  	_ =	shalt  }
0x59: {  	_ =	shalt  }
0x5a: {  	_ =	shalt  }
0x5b: {  	_ =	shalt  }
0x5c: {  	_ =	shalt  }
0x5d: {  	_ =	shalt  }
0x5e: {  	_ =	shalt  }
0x5f: {  	_ =	shalt  }
0x60: {  	_ =	shalt  }
0x61: {  	_ =	shalt  }
0x62: {  	_ =	shalt  }
0x63: {  	_ =	shalt  }
0x64: {  	_ =	shalt  }
0x65: {  	_ =	shalt  }
0x66: {  	_ =	shalt  }
0x67: {  	_ =	shalt  }
0x68: {  	_ =	shalt  }
0x69: {  	_ =	shalt  }
0x6a: {  	_ =	shalt  }
0x6b: {  	_ =	shalt  }
0x6c: {  	_ =	shalt  }
0x6d: {  	_ =	shalt  }
0x6e: {  	_ =	shalt  }
0x6f: {  	_ =	shalt  }
0x70: {  	_ =	shalt  }
0x71: {  	_ =	shalt  }
0x72: {  	_ =	shalt  }
0x73: {  	_ =	shalt  }
0x74: {  	_ =	shalt  }
0x75: {  	_ =	shalt  }
0x76: {  	_ =	shalt  }
0x77: {  	_ =	shalt  }
0x78: {  	_ =	shalt  }
0x79: {  	_ =	shalt  }
0x7a: {  	_ =	shalt  }
0x7b: {  	_ =	shalt  }
0x7c: {  	_ =	shalt  }
0x7d: {  	_ =	shalt  }
0x7e: {  	_ =	shalt  }
0x7f: {  	_ =	shalt  }
0x80: {  	_ =	shalt  }
0x81: {  	_ =	shalt  }
0x82: {  	_ =	shalt  }
0x83: {  	_ =	shalt  }
0x84: {  	_ =	shalt  }
0x85: {  	_ =	shalt  }
0x86: {  	_ =	shalt  }
0x87: {  	_ =	shalt  }
.Lfunc_end0:
.L_simem_size_0:
called_computation.2_lowered:
.L_overlay_start_0:
0x88: {  	s2 =	sld [smem:$0x3FD9]  }
0x89: {  	s3 =	sld [smem:$0x3FFE];
	_ =	sdelay $0x1  }
0x8a: {  	s1 =	srdreg.scid  }
0x8b: {  	s0 =	sand.u32 $0x1, s1  }
0x8c: {  	s16 =	sshll.u32 s0, $0xA;
	s2 =	sadd.s32 s3, s2  }
0x8d: {  	s2 =	sadd.s32 s2, s16  }
0x8e: {  	[smem:$0x3FBE] =	sst s2  }
0x8f: {  	_ = 	snop  }
0x90: {  	(tm) =	ssettm $0x1  }
0x91: {  	s17 =	sld [smem:$0x3FFB];
	_ =	sdelay $0x3  }
0x92: {  	_ =	strace s17  }
0x93: {  	s2 =	sld [smem:$0x3FFC];
	_ =	sdelay $0x3  }
0x94: {  	_ =	strace s2  }
0x95: {  	s2 =	sld [smem:$0x3FFD];
	_ =	sdelay $0x3  }
0x96: {  	_ =	strace s2  }
0x97: {  	_ =	strace $0x8FFFFFFF  }
0x98: {  	s18 =	sld [smem:$0x3FDB];
	_ =	sdelay $0x1  }
0x99: {  	s19 =	simm.s32 $_scs_section_size  }
0x9a: {  	s4 =	simm.s32 $_size__tile_overlayer_lowered;
	s5 =	simm.s32 $_tile_overlayer_lowered  }
0x9b: {  	s22 =	simm.s32 $0x1BFF;
	s21 =	sshll.u32 s5, $0x1;
	s2 =	sadd.s32 s19, s18  }
0x9c: {  	s6 =	simm.s32 $0x0;
	s20 =	sshll.u32 s4, $0x1;
	s4 =	sadd.s32 s21, s2  }
0x9d: {  	[timem:s6], [sflag:s22] =	dma.local [hbm:s4], s20  }
0x9e: {  	_ =	swait.ge [sflag:s22], s20  }
0x9f: {  	s3 =	ssub.s32 $0x0, s20;
	[sflag:s22] =	ssyncset.done $0x0  }
0xa0: {  	[sflag:s22] =	ssyncadd.s32 s3;
	_ =	sdelay $0x1  }
0xa1: {  	s23 =	simm.s32 $0x1B8B  }
0xa2: {  	_ =	swait.ge [sflag:s23], $0x1  }
0xa3: {  	[sflag:s23] =	ssyncset.done $0x0  }
0xa4: {  	s25 =	simm.s32 $0x1B8E;
	s24 =	sld [smem:$0x3FFE];
	[sflag:s23] =	ssyncadd.s32 $0xFFFFFFFF  }
0xa5: {  	s26 =	simm.s32 $execute0_lowered;
	[smem:$0x3FD2] =	sst s25  }
0xa6: {  	s4 =	sshll.u32 s26, $0x1;
	_ =	strace $0x8000004C;
	[dreg:$0x1] =	wrdreg $0xFFFFFFFF  }
0xa7: {  	s28 =	simm.s32 $_size_execute0_lowered;
	s2 =	sadd.s32 s2, s4;
	[dreg:$0x0] =	wrdreg $0x0  }
0xa8: {  	s4 =	sshll.u32 s28, $0x1;
	[dreg:$0x2] =	wrdreg s2  }
0xa9: {  	[dreg:$0x3] =	wrdreg s4  }
0xaa: {  	[dreg:$0x4] =	wrdreg $0xC0  }
0xab: {  	_ =	task [dreg:s6], $0x5FFFF  }
0xac: {  	[dreg:$0x1] =	wrdreg $0xFFFFFFFF  }
0xad: {  	[dreg:$0x0] =	wrdreg $0x60  }
0xae: {  	[dreg:$0x2] =	wrdreg s24  }
0xaf: {  	[dreg:$0x3] =	wrdreg $0xD0000  }
0xb0: {  	[dreg:$0x4] =	wrdreg $0x9  }
0xb1: {  	_ =	task.clear_ibuf [dreg:s6], $0x5FFFF;
	_ =	strace $0x9000004C  }
0xb2: {  	s29 =	simm.s32 $0x9;
	_ =	strace $0x8000004E  }
0xb3: {  	_ =	swait.ge [sflag:s29], $0x1  }
0xb4: {  	[sflag:s29] =	ssyncadd.s32 $0xFFFFFFFF  }
0xb5: {  	_ =	strace $0x9000004E  }
0xb6: {  	_ =	sfence  }
0xb7: {  	s30 =	sld [smem:$0x0];
	_ =	sdelay $0x2  }
0xb8: {  	s31 =	sshll.u32 s1, $0xD;
	s1 =	sshrl.u32 s1, $0x2  }
0xb9: {  	s3 =	sand.u32 $0x4000, s31;
	s1 =	sadd.s32 s1, s30  }
0xba: {  	s0 =	sor.u32 s3, s0;
	s1 =	sshll.u32 s1, $0x11  }
0xbb: {  	s0 =	sor.u32 s1, s0  }
0xbc: {  	s0 =	sadd.s32 $0x8F2B, s0  }
0xbd: {  	[sflag:s0] =	ssyncadd.remote.s32 $0x1  }
0xbe: {  	_ =	sfence.sel $0xFFFF  }
0xbf: {  	[dreg:$0x0] =	wrdreg $0xFFFFFFFF;
	(pc) =	sbr.abs _section_cstart, $3  }
0xc0: {  	[dreg:$0x1] =	wrdreg $0xFFFFFFFF  }
0xc1: {  	_ =	task.clear_ibuf [dreg:s6], $0x2FFFF;
	_ =	strace $0x9FFFFFFF  }
0xc2: {  	(tm) =	ssettm $0x7FFFFFFF  }
0xc3: {  	_ =	shalt  }
tec
execute0_lowered:
.L_overlay_start_1:
0x0: {  	(tag) =	ssettag $0x1  }
0x1: {  	s0 =	srdreg.scid  }
0x2: {  	s9 =	stileid.u32;
	s3 =	rddreg [dreg:$0x0]  }
0x3: {  	s2 =	rddreg [dreg:$0x1];
	s4 =	simm.s32 $0x0;
	s15 =	simm.s32 $0x11  }
0x4: {  	s16 =	simm.s32 $0x5000;
	s17 =	simm.s32 $0x80;
	s18 =	simm.s32 $0x6000  }
0x5: {  	s28 =	simm.s32 $0x3;
	s29 =	simm.s32 $0x4;
	s30 =	simm.s32 $0x5  }
0x6: {  	s31 =	simm.s32 $0x6;
	s10 =	simm.s32 $0xB;
	s11 =	simm.s32 $0xC  }
0x7: {  	s12 =	simm.s32 $0xD;
	s13 =	simm.s32 $0x0;
	s0 =	sand.u32 $0x1, s0  }
0x8: {  	s1 =	sshll.u32 s9, $0x1;
	s5 =	smul.u32 $0x5000, s9;
	[smem:$0x7FF] =	sst s4  }
0x9: {  	s4 =	sadd.s32 $0x16600, s3;
	s9 =	smul.u32 $0x14000, s9;
	s1 =	sor.u32 s0, s1  }
0xa: {  	s6 =	smul.u32 $0x50000, s0;
	_ =	strace $0x8000004D;
	s7 =	ssub.s32 $0x2, s0  }
0xb: {  	p0 =	seq.s32 s0, $0x1;
	s1 =	smul.u32 $0xA00, s1;
	s8 =	sshrl.u32 s7, $0x1  }
0xc: {  	s20 =	sshrl.u32 s5, $0x3;
	s21 =	sshrl.u32 s9, $0x2;
	s9 =	simm.s32 $0xA  }
0xd: {  	s6 =	sadd.s32 s5, s6;
	s19 =	ssub.s32 s7, s8;
	s5 =	sadd.s32 s5, s2  }
0xe: {  	s0 =	sadd.s32 s4, s20;
	s22 =	sadd.s32 s21, s2;
	s20 =	simm.s32 $0x8000  }
0xf: {  	s21 =	simm.s32 $0x9000;
	s7 =	simm.s32 $0x9;
	[dreg:$0x4] =	wrdreg s5  }
0x10: {  	s8 =	simm.s32 $0xE;
	s1 =	sadd.s32 s1, s3;
	[dreg:$0x5] =	wrdreg s0  }
0x11: {  	s6 =	sshrl.u32 s6, $0x3;
	s23 =	sadd.s32 $0x2000, s22;
	[dreg:$0x6] =	wrdreg s22  }
0x12: {  	s24 =	sadd.s32 $0x3000, s22;
	s0 =	sadd.s32 $0x4000, s22;
	[dreg:$0x8] =	wrdreg s23  }
0x13: {  	s26 =	smax.u32 s19, $0x1;
	s19 =	simm.s32 $0x7000;
	[dreg:$0x9] =	wrdreg s24  }
0x14: {  	s5 =	simm.s32 $0x10;
	s3 =	sadd.s32 s6, s3;
	[dreg:$0xa] =	wrdreg s0  }
0x15: {  	s1 =	sadd.s32 $0x2600, s1;
	[dreg:$0xc] =	wrdreg s26;
	s23 =	simm.s32 $0xB000  }
0x16: {  	s24 =	simm.s32 $0xC000;
	s26 =	simm.s32 $0x2;
	s0 =	simm.s32 $0xF  }
0x17: {  	[dreg:$0x3] =	wrdreg s1;
	s1 =	sadd.s32 $0x1000, s22;
	s25 =	sadd.s32 $0x20600, s3  }
0x18: {  	s22 =	simm.s32 $0xA000;
	s3 =	simm.s32 $0x8;
	[dreg:$0x7] =	wrdreg s1  }
0x19: {  	v0 =	vimm.f32 $0.0e+00;
	[dreg:$0xb] =	wrdreg s25;
	s25 =	simm.s32 $0x1;
	s1 =	simm.s32 $0x7  }
.LBB2_1:
0x1a: {  	[dreg:$0xd] =	wrdreg s13  }
.Ltmp0:
0x1b: {  	s6 =	simm.s32 $0x0;
	s14 =	rddreg [dreg:$0x3];
	(pc) =	sbr.rel @!p0 .LBB2_2-.Ltmp0, $4  }
0x1c: {  	[tilespmem:s6], [sflag:$0x11] =	stream.linear.gather [hbm4b:s14+s6], $0x5000, $0x38;
	[tilespmem:$0x12000] =	vst v63  }
0x1d: {  	_ =	swait.ge [sflag:s15], $0x5000  }
0x1e: {  	[sflag:s15] =	ssyncset.done $0x0  }
0x1f: {  	[sflag:s15] =	ssyncadd.s32 $0xFFFFB000  }
0x20: {  	s6 =	simm.s32 $0x80;
	s13 =	simm.s32 $0x0  }
.LBB2_4:
0x21: {  	p1 =	sne.s32 s6, $0x3F80;
	[tilespmem:s13+$0x5000] =	vst v0;
	s14 =	smov.u32 s6;
	s6 =	sadd.s32 $0x80, s6  }
.Ltmp1:
0x22: {  	[tilespmem:s13+$0x5010] =	vst v0;
	(pc) =	sbr.rel @p1 .LBB2_4-.Ltmp1, $2  }
0x23: {  	_ =	sdelay $0x2  }
0x24: {  	s13 =	sshra.s32 s14, $0x2  }
0x25: {  	[tilespmem:s13+$0x5000] =	vst v0  }
0x26: {  	[tilespmem:s13+$0x5010] =	vst v0;
	s6 =	rddreg [dreg:$0x6]  }
0x27: {  	[spmem:s6] =	stream.linear.scatter [tilespmem:s16], [sflag:$0x11], $0x1000, $0x38;
	[tilespmem:$0x12000] =	vst v63  }
0x28: {  	_ =	swait.ge [sflag:s15], $0x1000  }
0x29: {  	[sflag:s15] =	ssyncset.done $0x0  }
0x2a: {  	s13 =	rddreg [dreg:$0x7];
	[sflag:s15] =	ssyncadd.s32 $0xFFFFF000  }
0x2b: {  	[spmem:s13] =	stream.linear.scatter [tilespmem:s16], [sflag:$0x11], $0x1000, $0x38;
	[tilespmem:$0x12000] =	vst v63  }
0x2c: {  	_ =	swait.ge [sflag:s15], $0x1000  }
0x2d: {  	[sflag:s15] =	ssyncset.done $0x0  }
0x2e: {  	s14 =	rddreg [dreg:$0x8];
	[sflag:s15] =	ssyncadd.s32 $0xFFFFF000  }
0x2f: {  	[spmem:s14] =	stream.linear.scatter [tilespmem:s16], [sflag:$0x11], $0x1000, $0x38;
	[tilespmem:$0x12000] =	vst v63  }
0x30: {  	_ =	swait.ge [sflag:s15], $0x1000  }
0x31: {  	[sflag:s15] =	ssyncset.done $0x0  }
0x32: {  	s13 =	rddreg [dreg:$0x9];
	[sflag:s15] =	ssyncadd.s32 $0xFFFFF000  }
0x33: {  	[spmem:s13] =	stream.linear.scatter [tilespmem:s16], [sflag:$0x11], $0x1000, $0x38;
	[tilespmem:$0x12000] =	vst v63  }
0x34: {  	_ =	swait.ge [sflag:s15], $0x1000  }
0x35: {  	[sflag:s15] =	ssyncset.done $0x0  }
.Ltmp2:
0x36: {  	s14 =	rddreg [dreg:$0xa];
	[sflag:s15] =	ssyncadd.s32 $0xFFFFF000;
	(pc) =	sbr.rel .LBB2_6-.Ltmp2, $4  }
0x37: {  	[spmem:s14] =	stream.linear.scatter [tilespmem:s16], [sflag:$0x11], $0x1000, $0x38;
	[tilespmem:$0x12000] =	vst v63  }
0x38: {  	_ =	swait.ge [sflag:s15], $0x1000  }
0x39: {  	[sflag:s15] =	ssyncset.done $0x0  }
0x3a: {  	[sflag:s15] =	ssyncadd.s32 $0xFFFFF000  }
.LBB2_2:
0x3b: {  	s6 =	stileid.u32  }
0x3c: {  	s13 =	rddreg [dreg:$0x4];
	s6 =	sshll.u32 s6, $0x6  }
0x3d: {  	s14 =	rddreg [dreg:$0x5];
	s13 =	sshrl.u32 s13, $0x3;
	s6 =	sor.u32 $0x1C11, s6  }
0x3e: {  	[spmem:s13], [sflag:s6] =	dma.local [hbm:s14], $0xA00  }
0x3f: {  	_ =	swait.ge [sflag:s15], $0xA00  }
0x40: {  	[sflag:s15] =	ssyncset.done $0x0  }
0x41: {  	[sflag:s15] =	ssyncadd.s32 $0xFFFFF600  }
.LBB2_6:
0x42: {  	[bflag:$0x0] =	sbarrier.arrive $0xFFFF;
	s6 =	simm.s32 $0x0  }
0x43: {  	[tilespmem:s16], [sflag:$0x1] =	stream.indirect.gather [hbm4b:s4+s17], $0x20, s6, s17, $0xb8;
	[tilespmem:$0x12000] =	vst v63  }
0x44: {  	s13 =	simm.s32 $0x100  }
0x45: {  	[tilespmem:s18], [sflag:$0x2] =	stream.indirect.gather [hbm4b:s4+s17], $0x20, s13, s17, $0xb8;
	[tilespmem:$0x12000] =	vst v63  }
0x46: {  	s14 =	simm.s32 $0x200  }
0x47: {  	[tilespmem:s19], [sflag:$0x3] =	stream.indirect.gather [hbm4b:s4+s17], $0x20, s14, s17, $0xb8;
	[tilespmem:$0x12000] =	vst v63  }
0x48: {  	s15 =	simm.s32 $0x300  }
0x49: {  	[tilespmem:s20], [sflag:$0x4] =	stream.indirect.gather [hbm4b:s4+s17], $0x20, s15, s17, $0xb8;
	[tilespmem:$0x12000] =	vst v63  }
0x4a: {  	s13 =	simm.s32 $0x400  }
0x4b: {  	[tilespmem:s21], [sflag:$0x5] =	stream.indirect.gather [hbm4b:s4+s17], $0x20, s13, s17, $0xb8;
	[tilespmem:$0x12000] =	vst v63  }
0x4c: {  	s14 =	simm.s32 $0x500  }
0x4d: {  	[tilespmem:s22], [sflag:$0x6] =	stream.indirect.gather [hbm4b:s4+s17], $0x20, s14, s17, $0xb8;
	[tilespmem:$0x12000] =	vst v63  }
0x4e: {  	s15 =	simm.s32 $0x600  }
0x4f: {  	[tilespmem:s23], [sflag:$0x7] =	stream.indirect.gather [hbm4b:s4+s17], $0x20, s15, s17, $0xb8;
	[tilespmem:$0x12000] =	vst v63  }
0x50: {  	s13 =	simm.s32 $0x700  }
0x51: {  	[tilespmem:s24], [sflag:$0x8] =	stream.indirect.gather [hbm4b:s4+s17], $0x20, s13, s17, $0xb8;
	[tilespmem:$0x12000] =	vst v63  }
0x52: {  	_ =	swait.ge [sflag:s25], $0x1000  }
0x53: {  	[sflag:s25] =	ssyncset.done $0x0  }
0x54: {  	s14 =	simm.s32 $0x80;
	[sflag:s25] =	ssyncadd.s32 $0xFFFFF000  }
0x55: {  	[spmem:s2] =	stream.indirect.scatter.add.f32 [tilespmem:s16], [sflag:$0x9], $0x20, s14, s17, $0xb8;
	[tilespmem:$0x12000] =	vst v63  }
0x56: {  	_ =	swait.ge [sflag:s26], $0x1000  }
0x57: {  	[sflag:s26] =	ssyncset.done $0x0  }
0x58: {  	s15 =	simm.s32 $0x180;
	[sflag:s26] =	ssyncadd.s32 $0xFFFFF000  }
0x59: {  	[spmem:s2] =	stream.indirect.scatter.add.f32 [tilespmem:s18], [sflag:$0xA], $0x20, s15, s17, $0xb8;
	[tilespmem:$0x12000] =	vst v63  }
0x5a: {  	_ =	swait.ge [sflag:s28], $0x1000  }
0x5b: {  	[sflag:s28] =	ssyncset.done $0x0  }
0x5c: {  	s13 =	simm.s32 $0x280;
	[sflag:s28] =	ssyncadd.s32 $0xFFFFF000  }
0x5d: {  	[spmem:s2] =	stream.indirect.scatter.add.f32 [tilespmem:s19], [sflag:$0xB], $0x20, s13, s17, $0xb8;
	[tilespmem:$0x12000] =	vst v63  }
0x5e: {  	_ =	swait.ge [sflag:s29], $0x1000  }
0x5f: {  	[sflag:s29] =	ssyncset.done $0x0  }
0x60: {  	s14 =	simm.s32 $0x380;
	[sflag:s29] =	ssyncadd.s32 $0xFFFFF000  }
0x61: {  	[spmem:s2] =	stream.indirect.scatter.add.f32 [tilespmem:s20], [sflag:$0xC], $0x20, s14, s17, $0xb8;
	[tilespmem:$0x12000] =	vst v63  }
0x62: {  	_ =	swait.ge [sflag:s30], $0x1000  }
0x63: {  	[sflag:s30] =	ssyncset.done $0x0  }
0x64: {  	s15 =	simm.s32 $0x480;
	[sflag:s30] =	ssyncadd.s32 $0xFFFFF000  }
0x65: {  	[spmem:s2] =	stream.indirect.scatter.add.f32 [tilespmem:s21], [sflag:$0xD], $0x20, s15, s17, $0xb8;
	[tilespmem:$0x12000] =	vst v63  }
0x66: {  	_ =	swait.ge [sflag:s31], $0x1000  }
0x67: {  	[sflag:s31] =	ssyncset.done $0x0  }
0x68: {  	s13 =	simm.s32 $0x580;
	[sflag:s31] =	ssyncadd.s32 $0xFFFFF000  }
0x69: {  	[spmem:s2] =	stream.indirect.scatter.add.f32 [tilespmem:s22], [sflag:$0xE], $0x20, s13, s17, $0xb8;
	[tilespmem:$0x12000] =	vst v63  }
0x6a: {  	_ =	swait.ge [sflag:s1], $0x1000  }
0x6b: {  	[sflag:s1] =	ssyncset.done $0x0  }
0x6c: {  	s14 =	simm.s32 $0x680;
	[sflag:s1] =	ssyncadd.s32 $0xFFFFF000  }
0x6d: {  	[spmem:s2] =	stream.indirect.scatter.add.f32 [tilespmem:s23], [sflag:$0xF], $0x20, s14, s17, $0xb8;
	[tilespmem:$0x12000] =	vst v63  }
0x6e: {  	_ =	swait.ge [sflag:s3], $0x1000  }
0x6f: {  	[sflag:s3] =	ssyncset.done $0x0  }
0x70: {  	s15 =	simm.s32 $0x780;
	[sflag:s3] =	ssyncadd.s32 $0xFFFFF000  }
0x71: {  	[spmem:s2] =	stream.indirect.scatter.add.f32 [tilespmem:s24], [sflag:$0x10], $0x20, s15, s17, $0xb8;
	[tilespmem:$0x12000] =	vst v63  }
0x72: {  	_ =	swait.ge [sflag:s7], $0x1000  }
0x73: {  	[sflag:s7] =	ssyncset.done $0x0  }
0x74: {  	[sflag:s7] =	ssyncadd.s32 $0xFFFFF000  }
0x75: {  	_ =	swait.ge [sflag:s9], $0x1000  }
0x76: {  	[sflag:s9] =	ssyncset.done $0x0  }
0x77: {  	[sflag:s9] =	ssyncadd.s32 $0xFFFFF000  }
0x78: {  	_ =	swait.ge [sflag:s10], $0x1000  }
0x79: {  	[sflag:s10] =	ssyncset.done $0x0  }
0x7a: {  	[sflag:s10] =	ssyncadd.s32 $0xFFFFF000  }
0x7b: {  	_ =	swait.ge [sflag:s11], $0x1000  }
0x7c: {  	[sflag:s11] =	ssyncset.done $0x0  }
0x7d: {  	[sflag:s11] =	ssyncadd.s32 $0xFFFFF000  }
0x7e: {  	_ =	swait.ge [sflag:s12], $0x1000  }
0x7f: {  	[sflag:s12] =	ssyncset.done $0x0  }
0x80: {  	[sflag:s12] =	ssyncadd.s32 $0xFFFFF000  }
0x81: {  	_ =	swait.ge [sflag:s8], $0x1000  }
0x82: {  	[sflag:s8] =	ssyncset.done $0x0  }
0x83: {  	[sflag:s8] =	ssyncadd.s32 $0xFFFFF000  }
0x84: {  	_ =	swait.ge [sflag:s0], $0x1000  }
0x85: {  	[sflag:s0] =	ssyncset.done $0x0  }
0x86: {  	[sflag:s0] =	ssyncadd.s32 $0xFFFFF000  }
0x87: {  	_ =	swait.ge [sflag:s5], $0x1000  }
0x88: {  	s6 =	simm.s32 $0x4000;
	s14 =	simm.s32 $0x2000;
	[sflag:s5] =	ssyncset.done $0x0  }
.LBB2_7:
0x89: {  	s13 =	sshra.s32 s14, $0x2  }
0x8a: {  	[sflag:s5] =	ssyncadd.s32 $0xFFFFF000;
	s14 =	smov.u32 s6;
	s15 =	sadd.s32 $0x2000, s6  }
0x8b: {  	[tilespmem:s16], [sflag:$0x1] =	stream.indirect.gather [hbm4b:s4+s17], $0x20, s13, s17, $0xb8;
	[tilespmem:$0x12000] =	vst v63  }
0x8c: {  	p1 =	sne.s32 s6, $0x12000;
	s6 =	sadd.s32 $0x100, s13  }
0x8d: {  	[tilespmem:s18], [sflag:$0x2] =	stream.indirect.gather [hbm4b:s4+s17], $0x20, s6, s17, $0xb8;
	[tilespmem:$0x12000] =	vst v63  }
0x8e: {  	s6 =	sadd.s32 $0x200, s13  }
0x8f: {  	[tilespmem:s19], [sflag:$0x3] =	stream.indirect.gather [hbm4b:s4+s17], $0x20, s6, s17, $0xb8;
	[tilespmem:$0x12000] =	vst v63  }
0x90: {  	s6 =	sadd.s32 $0x300, s13  }
0x91: {  	[tilespmem:s20], [sflag:$0x4] =	stream.indirect.gather [hbm4b:s4+s17], $0x20, s6, s17, $0xb8;
	[tilespmem:$0x12000] =	vst v63  }
0x92: {  	s6 =	sadd.s32 $0x400, s13  }
0x93: {  	[tilespmem:s21], [sflag:$0x5] =	stream.indirect.gather [hbm4b:s4+s17], $0x20, s6, s17, $0xb8;
	[tilespmem:$0x12000] =	vst v63  }
0x94: {  	s6 =	sadd.s32 $0x500, s13  }
0x95: {  	[tilespmem:s22], [sflag:$0x6] =	stream.indirect.gather [hbm4b:s4+s17], $0x20, s6, s17, $0xb8;
	[tilespmem:$0x12000] =	vst v63  }
0x96: {  	s6 =	sadd.s32 $0x600, s13  }
0x97: {  	[tilespmem:s23], [sflag:$0x7] =	stream.indirect.gather [hbm4b:s4+s17], $0x20, s6, s17, $0xb8;
	[tilespmem:$0x12000] =	vst v63  }
0x98: {  	s6 =	sadd.s32 $0x700, s13  }
0x99: {  	[tilespmem:s24], [sflag:$0x8] =	stream.indirect.gather [hbm4b:s4+s17], $0x20, s6, s17, $0xb8;
	[tilespmem:$0x12000] =	vst v63  }
0x9a: {  	_ =	swait.ge [sflag:s25], $0x1000  }
0x9b: {  	[sflag:s25] =	ssyncset.done $0x0  }
0x9c: {  	s6 =	sadd.s32 $0x80, s13;
	[sflag:s25] =	ssyncadd.s32 $0xFFFFF000  }
0x9d: {  	[spmem:s2] =	stream.indirect.scatter.add.f32 [tilespmem:s16], [sflag:$0x9], $0x20, s6, s17, $0xb8;
	[tilespmem:$0x12000] =	vst v63  }
0x9e: {  	_ =	swait.ge [sflag:s26], $0x1000  }
0x9f: {  	[sflag:s26] =	ssyncset.done $0x0  }
0xa0: {  	s6 =	sadd.s32 $0x180, s13;
	[sflag:s26] =	ssyncadd.s32 $0xFFFFF000  }
0xa1: {  	[spmem:s2] =	stream.indirect.scatter.add.f32 [tilespmem:s18], [sflag:$0xA], $0x20, s6, s17, $0xb8;
	[tilespmem:$0x12000] =	vst v63  }
0xa2: {  	_ =	swait.ge [sflag:s28], $0x1000  }
0xa3: {  	[sflag:s28] =	ssyncset.done $0x0  }
0xa4: {  	s6 =	sadd.s32 $0x280, s13;
	[sflag:s28] =	ssyncadd.s32 $0xFFFFF000  }
0xa5: {  	[spmem:s2] =	stream.indirect.scatter.add.f32 [tilespmem:s19], [sflag:$0xB], $0x20, s6, s17, $0xb8;
	[tilespmem:$0x12000] =	vst v63  }
0xa6: {  	_ =	swait.ge [sflag:s29], $0x1000  }
0xa7: {  	[sflag:s29] =	ssyncset.done $0x0  }
0xa8: {  	s6 =	sadd.s32 $0x380, s13;
	[sflag:s29] =	ssyncadd.s32 $0xFFFFF000  }
0xa9: {  	[spmem:s2] =	stream.indirect.scatter.add.f32 [tilespmem:s20], [sflag:$0xC], $0x20, s6, s17, $0xb8;
	[tilespmem:$0x12000] =	vst v63  }
0xaa: {  	_ =	swait.ge [sflag:s30], $0x1000  }
0xab: {  	[sflag:s30] =	ssyncset.done $0x0  }
0xac: {  	s6 =	sadd.s32 $0x480, s13;
	[sflag:s30] =	ssyncadd.s32 $0xFFFFF000  }
0xad: {  	[spmem:s2] =	stream.indirect.scatter.add.f32 [tilespmem:s21], [sflag:$0xD], $0x20, s6, s17, $0xb8;
	[tilespmem:$0x12000] =	vst v63  }
0xae: {  	_ =	swait.ge [sflag:s31], $0x1000  }
0xaf: {  	[sflag:s31] =	ssyncset.done $0x0  }
0xb0: {  	s6 =	sadd.s32 $0x580, s13;
	[sflag:s31] =	ssyncadd.s32 $0xFFFFF000  }
0xb1: {  	[spmem:s2] =	stream.indirect.scatter.add.f32 [tilespmem:s22], [sflag:$0xE], $0x20, s6, s17, $0xb8;
	[tilespmem:$0x12000] =	vst v63  }
0xb2: {  	_ =	swait.ge [sflag:s1], $0x1000  }
0xb3: {  	[sflag:s1] =	ssyncset.done $0x0  }
0xb4: {  	s6 =	sadd.s32 $0x680, s13;
	[sflag:s1] =	ssyncadd.s32 $0xFFFFF000  }
0xb5: {  	[spmem:s2] =	stream.indirect.scatter.add.f32 [tilespmem:s23], [sflag:$0xF], $0x20, s6, s17, $0xb8;
	[tilespmem:$0x12000] =	vst v63  }
0xb6: {  	_ =	swait.ge [sflag:s3], $0x1000  }
0xb7: {  	[sflag:s3] =	ssyncset.done $0x0  }
0xb8: {  	s6 =	sadd.s32 $0x780, s13;
	[sflag:s3] =	ssyncadd.s32 $0xFFFFF000  }
0xb9: {  	[spmem:s2] =	stream.indirect.scatter.add.f32 [tilespmem:s24], [sflag:$0x10], $0x20, s6, s17, $0xb8;
	[tilespmem:$0x12000] =	vst v63  }
0xba: {  	_ =	swait.ge [sflag:s7], $0x1000  }
0xbb: {  	[sflag:s7] =	ssyncset.done $0x0  }
0xbc: {  	[sflag:s7] =	ssyncadd.s32 $0xFFFFF000  }
0xbd: {  	_ =	swait.ge [sflag:s9], $0x1000  }
0xbe: {  	[sflag:s9] =	ssyncset.done $0x0  }
0xbf: {  	[sflag:s9] =	ssyncadd.s32 $0xFFFFF000  }
0xc0: {  	_ =	swait.ge [sflag:s10], $0x1000  }
0xc1: {  	[sflag:s10] =	ssyncset.done $0x0  }
0xc2: {  	[sflag:s10] =	ssyncadd.s32 $0xFFFFF000  }
0xc3: {  	_ =	swait.ge [sflag:s11], $0x1000  }
0xc4: {  	[sflag:s11] =	ssyncset.done $0x0  }
0xc5: {  	[sflag:s11] =	ssyncadd.s32 $0xFFFFF000  }
0xc6: {  	_ =	swait.ge [sflag:s12], $0x1000  }
0xc7: {  	[sflag:s12] =	ssyncset.done $0x0  }
0xc8: {  	[sflag:s12] =	ssyncadd.s32 $0xFFFFF000  }
0xc9: {  	_ =	swait.ge [sflag:s8], $0x1000  }
0xca: {  	[sflag:s8] =	ssyncset.done $0x0  }
0xcb: {  	[sflag:s8] =	ssyncadd.s32 $0xFFFFF000  }
.Ltmp3:
0xcc: {  	_ =	swait.ge [sflag:s0], $0x1000;
	(pc) =	sbr.rel @p1 .LBB2_7-.Ltmp3, $4  }
0xcd: {  	[sflag:s0] =	ssyncset.done $0x0  }
0xce: {  	[sflag:s0] =	ssyncadd.s32 $0xFFFFF000  }
0xcf: {  	_ =	swait.ge [sflag:s5], $0x1000  }
0xd0: {  	s6 =	smov.u32 s15;
	[sflag:s5] =	ssyncset.done $0x0  }
0xd1: {  	s6 =	sshra.s32 s14, $0x2;
	[sflag:s5] =	ssyncadd.s32 $0xFFFFF000  }
0xd2: {  	[tilespmem:s16], [sflag:$0x1] =	stream.indirect.gather [hbm4b:s4+s17], $0x20, s6, s17, $0xb8;
	[tilespmem:$0x12000] =	vst v63  }
0xd3: {  	s13 =	sadd.s32 $0x100, s6  }
0xd4: {  	[tilespmem:s18], [sflag:$0x2] =	stream.indirect.gather [hbm4b:s4+s17], $0x20, s13, s17, $0xb8;
	[tilespmem:$0x12000] =	vst v63  }
0xd5: {  	s15 =	sadd.s32 $0x200, s6  }
0xd6: {  	[tilespmem:s19], [sflag:$0x3] =	stream.indirect.gather [hbm4b:s4+s17], $0x20, s15, s17, $0xb8;
	[tilespmem:$0x12000] =	vst v63  }
0xd7: {  	s14 =	sadd.s32 $0x300, s6  }
0xd8: {  	[tilespmem:s20], [sflag:$0x4] =	stream.indirect.gather [hbm4b:s4+s17], $0x20, s14, s17, $0xb8;
	[tilespmem:$0x12000] =	vst v63  }
0xd9: {  	s15 =	sadd.s32 $0x400, s6  }
0xda: {  	[tilespmem:s21], [sflag:$0x5] =	stream.indirect.gather [hbm4b:s4+s17], $0x20, s15, s17, $0xb8;
	[tilespmem:$0x12000] =	vst v63  }
0xdb: {  	s14 =	sadd.s32 $0x500, s6  }
0xdc: {  	[tilespmem:s22], [sflag:$0x6] =	stream.indirect.gather [hbm4b:s4+s17], $0x20, s14, s17, $0xb8;
	[tilespmem:$0x12000] =	vst v63  }
0xdd: {  	s15 =	sadd.s32 $0x600, s6  }
0xde: {  	[tilespmem:s23], [sflag:$0x7] =	stream.indirect.gather [hbm4b:s4+s17], $0x20, s15, s17, $0xb8;
	[tilespmem:$0x12000] =	vst v63  }
0xdf: {  	s14 =	sadd.s32 $0x700, s6  }
0xe0: {  	[tilespmem:s24], [sflag:$0x8] =	stream.indirect.gather [hbm4b:s4+s17], $0x20, s14, s17, $0xb8;
	[tilespmem:$0x12000] =	vst v63  }
0xe1: {  	_ =	swait.ge [sflag:s25], $0x1000  }
0xe2: {  	[sflag:s25] =	ssyncset.done $0x0  }
0xe3: {  	s15 =	sadd.s32 $0x80, s6;
	[sflag:s25] =	ssyncadd.s32 $0xFFFFF000  }
0xe4: {  	[spmem:s2] =	stream.indirect.scatter.add.f32 [tilespmem:s16], [sflag:$0x9], $0x20, s15, s17, $0xb8;
	[tilespmem:$0x12000] =	vst v63  }
0xe5: {  	_ =	swait.ge [sflag:s26], $0x1000  }
0xe6: {  	[sflag:s26] =	ssyncset.done $0x0  }
0xe7: {  	s14 =	sadd.s32 $0x180, s6;
	[sflag:s26] =	ssyncadd.s32 $0xFFFFF000  }
0xe8: {  	[spmem:s2] =	stream.indirect.scatter.add.f32 [tilespmem:s18], [sflag:$0xA], $0x20, s14, s17, $0xb8;
	[tilespmem:$0x12000] =	vst v63  }
0xe9: {  	_ =	swait.ge [sflag:s28], $0x1000  }
0xea: {  	[sflag:s28] =	ssyncset.done $0x0  }
0xeb: {  	s15 =	sadd.s32 $0x280, s6;
	[sflag:s28] =	ssyncadd.s32 $0xFFFFF000  }
0xec: {  	[spmem:s2] =	stream.indirect.scatter.add.f32 [tilespmem:s19], [sflag:$0xB], $0x20, s15, s17, $0xb8;
	[tilespmem:$0x12000] =	vst v63  }
0xed: {  	_ =	swait.ge [sflag:s29], $0x1000  }
0xee: {  	[sflag:s29] =	ssyncset.done $0x0  }
0xef: {  	s14 =	sadd.s32 $0x380, s6;
	[sflag:s29] =	ssyncadd.s32 $0xFFFFF000  }
0xf0: {  	[spmem:s2] =	stream.indirect.scatter.add.f32 [tilespmem:s20], [sflag:$0xC], $0x20, s14, s17, $0xb8;
	[tilespmem:$0x12000] =	vst v63  }
0xf1: {  	_ =	swait.ge [sflag:s30], $0x1000  }
0xf2: {  	[sflag:s30] =	ssyncset.done $0x0  }
0xf3: {  	s15 =	sadd.s32 $0x480, s6;
	[sflag:s30] =	ssyncadd.s32 $0xFFFFF000  }
0xf4: {  	[spmem:s2] =	stream.indirect.scatter.add.f32 [tilespmem:s21], [sflag:$0xD], $0x20, s15, s17, $0xb8;
	[tilespmem:$0x12000] =	vst v63  }
0xf5: {  	_ =	swait.ge [sflag:s31], $0x1000  }
0xf6: {  	[sflag:s31] =	ssyncset.done $0x0  }
0xf7: {  	s14 =	sadd.s32 $0x580, s6;
	[sflag:s31] =	ssyncadd.s32 $0xFFFFF000  }
0xf8: {  	[spmem:s2] =	stream.indirect.scatter.add.f32 [tilespmem:s22], [sflag:$0xE], $0x20, s14, s17, $0xb8;
	[tilespmem:$0x12000] =	vst v63  }
0xf9: {  	_ =	swait.ge [sflag:s1], $0x1000  }
0xfa: {  	[sflag:s1] =	ssyncset.done $0x0  }
0xfb: {  	s15 =	sadd.s32 $0x680, s6;
	[sflag:s1] =	ssyncadd.s32 $0xFFFFF000  }
0xfc: {  	[spmem:s2] =	stream.indirect.scatter.add.f32 [tilespmem:s23], [sflag:$0xF], $0x20, s15, s17, $0xb8;
	[tilespmem:$0x12000] =	vst v63  }
0xfd: {  	_ =	swait.ge [sflag:s3], $0x1000  }
0xfe: {  	[sflag:s3] =	ssyncset.done $0x0  }
0xff: {  	s6 =	sadd.s32 $0x780, s6;
	[sflag:s3] =	ssyncadd.s32 $0xFFFFF000  }
0x100: {  	[spmem:s2] =	stream.indirect.scatter.add.f32 [tilespmem:s24], [sflag:$0x10], $0x20, s6, s17, $0xb8;
	[tilespmem:$0x12000] =	vst v63  }
0x101: {  	_ =	swait.ge [sflag:s7], $0x1000  }
0x102: {  	[sflag:s7] =	ssyncset.done $0x0  }
0x103: {  	[sflag:s7] =	ssyncadd.s32 $0xFFFFF000  }
0x104: {  	_ =	swait.ge [sflag:s9], $0x1000  }
0x105: {  	[sflag:s9] =	ssyncset.done $0x0  }
0x106: {  	[sflag:s9] =	ssyncadd.s32 $0xFFFFF000  }
0x107: {  	_ =	swait.ge [sflag:s10], $0x1000  }
0x108: {  	[sflag:s10] =	ssyncset.done $0x0  }
0x109: {  	[sflag:s10] =	ssyncadd.s32 $0xFFFFF000  }
0x10a: {  	_ =	swait.ge [sflag:s11], $0x1000  }
0x10b: {  	[sflag:s11] =	ssyncset.done $0x0  }
0x10c: {  	[sflag:s11] =	ssyncadd.s32 $0xFFFFF000  }
0x10d: {  	_ =	swait.ge [sflag:s12], $0x1000  }
0x10e: {  	[sflag:s12] =	ssyncset.done $0x0  }
0x10f: {  	[sflag:s12] =	ssyncadd.s32 $0xFFFFF000  }
0x110: {  	_ =	swait.ge [sflag:s8], $0x1000  }
0x111: {  	[sflag:s8] =	ssyncset.done $0x0  }
0x112: {  	[sflag:s8] =	ssyncadd.s32 $0xFFFFF000  }
0x113: {  	_ =	swait.ge [sflag:s0], $0x1000  }
0x114: {  	[sflag:s0] =	ssyncset.done $0x0  }
0x115: {  	[sflag:s0] =	ssyncadd.s32 $0xFFFFF000  }
0x116: {  	_ =	swait.ge [sflag:s5], $0x1000  }
0x117: {  	[sflag:s5] =	ssyncset.done $0x0  }
0x118: {  	[sflag:s5] =	ssyncadd.s32 $0xFFFFF000  }
0x119: {  	s13 =	stileid.u32;
	[bflag:$0x0] =	sbarrier.arrive $0xFFFF  }
0x11a: {  	s6 =	sshll.u32 s13, $0x6;
	s14 =	rddreg [dreg:$0x4]  }
0x11b: {  	s6 =	sor.u32 $0x1C11, s6;
	s15 =	rddreg [dreg:$0xb];
	s13 =	sshrl.u32 s14, $0x3  }
0x11c: {  	[hbm:s15], [sflag:s6] =	dma.local [spmem:s13], $0xA00  }
0x11d: {  	s15 =	simm.s32 $0x11  }
0x11e: {  	_ =	swait.ge [sflag:s15], $0xA00  }
0x11f: {  	s6 =	rddreg [dreg:$0xd]  }
0x120: {  	s14 =	rddreg [dreg:$0xc];
	s13 =	sadd.s32 $0x1, s6  }
0x121: {  	p1 =	sne.s32 s13, s14  }
.Ltmp4:
0x122: {  	_ = 	snop;
	(pc) =	sbr.rel @p1 .LBB2_1-.Ltmp4, $3  }
0x123: {  	_ =	sdelay $0x1  }
0x124: {  	[sflag:s15] =	ssyncset.done $0x0  }
0x125: {  	[sflag:s15] =	ssyncadd.s32 $0xFFFFF600  }
0x126: {  	_ =	sfence.sel $0x180000  }
0x127: {  	[bflag:$0x0] =	sbarrier.arrive $0xFFFF  }
0x128: {  	_ =	strace $0x9000004D  }
0x129: {  	s0 =	stileid.u32;
	[bflag:$0x2] =	sbarrier.arrive $0xFFFF  }
0x12a: {  	p0 =	sne.s32 s0, $0x0;
	s0 =	rddreg [dreg:$0x2]  }
0x12b: {  	s0 =	sadd.s32 @!p0 $0x100000, s0  }
0x12c: {  	[sflag:s0] =	ssyncadd.tile.s32 @!p0 $0x1;
	_ =	shalt  }
.Lfunc_end2:
_tile_overlayer_lowered:
.L_overlay_start_2:
0x12d: {  	(tag) =	ssettag $0x2  }
0x12e: {  	s0 =	rddreg [dreg:$0x0];
	s2 =	stileid.u32  }
0x12f: {  	s1 =	rddreg [dreg:$0x1];
	p0 =	sne.s32 s2, $0x0  }
0x130: {  	s3 =	rddreg [dreg:$0x2];
	[bflag:$0x3] =	sbarrier.arrive $0xFFFF;
	s2 =	simm.s32 @!p0 $0x1C11  }
0x131: {  	[timem:s3], [sflag:s2] =	dma.local @!p0 [hbm:s0], s1  }
0x132: {  	s0 =	simm.s32 @!p0 $0x11  }
0x133: {  	_ =	swait.ge @!p0 [sflag:s0], s1  }
0x134: {  	s1 =	ssub.s32 @!p0 $0x0, s1;
	[sflag:s0] =	ssyncset.done @!p0 $0x0  }
0x135: {  	[sflag:s0] =	ssyncadd.s32 @!p0 s1  }
0x136: {  	[bflag:$0x3] =	sbarrier.arrive $0xFFFF  }
0x137: {  	_ =	shalt  }

// kernel: kernel.8.cloned.1.call-start
scs
__scs_entry_jumppad:
0x0: {  	(pc) =	sbr.rel $0x88, $3  }
0x1: {  	(tag) =	ssettag $0x0;
	lr =	simm.s32 $0x1  }
0x2: {  	[smem:$0x3F97] =	sst lr;
	_ =	strace $0xD0000000  }
0x3: {  	_ = 	snop  }
0x4: {  	_ = 	snop  }
0x5: {  	_ = 	snop  }
0x6: {  	_ = 	snop  }
0x7: {  	_ = 	snop  }
__scs_overlays_trampoline_lowered:
0x8: {  	[smem:$0x3FA6] =	sst s0  }
0x9: {  	[smem:$0x3FA7] =	sst s1  }
0xa: {  	[smem:$0x3FA8] =	sst s2  }
0xb: {  	[smem:$0x3FA9] =	sst s3  }
0xc: {  	[smem:$0x3FAA] =	sst s4  }
0xd: {  	[smem:$0x3FAB] =	sst s5  }
0xe: {  	[smem:$0x3FAC] =	sst s6  }
0xf: {  	[smem:$0x3FAD] =	sst s7  }
0x10: {  	[smem:$0x3FAE] =	sst s8  }
0x11: {  	[smem:$0x3FAF] =	sst s9;
	s0 =	simm.s32 @!p0 $0x0  }
0x12: {  	s1 =	sld [smem:$0x3F95];
	s0 =	simm.s32 @p0 $0x1  }
0x13: {  	[smem:$0x3FB0] =	sst s0;
	s0 =	simm.s32 @!p1 $0x0  }
0x14: {  	s2 =	sld [smem:$0x3F94];
	s0 =	simm.s32 @p1 $0x1  }
0x15: {  	[smem:$0x3FB1] =	sst s0;
	s0 =	simm.s32 @!p2 $0x0  }
0x16: {  	s3 =	sld [smem:$0x3FDB];
	s0 =	simm.s32 @p2 $0x1  }
0x17: {  	s4 =	simm.s32 $0x1BF5;
	[smem:$0x3FB3] =	sst s0  }
0x18: {  	s0 =	sld [smem:$0x3F96];
	_ =	swait.ge [sflag:s4], $0x0  }
0x19: {  	s7 =	sld [smem:$0x3F97]  }
0x1a: {  	s8 =	sadd.s32 $0xFFFFE003, lr  }
0x1b: {  	s9 =	sadd.s32 $0xFFFFFEF7, lr;
	s5 =	simm.s32 $0xFFFFFFFF;
	p2 =	slt.u32 s8, $0xFFFFF086  }
0x1c: {  	p1 =	slt.u32 s9, $0xF7A;
	s5 =	simm.s32 @!p2 $0x0  }
0x1d: {  	s5 =	simm.s32 @p1 $0x1;
	p0 =	seq.s32 s7, s2  }
0x1e: {  	s7 =	smul.u32 @!p0 $0xF7A, s2;
	p2 =	seq.s32 @!p0 s5, $0x0  }
0x1f: {  	s9 =	smul.u32 $0xF7A, s1;
	s8 =	simm.s32 @!p0 $0x1BF5;
	p2 =	por !p2, p0  }
0x20: {  	[sflag:s8] =	ssyncset.s32 @!p0 $0xFFFFF086;
	s6 =	sadd.s32 @!p0 s3, s7;
	s7 =	simm.s32 @!p0 $0x108  }
0x21: {  	s3 =	sadd.s32 s3, s9;
	s6 =	sadd.s32 @!p0 $0x88, s6;
	s7 =	simm.s32 @p2 $0x1082  }
0x22: {  	[simem:s7], [sflag:s8] =	dma.local @!p0 [hbm:s6], $0xF7A  }
0x23: {  	s9 =	sor.u32 $0xD0000000, s2;
	s6 =	simm.s32 $0x108;
	_ =	swait.ge @!p0 [sflag:s8], $0x0  }
0x24: {  	s3 =	sadd.s32 $0x88, s3;
	s6 =	simm.s32 @!p1 $0x1082;
	[sflag:s4] =	ssyncset.s32 $0xFFFFF086  }
0x25: {  	[simem:s6], [sflag:s4] =	dma.local [hbm:s3], $0xF7A  }
0x26: {  	[smem:$0x3F97] =	sst s1;
	(tag) =	ssettag s2;
	_ =	strace s9  }
0x27: {  	s1 =	sld [smem:$0x3FA7]  }
0x28: {  	s2 =	sld [smem:$0x3FA8]  }
0x29: {  	s4 =	sld [smem:$0x3FAA]  }
0x2a: {  	p0 =	seq.s32 s5, $0x0;
	s5 =	sld [smem:$0x3FAB]  }
0x2b: {  	s6 =	sld [smem:$0x3FAC]  }
0x2c: {  	s7 =	sld [smem:$0x3FAD]  }
0x2d: {  	s3 =	simm.s32 $0x108;
	s8 =	sld [smem:$0x3FAE]  }
0x2e: {  	s3 =	simm.s32 @!p0 $0x1082;
	s9 =	sld [smem:$0x3FAF]  }
0x2f: {  	lr =	sadd.s32 s0, s3;
	s0 =	sld [smem:$0x3FA6]  }
0x30: {  	s3 =	sld [smem:$0x3FA9]  }
0x31: {  	[smem:$0x3FB2] =	sst s10  }
0x32: {  	s10 =	sld [smem:$0x3FB0];
	_ =	sdelay $0x3  }
0x33: {  	p0 =	seq.s32 s10, $0x1;
	s10 =	sld [smem:$0x3FB2];
	_ =	sdelay $0x3  }
0x34: {  	[smem:$0x3FB2] =	sst s10  }
0x35: {  	s10 =	sld [smem:$0x3FB1];
	_ =	sdelay $0x3  }
0x36: {  	p1 =	seq.s32 s10, $0x1;
	s10 =	sld [smem:$0x3FB2];
	_ =	sdelay $0x3  }
0x37: {  	[smem:$0x3FB2] =	sst s10  }
0x38: {  	s10 =	sld [smem:$0x3FB3]  }
0x39: {  	_ = 	snop;
	(pc) =	sbr.ind lr, $3  }
0x3a: {  	_ = 	snop  }
0x3b: {  	_ = 	snop  }
0x3c: {  	p2 =	seq.s32 s10, $0x1;
	s10 =	sld [smem:$0x3FB2]  }
0x3d: {  	_ =	shalt  }
0x3e: {  	_ =	shalt  }
0x3f: {  	_ =	shalt  }
0x40: {  	_ =	shalt  }
0x41: {  	_ =	shalt  }
0x42: {  	_ =	shalt  }
0x43: {  	_ =	shalt  }
0x44: {  	_ =	shalt  }
0x45: {  	_ =	shalt  }
0x46: {  	_ =	shalt  }
0x47: {  	_ =	shalt  }
0x48: {  	_ =	shalt  }
0x49: {  	_ =	shalt  }
0x4a: {  	_ =	shalt  }
0x4b: {  	_ =	shalt  }
0x4c: {  	_ =	shalt  }
0x4d: {  	_ =	shalt  }
0x4e: {  	_ =	shalt  }
0x4f: {  	_ =	shalt  }
0x50: {  	_ =	shalt  }
0x51: {  	_ =	shalt  }
0x52: {  	_ =	shalt  }
0x53: {  	_ =	shalt  }
0x54: {  	_ =	shalt  }
0x55: {  	_ =	shalt  }
0x56: {  	_ =	shalt  }
0x57: {  	_ =	shalt  }
0x58: {  	_ =	shalt  }
0x59: {  	_ =	shalt  }
0x5a: {  	_ =	shalt  }
0x5b: {  	_ =	shalt  }
0x5c: {  	_ =	shalt  }
0x5d: {  	_ =	shalt  }
0x5e: {  	_ =	shalt  }
0x5f: {  	_ =	shalt  }
0x60: {  	_ =	shalt  }
0x61: {  	_ =	shalt  }
0x62: {  	_ =	shalt  }
0x63: {  	_ =	shalt  }
0x64: {  	_ =	shalt  }
0x65: {  	_ =	shalt  }
0x66: {  	_ =	shalt  }
0x67: {  	_ =	shalt  }
0x68: {  	_ =	shalt  }
0x69: {  	_ =	shalt  }
0x6a: {  	_ =	shalt  }
0x6b: {  	_ =	shalt  }
0x6c: {  	_ =	shalt  }
0x6d: {  	_ =	shalt  }
0x6e: {  	_ =	shalt  }
0x6f: {  	_ =	shalt  }
0x70: {  	_ =	shalt  }
0x71: {  	_ =	shalt  }
0x72: {  	_ =	shalt  }
0x73: {  	_ =	shalt  }
0x74: {  	_ =	shalt  }
0x75: {  	_ =	shalt  }
0x76: {  	_ =	shalt  }
0x77: {  	_ =	shalt  }
0x78: {  	_ =	shalt  }
0x79: {  	_ =	shalt  }
0x7a: {  	_ =	shalt  }
0x7b: {  	_ =	shalt  }
0x7c: {  	_ =	shalt  }
0x7d: {  	_ =	shalt  }
0x7e: {  	_ =	shalt  }
0x7f: {  	_ =	shalt  }
0x80: {  	_ =	shalt  }
0x81: {  	_ =	shalt  }
0x82: {  	_ =	shalt  }
0x83: {  	_ =	shalt  }
0x84: {  	_ =	shalt  }
0x85: {  	_ =	shalt  }
0x86: {  	_ =	shalt  }
0x87: {  	_ =	shalt  }
.Lfunc_end0:
.L_simem_size_0:
called_computation_lowered:
.L_overlay_start_0:
0x88: {  	s2 =	sld [smem:$0x3FD9]  }
0x89: {  	s3 =	sld [smem:$0x3FFE];
	_ =	sdelay $0x1  }
0x8a: {  	s1 =	srdreg.scid  }
0x8b: {  	s0 =	sand.u32 $0x1, s1  }
0x8c: {  	s16 =	sshll.u32 s0, $0xA;
	s2 =	sadd.s32 s3, s2  }
0x8d: {  	s2 =	sadd.s32 s2, s16  }
0x8e: {  	[smem:$0x3FBE] =	sst s2  }
0x8f: {  	_ = 	snop  }
0x90: {  	(tm) =	ssettm $0x1  }
0x91: {  	s17 =	sld [smem:$0x3FFB];
	_ =	sdelay $0x3  }
0x92: {  	_ =	strace s17  }
0x93: {  	s2 =	sld [smem:$0x3FFC];
	_ =	sdelay $0x3  }
0x94: {  	_ =	strace s2  }
0x95: {  	s2 =	sld [smem:$0x3FFD];
	_ =	sdelay $0x3  }
0x96: {  	_ =	strace s2  }
0x97: {  	_ =	strace $0x8FFFFFFF  }
0x98: {  	s18 =	sld [smem:$0x3FDB];
	_ =	sdelay $0x1  }
0x99: {  	s19 =	simm.s32 $_scs_section_size  }
0x9a: {  	s4 =	simm.s32 $_size__tile_overlayer_lowered;
	s5 =	simm.s32 $_tile_overlayer_lowered  }
0x9b: {  	s22 =	simm.s32 $0x1BFF;
	s21 =	sshll.u32 s5, $0x1;
	s2 =	sadd.s32 s19, s18  }
0x9c: {  	s6 =	simm.s32 $0x0;
	s20 =	sshll.u32 s4, $0x1;
	s4 =	sadd.s32 s21, s2  }
0x9d: {  	[timem:s6], [sflag:s22] =	dma.local [hbm:s4], s20  }
0x9e: {  	_ =	swait.ge [sflag:s22], s20  }
0x9f: {  	s3 =	ssub.s32 $0x0, s20;
	[sflag:s22] =	ssyncset.done $0x0  }
0xa0: {  	[sflag:s22] =	ssyncadd.s32 s3;
	_ =	sdelay $0x1  }
0xa1: {  	s23 =	simm.s32 $0x1B8B  }
0xa2: {  	_ =	swait.ge [sflag:s23], $0x1  }
0xa3: {  	[sflag:s23] =	ssyncset.done $0x0  }
0xa4: {  	s25 =	simm.s32 $0x1B8E;
	s24 =	sld [smem:$0x3FFE];
	[sflag:s23] =	ssyncadd.s32 $0xFFFFFFFF  }
0xa5: {  	s26 =	simm.s32 $execute0_lowered;
	[smem:$0x3FD2] =	sst s25  }
0xa6: {  	s4 =	sshll.u32 s26, $0x1;
	_ =	strace $0x80000046;
	[dreg:$0x1] =	wrdreg $0xFFFFFFFF  }
0xa7: {  	s28 =	simm.s32 $_size_execute0_lowered;
	s2 =	sadd.s32 s2, s4;
	[dreg:$0x0] =	wrdreg $0x0  }
0xa8: {  	s4 =	sshll.u32 s28, $0x1;
	[dreg:$0x2] =	wrdreg s2  }
0xa9: {  	[dreg:$0x3] =	wrdreg s4  }
0xaa: {  	[dreg:$0x4] =	wrdreg $0xC0  }
0xab: {  	_ =	task [dreg:s6], $0x5FFFF  }
0xac: {  	[dreg:$0x1] =	wrdreg $0xFFFFFFFF  }
0xad: {  	[dreg:$0x0] =	wrdreg $0x60  }
0xae: {  	[dreg:$0x2] =	wrdreg s24  }
0xaf: {  	[dreg:$0x3] =	wrdreg $0x53000  }
0xb0: {  	[dreg:$0x4] =	wrdreg $0x9  }
0xb1: {  	_ =	task.clear_ibuf [dreg:s6], $0x5FFFF;
	_ =	strace $0x90000046  }
0xb2: {  	s29 =	simm.s32 $0x9;
	_ =	strace $0x80000048  }
0xb3: {  	_ =	swait.ge [sflag:s29], $0x1  }
0xb4: {  	[sflag:s29] =	ssyncadd.s32 $0xFFFFFFFF  }
0xb5: {  	_ =	strace $0x90000048  }
0xb6: {  	_ =	sfence  }
0xb7: {  	s30 =	sld [smem:$0x0];
	_ =	sdelay $0x2  }
0xb8: {  	s31 =	sshll.u32 s1, $0xD;
	s1 =	sshrl.u32 s1, $0x2  }
0xb9: {  	s3 =	sand.u32 $0x4000, s31;
	s1 =	sadd.s32 s1, s30  }
0xba: {  	s0 =	sor.u32 s3, s0;
	s1 =	sshll.u32 s1, $0x11  }
0xbb: {  	s0 =	sor.u32 s1, s0  }
0xbc: {  	s0 =	sadd.s32 $0x8F2B, s0  }
0xbd: {  	[sflag:s0] =	ssyncadd.remote.s32 $0x1  }
0xbe: {  	_ =	sfence.sel $0xFFFF  }
0xbf: {  	[dreg:$0x0] =	wrdreg $0xFFFFFFFF;
	(pc) =	sbr.abs _section_cstart, $3  }
0xc0: {  	[dreg:$0x1] =	wrdreg $0xFFFFFFFF  }
0xc1: {  	_ =	task.clear_ibuf [dreg:s6], $0x2FFFF;
	_ =	strace $0x9FFFFFFF  }
0xc2: {  	(tm) =	ssettm $0x7FFFFFFF  }
0xc3: {  	_ =	shalt  }
tec
execute0_lowered:
.L_overlay_start_1:
0x0: {  	(tag) =	ssettag $0x1  }
0x1: {  	s1 =	srdreg.scid;
	s4 =	rddreg [dreg:$0x0]  }
0x2: {  	s0 =	stileid.u32;
	s2 =	rddreg [dreg:$0x1];
	s3 =	simm.s32 $0x0  }
0x3: {  	s10 =	simm.s32 $0x80;
	s11 =	simm.s32 $0x5000;
	s12 =	simm.s32 $0x1  }
0x4: {  	s13 =	simm.s32 $0x2;
	s14 =	simm.s32 $0x3;
	s15 =	simm.s32 $0x4  }
0x5: {  	s16 =	simm.s32 $0x5;
	s17 =	simm.s32 $0x6;
	s18 =	simm.s32 $0x7  }
0x6: {  	s19 =	simm.s32 $0x8;
	s22 =	simm.s32 $0x0;
	s5 =	sand.u32 $0x1, s1  }
0x7: {  	s6 =	smul.u32 $0x280, s0;
	s7 =	sshll.u32 s0, $0x1;
	s1 =	rddreg [dreg:$0x2]  }
0x8: {  	[smem:$0x7FF] =	sst s3;
	s20 =	sshll.u32 s0, $0x6;
	s8 =	smul.u32 $0x2800, s5  }
0x9: {  	s7 =	sor.u32 s5, s7;
	_ =	strace $0x80000047;
	s5 =	ssub.s32 $0x2, s5  }
0xa: {  	s20 =	sor.u32 $0x1C09, s20;
	s7 =	smul.u32 $0xA00, s7;
	s31 =	sshrl.u32 s5, $0x1  }
0xb: {  	s8 =	sadd.s32 s6, s8;
	s9 =	ssub.s32 s5, s31;
	s5 =	sadd.s32 s6, s2  }
0xc: {  	s8 =	sshrl.u32 s8, $0x3;
	s7 =	sadd.s32 s7, s4;
	s21 =	sshrl.u32 s5, $0x3  }
0xd: {  	s8 =	sadd.s32 s8, s4;
	s4 =	sadd.s32 $0x2600, s7;
	s7 =	smax.u32 s9, $0x1  }
0xe: {  	v0 =	vimm.f32 $1.000000000e+00;
	v1 =	vimm.f32 $0.0e+00;
	s9 =	simm.s32 $0x5080;
	s6 =	sadd.s32 $0x16600, s8;
	s8 =	simm.s32 $0x9  }
.LBB2_1:
0xf: {  	[tilespmem:$0x5000] =	vst v0  }
0x10: {  	[tilespmem:$0x5010] =	vst v0  }
0x11: {  	[tilespmem:$0x5020] =	vst v0  }
0x12: {  	[tilespmem:$0x5030] =	vst v0  }
0x13: {  	[tilespmem:$0x5040] =	vst v0  }
0x14: {  	[tilespmem:$0x5050] =	vst v0  }
0x15: {  	[tilespmem:$0x5060] =	vst v0  }
0x16: {  	[tilespmem:$0x5070] =	vst v0  }
0x17: {  	[tilespmem:$0x5080] =	vst v1  }
0x18: {  	[tilespmem:$0x5090] =	vst v1  }
0x19: {  	[tilespmem:$0x50A0] =	vst v1  }
0x1a: {  	[tilespmem:$0x50B0] =	vst v1  }
0x1b: {  	[tilespmem:$0x50C0] =	vst v1  }
0x1c: {  	[tilespmem:$0x50D0] =	vst v1  }
0x1d: {  	[tilespmem:$0x50E0] =	vst v1  }
0x1e: {  	[tilespmem:$0x50F0] =	vst v1  }
0x1f: {  	[tilespmem:$0x5100] =	vst v1  }
0x20: {  	[tilespmem:$0x5110] =	vst v1  }
0x21: {  	[tilespmem:$0x5120] =	vst v1  }
0x22: {  	[tilespmem:$0x5130] =	vst v1  }
0x23: {  	[tilespmem:$0x5140] =	vst v1  }
0x24: {  	[tilespmem:$0x5150] =	vst v1  }
0x25: {  	[tilespmem:$0x5160] =	vst v1  }
0x26: {  	[tilespmem:$0x5170] =	vst v1  }
0x27: {  	[tilespmem:$0x5180] =	vst v1  }
0x28: {  	[tilespmem:$0x5190] =	vst v1  }
0x29: {  	[tilespmem:$0x51A0] =	vst v1  }
0x2a: {  	[tilespmem:$0x51B0] =	vst v1  }
0x2b: {  	[tilespmem:$0x51C0] =	vst v1  }
0x2c: {  	[tilespmem:$0x51D0] =	vst v1  }
0x2d: {  	[tilespmem:$0x51E0] =	vst v1  }
0x2e: {  	[tilespmem:$0x51F0] =	vst v1  }
0x2f: {  	[tilespmem:$0x5200] =	vst v1  }
0x30: {  	[tilespmem:$0x5210] =	vst v1  }
0x31: {  	[tilespmem:$0x5220] =	vst v1  }
0x32: {  	[tilespmem:$0x5230] =	vst v1  }
0x33: {  	[tilespmem:$0x5240] =	vst v1  }
0x34: {  	[tilespmem:$0x5250] =	vst v1  }
0x35: {  	[tilespmem:$0x5260] =	vst v1  }
0x36: {  	[tilespmem:$0x5270] =	vst v1  }
0x37: {  	[tilespmem:$0x5280] =	vst v1  }
0x38: {  	[tilespmem:$0x5290] =	vst v1  }
0x39: {  	[tilespmem:$0x52A0] =	vst v1  }
0x3a: {  	[tilespmem:$0x52B0] =	vst v1  }
0x3b: {  	[tilespmem:$0x52C0] =	vst v1  }
0x3c: {  	[tilespmem:$0x52D0] =	vst v1  }
0x3d: {  	[tilespmem:$0x52E0] =	vst v1  }
0x3e: {  	[tilespmem:$0x52F0] =	vst v1  }
0x3f: {  	[tilespmem:s3], [sflag:$0x9] =	stream.linear.gather [hbm4b:s4+s3], $0x5000, $0x38;
	[tilespmem:$0x5580] =	vst v63  }
0x40: {  	_ =	swait.ge [sflag:s8], $0x5000  }
0x41: {  	[sflag:s8] =	ssyncset.done $0x0  }
0x42: {  	[sflag:s8] =	ssyncadd.s32 $0xFFFFB000  }
0x43: {  	[spmem:s5] =	stream.linear.scatter [tilespmem:s9], [sflag:$0x9], $0x280, $0x38;
	[tilespmem:$0x5580] =	vst v63  }
0x44: {  	_ =	swait.ge [sflag:s8], $0x280  }
0x45: {  	[sflag:s8] =	ssyncset.done $0x0  }
0x46: {  	[sflag:s8] =	ssyncadd.s32 $0xFFFFFD80  }
0x47: {  	s23 =	simm.s32 $0x80;
	[bflag:$0x0] =	sbarrier.arrive $0xFFFF  }
0x48: {  	[spmem:s2] =	stream.indirect.scatter.add.f32 [tilespmem:s11], [sflag:$0x1], $0x1, s23, s10, $0xb8;
	[tilespmem:$0x5580] =	vst v63  }
0x49: {  	s24 =	simm.s32 $0x180  }
0x4a: {  	[spmem:s2] =	stream.indirect.scatter.add.f32 [tilespmem:s11], [sflag:$0x2], $0x1, s24, s10, $0xb8;
	[tilespmem:$0x5580] =	vst v63  }
0x4b: {  	s25 =	simm.s32 $0x280  }
0x4c: {  	[spmem:s2] =	stream.indirect.scatter.add.f32 [tilespmem:s11], [sflag:$0x3], $0x1, s25, s10, $0xb8;
	[tilespmem:$0x5580] =	vst v63  }
0x4d: {  	s26 =	simm.s32 $0x380  }
0x4e: {  	[spmem:s2] =	stream.indirect.scatter.add.f32 [tilespmem:s11], [sflag:$0x4], $0x1, s26, s10, $0xb8;
	[tilespmem:$0x5580] =	vst v63  }
0x4f: {  	s28 =	simm.s32 $0x480  }
0x50: {  	[spmem:s2] =	stream.indirect.scatter.add.f32 [tilespmem:s11], [sflag:$0x5], $0x1, s28, s10, $0xb8;
	[tilespmem:$0x5580] =	vst v63  }
0x51: {  	s29 =	simm.s32 $0x580  }
0x52: {  	[spmem:s2] =	stream.indirect.scatter.add.f32 [tilespmem:s11], [sflag:$0x6], $0x1, s29, s10, $0xb8;
	[tilespmem:$0x5580] =	vst v63  }
0x53: {  	s30 =	simm.s32 $0x680  }
0x54: {  	[spmem:s2] =	stream.indirect.scatter.add.f32 [tilespmem:s11], [sflag:$0x7], $0x1, s30, s10, $0xb8;
	[tilespmem:$0x5580] =	vst v63  }
0x55: {  	s31 =	simm.s32 $0x780  }
0x56: {  	[spmem:s2] =	stream.indirect.scatter.add.f32 [tilespmem:s11], [sflag:$0x8], $0x1, s31, s10, $0xb8;
	[tilespmem:$0x5580] =	vst v63  }
0x57: {  	_ =	swait.ge [sflag:s12], $0x80  }
0x58: {  	[sflag:s12] =	ssyncset.done $0x0  }
0x59: {  	[sflag:s12] =	ssyncadd.s32 $0xFFFFFF80  }
0x5a: {  	_ =	swait.ge [sflag:s13], $0x80  }
0x5b: {  	[sflag:s13] =	ssyncset.done $0x0  }
0x5c: {  	[sflag:s13] =	ssyncadd.s32 $0xFFFFFF80  }
0x5d: {  	_ =	swait.ge [sflag:s14], $0x80  }
0x5e: {  	[sflag:s14] =	ssyncset.done $0x0  }
0x5f: {  	[sflag:s14] =	ssyncadd.s32 $0xFFFFFF80  }
0x60: {  	_ =	swait.ge [sflag:s15], $0x80  }
0x61: {  	[sflag:s15] =	ssyncset.done $0x0  }
0x62: {  	[sflag:s15] =	ssyncadd.s32 $0xFFFFFF80  }
0x63: {  	_ =	swait.ge [sflag:s16], $0x80  }
0x64: {  	[sflag:s16] =	ssyncset.done $0x0  }
0x65: {  	[sflag:s16] =	ssyncadd.s32 $0xFFFFFF80  }
0x66: {  	_ =	swait.ge [sflag:s17], $0x80  }
0x67: {  	[sflag:s17] =	ssyncset.done $0x0  }
0x68: {  	[sflag:s17] =	ssyncadd.s32 $0xFFFFFF80  }
0x69: {  	_ =	swait.ge [sflag:s18], $0x80  }
0x6a: {  	[sflag:s18] =	ssyncset.done $0x0  }
0x6b: {  	[sflag:s18] =	ssyncadd.s32 $0xFFFFFF80  }
0x6c: {  	_ =	swait.ge [sflag:s19], $0x80  }
0x6d: {  	s25 =	simm.s32 $0x800;
	s26 =	simm.s32 $0x4000;
	[sflag:s19] =	ssyncset.done $0x0  }
.LBB2_2:
0x6e: {  	s28 =	sadd.s32 $0x80, s25  }
0x6f: {  	[sflag:s19] =	ssyncadd.s32 $0xFFFFFF80;
	s24 =	smov.u32 s26;
	s23 =	sadd.s32 $0x2000, s26  }
0x70: {  	[spmem:s2] =	stream.indirect.scatter.add.f32 [tilespmem:s11], [sflag:$0x1], $0x1, s28, s10, $0xb8;
	[tilespmem:$0x5580] =	vst v63  }
0x71: {  	p0 =	sne.s32 s26, $0x12000;
	s26 =	sadd.s32 $0x180, s25  }
0x72: {  	[spmem:s2] =	stream.indirect.scatter.add.f32 [tilespmem:s11], [sflag:$0x2], $0x1, s26, s10, $0xb8;
	[tilespmem:$0x5580] =	vst v63  }
0x73: {  	s26 =	sadd.s32 $0x280, s25  }
0x74: {  	[spmem:s2] =	stream.indirect.scatter.add.f32 [tilespmem:s11], [sflag:$0x3], $0x1, s26, s10, $0xb8;
	[tilespmem:$0x5580] =	vst v63  }
0x75: {  	s26 =	sadd.s32 $0x380, s25  }
0x76: {  	[spmem:s2] =	stream.indirect.scatter.add.f32 [tilespmem:s11], [sflag:$0x4], $0x1, s26, s10, $0xb8;
	[tilespmem:$0x5580] =	vst v63  }
0x77: {  	s26 =	sadd.s32 $0x480, s25  }
0x78: {  	[spmem:s2] =	stream.indirect.scatter.add.f32 [tilespmem:s11], [sflag:$0x5], $0x1, s26, s10, $0xb8;
	[tilespmem:$0x5580] =	vst v63  }
0x79: {  	s26 =	sadd.s32 $0x580, s25  }
0x7a: {  	[spmem:s2] =	stream.indirect.scatter.add.f32 [tilespmem:s11], [sflag:$0x6], $0x1, s26, s10, $0xb8;
	[tilespmem:$0x5580] =	vst v63  }
0x7b: {  	s26 =	sadd.s32 $0x680, s25  }
0x7c: {  	[spmem:s2] =	stream.indirect.scatter.add.f32 [tilespmem:s11], [sflag:$0x7], $0x1, s26, s10, $0xb8;
	[tilespmem:$0x5580] =	vst v63  }
0x7d: {  	s25 =	sadd.s32 $0x780, s25  }
0x7e: {  	[spmem:s2] =	stream.indirect.scatter.add.f32 [tilespmem:s11], [sflag:$0x8], $0x1, s25, s10, $0xb8;
	[tilespmem:$0x5580] =	vst v63  }
0x7f: {  	_ =	swait.ge [sflag:s12], $0x80  }
0x80: {  	[sflag:s12] =	ssyncset.done $0x0  }
0x81: {  	[sflag:s12] =	ssyncadd.s32 $0xFFFFFF80  }
0x82: {  	_ =	swait.ge [sflag:s13], $0x80  }
0x83: {  	[sflag:s13] =	ssyncset.done $0x0  }
0x84: {  	[sflag:s13] =	ssyncadd.s32 $0xFFFFFF80  }
0x85: {  	_ =	swait.ge [sflag:s14], $0x80  }
0x86: {  	[sflag:s14] =	ssyncset.done $0x0  }
0x87: {  	[sflag:s14] =	ssyncadd.s32 $0xFFFFFF80  }
0x88: {  	_ =	swait.ge [sflag:s15], $0x80  }
0x89: {  	[sflag:s15] =	ssyncset.done $0x0  }
0x8a: {  	[sflag:s15] =	ssyncadd.s32 $0xFFFFFF80  }
0x8b: {  	_ =	swait.ge [sflag:s16], $0x80  }
0x8c: {  	[sflag:s16] =	ssyncset.done $0x0  }
0x8d: {  	[sflag:s16] =	ssyncadd.s32 $0xFFFFFF80  }
0x8e: {  	_ =	swait.ge [sflag:s17], $0x80  }
0x8f: {  	[sflag:s17] =	ssyncset.done $0x0  }
0x90: {  	[sflag:s17] =	ssyncadd.s32 $0xFFFFFF80  }
.Ltmp0:
0x91: {  	_ =	swait.ge [sflag:s18], $0x80;
	(pc) =	sbr.rel @p0 .LBB2_2-.Ltmp0, $4  }
0x92: {  	[sflag:s18] =	ssyncset.done $0x0  }
0x93: {  	[sflag:s18] =	ssyncadd.s32 $0xFFFFFF80  }
0x94: {  	_ =	swait.ge [sflag:s19], $0x80  }
0x95: {  	s26 =	smov.u32 s23;
	s25 =	sshra.s32 s24, $0x2;
	[sflag:s19] =	ssyncset.done $0x0  }
0x96: {  	s23 =	sadd.s32 $0x80, s25;
	[sflag:s19] =	ssyncadd.s32 $0xFFFFFF80  }
0x97: {  	[spmem:s2] =	stream.indirect.scatter.add.f32 [tilespmem:s11], [sflag:$0x1], $0x1, s23, s10, $0xb8;
	[tilespmem:$0x5580] =	vst v63  }
0x98: {  	s31 =	sadd.s32 $0x180, s25  }
0x99: {  	[spmem:s2] =	stream.indirect.scatter.add.f32 [tilespmem:s11], [sflag:$0x2], $0x1, s31, s10, $0xb8;
	[tilespmem:$0x5580] =	vst v63  }
0x9a: {  	s24 =	sadd.s32 $0x280, s25  }
0x9b: {  	[spmem:s2] =	stream.indirect.scatter.add.f32 [tilespmem:s11], [sflag:$0x3], $0x1, s24, s10, $0xb8;
	[tilespmem:$0x5580] =	vst v63  }
0x9c: {  	s26 =	sadd.s32 $0x380, s25  }
0x9d: {  	[spmem:s2] =	stream.indirect.scatter.add.f32 [tilespmem:s11], [sflag:$0x4], $0x1, s26, s10, $0xb8;
	[tilespmem:$0x5580] =	vst v63  }
0x9e: {  	s28 =	sadd.s32 $0x480, s25  }
0x9f: {  	[spmem:s2] =	stream.indirect.scatter.add.f32 [tilespmem:s11], [sflag:$0x5], $0x1, s28, s10, $0xb8;
	[tilespmem:$0x5580] =	vst v63  }
0xa0: {  	s29 =	sadd.s32 $0x580, s25  }
0xa1: {  	[spmem:s2] =	stream.indirect.scatter.add.f32 [tilespmem:s11], [sflag:$0x6], $0x1, s29, s10, $0xb8;
	[tilespmem:$0x5580] =	vst v63  }
0xa2: {  	s30 =	sadd.s32 $0x680, s25  }
0xa3: {  	[spmem:s2] =	stream.indirect.scatter.add.f32 [tilespmem:s11], [sflag:$0x7], $0x1, s30, s10, $0xb8;
	[tilespmem:$0x5580] =	vst v63  }
0xa4: {  	s31 =	sadd.s32 $0x780, s25  }
0xa5: {  	[spmem:s2] =	stream.indirect.scatter.add.f32 [tilespmem:s11], [sflag:$0x8], $0x1, s31, s10, $0xb8;
	[tilespmem:$0x5580] =	vst v63  }
0xa6: {  	_ =	swait.ge [sflag:s12], $0x80  }
0xa7: {  	[sflag:s12] =	ssyncset.done $0x0  }
0xa8: {  	[sflag:s12] =	ssyncadd.s32 $0xFFFFFF80  }
0xa9: {  	_ =	swait.ge [sflag:s13], $0x80  }
0xaa: {  	[sflag:s13] =	ssyncset.done $0x0  }
0xab: {  	[sflag:s13] =	ssyncadd.s32 $0xFFFFFF80  }
0xac: {  	_ =	swait.ge [sflag:s14], $0x80  }
0xad: {  	[sflag:s14] =	ssyncset.done $0x0  }
0xae: {  	[sflag:s14] =	ssyncadd.s32 $0xFFFFFF80  }
0xaf: {  	_ =	swait.ge [sflag:s15], $0x80  }
0xb0: {  	[sflag:s15] =	ssyncset.done $0x0  }
0xb1: {  	[sflag:s15] =	ssyncadd.s32 $0xFFFFFF80  }
0xb2: {  	_ =	swait.ge [sflag:s16], $0x80  }
0xb3: {  	[sflag:s16] =	ssyncset.done $0x0  }
0xb4: {  	[sflag:s16] =	ssyncadd.s32 $0xFFFFFF80  }
0xb5: {  	_ =	swait.ge [sflag:s17], $0x80  }
0xb6: {  	[sflag:s17] =	ssyncset.done $0x0  }
0xb7: {  	[sflag:s17] =	ssyncadd.s32 $0xFFFFFF80  }
0xb8: {  	_ =	swait.ge [sflag:s18], $0x80  }
0xb9: {  	[sflag:s18] =	ssyncset.done $0x0  }
0xba: {  	[sflag:s18] =	ssyncadd.s32 $0xFFFFFF80  }
0xbb: {  	_ =	swait.ge [sflag:s19], $0x80  }
0xbc: {  	s22 =	sadd.s32 $0x1, s22;
	[sflag:s19] =	ssyncset.done $0x0  }
0xbd: {  	p0 =	sne.s32 s22, s7;
	[sflag:s19] =	ssyncadd.s32 $0xFFFFFF80  }
.Ltmp1:
0xbe: {  	[bflag:$0x0] =	sbarrier.arrive $0xFFFF;
	(pc) =	sbr.rel @p0 .LBB2_1-.Ltmp1, $4  }
0xbf: {  	[hbm:s6], [sflag:s20] =	dma.local [spmem:s21], $0x50  }
0xc0: {  	_ =	swait.ge [sflag:s8], $0x50  }
0xc1: {  	[sflag:s8] =	ssyncset.done $0x0  }
0xc2: {  	[sflag:s8] =	ssyncadd.s32 $0xFFFFFFB0  }
0xc3: {  	_ =	sfence.sel $0x180000  }
0xc4: {  	[bflag:$0x0] =	sbarrier.arrive $0xFFFF  }
0xc5: {  	p0 =	sne.s32 s0, $0x0;
	_ =	strace $0x90000047  }
0xc6: {  	s0 =	sadd.s32 @!p0 $0x100000, s1;
	[bflag:$0x2] =	sbarrier.arrive $0xFFFF  }
0xc7: {  	[sflag:s0] =	ssyncadd.tile.s32 @!p0 $0x1;
	_ =	shalt  }
.Lfunc_end2:
_tile_overlayer_lowered:
.L_overlay_start_2:
0xc8: {  	(tag) =	ssettag $0x2  }
0xc9: {  	s0 =	rddreg [dreg:$0x0];
	s2 =	stileid.u32  }
0xca: {  	s1 =	rddreg [dreg:$0x1];
	p0 =	sne.s32 s2, $0x0  }
0xcb: {  	s3 =	rddreg [dreg:$0x2];
	[bflag:$0x3] =	sbarrier.arrive $0xFFFF;
	s2 =	simm.s32 @!p0 $0x1C09  }
0xcc: {  	[timem:s3], [sflag:s2] =	dma.local @!p0 [hbm:s0], s1  }
0xcd: {  	s0 =	simm.s32 @!p0 $0x9  }
0xce: {  	_ =	swait.ge @!p0 [sflag:s0], s1  }
0xcf: {  	s1 =	ssub.s32 @!p0 $0x0, s1;
	[sflag:s0] =	ssyncset.done @!p0 $0x0  }
0xd0: {  	[sflag:s0] =	ssyncadd.s32 @!p0 s1  }
0xd1: {  	[bflag:$0x3] =	sbarrier.arrive $0xFFFF  }
0xd2: {  	_ =	shalt  }

</sc_bundles>
